<compile_context>
chip_gen: v7x
topology: tpu7x:2x2x1
jax: 0.10.2.dev20260603
libtpu: 0.0.44.dev20260713+nightly
codegen_flags: <defaults>
</compile_context>

<pallas_src>
import functools

import jax
import jax.numpy as jnp
from jax import lax
from jax.experimental import pallas as pl
from jax.experimental.pallas import tpu as pltpu
from jax.experimental.pallas import tpu_sc as plsc

_NC = 2
_NS = 16
_NW = _NC * _NS

_B = 16384
_N = _B + 1
_D = 64
_V = 32
_BPW = _B // _NW
_L = 16
_G = _BPW // _L
_TS = _D + 1

_mesh = plsc.VectorSubcoreMesh(
    core_axis_name="c", subcore_axis_name="s", num_cores=_NC, num_subcores=_NS
)


@functools.partial(
    pl.kernel,
    mesh=_mesh,
    out_type=jax.ShapeDtypeStruct((2, _D, _N), jnp.float32),
    compiler_params=pltpu.CompilerParams(needs_layout_passes=False),
    scratch_types=[
        pltpu.VMEM((_BPW + _L,), jnp.int32),
        pltpu.VMEM((_V, _D), jnp.float32),
        pltpu.VMEM((_V * _TS,), jnp.float32),
        pltpu.VMEM((_D, _BPW + 1), jnp.float32),
        pltpu.SemaphoreType.DMA,
        pltpu.SemaphoreType.DMA,
    ],
)
def _embed_lookup(
    idx_hbm, table_hbm, out_hbm, idx_v, tstage_v, table_v, block_v, sem0, sem1
):
    wid = lax.axis_index("s") * _NC + lax.axis_index("c")
    base = wid * _BPW
    cp_idx = pltpu.async_copy(idx_hbm.at[pl.ds(base, _BPW + _L)], idx_v, sem0)
    cp_tbl = pltpu.async_copy(table_hbm, tstage_v, sem1)
    cp_idx.wait()
    cp_tbl.wait()

    for i in range(_V):
        rvals = [tstage_v[i, pl.ds(16 * k, _L)] for k in range(_D // _L)]
        for k in range(_D // _L):
            table_v[pl.ds(i * _TS + 16 * k, _L)] = rvals[k]

    def gather_groups(g_lo, g_hi):
        @plsc.parallel_loop(g_lo, g_hi, 1)
        def _(g):
            col = g * _L
            idx65 = idx_v[pl.ds(col, _L)] * _TS
            for d0 in range(0, _D, 8):
                vals = [
                    plsc.load_gather(table_v, [idx65 + d])
                    for d in range(d0, d0 + 8)
                ]
                for k in range(8):
                    block_v[d0 + k, pl.ds(col, _L)] = vals[k]

    _H = _BPW // 2
    is_tail = wid == _NW - 1

    gather_groups(0, _G // 2)

    @pl.when(jnp.logical_not(is_tail))
    def _():
        pltpu.async_copy(
            block_v.at[:, pl.ds(0, _H)], out_hbm.at[0, :, pl.ds(base, _H)], sem0
        )
        pltpu.async_copy(
            block_v.at[:, pl.ds(0, _H)], out_hbm.at[1, :, pl.ds(base, _H)], sem1
        )

    gather_groups(_G // 2, _G)

    @pl.when(is_tail)
    def _():
        idx65 = idx_v[pl.ds(_BPW, _L)] * _TS
        lane0 = lax.iota(jnp.int32, _L) == 0
        for d in range(_D):
            vals = plsc.load_gather(table_v, [idx65 + d])
            plsc.store_scatter(
                block_v,
                [jnp.full((_L,), d, jnp.int32), jnp.full((_L,), _BPW, jnp.int32)],
                vals,
                mask=lane0,
            )

    @pl.when(jnp.logical_not(is_tail))
    def _():
        wb0 = pltpu.async_copy(
            block_v.at[:, pl.ds(_H, _H)], out_hbm.at[0, :, pl.ds(base + _H, _H)], sem0
        )
        wb1 = pltpu.async_copy(
            block_v.at[:, pl.ds(_H, _H)], out_hbm.at[1, :, pl.ds(base + _H, _H)], sem1
        )
        wb0.wait()
        wb1.wait()
        wb0.wait()
        wb1.wait()

    @pl.when(is_tail)
    def _():
        wt0 = pltpu.async_copy(block_v, out_hbm.at[0, :, pl.ds(_B - _BPW, _BPW + 1)], sem0)
        wt1 = pltpu.async_copy(block_v, out_hbm.at[1, :, pl.ds(_B - _BPW, _BPW + 1)], sem1)
        wt0.wait()
        wt1.wait()


def kernel(inputs, embed_weight):
    idx = inputs.reshape(-1).astype(jnp.int32)
    padded_idx = jnp.concatenate(
        [jnp.zeros((1,), jnp.int32), idx, jnp.zeros((15,), jnp.int32)]
    )
    out = _embed_lookup(padded_idx, embed_weight)
    return out.transpose(0, 2, 1).reshape(2, _N, 1, _D)

# --- scband reference (transcript-rebuilt; emitter-appended) ---
"""Pipeline reference for scband-model-11879879542114 (READ-ONLY COPY).

The authoritative reference and input builder live on the scoring server;
editing this copy changes nothing except your own understanding.
"""

import jax, jax.numpy as jnp
import numpy as np


def setup_inputs(seed: int = 0) -> dict:
    key = jax.random.key(seed)
    k1, k2 = jax.random.split(key)
    inputs = jax.random.randint(k1, (16384, 1), 0, 32, dtype=jnp.int64)
    embed_weight = jax.random.normal(k2, (32, 64), dtype=jnp.float32)
    return {"inputs": inputs, "embed_weight": embed_weight}


def reference(inputs, embed_weight):
    # padding = torch.zeros((1, 1), dtype=inputs.dtype)
    padding = jnp.zeros((1, 1), dtype=inputs.dtype)
    # padded = torch.cat((padding, inputs), dim=0)
    padded = jnp.concatenate((padding, inputs), axis=0)
    # torch.stack((self.embed(padded), self.embed(padded)))
    emb0 = jnp.take(embed_weight, padded, axis=0)
    emb1 = jnp.take(embed_weight, padded, axis=0)
    return jnp.stack((emb0, emb1))

if __name__ == "__main__":
    import jax
    _d = setup_inputs()
    print(jax.jit(kernel)(*tuple(_d.values())))

</pallas_src>

<mosaic_0001>
#map = affine_map<(d0, d1) -> (0)>
#map1 = affine_map<(d0, d1) -> (0, 0)>
#map2 = affine_map<(d0, d1) -> (0, 0, 0)>
module attributes {stable_mosaic.version = 14 : i64} {
  func.func @_embed_lookup(%arg0: i32, %arg1: i32, %arg2: memref<16400xi32, #tpu.memory_space<hbm>>, %arg3: memref<32x64xf32, #tpu.memory_space<hbm>>, %arg4: memref<2x64x16385xf32, #tpu.memory_space<hbm>>, %arg5: memref<528xi32, #tpu.memory_space<vmem>>, %arg6: memref<32x64xf32, #tpu.memory_space<vmem>>, %arg7: memref<2080xf32, #tpu.memory_space<vmem>>, %arg8: memref<64x513xf32, #tpu.memory_space<vmem>>, %arg9: memref<!tpu.dma_semaphore, #tpu.memory_space<semaphore_mem>>, %arg10: memref<!tpu.dma_semaphore, #tpu.memory_space<semaphore_mem>>) attributes {dimension_semantics = [#tpu.dimension_semantics<core_parallel>, #tpu.dimension_semantics<subcore_parallel>], iteration_bounds = array<i64: 2, 16>, scalar_prefetch = 0 : i64, scratch_operands = 6 : i64, tpu.core_type = #tpu.core_type<sc_vector_subcore>, window_params = [{transform_indices = #map}, {transform_indices = #map1}, {transform_indices = #map2}]} {
    %mul3A = arith.constant 2 : i32
    %mul3A_0 = arith.muli %arg1, %mul3A : i32
    %add3A = arith.addi %mul3A_0, %arg0 : i32
    %mul3A_1 = arith.constant 512 : i32
    %mul3A_2 = arith.muli %add3A, %mul3A_1 : i32
    %dma_start3A = tpu.memref_slice %arg2[%mul3A_2] : memref<16400xi32, #tpu.memory_space<hbm>> -> memref<528xi32, #tpu.memory_space<hbm>>
    %dma_start3A_3 = tpu.memref_slice %arg2[%mul3A_2] : memref<16400xi32, #tpu.memory_space<hbm>> -> memref<528xi32, #tpu.memory_space<hbm>>
    tpu.enqueue_dma source(%dma_start3A_3 : memref<528xi32, #tpu.memory_space<hbm>>) target(%arg5 : memref<528xi32, #tpu.memory_space<vmem>>) target_semaphore(%arg9 : memref<!tpu.dma_semaphore, #tpu.memory_space<semaphore_mem>>)
    tpu.enqueue_dma source(%arg3 : memref<32x64xf32, #tpu.memory_space<hbm>>) target(%arg6 : memref<32x64xf32, #tpu.memory_space<vmem>>) target_semaphore(%arg10 : memref<!tpu.dma_semaphore, #tpu.memory_space<semaphore_mem>>)
    %dma_wait3A = tpu.memref_slice %arg2[%mul3A_2] : memref<16400xi32, #tpu.memory_space<hbm>> -> memref<528xi32, #tpu.memory_space<hbm>>
    %dma_wait3A_4 = tpu.memref_slice %arg2[%mul3A_2] : memref<16400xi32, #tpu.memory_space<hbm>> -> memref<528xi32, #tpu.memory_space<hbm>>
    tpu.wait_dma2 semaphore(%arg9 : memref<!tpu.dma_semaphore, #tpu.memory_space<semaphore_mem>>) src(%dma_wait3A_4 : memref<528xi32, #tpu.memory_space<hbm>>) dst(%arg5 : memref<528xi32, #tpu.memory_space<vmem>>)
    tpu.wait_dma2 semaphore(%arg10 : memref<!tpu.dma_semaphore, #tpu.memory_space<semaphore_mem>>) src(%arg3 : memref<32x64xf32, #tpu.memory_space<hbm>>) dst(%arg6 : memref<32x64xf32, #tpu.memory_space<vmem>>)
    %get3A = arith.constant 0 : i32
    %get3A_5 = arith.index_cast %get3A : i32 to index
    %get3A_6 = arith.constant 0 : index
    %get3A_7 = tpu.vector_load %arg6[%get3A_5, %get3A_6] {strides = array<i32>} : memref<32x64xf32, #tpu.memory_space<vmem>>, vector<16xf32>,
    %get3A_8 = arith.constant 0 : i32
    %get3A_9 = arith.index_cast %get3A_8 : i32 to index
    %get3A_10 = arith.constant 16 : index
    %get3A_11 = tpu.vector_load %arg6[%get3A_9, %get3A_10] {strides = array<i32>} : memref<32x64xf32, #tpu.memory_space<vmem>>, vector<16xf32>,
    %get3A_12 = arith.constant 0 : i32
    %get3A_13 = arith.index_cast %get3A_12 : i32 to index
    %get3A_14 = arith.constant 32 : index
    %get3A_15 = tpu.vector_load %arg6[%get3A_13, %get3A_14] {strides = array<i32>} : memref<32x64xf32, #tpu.memory_space<vmem>>, vector<16xf32>,
    %get3A_16 = arith.constant 0 : i32
    %get3A_17 = arith.index_cast %get3A_16 : i32 to index
    %get3A_18 = arith.constant 48 : index
    %get3A_19 = tpu.vector_load %arg6[%get3A_17, %get3A_18] {strides = array<i32>} : memref<32x64xf32, #tpu.memory_space<vmem>>, vector<16xf32>,
    %swap3A = arith.constant 0 : index
    %swap3A_20 = tpu.vector_load %arg7[%swap3A] {strides = array<i32>} : memref<2080xf32, #tpu.memory_space<vmem>>, vector<16xf32>,
    tpu.vector_store %arg7[%swap3A], %get3A_7 {strides = array<i32>} : memref<2080xf32, #tpu.memory_space<vmem>>, vector<16xf32>,
    %swap3A_21 = arith.constant 16 : index
    %swap3A_22 = tpu.vector_load %arg7[%swap3A_21] {strides = array<i32>} : memref<2080xf32, #tpu.memory_space<vmem>>, vector<16xf32>,
    tpu.vector_store %arg7[%swap3A_21], %get3A_11 {strides = array<i32>} : memref<2080xf32, #tpu.memory_space<vmem>>, vector<16xf32>,
    %swap3A_23 = arith.constant 32 : index
    %swap3A_24 = tpu.vector_load %arg7[%swap3A_23] {strides = array<i32>} : memref<2080xf32, #tpu.memory_space<vmem>>, vector<16xf32>,
    tpu.vector_store %arg7[%swap3A_23], %get3A_15 {strides = array<i32>} : memref<2080xf32, #tpu.memory_space<vmem>>, vector<16xf32>,
    %swap3A_25 = arith.constant 48 : index
    %swap3A_26 = tpu.vector_load %arg7[%swap3A_25] {strides = array<i32>} : memref<2080xf32, #tpu.memory_space<vmem>>, vector<16xf32>,
    tpu.vector_store %arg7[%swap3A_25], %get3A_19 {strides = array<i32>} : memref<2080xf32, #tpu.memory_space<vmem>>, vector<16xf32>,
    %get3A_27 = arith.constant 1 : i32
    %get3A_28 = arith.index_cast %get3A_27 : i32 to index
    %get3A_29 = arith.constant 0 : index
    %get3A_30 = tpu.vector_load %arg6[%get3A_28, %get3A_29] {strides = array<i32>} : memref<32x64xf32, #tpu.memory_space<vmem>>, vector<16xf32>,
    %get3A_31 = arith.constant 1 : i32
    %get3A_32 = arith.index_cast %get3A_31 : i32 to index
    %get3A_33 = arith.constant 16 : index
    %get3A_34 = tpu.vector_load %arg6[%get3A_32, %get3A_33] {strides = array<i32>} : memref<32x64xf32, #tpu.memory_space<vmem>>, vector<16xf32>,
    %get3A_35 = arith.constant 1 : i32
    %get3A_36 = arith.index_cast %get3A_35 : i32 to index
    %get3A_37 = arith.constant 32 : index
    %get3A_38 = tpu.vector_load %arg6[%get3A_36, %get3A_37] {strides = array<i32>} : memref<32x64xf32, #tpu.memory_space<vmem>>, vector<16xf32>,
    %get3A_39 = arith.constant 1 : i32
    %get3A_40 = arith.index_cast %get3A_39 : i32 to index
    %get3A_41 = arith.constant 48 : index
    %get3A_42 = tpu.vector_load %arg6[%get3A_40, %get3A_41] {strides = array<i32>} : memref<32x64xf32, #tpu.memory_space<vmem>>, vector<16xf32>,
    %swap3A_43 = arith.constant 65 : index
    %swap3A_44 = tpu.vector_load %arg7[%swap3A_43] {strides = array<i32>} : memref<2080xf32, #tpu.memory_space<vmem>>, vector<16xf32>,
    tpu.vector_store %arg7[%swap3A_43], %get3A_30 {strides = array<i32>} : memref<2080xf32, #tpu.memory_space<vmem>>, vector<16xf32>,
    %swap3A_45 = arith.constant 81 : index
    %swap3A_46 = tpu.vector_load %arg7[%swap3A_45] {strides = array<i32>} : memref<2080xf32, #tpu.memory_space<vmem>>, vector<16xf32>,
    tpu.vector_store %arg7[%swap3A_45], %get3A_34 {strides = array<i32>} : memref<2080xf32, #tpu.memory_space<vmem>>, vector<16xf32>,
    %swap3A_47 = arith.constant 97 : index
    %swap3A_48 = tpu.vector_load %arg7[%swap3A_47] {strides = array<i32>} : memref<2080xf32, #tpu.memory_space<vmem>>, vector<16xf32>,
    tpu.vector_store %arg7[%swap3A_47], %get3A_38 {strides = array<i32>} : memref<2080xf32, #tpu.memory_space<vmem>>, vector<16xf32>,
    %swap3A_49 = arith.constant 113 : index
    %swap3A_50 = tpu.vector_load %arg7[%swap3A_49] {strides = array<i32>} : memref<2080xf32, #tpu.memory_space<vmem>>, vector<16xf32>,
    tpu.vector_store %arg7[%swap3A_49], %get3A_42 {strides = array<i32>} : memref<2080xf32, #tpu.memory_space<vmem>>, vector<16xf32>,
    %get3A_51 = arith.constant 2 : i32
    %get3A_52 = arith.index_cast %get3A_51 : i32 to index
    %get3A_53 = arith.constant 0 : index
    %get3A_54 = tpu.vector_load %arg6[%get3A_52, %get3A_53] {strides = array<i32>} : memref<32x64xf32, #tpu.memory_space<vmem>>, vector<16xf32>,
    %get3A_55 = arith.constant 2 : i32
    %get3A_56 = arith.index_cast %get3A_55 : i32 to index
    %get3A_57 = arith.constant 16 : index
    %get3A_58 = tpu.vector_load %arg6[%get3A_56, %get3A_57] {strides = array<i32>} : memref<32x64xf32, #tpu.memory_space<vmem>>, vector<16xf32>,
    %get3A_59 = arith.constant 2 : i32
    %get3A_60 = arith.index_cast %get3A_59 : i32 to index
    %get3A_61 = arith.constant 32 : index
    %get3A_62 = tpu.vector_load %arg6[%get3A_60, %get3A_61] {strides = array<i32>} : memref<32x64xf32, #tpu.memory_space<vmem>>, vector<16xf32>,
    %get3A_63 = arith.constant 2 : i32
    %get3A_64 = arith.index_cast %get3A_63 : i32 to index
    %get3A_65 = arith.constant 48 : index
    %get3A_66 = tpu.vector_load %arg6[%get3A_64, %get3A_65] {strides = array<i32>} : memref<32x64xf32, #tpu.memory_space<vmem>>, vector<16xf32>,
    %swap3A_67 = arith.constant 130 : index
    %swap3A_68 = tpu.vector_load %arg7[%swap3A_67] {strides = array<i32>} : memref<2080xf32, #tpu.memory_space<vmem>>, vector<16xf32>,
    tpu.vector_store %arg7[%swap3A_67], %get3A_54 {strides = array<i32>} : memref<2080xf32, #tpu.memory_space<vmem>>, vector<16xf32>,
    %swap3A_69 = arith.constant 146 : index
    %swap3A_70 = tpu.vector_load %arg7[%swap3A_69] {strides = array<i32>} : memref<2080xf32, #tpu.memory_space<vmem>>, vector<16xf32>,
    tpu.vector_store %arg7[%swap3A_69], %get3A_58 {strides = array<i32>} : memref<2080xf32, #tpu.memory_space<vmem>>, vector<16xf32>,
    %swap3A_71 = arith.constant 162 : index
    %swap3A_72 = tpu.vector_load %arg7[%swap3A_71] {strides = array<i32>} : memref<2080xf32, #tpu.memory_space<vmem>>, vector<16xf32>,
    tpu.vector_store %arg7[%swap3A_71], %get3A_62 {strides = array<i32>} : memref<2080xf32, #tpu.memory_space<vmem>>, vector<16xf32>,
    %swap3A_73 = arith.constant 178 : index
    %swap3A_74 = tpu.vector_load %arg7[%swap3A_73] {strides = array<i32>} : memref<2080xf32, #tpu.memory_space<vmem>>, vector<16xf32>,
    tpu.vector_store %arg7[%swap3A_73], %get3A_66 {strides = array<i32>} : memref<2080xf32, #tpu.memory_space<vmem>>, vector<16xf32>,
    %get3A_75 = arith.constant 3 : i32
    %get3A_76 = arith.index_cast %get3A_75 : i32 to index
    %get3A_77 = arith.constant 0 : index
    %get3A_78 = tpu.vector_load %arg6[%get3A_76, %get3A_77] {strides = array<i32>} : memref<32x64xf32, #tpu.memory_space<vmem>>, vector<16xf32>,
    %get3A_79 = arith.constant 3 : i32
    %get3A_80 = arith.index_cast %get3A_79 : i32 to index
    %get3A_81 = arith.constant 16 : index
    %get3A_82 = tpu.vector_load %arg6[%get3A_80, %get3A_81] {strides = array<i32>} : memref<32x64xf32, #tpu.memory_space<vmem>>, vector<16xf32>,
    %get3A_83 = arith.constant 3 : i32
    %get3A_84 = arith.index_cast %get3A_83 : i32 to index
    %get3A_85 = arith.constant 32 : index
    %get3A_86 = tpu.vector_load %arg6[%get3A_84, %get3A_85] {strides = array<i32>} : memref<32x64xf32, #tpu.memory_space<vmem>>, vector<16xf32>,
    %get3A_87 = arith.constant 3 : i32
    %get3A_88 = arith.index_cast %get3A_87 : i32 to index
    %get3A_89 = arith.constant 48 : index
    %get3A_90 = tpu.vector_load %arg6[%get3A_88, %get3A_89] {strides = array<i32>} : memref<32x64xf32, #tpu.memory_space<vmem>>, vector<16xf32>,
    %swap3A_91 = arith.constant 195 : index
    %swap3A_92 = tpu.vector_load %arg7[%swap3A_91] {strides = array<i32>} : memref<2080xf32, #tpu.memory_space<vmem>>, vector<16xf32>,
    tpu.vector_store %arg7[%swap3A_91], %get3A_78 {strides = array<i32>} : memref<2080xf32, #tpu.memory_space<vmem>>, vector<16xf32>,
    %swap3A_93 = arith.constant 211 : index
    %swap3A_94 = tpu.vector_load %arg7[%swap3A_93] {strides = array<i32>} : memref<2080xf32, #tpu.memory_space<vmem>>, vector<16xf32>,
    tpu.vector_store %arg7[%swap3A_93], %get3A_82 {strides = array<i32>} : memref<2080xf32, #tpu.memory_space<vmem>>, vector<16xf32>,
    %swap3A_95 = arith.constant 227 : index
    %swap3A_96 = tpu.vector_load %arg7[%swap3A_95] {strides = array<i32>} : memref<2080xf32, #tpu.memory_space<vmem>>, vector<16xf32>,
    tpu.vector_store %arg7[%swap3A_95], %get3A_86 {strides = array<i32>} : memref<2080xf32, #tpu.memory_space<vmem>>, vector<16xf32>,
    %swap3A_97 = arith.constant 243 : index
    %swap3A_98 = tpu.vector_load %arg7[%swap3A_97] {strides = array<i32>} : memref<2080xf32, #tpu.memory_space<vmem>>, vector<16xf32>,
    tpu.vector_store %arg7[%swap3A_97], %get3A_90 {strides = array<i32>} : memref<2080xf32, #tpu.memory_space<vmem>>, vector<16xf32>,
    %get3A_99 = arith.constant 4 : i32
    %get3A_100 = arith.index_cast %get3A_99 : i32 to index
    %get3A_101 = arith.constant 0 : index
    %get3A_102 = tpu.vector_load %arg6[%get3A_100, %get3A_101] {strides = array<i32>} : memref<32x64xf32, #tpu.memory_space<vmem>>, vector<16xf32>,
    %get3A_103 = arith.constant 4 : i32
    %get3A_104 = arith.index_cast %get3A_103 : i32 to index
    %get3A_105 = arith.constant 16 : index
    %get3A_106 = tpu.vector_load %arg6[%get3A_104, %get3A_105] {strides = array<i32>} : memref<32x64xf32, #tpu.memory_space<vmem>>, vector<16xf32>,
    %get3A_107 = arith.constant 4 : i32
    %get3A_108 = arith.index_cast %get3A_107 : i32 to index
    %get3A_109 = arith.constant 32 : index
    %get3A_110 = tpu.vector_load %arg6[%get3A_108, %get3A_109] {strides = array<i32>} : memref<32x64xf32, #tpu.memory_space<vmem>>, vector<16xf32>,
    %get3A_111 = arith.constant 4 : i32
    %get3A_112 = arith.index_cast %get3A_111 : i32 to index
    %get3A_113 = arith.constant 48 : index
    %get3A_114 = tpu.vector_load %arg6[%get3A_112, %get3A_113] {strides = array<i32>} : memref<32x64xf32, #tpu.memory_space<vmem>>, vector<16xf32>,
    %swap3A_115 = arith.constant 260 : index
    %swap3A_116 = tpu.vector_load %arg7[%swap3A_115] {strides = array<i32>} : memref<2080xf32, #tpu.memory_space<vmem>>, vector<16xf32>,
    tpu.vector_store %arg7[%swap3A_115], %get3A_102 {strides = array<i32>} : memref<2080xf32, #tpu.memory_space<vmem>>, vector<16xf32>,
    %swap3A_117 = arith.constant 276 : index
    %swap3A_118 = tpu.vector_load %arg7[%swap3A_117] {strides = array<i32>} : memref<2080xf32, #tpu.memory_space<vmem>>, vector<16xf32>,
    tpu.vector_store %arg7[%swap3A_117], %get3A_106 {strides = array<i32>} : memref<2080xf32, #tpu.memory_space<vmem>>, vector<16xf32>,
    %swap3A_119 = arith.constant 292 : index
    %swap3A_120 = tpu.vector_load %arg7[%swap3A_119] {strides = array<i32>} : memref<2080xf32, #tpu.memory_space<vmem>>, vector<16xf32>,
    tpu.vector_store %arg7[%swap3A_119], %get3A_110 {strides = array<i32>} : memref<2080xf32, #tpu.memory_space<vmem>>, vector<16xf32>,
    %swap3A_121 = arith.constant 308 : index
    %swap3A_122 = tpu.vector_load %arg7[%swap3A_121] {strides = array<i32>} : memref<2080xf32, #tpu.memory_space<vmem>>, vector<16xf32>,
    tpu.vector_store %arg7[%swap3A_121], %get3A_114 {strides = array<i32>} : memref<2080xf32, #tpu.memory_space<vmem>>, vector<16xf32>,
    %get3A_123 = arith.constant 5 : i32
    %get3A_124 = arith.index_cast %get3A_123 : i32 to index
    %get3A_125 = arith.constant 0 : index
    %get3A_126 = tpu.vector_load %arg6[%get3A_124, %get3A_125] {strides = array<i32>} : memref<32x64xf32, #tpu.memory_space<vmem>>, vector<16xf32>,
    %get3A_127 = arith.constant 5 : i32
    %get3A_128 = arith.index_cast %get3A_127 : i32 to index
    %get3A_129 = arith.constant 16 : index
    %get3A_130 = tpu.vector_load %arg6[%get3A_128, %get3A_129] {strides = array<i32>} : memref<32x64xf32, #tpu.memory_space<vmem>>, vector<16xf32>,
    %get3A_131 = arith.constant 5 : i32
    %get3A_132 = arith.index_cast %get3A_131 : i32 to index
    %get3A_133 = arith.constant 32 : index
    %get3A_134 = tpu.vector_load %arg6[%get3A_132, %get3A_133] {strides = array<i32>} : memref<32x64xf32, #tpu.memory_space<vmem>>, vector<16xf32>,
    %get3A_135 = arith.constant 5 : i32
    %get3A_136 = arith.index_cast %get3A_135 : i32 to index
    %get3A_137 = arith.constant 48 : index
    %get3A_138 = tpu.vector_load %arg6[%get3A_136, %get3A_137] {strides = array<i32>} : memref<32x64xf32, #tpu.memory_space<vmem>>, vector<16xf32>,
    %swap3A_139 = arith.constant 325 : index
    %swap3A_140 = tpu.vector_load %arg7[%swap3A_139] {strides = array<i32>} : memref<2080xf32, #tpu.memory_space<vmem>>, vector<16xf32>,
    tpu.vector_store %arg7[%swap3A_139], %get3A_126 {strides = array<i32>} : memref<2080xf32, #tpu.memory_space<vmem>>, vector<16xf32>,
    %swap3A_141 = arith.constant 341 : index
    %swap3A_142 = tpu.vector_load %arg7[%swap3A_141] {strides = array<i32>} : memref<2080xf32, #tpu.memory_space<vmem>>, vector<16xf32>,
    tpu.vector_store %arg7[%swap3A_141], %get3A_130 {strides = array<i32>} : memref<2080xf32, #tpu.memory_space<vmem>>, vector<16xf32>,
    %swap3A_143 = arith.constant 357 : index
    %swap3A_144 = tpu.vector_load %arg7[%swap3A_143] {strides = array<i32>} : memref<2080xf32, #tpu.memory_space<vmem>>, vector<16xf32>,
    tpu.vector_store %arg7[%swap3A_143], %get3A_134 {strides = array<i32>} : memref<2080xf32, #tpu.memory_space<vmem>>, vector<16xf32>,
    %swap3A_145 = arith.constant 373 : index
    %swap3A_146 = tpu.vector_load %arg7[%swap3A_145] {strides = array<i32>} : memref<2080xf32, #tpu.memory_space<vmem>>, vector<16xf32>,
    tpu.vector_store %arg7[%swap3A_145], %get3A_138 {strides = array<i32>} : memref<2080xf32, #tpu.memory_space<vmem>>, vector<16xf32>,
    %get3A_147 = arith.constant 6 : i32
    %get3A_148 = arith.index_cast %get3A_147 : i32 to index
    %get3A_149 = arith.constant 0 : index
    %get3A_150 = tpu.vector_load %arg6[%get3A_148, %get3A_149] {strides = array<i32>} : memref<32x64xf32, #tpu.memory_space<vmem>>, vector<16xf32>,
    %get3A_151 = arith.constant 6 : i32
    %get3A_152 = arith.index_cast %get3A_151 : i32 to index
    %get3A_153 = arith.constant 16 : index
    %get3A_154 = tpu.vector_load %arg6[%get3A_152, %get3A_153] {strides = array<i32>} : memref<32x64xf32, #tpu.memory_space<vmem>>, vector<16xf32>,
    %get3A_155 = arith.constant 6 : i32
    %get3A_156 = arith.index_cast %get3A_155 : i32 to index
    %get3A_157 = arith.constant 32 : index
    %get3A_158 = tpu.vector_load %arg6[%get3A_156, %get3A_157] {strides = array<i32>} : memref<32x64xf32, #tpu.memory_space<vmem>>, vector<16xf32>,
    %get3A_159 = arith.constant 6 : i32
    %get3A_160 = arith.index_cast %get3A_159 : i32 to index
    %get3A_161 = arith.constant 48 : index
    %get3A_162 = tpu.vector_load %arg6[%get3A_160, %get3A_161] {strides = array<i32>} : memref<32x64xf32, #tpu.memory_space<vmem>>, vector<16xf32>,
    %swap3A_163 = arith.constant 390 : index
    %swap3A_164 = tpu.vector_load %arg7[%swap3A_163] {strides = array<i32>} : memref<2080xf32, #tpu.memory_space<vmem>>, vector<16xf32>,
    tpu.vector_store %arg7[%swap3A_163], %get3A_150 {strides = array<i32>} : memref<2080xf32, #tpu.memory_space<vmem>>, vector<16xf32>,
    %swap3A_165 = arith.constant 406 : index
    %swap3A_166 = tpu.vector_load %arg7[%swap3A_165] {strides = array<i32>} : memref<2080xf32, #tpu.memory_space<vmem>>, vector<16xf32>,
    tpu.vector_store %arg7[%swap3A_165], %get3A_154 {strides = array<i32>} : memref<2080xf32, #tpu.memory_space<vmem>>, vector<16xf32>,
    %swap3A_167 = arith.constant 422 : index
    %swap3A_168 = tpu.vector_load %arg7[%swap3A_167] {strides = array<i32>} : memref<2080xf32, #tpu.memory_space<vmem>>, vector<16xf32>,
    tpu.vector_store %arg7[%swap3A_167], %get3A_158 {strides = array<i32>} : memref<2080xf32, #tpu.memory_space<vmem>>, vector<16xf32>,
    %swap3A_169 = arith.constant 438 : index
    %swap3A_170 = tpu.vector_load %arg7[%swap3A_169] {strides = array<i32>} : memref<2080xf32, #tpu.memory_space<vmem>>, vector<16xf32>,
    tpu.vector_store %arg7[%swap3A_169], %get3A_162 {strides = array<i32>} : memref<2080xf32, #tpu.memory_space<vmem>>, vector<16xf32>,
    %get3A_171 = arith.constant 7 : i32
    %get3A_172 = arith.index_cast %get3A_171 : i32 to index
    %get3A_173 = arith.constant 0 : index
    %get3A_174 = tpu.vector_load %arg6[%get3A_172, %get3A_173] {strides = array<i32>} : memref<32x64xf32, #tpu.memory_space<vmem>>, vector<16xf32>,
    %get3A_175 = arith.constant 7 : i32
    %get3A_176 = arith.index_cast %get3A_175 : i32 to index
    %get3A_177 = arith.constant 16 : index
    %get3A_178 = tpu.vector_load %arg6[%get3A_176, %get3A_177] {strides = array<i32>} : memref<32x64xf32, #tpu.memory_space<vmem>>, vector<16xf32>,
    %get3A_179 = arith.constant 7 : i32
    %get3A_180 = arith.index_cast %get3A_179 : i32 to index
    %get3A_181 = arith.constant 32 : index
    %get3A_182 = tpu.vector_load %arg6[%get3A_180, %get3A_181] {strides = array<i32>} : memref<32x64xf32, #tpu.memory_space<vmem>>, vector<16xf32>,
    %get3A_183 = arith.constant 7 : i32
    %get3A_184 = arith.index_cast %get3A_183 : i32 to index
    %get3A_185 = arith.constant 48 : index
    %get3A_186 = tpu.vector_load %arg6[%get3A_184, %get3A_185] {strides = array<i32>} : memref<32x64xf32, #tpu.memory_space<vmem>>, vector<16xf32>,
    %swap3A_187 = arith.constant 455 : index
    %swap3A_188 = tpu.vector_load %arg7[%swap3A_187] {strides = array<i32>} : memref<2080xf32, #tpu.memory_space<vmem>>, vector<16xf32>,
    tpu.vector_store %arg7[%swap3A_187], %get3A_174 {strides = array<i32>} : memref<2080xf32, #tpu.memory_space<vmem>>, vector<16xf32>,
    %swap3A_189 = arith.constant 471 : index
    %swap3A_190 = tpu.vector_load %arg7[%swap3A_189] {strides = array<i32>} : memref<2080xf32, #tpu.memory_space<vmem>>, vector<16xf32>,
    tpu.vector_store %arg7[%swap3A_189], %get3A_178 {strides = array<i32>} : memref<2080xf32, #tpu.memory_space<vmem>>, vector<16xf32>,
    %swap3A_191 = arith.constant 487 : index
    %swap3A_192 = tpu.vector_load %arg7[%swap3A_191] {strides = array<i32>} : memref<2080xf32, #tpu.memory_space<vmem>>, vector<16xf32>,
    tpu.vector_store %arg7[%swap3A_191], %get3A_182 {strides = array<i32>} : memref<2080xf32, #tpu.memory_space<vmem>>, vector<16xf32>,
    %swap3A_193 = arith.constant 503 : index
    %swap3A_194 = tpu.vector_load %arg7[%swap3A_193] {strides = array<i32>} : memref<2080xf32, #tpu.memory_space<vmem>>, vector<16xf32>,
    tpu.vector_store %arg7[%swap3A_193], %get3A_186 {strides = array<i32>} : memref<2080xf32, #tpu.memory_space<vmem>>, vector<16xf32>,
    %get3A_195 = arith.constant 8 : i32
    %get3A_196 = arith.index_cast %get3A_195 : i32 to index
    %get3A_197 = arith.constant 0 : index
    %get3A_198 = tpu.vector_load %arg6[%get3A_196, %get3A_197] {strides = array<i32>} : memref<32x64xf32, #tpu.memory_space<vmem>>, vector<16xf32>,
    %get3A_199 = arith.constant 8 : i32
    %get3A_200 = arith.index_cast %get3A_199 : i32 to index
    %get3A_201 = arith.constant 16 : index
    %get3A_202 = tpu.vector_load %arg6[%get3A_200, %get3A_201] {strides = array<i32>} : memref<32x64xf32, #tpu.memory_space<vmem>>, vector<16xf32>,
    %get3A_203 = arith.constant 8 : i32
    %get3A_204 = arith.index_cast %get3A_203 : i32 to index
    %get3A_205 = arith.constant 32 : index
    %get3A_206 = tpu.vector_load %arg6[%get3A_204, %get3A_205] {strides = array<i32>} : memref<32x64xf32, #tpu.memory_space<vmem>>, vector<16xf32>,
    %get3A_207 = arith.constant 8 : i32
    %get3A_208 = arith.index_cast %get3A_207 : i32 to index
    %get3A_209 = arith.constant 48 : index
    %get3A_210 = tpu.vector_load %arg6[%get3A_208, %get3A_209] {strides = array<i32>} : memref<32x64xf32, #tpu.memory_space<vmem>>, vector<16xf32>,
    %swap3A_211 = arith.constant 520 : index
    %swap3A_212 = tpu.vector_load %arg7[%swap3A_211] {strides = array<i32>} : memref<2080xf32, #tpu.memory_space<vmem>>, vector<16xf32>,
    tpu.vector_store %arg7[%swap3A_211], %get3A_198 {strides = array<i32>} : memref<2080xf32, #tpu.memory_space<vmem>>, vector<16xf32>,
    %swap3A_213 = arith.constant 536 : index
    %swap3A_214 = tpu.vector_load %arg7[%swap3A_213] {strides = array<i32>} : memref<2080xf32, #tpu.memory_space<vmem>>, vector<16xf32>,
    tpu.vector_store %arg7[%swap3A_213], %get3A_202 {strides = array<i32>} : memref<2080xf32, #tpu.memory_space<vmem>>, vector<16xf32>,
    %swap3A_215 = arith.constant 552 : index
    %swap3A_216 = tpu.vector_load %arg7[%swap3A_215] {strides = array<i32>} : memref<2080xf32, #tpu.memory_space<vmem>>, vector<16xf32>,
    tpu.vector_store %arg7[%swap3A_215], %get3A_206 {strides = array<i32>} : memref<2080xf32, #tpu.memory_space<vmem>>, vector<16xf32>,
    %swap3A_217 = arith.constant 568 : index
    %swap3A_218 = tpu.vector_load %arg7[%swap3A_217] {strides = array<i32>} : memref<2080xf32, #tpu.memory_space<vmem>>, vector<16xf32>,
    tpu.vector_store %arg7[%swap3A_217], %get3A_210 {strides = array<i32>} : memref<2080xf32, #tpu.memory_space<vmem>>, vector<16xf32>,
    %get3A_219 = arith.constant 9 : i32
    %get3A_220 = arith.index_cast %get3A_219 : i32 to index
    %get3A_221 = arith.constant 0 : index
    %get3A_222 = tpu.vector_load %arg6[%get3A_220, %get3A_221] {strides = array<i32>} : memref<32x64xf32, #tpu.memory_space<vmem>>, vector<16xf32>,
    %get3A_223 = arith.constant 9 : i32
    %get3A_224 = arith.index_cast %get3A_223 : i32 to index
    %get3A_225 = arith.constant 16 : index
    %get3A_226 = tpu.vector_load %arg6[%get3A_224, %get3A_225] {strides = array<i32>} : memref<32x64xf32, #tpu.memory_space<vmem>>, vector<16xf32>,
    %get3A_227 = arith.constant 9 : i32
    %get3A_228 = arith.index_cast %get3A_227 : i32 to index
    %get3A_229 = arith.constant 32 : index
    %get3A_230 = tpu.vector_load %arg6[%get3A_228, %get3A_229] {strides = array<i32>} : memref<32x64xf32, #tpu.memory_space<vmem>>, vector<16xf32>,
    %get3A_231 = arith.constant 9 : i32
    %get3A_232 = arith.index_cast %get3A_231 : i32 to index
    %get3A_233 = arith.constant 48 : index
    %get3A_234 = tpu.vector_load %arg6[%get3A_232, %get3A_233] {strides = array<i32>} : memref<32x64xf32, #tpu.memory_space<vmem>>, vector<16xf32>,
    %swap3A_235 = arith.constant 585 : index
    %swap3A_236 = tpu.vector_load %arg7[%swap3A_235] {strides = array<i32>} : memref<2080xf32, #tpu.memory_space<vmem>>, vector<16xf32>,
    tpu.vector_store %arg7[%swap3A_235], %get3A_222 {strides = array<i32>} : memref<2080xf32, #tpu.memory_space<vmem>>, vector<16xf32>,
    %swap3A_237 = arith.constant 601 : index
    %swap3A_238 = tpu.vector_load %arg7[%swap3A_237] {strides = array<i32>} : memref<2080xf32, #tpu.memory_space<vmem>>, vector<16xf32>,
    tpu.vector_store %arg7[%swap3A_237], %get3A_226 {strides = array<i32>} : memref<2080xf32, #tpu.memory_space<vmem>>, vector<16xf32>,
    %swap3A_239 = arith.constant 617 : index
    %swap3A_240 = tpu.vector_load %arg7[%swap3A_239] {strides = array<i32>} : memref<2080xf32, #tpu.memory_space<vmem>>, vector<16xf32>,
    tpu.vector_store %arg7[%swap3A_239], %get3A_230 {strides = array<i32>} : memref<2080xf32, #tpu.memory_space<vmem>>, vector<16xf32>,
    %swap3A_241 = arith.constant 633 : index
    %swap3A_242 = tpu.vector_load %arg7[%swap3A_241] {strides = array<i32>} : memref<2080xf32, #tpu.memory_space<vmem>>, vector<16xf32>,
    tpu.vector_store %arg7[%swap3A_241], %get3A_234 {strides = array<i32>} : memref<2080xf32, #tpu.memory_space<vmem>>, vector<16xf32>,
    %get3A_243 = arith.constant 10 : i32
    %get3A_244 = arith.index_cast %get3A_243 : i32 to index
    %get3A_245 = arith.constant 0 : index
    %get3A_246 = tpu.vector_load %arg6[%get3A_244, %get3A_245] {strides = array<i32>} : memref<32x64xf32, #tpu.memory_space<vmem>>, vector<16xf32>,
    %get3A_247 = arith.constant 10 : i32
    %get3A_248 = arith.index_cast %get3A_247 : i32 to index
    %get3A_249 = arith.constant 16 : index
    %get3A_250 = tpu.vector_load %arg6[%get3A_248, %get3A_249] {strides = array<i32>} : memref<32x64xf32, #tpu.memory_space<vmem>>, vector<16xf32>,
    %get3A_251 = arith.constant 10 : i32
    %get3A_252 = arith.index_cast %get3A_251 : i32 to index
    %get3A_253 = arith.constant 32 : index
    %get3A_254 = tpu.vector_load %arg6[%get3A_252, %get3A_253] {strides = array<i32>} : memref<32x64xf32, #tpu.memory_space<vmem>>, vector<16xf32>,
    %get3A_255 = arith.constant 10 : i32
    %get3A_256 = arith.index_cast %get3A_255 : i32 to index
    %get3A_257 = arith.constant 48 : index
    %get3A_258 = tpu.vector_load %arg6[%get3A_256, %get3A_257] {strides = array<i32>} : memref<32x64xf32, #tpu.memory_space<vmem>>, vector<16xf32>,
    %swap3A_259 = arith.constant 650 : index
    %swap3A_260 = tpu.vector_load %arg7[%swap3A_259] {strides = array<i32>} : memref<2080xf32, #tpu.memory_space<vmem>>, vector<16xf32>,
    tpu.vector_store %arg7[%swap3A_259], %get3A_246 {strides = array<i32>} : memref<2080xf32, #tpu.memory_space<vmem>>, vector<16xf32>,
    %swap3A_261 = arith.constant 666 : index
    %swap3A_262 = tpu.vector_load %arg7[%swap3A_261] {strides = array<i32>} : memref<2080xf32, #tpu.memory_space<vmem>>, vector<16xf32>,
    tpu.vector_store %arg7[%swap3A_261], %get3A_250 {strides = array<i32>} : memref<2080xf32, #tpu.memory_space<vmem>>, vector<16xf32>,
    %swap3A_263 = arith.constant 682 : index
    %swap3A_264 = tpu.vector_load %arg7[%swap3A_263] {strides = array<i32>} : memref<2080xf32, #tpu.memory_space<vmem>>, vector<16xf32>,
    tpu.vector_store %arg7[%swap3A_263], %get3A_254 {strides = array<i32>} : memref<2080xf32, #tpu.memory_space<vmem>>, vector<16xf32>,
    %swap3A_265 = arith.constant 698 : index
    %swap3A_266 = tpu.vector_load %arg7[%swap3A_265] {strides = array<i32>} : memref<2080xf32, #tpu.memory_space<vmem>>, vector<16xf32>,
    tpu.vector_store %arg7[%swap3A_265], %get3A_258 {strides = array<i32>} : memref<2080xf32, #tpu.memory_space<vmem>>, vector<16xf32>,
    %get3A_267 = arith.constant 11 : i32
    %get3A_268 = arith.index_cast %get3A_267 : i32 to index
    %get3A_269 = arith.constant 0 : index
    %get3A_270 = tpu.vector_load %arg6[%get3A_268, %get3A_269] {strides = array<i32>} : memref<32x64xf32, #tpu.memory_space<vmem>>, vector<16xf32>,
    %get3A_271 = arith.constant 11 : i32
    %get3A_272 = arith.index_cast %get3A_271 : i32 to index
    %get3A_273 = arith.constant 16 : index
    %get3A_274 = tpu.vector_load %arg6[%get3A_272, %get3A_273] {strides = array<i32>} : memref<32x64xf32, #tpu.memory_space<vmem>>, vector<16xf32>,
    %get3A_275 = arith.constant 11 : i32
    %get3A_276 = arith.index_cast %get3A_275 : i32 to index
    %get3A_277 = arith.constant 32 : index
    %get3A_278 = tpu.vector_load %arg6[%get3A_276, %get3A_277] {strides = array<i32>} : memref<32x64xf32, #tpu.memory_space<vmem>>, vector<16xf32>,
    %get3A_279 = arith.constant 11 : i32
    %get3A_280 = arith.index_cast %get3A_279 : i32 to index
    %get3A_281 = arith.constant 48 : index
    %get3A_282 = tpu.vector_load %arg6[%get3A_280, %get3A_281] {strides = array<i32>} : memref<32x64xf32, #tpu.memory_space<vmem>>, vector<16xf32>,
    %swap3A_283 = arith.constant 715 : index
    %swap3A_284 = tpu.vector_load %arg7[%swap3A_283] {strides = array<i32>} : memref<2080xf32, #tpu.memory_space<vmem>>, vector<16xf32>,
    tpu.vector_store %arg7[%swap3A_283], %get3A_270 {strides = array<i32>} : memref<2080xf32, #tpu.memory_space<vmem>>, vector<16xf32>,
    %swap3A_285 = arith.constant 731 : index
    %swap3A_286 = tpu.vector_load %arg7[%swap3A_285] {strides = array<i32>} : memref<2080xf32, #tpu.memory_space<vmem>>, vector<16xf32>,
    tpu.vector_store %arg7[%swap3A_285], %get3A_274 {strides = array<i32>} : memref<2080xf32, #tpu.memory_space<vmem>>, vector<16xf32>,
    %swap3A_287 = arith.constant 747 : index
    %swap3A_288 = tpu.vector_load %arg7[%swap3A_287] {strides = array<i32>} : memref<2080xf32, #tpu.memory_space<vmem>>, vector<16xf32>,
    tpu.vector_store %arg7[%swap3A_287], %get3A_278 {strides = array<i32>} : memref<2080xf32, #tpu.memory_space<vmem>>, vector<16xf32>,
    %swap3A_289 = arith.constant 763 : index
    %swap3A_290 = tpu.vector_load %arg7[%swap3A_289] {strides = array<i32>} : memref<2080xf32, #tpu.memory_space<vmem>>, vector<16xf32>,
    tpu.vector_store %arg7[%swap3A_289], %get3A_282 {strides = array<i32>} : memref<2080xf32, #tpu.memory_space<vmem>>, vector<16xf32>,
    %get3A_291 = arith.constant 12 : i32
    %get3A_292 = arith.index_cast %get3A_291 : i32 to index
    %get3A_293 = arith.constant 0 : index
    %get3A_294 = tpu.vector_load %arg6[%get3A_292, %get3A_293] {strides = array<i32>} : memref<32x64xf32, #tpu.memory_space<vmem>>, vector<16xf32>,
    %get3A_295 = arith.constant 12 : i32
    %get3A_296 = arith.index_cast %get3A_295 : i32 to index
    %get3A_297 = arith.constant 16 : index
    %get3A_298 = tpu.vector_load %arg6[%get3A_296, %get3A_297] {strides = array<i32>} : memref<32x64xf32, #tpu.memory_space<vmem>>, vector<16xf32>,
    %get3A_299 = arith.constant 12 : i32
    %get3A_300 = arith.index_cast %get3A_299 : i32 to index
    %get3A_301 = arith.constant 32 : index
    %get3A_302 = tpu.vector_load %arg6[%get3A_300, %get3A_301] {strides = array<i32>} : memref<32x64xf32, #tpu.memory_space<vmem>>, vector<16xf32>,
    %get3A_303 = arith.constant 12 : i32
    %get3A_304 = arith.index_cast %get3A_303 : i32 to index
    %get3A_305 = arith.constant 48 : index
    %get3A_306 = tpu.vector_load %arg6[%get3A_304, %get3A_305] {strides = array<i32>} : memref<32x64xf32, #tpu.memory_space<vmem>>, vector<16xf32>,
    %swap3A_307 = arith.constant 780 : index
    %swap3A_308 = tpu.vector_load %arg7[%swap3A_307] {strides = array<i32>} : memref<2080xf32, #tpu.memory_space<vmem>>, vector<16xf32>,
    tpu.vector_store %arg7[%swap3A_307], %get3A_294 {strides = array<i32>} : memref<2080xf32, #tpu.memory_space<vmem>>, vector<16xf32>,
    %swap3A_309 = arith.constant 796 : index
    %swap3A_310 = tpu.vector_load %arg7[%swap3A_309] {strides = array<i32>} : memref<2080xf32, #tpu.memory_space<vmem>>, vector<16xf32>,
    tpu.vector_store %arg7[%swap3A_309], %get3A_298 {strides = array<i32>} : memref<2080xf32, #tpu.memory_space<vmem>>, vector<16xf32>,
    %swap3A_311 = arith.constant 812 : index
    %swap3A_312 = tpu.vector_load %arg7[%swap3A_311] {strides = array<i32>} : memref<2080xf32, #tpu.memory_space<vmem>>, vector<16xf32>,
    tpu.vector_store %arg7[%swap3A_311], %get3A_302 {strides = array<i32>} : memref<2080xf32, #tpu.memory_space<vmem>>, vector<16xf32>,
    %swap3A_313 = arith.constant 828 : index
    %swap3A_314 = tpu.vector_load %arg7[%swap3A_313] {strides = array<i32>} : memref<2080xf32, #tpu.memory_space<vmem>>, vector<16xf32>,
    tpu.vector_store %arg7[%swap3A_313], %get3A_306 {strides = array<i32>} : memref<2080xf32, #tpu.memory_space<vmem>>, vector<16xf32>,
    %get3A_315 = arith.constant 13 : i32
    %get3A_316 = arith.index_cast %get3A_315 : i32 to index
    %get3A_317 = arith.constant 0 : index
    %get3A_318 = tpu.vector_load %arg6[%get3A_316, %get3A_317] {strides = array<i32>} : memref<32x64xf32, #tpu.memory_space<vmem>>, vector<16xf32>,
    %get3A_319 = arith.constant 13 : i32
    %get3A_320 = arith.index_cast %get3A_319 : i32 to index
    %get3A_321 = arith.constant 16 : index
    %get3A_322 = tpu.vector_load %arg6[%get3A_320, %get3A_321] {strides = array<i32>} : memref<32x64xf32, #tpu.memory_space<vmem>>, vector<16xf32>,
    %get3A_323 = arith.constant 13 : i32
    %get3A_324 = arith.index_cast %get3A_323 : i32 to index
    %get3A_325 = arith.constant 32 : index
    %get3A_326 = tpu.vector_load %arg6[%get3A_324, %get3A_325] {strides = array<i32>} : memref<32x64xf32, #tpu.memory_space<vmem>>, vector<16xf32>,
    %get3A_327 = arith.constant 13 : i32
    %get3A_328 = arith.index_cast %get3A_327 : i32 to index
    %get3A_329 = arith.constant 48 : index
    %get3A_330 = tpu.vector_load %arg6[%get3A_328, %get3A_329] {strides = array<i32>} : memref<32x64xf32, #tpu.memory_space<vmem>>, vector<16xf32>,
    %swap3A_331 = arith.constant 845 : index
    %swap3A_332 = tpu.vector_load %arg7[%swap3A_331] {strides = array<i32>} : memref<2080xf32, #tpu.memory_space<vmem>>, vector<16xf32>,
    tpu.vector_store %arg7[%swap3A_331], %get3A_318 {strides = array<i32>} : memref<2080xf32, #tpu.memory_space<vmem>>, vector<16xf32>,
    %swap3A_333 = arith.constant 861 : index
    %swap3A_334 = tpu.vector_load %arg7[%swap3A_333] {strides = array<i32>} : memref<2080xf32, #tpu.memory_space<vmem>>, vector<16xf32>,
    tpu.vector_store %arg7[%swap3A_333], %get3A_322 {strides = array<i32>} : memref<2080xf32, #tpu.memory_space<vmem>>, vector<16xf32>,
    %swap3A_335 = arith.constant 877 : index
    %swap3A_336 = tpu.vector_load %arg7[%swap3A_335] {strides = array<i32>} : memref<2080xf32, #tpu.memory_space<vmem>>, vector<16xf32>,
    tpu.vector_store %arg7[%swap3A_335], %get3A_326 {strides = array<i32>} : memref<2080xf32, #tpu.memory_space<vmem>>, vector<16xf32>,
    %swap3A_337 = arith.constant 893 : index
    %swap3A_338 = tpu.vector_load %arg7[%swap3A_337] {strides = array<i32>} : memref<2080xf32, #tpu.memory_space<vmem>>, vector<16xf32>,
    tpu.vector_store %arg7[%swap3A_337], %get3A_330 {strides = array<i32>} : memref<2080xf32, #tpu.memory_space<vmem>>, vector<16xf32>,
    %get3A_339 = arith.constant 14 : i32
    %get3A_340 = arith.index_cast %get3A_339 : i32 to index
    %get3A_341 = arith.constant 0 : index
    %get3A_342 = tpu.vector_load %arg6[%get3A_340, %get3A_341] {strides = array<i32>} : memref<32x64xf32, #tpu.memory_space<vmem>>, vector<16xf32>,
    %get3A_343 = arith.constant 14 : i32
    %get3A_344 = arith.index_cast %get3A_343 : i32 to index
    %get3A_345 = arith.constant 16 : index
    %get3A_346 = tpu.vector_load %arg6[%get3A_344, %get3A_345] {strides = array<i32>} : memref<32x64xf32, #tpu.memory_space<vmem>>, vector<16xf32>,
    %get3A_347 = arith.constant 14 : i32
    %get3A_348 = arith.index_cast %get3A_347 : i32 to index
    %get3A_349 = arith.constant 32 : index
    %get3A_350 = tpu.vector_load %arg6[%get3A_348, %get3A_349] {strides = array<i32>} : memref<32x64xf32, #tpu.memory_space<vmem>>, vector<16xf32>,
    %get3A_351 = arith.constant 14 : i32
    %get3A_352 = arith.index_cast %get3A_351 : i32 to index
    %get3A_353 = arith.constant 48 : index
    %get3A_354 = tpu.vector_load %arg6[%get3A_352, %get3A_353] {strides = array<i32>} : memref<32x64xf32, #tpu.memory_space<vmem>>, vector<16xf32>,
    %swap3A_355 = arith.constant 910 : index
    %swap3A_356 = tpu.vector_load %arg7[%swap3A_355] {strides = array<i32>} : memref<2080xf32, #tpu.memory_space<vmem>>, vector<16xf32>,
    tpu.vector_store %arg7[%swap3A_355], %get3A_342 {strides = array<i32>} : memref<2080xf32, #tpu.memory_space<vmem>>, vector<16xf32>,
    %swap3A_357 = arith.constant 926 : index
    %swap3A_358 = tpu.vector_load %arg7[%swap3A_357] {strides = array<i32>} : memref<2080xf32, #tpu.memory_space<vmem>>, vector<16xf32>,
    tpu.vector_store %arg7[%swap3A_357], %get3A_346 {strides = array<i32>} : memref<2080xf32, #tpu.memory_space<vmem>>, vector<16xf32>,
    %swap3A_359 = arith.constant 942 : index
    %swap3A_360 = tpu.vector_load %arg7[%swap3A_359] {strides = array<i32>} : memref<2080xf32, #tpu.memory_space<vmem>>, vector<16xf32>,
    tpu.vector_store %arg7[%swap3A_359], %get3A_350 {strides = array<i32>} : memref<2080xf32, #tpu.memory_space<vmem>>, vector<16xf32>,
    %swap3A_361 = arith.constant 958 : index
    %swap3A_362 = tpu.vector_load %arg7[%swap3A_361] {strides = array<i32>} : memref<2080xf32, #tpu.memory_space<vmem>>, vector<16xf32>,
    tpu.vector_store %arg7[%swap3A_361], %get3A_354 {strides = array<i32>} : memref<2080xf32, #tpu.memory_space<vmem>>, vector<16xf32>,
    %get3A_363 = arith.constant 15 : i32
    %get3A_364 = arith.index_cast %get3A_363 : i32 to index
    %get3A_365 = arith.constant 0 : index
    %get3A_366 = tpu.vector_load %arg6[%get3A_364, %get3A_365] {strides = array<i32>} : memref<32x64xf32, #tpu.memory_space<vmem>>, vector<16xf32>,
    %get3A_367 = arith.constant 15 : i32
    %get3A_368 = arith.index_cast %get3A_367 : i32 to index
    %get3A_369 = arith.constant 16 : index
    %get3A_370 = tpu.vector_load %arg6[%get3A_368, %get3A_369] {strides = array<i32>} : memref<32x64xf32, #tpu.memory_space<vmem>>, vector<16xf32>,
    %get3A_371 = arith.constant 15 : i32
    %get3A_372 = arith.index_cast %get3A_371 : i32 to index
    %get3A_373 = arith.constant 32 : index
    %get3A_374 = tpu.vector_load %arg6[%get3A_372, %get3A_373] {strides = array<i32>} : memref<32x64xf32, #tpu.memory_space<vmem>>, vector<16xf32>,
    %get3A_375 = arith.constant 15 : i32
    %get3A_376 = arith.index_cast %get3A_375 : i32 to index
    %get3A_377 = arith.constant 48 : index
    %get3A_378 = tpu.vector_load %arg6[%get3A_376, %get3A_377] {strides = array<i32>} : memref<32x64xf32, #tpu.memory_space<vmem>>, vector<16xf32>,
    %swap3A_379 = arith.constant 975 : index
    %swap3A_380 = tpu.vector_load %arg7[%swap3A_379] {strides = array<i32>} : memref<2080xf32, #tpu.memory_space<vmem>>, vector<16xf32>,
    tpu.vector_store %arg7[%swap3A_379], %get3A_366 {strides = array<i32>} : memref<2080xf32, #tpu.memory_space<vmem>>, vector<16xf32>,
    %swap3A_381 = arith.constant 991 : index
    %swap3A_382 = tpu.vector_load %arg7[%swap3A_381] {strides = array<i32>} : memref<2080xf32, #tpu.memory_space<vmem>>, vector<16xf32>,
    tpu.vector_store %arg7[%swap3A_381], %get3A_370 {strides = array<i32>} : memref<2080xf32, #tpu.memory_space<vmem>>, vector<16xf32>,
    %swap3A_383 = arith.constant 1007 : index
    %swap3A_384 = tpu.vector_load %arg7[%swap3A_383] {strides = array<i32>} : memref<2080xf32, #tpu.memory_space<vmem>>, vector<16xf32>,
    tpu.vector_store %arg7[%swap3A_383], %get3A_374 {strides = array<i32>} : memref<2080xf32, #tpu.memory_space<vmem>>, vector<16xf32>,
    %swap3A_385 = arith.constant 1023 : index
    %swap3A_386 = tpu.vector_load %arg7[%swap3A_385] {strides = array<i32>} : memref<2080xf32, #tpu.memory_space<vmem>>, vector<16xf32>,
    tpu.vector_store %arg7[%swap3A_385], %get3A_378 {strides = array<i32>} : memref<2080xf32, #tpu.memory_space<vmem>>, vector<16xf32>,
    %get3A_387 = arith.constant 16 : i32
    %get3A_388 = arith.index_cast %get3A_387 : i32 to index
    %get3A_389 = arith.constant 0 : index
    %get3A_390 = tpu.vector_load %arg6[%get3A_388, %get3A_389] {strides = array<i32>} : memref<32x64xf32, #tpu.memory_space<vmem>>, vector<16xf32>,
    %get3A_391 = arith.constant 16 : i32
    %get3A_392 = arith.index_cast %get3A_391 : i32 to index
    %get3A_393 = arith.constant 16 : index
    %get3A_394 = tpu.vector_load %arg6[%get3A_392, %get3A_393] {strides = array<i32>} : memref<32x64xf32, #tpu.memory_space<vmem>>, vector<16xf32>,
    %get3A_395 = arith.constant 16 : i32
    %get3A_396 = arith.index_cast %get3A_395 : i32 to index
    %get3A_397 = arith.constant 32 : index
    %get3A_398 = tpu.vector_load %arg6[%get3A_396, %get3A_397] {strides = array<i32>} : memref<32x64xf32, #tpu.memory_space<vmem>>, vector<16xf32>,
    %get3A_399 = arith.constant 16 : i32
    %get3A_400 = arith.index_cast %get3A_399 : i32 to index
    %get3A_401 = arith.constant 48 : index
    %get3A_402 = tpu.vector_load %arg6[%get3A_400, %get3A_401] {strides = array<i32>} : memref<32x64xf32, #tpu.memory_space<vmem>>, vector<16xf32>,
    %swap3A_403 = arith.constant 1040 : index
    %swap3A_404 = tpu.vector_load %arg7[%swap3A_403] {strides = array<i32>} : memref<2080xf32, #tpu.memory_space<vmem>>, vector<16xf32>,
    tpu.vector_store %arg7[%swap3A_403], %get3A_390 {strides = array<i32>} : memref<2080xf32, #tpu.memory_space<vmem>>, vector<16xf32>,
    %swap3A_405 = arith.constant 1056 : index
    %swap3A_406 = tpu.vector_load %arg7[%swap3A_405] {strides = array<i32>} : memref<2080xf32, #tpu.memory_space<vmem>>, vector<16xf32>,
    tpu.vector_store %arg7[%swap3A_405], %get3A_394 {strides = array<i32>} : memref<2080xf32, #tpu.memory_space<vmem>>, vector<16xf32>,
    %swap3A_407 = arith.constant 1072 : index
    %swap3A_408 = tpu.vector_load %arg7[%swap3A_407] {strides = array<i32>} : memref<2080xf32, #tpu.memory_space<vmem>>, vector<16xf32>,
    tpu.vector_store %arg7[%swap3A_407], %get3A_398 {strides = array<i32>} : memref<2080xf32, #tpu.memory_space<vmem>>, vector<16xf32>,
    %swap3A_409 = arith.constant 1088 : index
    %swap3A_410 = tpu.vector_load %arg7[%swap3A_409] {strides = array<i32>} : memref<2080xf32, #tpu.memory_space<vmem>>, vector<16xf32>,
    tpu.vector_store %arg7[%swap3A_409], %get3A_402 {strides = array<i32>} : memref<2080xf32, #tpu.memory_space<vmem>>, vector<16xf32>,
    %get3A_411 = arith.constant 17 : i32
    %get3A_412 = arith.index_cast %get3A_411 : i32 to index
    %get3A_413 = arith.constant 0 : index
    %get3A_414 = tpu.vector_load %arg6[%get3A_412, %get3A_413] {strides = array<i32>} : memref<32x64xf32, #tpu.memory_space<vmem>>, vector<16xf32>,
    %get3A_415 = arith.constant 17 : i32
    %get3A_416 = arith.index_cast %get3A_415 : i32 to index
    %get3A_417 = arith.constant 16 : index
    %get3A_418 = tpu.vector_load %arg6[%get3A_416, %get3A_417] {strides = array<i32>} : memref<32x64xf32, #tpu.memory_space<vmem>>, vector<16xf32>,
    %get3A_419 = arith.constant 17 : i32
    %get3A_420 = arith.index_cast %get3A_419 : i32 to index
    %get3A_421 = arith.constant 32 : index
    %get3A_422 = tpu.vector_load %arg6[%get3A_420, %get3A_421] {strides = array<i32>} : memref<32x64xf32, #tpu.memory_space<vmem>>, vector<16xf32>,
    %get3A_423 = arith.constant 17 : i32
    %get3A_424 = arith.index_cast %get3A_423 : i32 to index
    %get3A_425 = arith.constant 48 : index
    %get3A_426 = tpu.vector_load %arg6[%get3A_424, %get3A_425] {strides = array<i32>} : memref<32x64xf32, #tpu.memory_space<vmem>>, vector<16xf32>,
    %swap3A_427 = arith.constant 1105 : index
    %swap3A_428 = tpu.vector_load %arg7[%swap3A_427] {strides = array<i32>} : memref<2080xf32, #tpu.memory_space<vmem>>, vector<16xf32>,
    tpu.vector_store %arg7[%swap3A_427], %get3A_414 {strides = array<i32>} : memref<2080xf32, #tpu.memory_space<vmem>>, vector<16xf32>,
    %swap3A_429 = arith.constant 1121 : index
    %swap3A_430 = tpu.vector_load %arg7[%swap3A_429] {strides = array<i32>} : memref<2080xf32, #tpu.memory_space<vmem>>, vector<16xf32>,
    tpu.vector_store %arg7[%swap3A_429], %get3A_418 {strides = array<i32>} : memref<2080xf32, #tpu.memory_space<vmem>>, vector<16xf32>,
    %swap3A_431 = arith.constant 1137 : index
    %swap3A_432 = tpu.vector_load %arg7[%swap3A_431] {strides = array<i32>} : memref<2080xf32, #tpu.memory_space<vmem>>, vector<16xf32>,
    tpu.vector_store %arg7[%swap3A_431], %get3A_422 {strides = array<i32>} : memref<2080xf32, #tpu.memory_space<vmem>>, vector<16xf32>,
    %swap3A_433 = arith.constant 1153 : index
    %swap3A_434 = tpu.vector_load %arg7[%swap3A_433] {strides = array<i32>} : memref<2080xf32, #tpu.memory_space<vmem>>, vector<16xf32>,
    tpu.vector_store %arg7[%swap3A_433], %get3A_426 {strides = array<i32>} : memref<2080xf32, #tpu.memory_space<vmem>>, vector<16xf32>,
    %get3A_435 = arith.constant 18 : i32
    %get3A_436 = arith.index_cast %get3A_435 : i32 to index
    %get3A_437 = arith.constant 0 : index
    %get3A_438 = tpu.vector_load %arg6[%get3A_436, %get3A_437] {strides = array<i32>} : memref<32x64xf32, #tpu.memory_space<vmem>>, vector<16xf32>,
    %get3A_439 = arith.constant 18 : i32
    %get3A_440 = arith.index_cast %get3A_439 : i32 to index
    %get3A_441 = arith.constant 16 : index
    %get3A_442 = tpu.vector_load %arg6[%get3A_440, %get3A_441] {strides = array<i32>} : memref<32x64xf32, #tpu.memory_space<vmem>>, vector<16xf32>,
    %get3A_443 = arith.constant 18 : i32
    %get3A_444 = arith.index_cast %get3A_443 : i32 to index
    %get3A_445 = arith.constant 32 : index
    %get3A_446 = tpu.vector_load %arg6[%get3A_444, %get3A_445] {strides = array<i32>} : memref<32x64xf32, #tpu.memory_space<vmem>>, vector<16xf32>,
    %get3A_447 = arith.constant 18 : i32
    %get3A_448 = arith.index_cast %get3A_447 : i32 to index
    %get3A_449 = arith.constant 48 : index
    %get3A_450 = tpu.vector_load %arg6[%get3A_448, %get3A_449] {strides = array<i32>} : memref<32x64xf32, #tpu.memory_space<vmem>>, vector<16xf32>,
    %swap3A_451 = arith.constant 1170 : index
    %swap3A_452 = tpu.vector_load %arg7[%swap3A_451] {strides = array<i32>} : memref<2080xf32, #tpu.memory_space<vmem>>, vector<16xf32>,
    tpu.vector_store %arg7[%swap3A_451], %get3A_438 {strides = array<i32>} : memref<2080xf32, #tpu.memory_space<vmem>>, vector<16xf32>,
    %swap3A_453 = arith.constant 1186 : index
    %swap3A_454 = tpu.vector_load %arg7[%swap3A_453] {strides = array<i32>} : memref<2080xf32, #tpu.memory_space<vmem>>, vector<16xf32>,
    tpu.vector_store %arg7[%swap3A_453], %get3A_442 {strides = array<i32>} : memref<2080xf32, #tpu.memory_space<vmem>>, vector<16xf32>,
    %swap3A_455 = arith.constant 1202 : index
    %swap3A_456 = tpu.vector_load %arg7[%swap3A_455] {strides = array<i32>} : memref<2080xf32, #tpu.memory_space<vmem>>, vector<16xf32>,
    tpu.vector_store %arg7[%swap3A_455], %get3A_446 {strides = array<i32>} : memref<2080xf32, #tpu.memory_space<vmem>>, vector<16xf32>,
    %swap3A_457 = arith.constant 1218 : index
    %swap3A_458 = tpu.vector_load %arg7[%swap3A_457] {strides = array<i32>} : memref<2080xf32, #tpu.memory_space<vmem>>, vector<16xf32>,
    tpu.vector_store %arg7[%swap3A_457], %get3A_450 {strides = array<i32>} : memref<2080xf32, #tpu.memory_space<vmem>>, vector<16xf32>,
    %get3A_459 = arith.constant 19 : i32
    %get3A_460 = arith.index_cast %get3A_459 : i32 to index
    %get3A_461 = arith.constant 0 : index
    %get3A_462 = tpu.vector_load %arg6[%get3A_460, %get3A_461] {strides = array<i32>} : memref<32x64xf32, #tpu.memory_space<vmem>>, vector<16xf32>,
    %get3A_463 = arith.constant 19 : i32
    %get3A_464 = arith.index_cast %get3A_463 : i32 to index
    %get3A_465 = arith.constant 16 : index
    %get3A_466 = tpu.vector_load %arg6[%get3A_464, %get3A_465] {strides = array<i32>} : memref<32x64xf32, #tpu.memory_space<vmem>>, vector<16xf32>,
    %get3A_467 = arith.constant 19 : i32
    %get3A_468 = arith.index_cast %get3A_467 : i32 to index
    %get3A_469 = arith.constant 32 : index
    %get3A_470 = tpu.vector_load %arg6[%get3A_468, %get3A_469] {strides = array<i32>} : memref<32x64xf32, #tpu.memory_space<vmem>>, vector<16xf32>,
    %get3A_471 = arith.constant 19 : i32
    %get3A_472 = arith.index_cast %get3A_471 : i32 to index
    %get3A_473 = arith.constant 48 : index
    %get3A_474 = tpu.vector_load %arg6[%get3A_472, %get3A_473] {strides = array<i32>} : memref<32x64xf32, #tpu.memory_space<vmem>>, vector<16xf32>,
    %swap3A_475 = arith.constant 1235 : index
    %swap3A_476 = tpu.vector_load %arg7[%swap3A_475] {strides = array<i32>} : memref<2080xf32, #tpu.memory_space<vmem>>, vector<16xf32>,
    tpu.vector_store %arg7[%swap3A_475], %get3A_462 {strides = array<i32>} : memref<2080xf32, #tpu.memory_space<vmem>>, vector<16xf32>,
    %swap3A_477 = arith.constant 1251 : index
    %swap3A_478 = tpu.vector_load %arg7[%swap3A_477] {strides = array<i32>} : memref<2080xf32, #tpu.memory_space<vmem>>, vector<16xf32>,
    tpu.vector_store %arg7[%swap3A_477], %get3A_466 {strides = array<i32>} : memref<2080xf32, #tpu.memory_space<vmem>>, vector<16xf32>,
    %swap3A_479 = arith.constant 1267 : index
    %swap3A_480 = tpu.vector_load %arg7[%swap3A_479] {strides = array<i32>} : memref<2080xf32, #tpu.memory_space<vmem>>, vector<16xf32>,
    tpu.vector_store %arg7[%swap3A_479], %get3A_470 {strides = array<i32>} : memref<2080xf32, #tpu.memory_space<vmem>>, vector<16xf32>,
    %swap3A_481 = arith.constant 1283 : index
    %swap3A_482 = tpu.vector_load %arg7[%swap3A_481] {strides = array<i32>} : memref<2080xf32, #tpu.memory_space<vmem>>, vector<16xf32>,
    tpu.vector_store %arg7[%swap3A_481], %get3A_474 {strides = array<i32>} : memref<2080xf32, #tpu.memory_space<vmem>>, vector<16xf32>,
    %get3A_483 = arith.constant 20 : i32
    %get3A_484 = arith.index_cast %get3A_483 : i32 to index
    %get3A_485 = arith.constant 0 : index
    %get3A_486 = tpu.vector_load %arg6[%get3A_484, %get3A_485] {strides = array<i32>} : memref<32x64xf32, #tpu.memory_space<vmem>>, vector<16xf32>,
    %get3A_487 = arith.constant 20 : i32
    %get3A_488 = arith.index_cast %get3A_487 : i32 to index
    %get3A_489 = arith.constant 16 : index
    %get3A_490 = tpu.vector_load %arg6[%get3A_488, %get3A_489] {strides = array<i32>} : memref<32x64xf32, #tpu.memory_space<vmem>>, vector<16xf32>,
    %get3A_491 = arith.constant 20 : i32
    %get3A_492 = arith.index_cast %get3A_491 : i32 to index
    %get3A_493 = arith.constant 32 : index
    %get3A_494 = tpu.vector_load %arg6[%get3A_492, %get3A_493] {strides = array<i32>} : memref<32x64xf32, #tpu.memory_space<vmem>>, vector<16xf32>,
    %get3A_495 = arith.constant 20 : i32
    %get3A_496 = arith.index_cast %get3A_495 : i32 to index
    %get3A_497 = arith.constant 48 : index
    %get3A_498 = tpu.vector_load %arg6[%get3A_496, %get3A_497] {strides = array<i32>} : memref<32x64xf32, #tpu.memory_space<vmem>>, vector<16xf32>,
    %swap3A_499 = arith.constant 1300 : index
    %swap3A_500 = tpu.vector_load %arg7[%swap3A_499] {strides = array<i32>} : memref<2080xf32, #tpu.memory_space<vmem>>, vector<16xf32>,
    tpu.vector_store %arg7[%swap3A_499], %get3A_486 {strides = array<i32>} : memref<2080xf32, #tpu.memory_space<vmem>>, vector<16xf32>,
    %swap3A_501 = arith.constant 1316 : index
    %swap3A_502 = tpu.vector_load %arg7[%swap3A_501] {strides = array<i32>} : memref<2080xf32, #tpu.memory_space<vmem>>, vector<16xf32>,
    tpu.vector_store %arg7[%swap3A_501], %get3A_490 {strides = array<i32>} : memref<2080xf32, #tpu.memory_space<vmem>>, vector<16xf32>,
    %swap3A_503 = arith.constant 1332 : index
    %swap3A_504 = tpu.vector_load %arg7[%swap3A_503] {strides = array<i32>} : memref<2080xf32, #tpu.memory_space<vmem>>, vector<16xf32>,
    tpu.vector_store %arg7[%swap3A_503], %get3A_494 {strides = array<i32>} : memref<2080xf32, #tpu.memory_space<vmem>>, vector<16xf32>,
    %swap3A_505 = arith.constant 1348 : index
    %swap3A_506 = tpu.vector_load %arg7[%swap3A_505] {strides = array<i32>} : memref<2080xf32, #tpu.memory_space<vmem>>, vector<16xf32>,
    tpu.vector_store %arg7[%swap3A_505], %get3A_498 {strides = array<i32>} : memref<2080xf32, #tpu.memory_space<vmem>>, vector<16xf32>,
    %get3A_507 = arith.constant 21 : i32
    %get3A_508 = arith.index_cast %get3A_507 : i32 to index
    %get3A_509 = arith.constant 0 : index
    %get3A_510 = tpu.vector_load %arg6[%get3A_508, %get3A_509] {strides = array<i32>} : memref<32x64xf32, #tpu.memory_space<vmem>>, vector<16xf32>,
    %get3A_511 = arith.constant 21 : i32
    %get3A_512 = arith.index_cast %get3A_511 : i32 to index
    %get3A_513 = arith.constant 16 : index
    %get3A_514 = tpu.vector_load %arg6[%get3A_512, %get3A_513] {strides = array<i32>} : memref<32x64xf32, #tpu.memory_space<vmem>>, vector<16xf32>,
    %get3A_515 = arith.constant 21 : i32
    %get3A_516 = arith.index_cast %get3A_515 : i32 to index
    %get3A_517 = arith.constant 32 : index
    %get3A_518 = tpu.vector_load %arg6[%get3A_516, %get3A_517] {strides = array<i32>} : memref<32x64xf32, #tpu.memory_space<vmem>>, vector<16xf32>,
    %get3A_519 = arith.constant 21 : i32
    %get3A_520 = arith.index_cast %get3A_519 : i32 to index
    %get3A_521 = arith.constant 48 : index
    %get3A_522 = tpu.vector_load %arg6[%get3A_520, %get3A_521] {strides = array<i32>} : memref<32x64xf32, #tpu.memory_space<vmem>>, vector<16xf32>,
    %swap3A_523 = arith.constant 1365 : index
    %swap3A_524 = tpu.vector_load %arg7[%swap3A_523] {strides = array<i32>} : memref<2080xf32, #tpu.memory_space<vmem>>, vector<16xf32>,
    tpu.vector_store %arg7[%swap3A_523], %get3A_510 {strides = array<i32>} : memref<2080xf32, #tpu.memory_space<vmem>>, vector<16xf32>,
    %swap3A_525 = arith.constant 1381 : index
    %swap3A_526 = tpu.vector_load %arg7[%swap3A_525] {strides = array<i32>} : memref<2080xf32, #tpu.memory_space<vmem>>, vector<16xf32>,
    tpu.vector_store %arg7[%swap3A_525], %get3A_514 {strides = array<i32>} : memref<2080xf32, #tpu.memory_space<vmem>>, vector<16xf32>,
    %swap3A_527 = arith.constant 1397 : index
    %swap3A_528 = tpu.vector_load %arg7[%swap3A_527] {strides = array<i32>} : memref<2080xf32, #tpu.memory_space<vmem>>, vector<16xf32>,
    tpu.vector_store %arg7[%swap3A_527], %get3A_518 {strides = array<i32>} : memref<2080xf32, #tpu.memory_space<vmem>>, vector<16xf32>,
    %swap3A_529 = arith.constant 1413 : index
    %swap3A_530 = tpu.vector_load %arg7[%swap3A_529] {strides = array<i32>} : memref<2080xf32, #tpu.memory_space<vmem>>, vector<16xf32>,
    tpu.vector_store %arg7[%swap3A_529], %get3A_522 {strides = array<i32>} : memref<2080xf32, #tpu.memory_space<vmem>>, vector<16xf32>,
    %get3A_531 = arith.constant 22 : i32
    %get3A_532 = arith.index_cast %get3A_531 : i32 to index
    %get3A_533 = arith.constant 0 : index
    %get3A_534 = tpu.vector_load %arg6[%get3A_532, %get3A_533] {strides = array<i32>} : memref<32x64xf32, #tpu.memory_space<vmem>>, vector<16xf32>,
    %get3A_535 = arith.constant 22 : i32
    %get3A_536 = arith.index_cast %get3A_535 : i32 to index
    %get3A_537 = arith.constant 16 : index
    %get3A_538 = tpu.vector_load %arg6[%get3A_536, %get3A_537] {strides = array<i32>} : memref<32x64xf32, #tpu.memory_space<vmem>>, vector<16xf32>,
    %get3A_539 = arith.constant 22 : i32
    %get3A_540 = arith.index_cast %get3A_539 : i32 to index
    %get3A_541 = arith.constant 32 : index
    %get3A_542 = tpu.vector_load %arg6[%get3A_540, %get3A_541] {strides = array<i32>} : memref<32x64xf32, #tpu.memory_space<vmem>>, vector<16xf32>,
    %get3A_543 = arith.constant 22 : i32
    %get3A_544 = arith.index_cast %get3A_543 : i32 to index
    %get3A_545 = arith.constant 48 : index
    %get3A_546 = tpu.vector_load %arg6[%get3A_544, %get3A_545] {strides = array<i32>} : memref<32x64xf32, #tpu.memory_space<vmem>>, vector<16xf32>,
    %swap3A_547 = arith.constant 1430 : index
    %swap3A_548 = tpu.vector_load %arg7[%swap3A_547] {strides = array<i32>} : memref<2080xf32, #tpu.memory_space<vmem>>, vector<16xf32>,
    tpu.vector_store %arg7[%swap3A_547], %get3A_534 {strides = array<i32>} : memref<2080xf32, #tpu.memory_space<vmem>>, vector<16xf32>,
    %swap3A_549 = arith.constant 1446 : index
    %swap3A_550 = tpu.vector_load %arg7[%swap3A_549] {strides = array<i32>} : memref<2080xf32, #tpu.memory_space<vmem>>, vector<16xf32>,
    tpu.vector_store %arg7[%swap3A_549], %get3A_538 {strides = array<i32>} : memref<2080xf32, #tpu.memory_space<vmem>>, vector<16xf32>,
    %swap3A_551 = arith.constant 1462 : index
    %swap3A_552 = tpu.vector_load %arg7[%swap3A_551] {strides = array<i32>} : memref<2080xf32, #tpu.memory_space<vmem>>, vector<16xf32>,
    tpu.vector_store %arg7[%swap3A_551], %get3A_542 {strides = array<i32>} : memref<2080xf32, #tpu.memory_space<vmem>>, vector<16xf32>,
    %swap3A_553 = arith.constant 1478 : index
    %swap3A_554 = tpu.vector_load %arg7[%swap3A_553] {strides = array<i32>} : memref<2080xf32, #tpu.memory_space<vmem>>, vector<16xf32>,
    tpu.vector_store %arg7[%swap3A_553], %get3A_546 {strides = array<i32>} : memref<2080xf32, #tpu.memory_space<vmem>>, vector<16xf32>,
    %get3A_555 = arith.constant 23 : i32
    %get3A_556 = arith.index_cast %get3A_555 : i32 to index
    %get3A_557 = arith.constant 0 : index
    %get3A_558 = tpu.vector_load %arg6[%get3A_556, %get3A_557] {strides = array<i32>} : memref<32x64xf32, #tpu.memory_space<vmem>>, vector<16xf32>,
    %get3A_559 = arith.constant 23 : i32
    %get3A_560 = arith.index_cast %get3A_559 : i32 to index
    %get3A_561 = arith.constant 16 : index
    %get3A_562 = tpu.vector_load %arg6[%get3A_560, %get3A_561] {strides = array<i32>} : memref<32x64xf32, #tpu.memory_space<vmem>>, vector<16xf32>,
    %get3A_563 = arith.constant 23 : i32
    %get3A_564 = arith.index_cast %get3A_563 : i32 to index
    %get3A_565 = arith.constant 32 : index
    %get3A_566 = tpu.vector_load %arg6[%get3A_564, %get3A_565] {strides = array<i32>} : memref<32x64xf32, #tpu.memory_space<vmem>>, vector<16xf32>,
    %get3A_567 = arith.constant 23 : i32
    %get3A_568 = arith.index_cast %get3A_567 : i32 to index
    %get3A_569 = arith.constant 48 : index
    %get3A_570 = tpu.vector_load %arg6[%get3A_568, %get3A_569] {strides = array<i32>} : memref<32x64xf32, #tpu.memory_space<vmem>>, vector<16xf32>,
    %swap3A_571 = arith.constant 1495 : index
    %swap3A_572 = tpu.vector_load %arg7[%swap3A_571] {strides = array<i32>} : memref<2080xf32, #tpu.memory_space<vmem>>, vector<16xf32>,
    tpu.vector_store %arg7[%swap3A_571], %get3A_558 {strides = array<i32>} : memref<2080xf32, #tpu.memory_space<vmem>>, vector<16xf32>,
    %swap3A_573 = arith.constant 1511 : index
    %swap3A_574 = tpu.vector_load %arg7[%swap3A_573] {strides = array<i32>} : memref<2080xf32, #tpu.memory_space<vmem>>, vector<16xf32>,
    tpu.vector_store %arg7[%swap3A_573], %get3A_562 {strides = array<i32>} : memref<2080xf32, #tpu.memory_space<vmem>>, vector<16xf32>,
    %swap3A_575 = arith.constant 1527 : index
    %swap3A_576 = tpu.vector_load %arg7[%swap3A_575] {strides = array<i32>} : memref<2080xf32, #tpu.memory_space<vmem>>, vector<16xf32>,
    tpu.vector_store %arg7[%swap3A_575], %get3A_566 {strides = array<i32>} : memref<2080xf32, #tpu.memory_space<vmem>>, vector<16xf32>,
    %swap3A_577 = arith.constant 1543 : index
    %swap3A_578 = tpu.vector_load %arg7[%swap3A_577] {strides = array<i32>} : memref<2080xf32, #tpu.memory_space<vmem>>, vector<16xf32>,
    tpu.vector_store %arg7[%swap3A_577], %get3A_570 {strides = array<i32>} : memref<2080xf32, #tpu.memory_space<vmem>>, vector<16xf32>,
    %get3A_579 = arith.constant 24 : i32
    %get3A_580 = arith.index_cast %get3A_579 : i32 to index
    %get3A_581 = arith.constant 0 : index
    %get3A_582 = tpu.vector_load %arg6[%get3A_580, %get3A_581] {strides = array<i32>} : memref<32x64xf32, #tpu.memory_space<vmem>>, vector<16xf32>,
    %get3A_583 = arith.constant 24 : i32
    %get3A_584 = arith.index_cast %get3A_583 : i32 to index
    %get3A_585 = arith.constant 16 : index
    %get3A_586 = tpu.vector_load %arg6[%get3A_584, %get3A_585] {strides = array<i32>} : memref<32x64xf32, #tpu.memory_space<vmem>>, vector<16xf32>,
    %get3A_587 = arith.constant 24 : i32
    %get3A_588 = arith.index_cast %get3A_587 : i32 to index
    %get3A_589 = arith.constant 32 : index
    %get3A_590 = tpu.vector_load %arg6[%get3A_588, %get3A_589] {strides = array<i32>} : memref<32x64xf32, #tpu.memory_space<vmem>>, vector<16xf32>,
    %get3A_591 = arith.constant 24 : i32
    %get3A_592 = arith.index_cast %get3A_591 : i32 to index
    %get3A_593 = arith.constant 48 : index
    %get3A_594 = tpu.vector_load %arg6[%get3A_592, %get3A_593] {strides = array<i32>} : memref<32x64xf32, #tpu.memory_space<vmem>>, vector<16xf32>,
    %swap3A_595 = arith.constant 1560 : index
    %swap3A_596 = tpu.vector_load %arg7[%swap3A_595] {strides = array<i32>} : memref<2080xf32, #tpu.memory_space<vmem>>, vector<16xf32>,
    tpu.vector_store %arg7[%swap3A_595], %get3A_582 {strides = array<i32>} : memref<2080xf32, #tpu.memory_space<vmem>>, vector<16xf32>,
    %swap3A_597 = arith.constant 1576 : index
    %swap3A_598 = tpu.vector_load %arg7[%swap3A_597] {strides = array<i32>} : memref<2080xf32, #tpu.memory_space<vmem>>, vector<16xf32>,
    tpu.vector_store %arg7[%swap3A_597], %get3A_586 {strides = array<i32>} : memref<2080xf32, #tpu.memory_space<vmem>>, vector<16xf32>,
    %swap3A_599 = arith.constant 1592 : index
    %swap3A_600 = tpu.vector_load %arg7[%swap3A_599] {strides = array<i32>} : memref<2080xf32, #tpu.memory_space<vmem>>, vector<16xf32>,
    tpu.vector_store %arg7[%swap3A_599], %get3A_590 {strides = array<i32>} : memref<2080xf32, #tpu.memory_space<vmem>>, vector<16xf32>,
    %swap3A_601 = arith.constant 1608 : index
    %swap3A_602 = tpu.vector_load %arg7[%swap3A_601] {strides = array<i32>} : memref<2080xf32, #tpu.memory_space<vmem>>, vector<16xf32>,
    tpu.vector_store %arg7[%swap3A_601], %get3A_594 {strides = array<i32>} : memref<2080xf32, #tpu.memory_space<vmem>>, vector<16xf32>,
    %get3A_603 = arith.constant 25 : i32
    %get3A_604 = arith.index_cast %get3A_603 : i32 to index
    %get3A_605 = arith.constant 0 : index
    %get3A_606 = tpu.vector_load %arg6[%get3A_604, %get3A_605] {strides = array<i32>} : memref<32x64xf32, #tpu.memory_space<vmem>>, vector<16xf32>,
    %get3A_607 = arith.constant 25 : i32
    %get3A_608 = arith.index_cast %get3A_607 : i32 to index
    %get3A_609 = arith.constant 16 : index
    %get3A_610 = tpu.vector_load %arg6[%get3A_608, %get3A_609] {strides = array<i32>} : memref<32x64xf32, #tpu.memory_space<vmem>>, vector<16xf32>,
    %get3A_611 = arith.constant 25 : i32
    %get3A_612 = arith.index_cast %get3A_611 : i32 to index
    %get3A_613 = arith.constant 32 : index
    %get3A_614 = tpu.vector_load %arg6[%get3A_612, %get3A_613] {strides = array<i32>} : memref<32x64xf32, #tpu.memory_space<vmem>>, vector<16xf32>,
    %get3A_615 = arith.constant 25 : i32
    %get3A_616 = arith.index_cast %get3A_615 : i32 to index
    %get3A_617 = arith.constant 48 : index
    %get3A_618 = tpu.vector_load %arg6[%get3A_616, %get3A_617] {strides = array<i32>} : memref<32x64xf32, #tpu.memory_space<vmem>>, vector<16xf32>,
    %swap3A_619 = arith.constant 1625 : index
    %swap3A_620 = tpu.vector_load %arg7[%swap3A_619] {strides = array<i32>} : memref<2080xf32, #tpu.memory_space<vmem>>, vector<16xf32>,
    tpu.vector_store %arg7[%swap3A_619], %get3A_606 {strides = array<i32>} : memref<2080xf32, #tpu.memory_space<vmem>>, vector<16xf32>,
    %swap3A_621 = arith.constant 1641 : index
    %swap3A_622 = tpu.vector_load %arg7[%swap3A_621] {strides = array<i32>} : memref<2080xf32, #tpu.memory_space<vmem>>, vector<16xf32>,
    tpu.vector_store %arg7[%swap3A_621], %get3A_610 {strides = array<i32>} : memref<2080xf32, #tpu.memory_space<vmem>>, vector<16xf32>,
    %swap3A_623 = arith.constant 1657 : index
    %swap3A_624 = tpu.vector_load %arg7[%swap3A_623] {strides = array<i32>} : memref<2080xf32, #tpu.memory_space<vmem>>, vector<16xf32>,
    tpu.vector_store %arg7[%swap3A_623], %get3A_614 {strides = array<i32>} : memref<2080xf32, #tpu.memory_space<vmem>>, vector<16xf32>,
    %swap3A_625 = arith.constant 1673 : index
    %swap3A_626 = tpu.vector_load %arg7[%swap3A_625] {strides = array<i32>} : memref<2080xf32, #tpu.memory_space<vmem>>, vector<16xf32>,
    tpu.vector_store %arg7[%swap3A_625], %get3A_618 {strides = array<i32>} : memref<2080xf32, #tpu.memory_space<vmem>>, vector<16xf32>,
    %get3A_627 = arith.constant 26 : i32
    %get3A_628 = arith.index_cast %get3A_627 : i32 to index
    %get3A_629 = arith.constant 0 : index
    %get3A_630 = tpu.vector_load %arg6[%get3A_628, %get3A_629] {strides = array<i32>} : memref<32x64xf32, #tpu.memory_space<vmem>>, vector<16xf32>,
    %get3A_631 = arith.constant 26 : i32
    %get3A_632 = arith.index_cast %get3A_631 : i32 to index
    %get3A_633 = arith.constant 16 : index
    %get3A_634 = tpu.vector_load %arg6[%get3A_632, %get3A_633] {strides = array<i32>} : memref<32x64xf32, #tpu.memory_space<vmem>>, vector<16xf32>,
    %get3A_635 = arith.constant 26 : i32
    %get3A_636 = arith.index_cast %get3A_635 : i32 to index
    %get3A_637 = arith.constant 32 : index
    %get3A_638 = tpu.vector_load %arg6[%get3A_636, %get3A_637] {strides = array<i32>} : memref<32x64xf32, #tpu.memory_space<vmem>>, vector<16xf32>,
    %get3A_639 = arith.constant 26 : i32
    %get3A_640 = arith.index_cast %get3A_639 : i32 to index
    %get3A_641 = arith.constant 48 : index
    %get3A_642 = tpu.vector_load %arg6[%get3A_640, %get3A_641] {strides = array<i32>} : memref<32x64xf32, #tpu.memory_space<vmem>>, vector<16xf32>,
    %swap3A_643 = arith.constant 1690 : index
    %swap3A_644 = tpu.vector_load %arg7[%swap3A_643] {strides = array<i32>} : memref<2080xf32, #tpu.memory_space<vmem>>, vector<16xf32>,
    tpu.vector_store %arg7[%swap3A_643], %get3A_630 {strides = array<i32>} : memref<2080xf32, #tpu.memory_space<vmem>>, vector<16xf32>,
    %swap3A_645 = arith.constant 1706 : index
    %swap3A_646 = tpu.vector_load %arg7[%swap3A_645] {strides = array<i32>} : memref<2080xf32, #tpu.memory_space<vmem>>, vector<16xf32>,
    tpu.vector_store %arg7[%swap3A_645], %get3A_634 {strides = array<i32>} : memref<2080xf32, #tpu.memory_space<vmem>>, vector<16xf32>,
    %swap3A_647 = arith.constant 1722 : index
    %swap3A_648 = tpu.vector_load %arg7[%swap3A_647] {strides = array<i32>} : memref<2080xf32, #tpu.memory_space<vmem>>, vector<16xf32>,
    tpu.vector_store %arg7[%swap3A_647], %get3A_638 {strides = array<i32>} : memref<2080xf32, #tpu.memory_space<vmem>>, vector<16xf32>,
    %swap3A_649 = arith.constant 1738 : index
    %swap3A_650 = tpu.vector_load %arg7[%swap3A_649] {strides = array<i32>} : memref<2080xf32, #tpu.memory_space<vmem>>, vector<16xf32>,
    tpu.vector_store %arg7[%swap3A_649], %get3A_642 {strides = array<i32>} : memref<2080xf32, #tpu.memory_space<vmem>>, vector<16xf32>,
    %get3A_651 = arith.constant 27 : i32
    %get3A_652 = arith.index_cast %get3A_651 : i32 to index
    %get3A_653 = arith.constant 0 : index
    %get3A_654 = tpu.vector_load %arg6[%get3A_652, %get3A_653] {strides = array<i32>} : memref<32x64xf32, #tpu.memory_space<vmem>>, vector<16xf32>,
    %get3A_655 = arith.constant 27 : i32
    %get3A_656 = arith.index_cast %get3A_655 : i32 to index
    %get3A_657 = arith.constant 16 : index
    %get3A_658 = tpu.vector_load %arg6[%get3A_656, %get3A_657] {strides = array<i32>} : memref<32x64xf32, #tpu.memory_space<vmem>>, vector<16xf32>,
    %get3A_659 = arith.constant 27 : i32
    %get3A_660 = arith.index_cast %get3A_659 : i32 to index
    %get3A_661 = arith.constant 32 : index
    %get3A_662 = tpu.vector_load %arg6[%get3A_660, %get3A_661] {strides = array<i32>} : memref<32x64xf32, #tpu.memory_space<vmem>>, vector<16xf32>,
    %get3A_663 = arith.constant 27 : i32
    %get3A_664 = arith.index_cast %get3A_663 : i32 to index
    %get3A_665 = arith.constant 48 : index
    %get3A_666 = tpu.vector_load %arg6[%get3A_664, %get3A_665] {strides = array<i32>} : memref<32x64xf32, #tpu.memory_space<vmem>>, vector<16xf32>,
    %swap3A_667 = arith.constant 1755 : index
    %swap3A_668 = tpu.vector_load %arg7[%swap3A_667] {strides = array<i32>} : memref<2080xf32, #tpu.memory_space<vmem>>, vector<16xf32>,
    tpu.vector_store %arg7[%swap3A_667], %get3A_654 {strides = array<i32>} : memref<2080xf32, #tpu.memory_space<vmem>>, vector<16xf32>,
    %swap3A_669 = arith.constant 1771 : index
    %swap3A_670 = tpu.vector_load %arg7[%swap3A_669] {strides = array<i32>} : memref<2080xf32, #tpu.memory_space<vmem>>, vector<16xf32>,
    tpu.vector_store %arg7[%swap3A_669], %get3A_658 {strides = array<i32>} : memref<2080xf32, #tpu.memory_space<vmem>>, vector<16xf32>,
    %swap3A_671 = arith.constant 1787 : index
    %swap3A_672 = tpu.vector_load %arg7[%swap3A_671] {strides = array<i32>} : memref<2080xf32, #tpu.memory_space<vmem>>, vector<16xf32>,
    tpu.vector_store %arg7[%swap3A_671], %get3A_662 {strides = array<i32>} : memref<2080xf32, #tpu.memory_space<vmem>>, vector<16xf32>,
    %swap3A_673 = arith.constant 1803 : index
    %swap3A_674 = tpu.vector_load %arg7[%swap3A_673] {strides = array<i32>} : memref<2080xf32, #tpu.memory_space<vmem>>, vector<16xf32>,
    tpu.vector_store %arg7[%swap3A_673], %get3A_666 {strides = array<i32>} : memref<2080xf32, #tpu.memory_space<vmem>>, vector<16xf32>,
    %get3A_675 = arith.constant 28 : i32
    %get3A_676 = arith.index_cast %get3A_675 : i32 to index
    %get3A_677 = arith.constant 0 : index
    %get3A_678 = tpu.vector_load %arg6[%get3A_676, %get3A_677] {strides = array<i32>} : memref<32x64xf32, #tpu.memory_space<vmem>>, vector<16xf32>,
    %get3A_679 = arith.constant 28 : i32
    %get3A_680 = arith.index_cast %get3A_679 : i32 to index
    %get3A_681 = arith.constant 16 : index
    %get3A_682 = tpu.vector_load %arg6[%get3A_680, %get3A_681] {strides = array<i32>} : memref<32x64xf32, #tpu.memory_space<vmem>>, vector<16xf32>,
    %get3A_683 = arith.constant 28 : i32
    %get3A_684 = arith.index_cast %get3A_683 : i32 to index
    %get3A_685 = arith.constant 32 : index
    %get3A_686 = tpu.vector_load %arg6[%get3A_684, %get3A_685] {strides = array<i32>} : memref<32x64xf32, #tpu.memory_space<vmem>>, vector<16xf32>,
    %get3A_687 = arith.constant 28 : i32
    %get3A_688 = arith.index_cast %get3A_687 : i32 to index
    %get3A_689 = arith.constant 48 : index
    %get3A_690 = tpu.vector_load %arg6[%get3A_688, %get3A_689] {strides = array<i32>} : memref<32x64xf32, #tpu.memory_space<vmem>>, vector<16xf32>,
    %swap3A_691 = arith.constant 1820 : index
    %swap3A_692 = tpu.vector_load %arg7[%swap3A_691] {strides = array<i32>} : memref<2080xf32, #tpu.memory_space<vmem>>, vector<16xf32>,
    tpu.vector_store %arg7[%swap3A_691], %get3A_678 {strides = array<i32>} : memref<2080xf32, #tpu.memory_space<vmem>>, vector<16xf32>,
    %swap3A_693 = arith.constant 1836 : index
    %swap3A_694 = tpu.vector_load %arg7[%swap3A_693] {strides = array<i32>} : memref<2080xf32, #tpu.memory_space<vmem>>, vector<16xf32>,
    tpu.vector_store %arg7[%swap3A_693], %get3A_682 {strides = array<i32>} : memref<2080xf32, #tpu.memory_space<vmem>>, vector<16xf32>,
    %swap3A_695 = arith.constant 1852 : index
    %swap3A_696 = tpu.vector_load %arg7[%swap3A_695] {strides = array<i32>} : memref<2080xf32, #tpu.memory_space<vmem>>, vector<16xf32>,
    tpu.vector_store %arg7[%swap3A_695], %get3A_686 {strides = array<i32>} : memref<2080xf32, #tpu.memory_space<vmem>>, vector<16xf32>,
    %swap3A_697 = arith.constant 1868 : index
    %swap3A_698 = tpu.vector_load %arg7[%swap3A_697] {strides = array<i32>} : memref<2080xf32, #tpu.memory_space<vmem>>, vector<16xf32>,
    tpu.vector_store %arg7[%swap3A_697], %get3A_690 {strides = array<i32>} : memref<2080xf32, #tpu.memory_space<vmem>>, vector<16xf32>,
    %get3A_699 = arith.constant 29 : i32
    %get3A_700 = arith.index_cast %get3A_699 : i32 to index
    %get3A_701 = arith.constant 0 : index
    %get3A_702 = tpu.vector_load %arg6[%get3A_700, %get3A_701] {strides = array<i32>} : memref<32x64xf32, #tpu.memory_space<vmem>>, vector<16xf32>,
    %get3A_703 = arith.constant 29 : i32
    %get3A_704 = arith.index_cast %get3A_703 : i32 to index
    %get3A_705 = arith.constant 16 : index
    %get3A_706 = tpu.vector_load %arg6[%get3A_704, %get3A_705] {strides = array<i32>} : memref<32x64xf32, #tpu.memory_space<vmem>>, vector<16xf32>,
    %get3A_707 = arith.constant 29 : i32
    %get3A_708 = arith.index_cast %get3A_707 : i32 to index
    %get3A_709 = arith.constant 32 : index
    %get3A_710 = tpu.vector_load %arg6[%get3A_708, %get3A_709] {strides = array<i32>} : memref<32x64xf32, #tpu.memory_space<vmem>>, vector<16xf32>,
    %get3A_711 = arith.constant 29 : i32
    %get3A_712 = arith.index_cast %get3A_711 : i32 to index
    %get3A_713 = arith.constant 48 : index
    %get3A_714 = tpu.vector_load %arg6[%get3A_712, %get3A_713] {strides = array<i32>} : memref<32x64xf32, #tpu.memory_space<vmem>>, vector<16xf32>,
    %swap3A_715 = arith.constant 1885 : index
    %swap3A_716 = tpu.vector_load %arg7[%swap3A_715] {strides = array<i32>} : memref<2080xf32, #tpu.memory_space<vmem>>, vector<16xf32>,
    tpu.vector_store %arg7[%swap3A_715], %get3A_702 {strides = array<i32>} : memref<2080xf32, #tpu.memory_space<vmem>>, vector<16xf32>,
    %swap3A_717 = arith.constant 1901 : index
    %swap3A_718 = tpu.vector_load %arg7[%swap3A_717] {strides = array<i32>} : memref<2080xf32, #tpu.memory_space<vmem>>, vector<16xf32>,
    tpu.vector_store %arg7[%swap3A_717], %get3A_706 {strides = array<i32>} : memref<2080xf32, #tpu.memory_space<vmem>>, vector<16xf32>,
    %swap3A_719 = arith.constant 1917 : index
    %swap3A_720 = tpu.vector_load %arg7[%swap3A_719] {strides = array<i32>} : memref<2080xf32, #tpu.memory_space<vmem>>, vector<16xf32>,
    tpu.vector_store %arg7[%swap3A_719], %get3A_710 {strides = array<i32>} : memref<2080xf32, #tpu.memory_space<vmem>>, vector<16xf32>,
    %swap3A_721 = arith.constant 1933 : index
    %swap3A_722 = tpu.vector_load %arg7[%swap3A_721] {strides = array<i32>} : memref<2080xf32, #tpu.memory_space<vmem>>, vector<16xf32>,
    tpu.vector_store %arg7[%swap3A_721], %get3A_714 {strides = array<i32>} : memref<2080xf32, #tpu.memory_space<vmem>>, vector<16xf32>,
    %get3A_723 = arith.constant 30 : i32
    %get3A_724 = arith.index_cast %get3A_723 : i32 to index
    %get3A_725 = arith.constant 0 : index
    %get3A_726 = tpu.vector_load %arg6[%get3A_724, %get3A_725] {strides = array<i32>} : memref<32x64xf32, #tpu.memory_space<vmem>>, vector<16xf32>,
    %get3A_727 = arith.constant 30 : i32
    %get3A_728 = arith.index_cast %get3A_727 : i32 to index
    %get3A_729 = arith.constant 16 : index
    %get3A_730 = tpu.vector_load %arg6[%get3A_728, %get3A_729] {strides = array<i32>} : memref<32x64xf32, #tpu.memory_space<vmem>>, vector<16xf32>,
    %get3A_731 = arith.constant 30 : i32
    %get3A_732 = arith.index_cast %get3A_731 : i32 to index
    %get3A_733 = arith.constant 32 : index
    %get3A_734 = tpu.vector_load %arg6[%get3A_732, %get3A_733] {strides = array<i32>} : memref<32x64xf32, #tpu.memory_space<vmem>>, vector<16xf32>,
    %get3A_735 = arith.constant 30 : i32
    %get3A_736 = arith.index_cast %get3A_735 : i32 to index
    %get3A_737 = arith.constant 48 : index
    %get3A_738 = tpu.vector_load %arg6[%get3A_736, %get3A_737] {strides = array<i32>} : memref<32x64xf32, #tpu.memory_space<vmem>>, vector<16xf32>,
    %swap3A_739 = arith.constant 1950 : index
    %swap3A_740 = tpu.vector_load %arg7[%swap3A_739] {strides = array<i32>} : memref<2080xf32, #tpu.memory_space<vmem>>, vector<16xf32>,
    tpu.vector_store %arg7[%swap3A_739], %get3A_726 {strides = array<i32>} : memref<2080xf32, #tpu.memory_space<vmem>>, vector<16xf32>,
    %swap3A_741 = arith.constant 1966 : index
    %swap3A_742 = tpu.vector_load %arg7[%swap3A_741] {strides = array<i32>} : memref<2080xf32, #tpu.memory_space<vmem>>, vector<16xf32>,
    tpu.vector_store %arg7[%swap3A_741], %get3A_730 {strides = array<i32>} : memref<2080xf32, #tpu.memory_space<vmem>>, vector<16xf32>,
    %swap3A_743 = arith.constant 1982 : index
    %swap3A_744 = tpu.vector_load %arg7[%swap3A_743] {strides = array<i32>} : memref<2080xf32, #tpu.memory_space<vmem>>, vector<16xf32>,
    tpu.vector_store %arg7[%swap3A_743], %get3A_734 {strides = array<i32>} : memref<2080xf32, #tpu.memory_space<vmem>>, vector<16xf32>,
    %swap3A_745 = arith.constant 1998 : index
    %swap3A_746 = tpu.vector_load %arg7[%swap3A_745] {strides = array<i32>} : memref<2080xf32, #tpu.memory_space<vmem>>, vector<16xf32>,
    tpu.vector_store %arg7[%swap3A_745], %get3A_738 {strides = array<i32>} : memref<2080xf32, #tpu.memory_space<vmem>>, vector<16xf32>,
    %get3A_747 = arith.constant 31 : i32
    %get3A_748 = arith.index_cast %get3A_747 : i32 to index
    %get3A_749 = arith.constant 0 : index
    %get3A_750 = tpu.vector_load %arg6[%get3A_748, %get3A_749] {strides = array<i32>} : memref<32x64xf32, #tpu.memory_space<vmem>>, vector<16xf32>,
    %get3A_751 = arith.constant 31 : i32
    %get3A_752 = arith.index_cast %get3A_751 : i32 to index
    %get3A_753 = arith.constant 16 : index
    %get3A_754 = tpu.vector_load %arg6[%get3A_752, %get3A_753] {strides = array<i32>} : memref<32x64xf32, #tpu.memory_space<vmem>>, vector<16xf32>,
    %get3A_755 = arith.constant 31 : i32
    %get3A_756 = arith.index_cast %get3A_755 : i32 to index
    %get3A_757 = arith.constant 32 : index
    %get3A_758 = tpu.vector_load %arg6[%get3A_756, %get3A_757] {strides = array<i32>} : memref<32x64xf32, #tpu.memory_space<vmem>>, vector<16xf32>,
    %get3A_759 = arith.constant 31 : i32
    %get3A_760 = arith.index_cast %get3A_759 : i32 to index
    %get3A_761 = arith.constant 48 : index
    %get3A_762 = tpu.vector_load %arg6[%get3A_760, %get3A_761] {strides = array<i32>} : memref<32x64xf32, #tpu.memory_space<vmem>>, vector<16xf32>,
    %swap3A_763 = arith.constant 2015 : index
    %swap3A_764 = tpu.vector_load %arg7[%swap3A_763] {strides = array<i32>} : memref<2080xf32, #tpu.memory_space<vmem>>, vector<16xf32>,
    tpu.vector_store %arg7[%swap3A_763], %get3A_750 {strides = array<i32>} : memref<2080xf32, #tpu.memory_space<vmem>>, vector<16xf32>,
    %swap3A_765 = arith.constant 2031 : index
    %swap3A_766 = tpu.vector_load %arg7[%swap3A_765] {strides = array<i32>} : memref<2080xf32, #tpu.memory_space<vmem>>, vector<16xf32>,
    tpu.vector_store %arg7[%swap3A_765], %get3A_754 {strides = array<i32>} : memref<2080xf32, #tpu.memory_space<vmem>>, vector<16xf32>,
    %swap3A_767 = arith.constant 2047 : index
    %swap3A_768 = tpu.vector_load %arg7[%swap3A_767] {strides = array<i32>} : memref<2080xf32, #tpu.memory_space<vmem>>, vector<16xf32>,
    tpu.vector_store %arg7[%swap3A_767], %get3A_758 {strides = array<i32>} : memref<2080xf32, #tpu.memory_space<vmem>>, vector<16xf32>,
    %swap3A_769 = arith.constant 2063 : index
    %swap3A_770 = tpu.vector_load %arg7[%swap3A_769] {strides = array<i32>} : memref<2080xf32, #tpu.memory_space<vmem>>, vector<16xf32>,
    tpu.vector_store %arg7[%swap3A_769], %get3A_762 {strides = array<i32>} : memref<2080xf32, #tpu.memory_space<vmem>>, vector<16xf32>,
    %eq3A = arith.constant 31 : i32
    %eq3A_771 = arith.cmpi eq, %add3A, %eq3A : i32
    %parallel_loop3A = arith.constant 0 : i32
    %parallel_loop3A_772 = arith.constant 16 : i32
    %parallel_loop3A_773 = arith.constant 1 : i32
    scf.for %parallel_loop3A_790 = %parallel_loop3A to %parallel_loop3A_772 step %parallel_loop3A_773  : i32 {
      %parallel_loop3A_791 = arith.constant 16 : i32
      %parallel_loop3A_792 = arith.muli %parallel_loop3A_790, %parallel_loop3A_791 : i32
      %parallel_loop3A_793 = arith.index_cast %parallel_loop3A_792 : i32 to index
      %parallel_loop3A_794 = tpu.vector_load %arg5[%parallel_loop3A_793] {strides = array<i32>} : memref<528xi32, #tpu.memory_space<vmem>>, vector<16xi32>,
      %parallel_loop3A_795 = arith.constant 65 : i32
      %parallel_loop3A_796 = vector.broadcast %parallel_loop3A_795 : i32 to vector<16xi32>
      %parallel_loop3A_797 = arith.muli %parallel_loop3A_794, %parallel_loop3A_796 : vector<16xi32>
      %parallel_loop3A_798 = arith.constant 0 : i32
      %parallel_loop3A_799 = vector.broadcast %parallel_loop3A_798 : i32 to vector<16xi32>
      %parallel_loop3A_800 = arith.addi %parallel_loop3A_797, %parallel_loop3A_799 : vector<16xi32>
      %parallel_loop3A_801 = tpu.vector_load_idx %arg7[%parallel_loop3A_800] : memref<2080xf32, #tpu.memory_space<vmem>>[vector<16xi32>], vector<16xf32>,
      %parallel_loop3A_802 = arith.constant 1 : i32
      %parallel_loop3A_803 = vector.broadcast %parallel_loop3A_802 : i32 to vector<16xi32>
      %parallel_loop3A_804 = arith.addi %parallel_loop3A_797, %parallel_loop3A_803 : vector<16xi32>
      %parallel_loop3A_805 = tpu.vector_load_idx %arg7[%parallel_loop3A_804] : memref<2080xf32, #tpu.memory_space<vmem>>[vector<16xi32>], vector<16xf32>,
      %parallel_loop3A_806 = arith.constant 2 : i32
      %parallel_loop3A_807 = vector.broadcast %parallel_loop3A_806 : i32 to vector<16xi32>
      %parallel_loop3A_808 = arith.addi %parallel_loop3A_797, %parallel_loop3A_807 : vector<16xi32>
      %parallel_loop3A_809 = tpu.vector_load_idx %arg7[%parallel_loop3A_808] : memref<2080xf32, #tpu.memory_space<vmem>>[vector<16xi32>], vector<16xf32>,
      %parallel_loop3A_810 = arith.constant 3 : i32
      %parallel_loop3A_811 = vector.broadcast %parallel_loop3A_810 : i32 to vector<16xi32>
      %parallel_loop3A_812 = arith.addi %parallel_loop3A_797, %parallel_loop3A_811 : vector<16xi32>
      %parallel_loop3A_813 = tpu.vector_load_idx %arg7[%parallel_loop3A_812] : memref<2080xf32, #tpu.memory_space<vmem>>[vector<16xi32>], vector<16xf32>,
      %parallel_loop3A_814 = arith.constant 4 : i32
      %parallel_loop3A_815 = vector.broadcast %parallel_loop3A_814 : i32 to vector<16xi32>
      %parallel_loop3A_816 = arith.addi %parallel_loop3A_797, %parallel_loop3A_815 : vector<16xi32>
      %parallel_loop3A_817 = tpu.vector_load_idx %arg7[%parallel_loop3A_816] : memref<2080xf32, #tpu.memory_space<vmem>>[vector<16xi32>], vector<16xf32>,
      %parallel_loop3A_818 = arith.constant 5 : i32
      %parallel_loop3A_819 = vector.broadcast %parallel_loop3A_818 : i32 to vector<16xi32>
      %parallel_loop3A_820 = arith.addi %parallel_loop3A_797, %parallel_loop3A_819 : vector<16xi32>
      %parallel_loop3A_821 = tpu.vector_load_idx %arg7[%parallel_loop3A_820] : memref<2080xf32, #tpu.memory_space<vmem>>[vector<16xi32>], vector<16xf32>,
      %parallel_loop3A_822 = arith.constant 6 : i32
      %parallel_loop3A_823 = vector.broadcast %parallel_loop3A_822 : i32 to vector<16xi32>
      %parallel_loop3A_824 = arith.addi %parallel_loop3A_797, %parallel_loop3A_823 : vector<16xi32>
      %parallel_loop3A_825 = tpu.vector_load_idx %arg7[%parallel_loop3A_824] : memref<2080xf32, #tpu.memory_space<vmem>>[vector<16xi32>], vector<16xf32>,
      %parallel_loop3A_826 = arith.constant 7 : i32
      %parallel_loop3A_827 = vector.broadcast %parallel_loop3A_826 : i32 to vector<16xi32>
      %parallel_loop3A_828 = arith.addi %parallel_loop3A_797, %parallel_loop3A_827 : vector<16xi32>
      %parallel_loop3A_829 = tpu.vector_load_idx %arg7[%parallel_loop3A_828] : memref<2080xf32, #tpu.memory_space<vmem>>[vector<16xi32>], vector<16xf32>,
      %parallel_loop3A_830 = arith.constant 0 : i32
      %parallel_loop3A_831 = arith.index_cast %parallel_loop3A_830 : i32 to index
      %parallel_loop3A_832 = arith.index_cast %parallel_loop3A_792 : i32 to index
      %parallel_loop3A_833 = tpu.vector_load %arg8[%parallel_loop3A_831, %parallel_loop3A_832] {strides = array<i32>} : memref<64x513xf32, #tpu.memory_space<vmem>>, vector<16xf32>,
      tpu.vector_store %arg8[%parallel_loop3A_831, %parallel_loop3A_832], %parallel_loop3A_801 {strides = array<i32>} : memref<64x513xf32, #tpu.memory_space<vmem>>, vector<16xf32>,
      %parallel_loop3A_834 = arith.constant 1 : i32
      %parallel_loop3A_835 = arith.index_cast %parallel_loop3A_834 : i32 to index
      %parallel_loop3A_836 = arith.index_cast %parallel_loop3A_792 : i32 to index
      %parallel_loop3A_837 = tpu.vector_load %arg8[%parallel_loop3A_835, %parallel_loop3A_836] {strides = array<i32>} : memref<64x513xf32, #tpu.memory_space<vmem>>, vector<16xf32>,
      tpu.vector_store %arg8[%parallel_loop3A_835, %parallel_loop3A_836], %parallel_loop3A_805 {strides = array<i32>} : memref<64x513xf32, #tpu.memory_space<vmem>>, vector<16xf32>,
      %parallel_loop3A_838 = arith.constant 2 : i32
      %parallel_loop3A_839 = arith.index_cast %parallel_loop3A_838 : i32 to index
      %parallel_loop3A_840 = arith.index_cast %parallel_loop3A_792 : i32 to index
      %parallel_loop3A_841 = tpu.vector_load %arg8[%parallel_loop3A_839, %parallel_loop3A_840] {strides = array<i32>} : memref<64x513xf32, #tpu.memory_space<vmem>>, vector<16xf32>,
      tpu.vector_store %arg8[%parallel_loop3A_839, %parallel_loop3A_840], %parallel_loop3A_809 {strides = array<i32>} : memref<64x513xf32, #tpu.memory_space<vmem>>, vector<16xf32>,
      %parallel_loop3A_842 = arith.constant 3 : i32
      %parallel_loop3A_843 = arith.index_cast %parallel_loop3A_842 : i32 to index
      %parallel_loop3A_844 = arith.index_cast %parallel_loop3A_792 : i32 to index
      %parallel_loop3A_845 = tpu.vector_load %arg8[%parallel_loop3A_843, %parallel_loop3A_844] {strides = array<i32>} : memref<64x513xf32, #tpu.memory_space<vmem>>, vector<16xf32>,
      tpu.vector_store %arg8[%parallel_loop3A_843, %parallel_loop3A_844], %parallel_loop3A_813 {strides = array<i32>} : memref<64x513xf32, #tpu.memory_space<vmem>>, vector<16xf32>,
      %parallel_loop3A_846 = arith.constant 4 : i32
      %parallel_loop3A_847 = arith.index_cast %parallel_loop3A_846 : i32 to index
      %parallel_loop3A_848 = arith.index_cast %parallel_loop3A_792 : i32 to index
      %parallel_loop3A_849 = tpu.vector_load %arg8[%parallel_loop3A_847, %parallel_loop3A_848] {strides = array<i32>} : memref<64x513xf32, #tpu.memory_space<vmem>>, vector<16xf32>,
      tpu.vector_store %arg8[%parallel_loop3A_847, %parallel_loop3A_848], %parallel_loop3A_817 {strides = array<i32>} : memref<64x513xf32, #tpu.memory_space<vmem>>, vector<16xf32>,
      %parallel_loop3A_850 = arith.constant 5 : i32
      %parallel_loop3A_851 = arith.index_cast %parallel_loop3A_850 : i32 to index
      %parallel_loop3A_852 = arith.index_cast %parallel_loop3A_792 : i32 to index
      %parallel_loop3A_853 = tpu.vector_load %arg8[%parallel_loop3A_851, %parallel_loop3A_852] {strides = array<i32>} : memref<64x513xf32, #tpu.memory_space<vmem>>, vector<16xf32>,
      tpu.vector_store %arg8[%parallel_loop3A_851, %parallel_loop3A_852], %parallel_loop3A_821 {strides = array<i32>} : memref<64x513xf32, #tpu.memory_space<vmem>>, vector<16xf32>,
      %parallel_loop3A_854 = arith.constant 6 : i32
      %parallel_loop3A_855 = arith.index_cast %parallel_loop3A_854 : i32 to index
      %parallel_loop3A_856 = arith.index_cast %parallel_loop3A_792 : i32 to index
      %parallel_loop3A_857 = tpu.vector_load %arg8[%parallel_loop3A_855, %parallel_loop3A_856] {strides = array<i32>} : memref<64x513xf32, #tpu.memory_space<vmem>>, vector<16xf32>,
      tpu.vector_store %arg8[%parallel_loop3A_855, %parallel_loop3A_856], %parallel_loop3A_825 {strides = array<i32>} : memref<64x513xf32, #tpu.memory_space<vmem>>, vector<16xf32>,
      %parallel_loop3A_858 = arith.constant 7 : i32
      %parallel_loop3A_859 = arith.index_cast %parallel_loop3A_858 : i32 to index
      %parallel_loop3A_860 = arith.index_cast %parallel_loop3A_792 : i32 to index
      %parallel_loop3A_861 = tpu.vector_load %arg8[%parallel_loop3A_859, %parallel_loop3A_860] {strides = array<i32>} : memref<64x513xf32, #tpu.memory_space<vmem>>, vector<16xf32>,
      tpu.vector_store %arg8[%parallel_loop3A_859, %parallel_loop3A_860], %parallel_loop3A_829 {strides = array<i32>} : memref<64x513xf32, #tpu.memory_space<vmem>>, vector<16xf32>,
      %parallel_loop3A_862 = arith.constant 8 : i32
      %parallel_loop3A_863 = vector.broadcast %parallel_loop3A_862 : i32 to vector<16xi32>
      %parallel_loop3A_864 = arith.addi %parallel_loop3A_797, %parallel_loop3A_863 : vector<16xi32>
      %parallel_loop3A_865 = tpu.vector_load_idx %arg7[%parallel_loop3A_864] : memref<2080xf32, #tpu.memory_space<vmem>>[vector<16xi32>], vector<16xf32>,
      %parallel_loop3A_866 = arith.constant 9 : i32
      %parallel_loop3A_867 = vector.broadcast %parallel_loop3A_866 : i32 to vector<16xi32>
      %parallel_loop3A_868 = arith.addi %parallel_loop3A_797, %parallel_loop3A_867 : vector<16xi32>
      %parallel_loop3A_869 = tpu.vector_load_idx %arg7[%parallel_loop3A_868] : memref<2080xf32, #tpu.memory_space<vmem>>[vector<16xi32>], vector<16xf32>,
      %parallel_loop3A_870 = arith.constant 10 : i32
      %parallel_loop3A_871 = vector.broadcast %parallel_loop3A_870 : i32 to vector<16xi32>
      %parallel_loop3A_872 = arith.addi %parallel_loop3A_797, %parallel_loop3A_871 : vector<16xi32>
      %parallel_loop3A_873 = tpu.vector_load_idx %arg7[%parallel_loop3A_872] : memref<2080xf32, #tpu.memory_space<vmem>>[vector<16xi32>], vector<16xf32>,
      %parallel_loop3A_874 = arith.constant 11 : i32
      %parallel_loop3A_875 = vector.broadcast %parallel_loop3A_874 : i32 to vector<16xi32>
      %parallel_loop3A_876 = arith.addi %parallel_loop3A_797, %parallel_loop3A_875 : vector<16xi32>
      %parallel_loop3A_877 = tpu.vector_load_idx %arg7[%parallel_loop3A_876] : memref<2080xf32, #tpu.memory_space<vmem>>[vector<16xi32>], vector<16xf32>,
      %parallel_loop3A_878 = arith.constant 12 : i32
      %parallel_loop3A_879 = vector.broadcast %parallel_loop3A_878 : i32 to vector<16xi32>
      %parallel_loop3A_880 = arith.addi %parallel_loop3A_797, %parallel_loop3A_879 : vector<16xi32>
      %parallel_loop3A_881 = tpu.vector_load_idx %arg7[%parallel_loop3A_880] : memref<2080xf32, #tpu.memory_space<vmem>>[vector<16xi32>], vector<16xf32>,
      %parallel_loop3A_882 = arith.constant 13 : i32
      %parallel_loop3A_883 = vector.broadcast %parallel_loop3A_882 : i32 to vector<16xi32>
      %parallel_loop3A_884 = arith.addi %parallel_loop3A_797, %parallel_loop3A_883 : vector<16xi32>
      %parallel_loop3A_885 = tpu.vector_load_idx %arg7[%parallel_loop3A_884] : memref<2080xf32, #tpu.memory_space<vmem>>[vector<16xi32>], vector<16xf32>,
      %parallel_loop3A_886 = arith.constant 14 : i32
      %parallel_loop3A_887 = vector.broadcast %parallel_loop3A_886 : i32 to vector<16xi32>
      %parallel_loop3A_888 = arith.addi %parallel_loop3A_797, %parallel_loop3A_887 : vector<16xi32>
      %parallel_loop3A_889 = tpu.vector_load_idx %arg7[%parallel_loop3A_888] : memref<2080xf32, #tpu.memory_space<vmem>>[vector<16xi32>], vector<16xf32>,
      %parallel_loop3A_890 = arith.constant 15 : i32
      %parallel_loop3A_891 = vector.broadcast %parallel_loop3A_890 : i32 to vector<16xi32>
      %parallel_loop3A_892 = arith.addi %parallel_loop3A_797, %parallel_loop3A_891 : vector<16xi32>
      %parallel_loop3A_893 = tpu.vector_load_idx %arg7[%parallel_loop3A_892] : memref<2080xf32, #tpu.memory_space<vmem>>[vector<16xi32>], vector<16xf32>,
      %parallel_loop3A_894 = arith.constant 8 : i32
      %parallel_loop3A_895 = arith.index_cast %parallel_loop3A_894 : i32 to index
      %parallel_loop3A_896 = arith.index_cast %parallel_loop3A_792 : i32 to index
      %parallel_loop3A_897 = tpu.vector_load %arg8[%parallel_loop3A_895, %parallel_loop3A_896] {strides = array<i32>} : memref<64x513xf32, #tpu.memory_space<vmem>>, vector<16xf32>,
      tpu.vector_store %arg8[%parallel_loop3A_895, %parallel_loop3A_896], %parallel_loop3A_865 {strides = array<i32>} : memref<64x513xf32, #tpu.memory_space<vmem>>, vector<16xf32>,
      %parallel_loop3A_898 = arith.constant 9 : i32
      %parallel_loop3A_899 = arith.index_cast %parallel_loop3A_898 : i32 to index
      %parallel_loop3A_900 = arith.index_cast %parallel_loop3A_792 : i32 to index
      %parallel_loop3A_901 = tpu.vector_load %arg8[%parallel_loop3A_899, %parallel_loop3A_900] {strides = array<i32>} : memref<64x513xf32, #tpu.memory_space<vmem>>, vector<16xf32>,
      tpu.vector_store %arg8[%parallel_loop3A_899, %parallel_loop3A_900], %parallel_loop3A_869 {strides = array<i32>} : memref<64x513xf32, #tpu.memory_space<vmem>>, vector<16xf32>,
      %parallel_loop3A_902 = arith.constant 10 : i32
      %parallel_loop3A_903 = arith.index_cast %parallel_loop3A_902 : i32 to index
      %parallel_loop3A_904 = arith.index_cast %parallel_loop3A_792 : i32 to index
      %parallel_loop3A_905 = tpu.vector_load %arg8[%parallel_loop3A_903, %parallel_loop3A_904] {strides = array<i32>} : memref<64x513xf32, #tpu.memory_space<vmem>>, vector<16xf32>,
      tpu.vector_store %arg8[%parallel_loop3A_903, %parallel_loop3A_904], %parallel_loop3A_873 {strides = array<i32>} : memref<64x513xf32, #tpu.memory_space<vmem>>, vector<16xf32>,
      %parallel_loop3A_906 = arith.constant 11 : i32
      %parallel_loop3A_907 = arith.index_cast %parallel_loop3A_906 : i32 to index
      %parallel_loop3A_908 = arith.index_cast %parallel_loop3A_792 : i32 to index
      %parallel_loop3A_909 = tpu.vector_load %arg8[%parallel_loop3A_907, %parallel_loop3A_908] {strides = array<i32>} : memref<64x513xf32, #tpu.memory_space<vmem>>, vector<16xf32>,
      tpu.vector_store %arg8[%parallel_loop3A_907, %parallel_loop3A_908], %parallel_loop3A_877 {strides = array<i32>} : memref<64x513xf32, #tpu.memory_space<vmem>>, vector<16xf32>,
      %parallel_loop3A_910 = arith.constant 12 : i32
      %parallel_loop3A_911 = arith.index_cast %parallel_loop3A_910 : i32 to index
      %parallel_loop3A_912 = arith.index_cast %parallel_loop3A_792 : i32 to index
      %parallel_loop3A_913 = tpu.vector_load %arg8[%parallel_loop3A_911, %parallel_loop3A_912] {strides = array<i32>} : memref<64x513xf32, #tpu.memory_space<vmem>>, vector<16xf32>,
      tpu.vector_store %arg8[%parallel_loop3A_911, %parallel_loop3A_912], %parallel_loop3A_881 {strides = array<i32>} : memref<64x513xf32, #tpu.memory_space<vmem>>, vector<16xf32>,
      %parallel_loop3A_914 = arith.constant 13 : i32
      %parallel_loop3A_915 = arith.index_cast %parallel_loop3A_914 : i32 to index
      %parallel_loop3A_916 = arith.index_cast %parallel_loop3A_792 : i32 to index
      %parallel_loop3A_917 = tpu.vector_load %arg8[%parallel_loop3A_915, %parallel_loop3A_916] {strides = array<i32>} : memref<64x513xf32, #tpu.memory_space<vmem>>, vector<16xf32>,
      tpu.vector_store %arg8[%parallel_loop3A_915, %parallel_loop3A_916], %parallel_loop3A_885 {strides = array<i32>} : memref<64x513xf32, #tpu.memory_space<vmem>>, vector<16xf32>,
      %parallel_loop3A_918 = arith.constant 14 : i32
      %parallel_loop3A_919 = arith.index_cast %parallel_loop3A_918 : i32 to index
      %parallel_loop3A_920 = arith.index_cast %parallel_loop3A_792 : i32 to index
      %parallel_loop3A_921 = tpu.vector_load %arg8[%parallel_loop3A_919, %parallel_loop3A_920] {strides = array<i32>} : memref<64x513xf32, #tpu.memory_space<vmem>>, vector<16xf32>,
      tpu.vector_store %arg8[%parallel_loop3A_919, %parallel_loop3A_920], %parallel_loop3A_889 {strides = array<i32>} : memref<64x513xf32, #tpu.memory_space<vmem>>, vector<16xf32>,
      %parallel_loop3A_922 = arith.constant 15 : i32
      %parallel_loop3A_923 = arith.index_cast %parallel_loop3A_922 : i32 to index
      %parallel_loop3A_924 = arith.index_cast %parallel_loop3A_792 : i32 to index
      %parallel_loop3A_925 = tpu.vector_load %arg8[%parallel_loop3A_923, %parallel_loop3A_924] {strides = array<i32>} : memref<64x513xf32, #tpu.memory_space<vmem>>, vector<16xf32>,
      tpu.vector_store %arg8[%parallel_loop3A_923, %parallel_loop3A_924], %parallel_loop3A_893 {strides = array<i32>} : memref<64x513xf32, #tpu.memory_space<vmem>>, vector<16xf32>,
      %parallel_loop3A_926 = arith.constant 16 : i32
      %parallel_loop3A_927 = vector.broadcast %parallel_loop3A_926 : i32 to vector<16xi32>
      %parallel_loop3A_928 = arith.addi %parallel_loop3A_797, %parallel_loop3A_927 : vector<16xi32>
      %parallel_loop3A_929 = tpu.vector_load_idx %arg7[%parallel_loop3A_928] : memref<2080xf32, #tpu.memory_space<vmem>>[vector<16xi32>], vector<16xf32>,
      %parallel_loop3A_930 = arith.constant 17 : i32
      %parallel_loop3A_931 = vector.broadcast %parallel_loop3A_930 : i32 to vector<16xi32>
      %parallel_loop3A_932 = arith.addi %parallel_loop3A_797, %parallel_loop3A_931 : vector<16xi32>
      %parallel_loop3A_933 = tpu.vector_load_idx %arg7[%parallel_loop3A_932] : memref<2080xf32, #tpu.memory_space<vmem>>[vector<16xi32>], vector<16xf32>,
      %parallel_loop3A_934 = arith.constant 18 : i32
      %parallel_loop3A_935 = vector.broadcast %parallel_loop3A_934 : i32 to vector<16xi32>
      %parallel_loop3A_936 = arith.addi %parallel_loop3A_797, %parallel_loop3A_935 : vector<16xi32>
      %parallel_loop3A_937 = tpu.vector_load_idx %arg7[%parallel_loop3A_936] : memref<2080xf32, #tpu.memory_space<vmem>>[vector<16xi32>], vector<16xf32>,
      %parallel_loop3A_938 = arith.constant 19 : i32
      %parallel_loop3A_939 = vector.broadcast %parallel_loop3A_938 : i32 to vector<16xi32>
      %parallel_loop3A_940 = arith.addi %parallel_loop3A_797, %parallel_loop3A_939 : vector<16xi32>
      %parallel_loop3A_941 = tpu.vector_load_idx %arg7[%parallel_loop3A_940] : memref<2080xf32, #tpu.memory_space<vmem>>[vector<16xi32>], vector<16xf32>,
      %parallel_loop3A_942 = arith.constant 20 : i32
      %parallel_loop3A_943 = vector.broadcast %parallel_loop3A_942 : i32 to vector<16xi32>
      %parallel_loop3A_944 = arith.addi %parallel_loop3A_797, %parallel_loop3A_943 : vector<16xi32>
      %parallel_loop3A_945 = tpu.vector_load_idx %arg7[%parallel_loop3A_944] : memref<2080xf32, #tpu.memory_space<vmem>>[vector<16xi32>], vector<16xf32>,
      %parallel_loop3A_946 = arith.constant 21 : i32
      %parallel_loop3A_947 = vector.broadcast %parallel_loop3A_946 : i32 to vector<16xi32>
      %parallel_loop3A_948 = arith.addi %parallel_loop3A_797, %parallel_loop3A_947 : vector<16xi32>
      %parallel_loop3A_949 = tpu.vector_load_idx %arg7[%parallel_loop3A_948] : memref<2080xf32, #tpu.memory_space<vmem>>[vector<16xi32>], vector<16xf32>,
      %parallel_loop3A_950 = arith.constant 22 : i32
      %parallel_loop3A_951 = vector.broadcast %parallel_loop3A_950 : i32 to vector<16xi32>
      %parallel_loop3A_952 = arith.addi %parallel_loop3A_797, %parallel_loop3A_951 : vector<16xi32>
      %parallel_loop3A_953 = tpu.vector_load_idx %arg7[%parallel_loop3A_952] : memref<2080xf32, #tpu.memory_space<vmem>>[vector<16xi32>], vector<16xf32>,
      %parallel_loop3A_954 = arith.constant 23 : i32
      %parallel_loop3A_955 = vector.broadcast %parallel_loop3A_954 : i32 to vector<16xi32>
      %parallel_loop3A_956 = arith.addi %parallel_loop3A_797, %parallel_loop3A_955 : vector<16xi32>
      %parallel_loop3A_957 = tpu.vector_load_idx %arg7[%parallel_loop3A_956] : memref<2080xf32, #tpu.memory_space<vmem>>[vector<16xi32>], vector<16xf32>,
      %parallel_loop3A_958 = arith.constant 16 : i32
      %parallel_loop3A_959 = arith.index_cast %parallel_loop3A_958 : i32 to index
      %parallel_loop3A_960 = arith.index_cast %parallel_loop3A_792 : i32 to index
      %parallel_loop3A_961 = tpu.vector_load %arg8[%parallel_loop3A_959, %parallel_loop3A_960] {strides = array<i32>} : memref<64x513xf32, #tpu.memory_space<vmem>>, vector<16xf32>,
      tpu.vector_store %arg8[%parallel_loop3A_959, %parallel_loop3A_960], %parallel_loop3A_929 {strides = array<i32>} : memref<64x513xf32, #tpu.memory_space<vmem>>, vector<16xf32>,
      %parallel_loop3A_962 = arith.constant 17 : i32
      %parallel_loop3A_963 = arith.index_cast %parallel_loop3A_962 : i32 to index
      %parallel_loop3A_964 = arith.index_cast %parallel_loop3A_792 : i32 to index
      %parallel_loop3A_965 = tpu.vector_load %arg8[%parallel_loop3A_963, %parallel_loop3A_964] {strides = array<i32>} : memref<64x513xf32, #tpu.memory_space<vmem>>, vector<16xf32>,
      tpu.vector_store %arg8[%parallel_loop3A_963, %parallel_loop3A_964], %parallel_loop3A_933 {strides = array<i32>} : memref<64x513xf32, #tpu.memory_space<vmem>>, vector<16xf32>,
      %parallel_loop3A_966 = arith.constant 18 : i32
      %parallel_loop3A_967 = arith.index_cast %parallel_loop3A_966 : i32 to index
      %parallel_loop3A_968 = arith.index_cast %parallel_loop3A_792 : i32 to index
      %parallel_loop3A_969 = tpu.vector_load %arg8[%parallel_loop3A_967, %parallel_loop3A_968] {strides = array<i32>} : memref<64x513xf32, #tpu.memory_space<vmem>>, vector<16xf32>,
      tpu.vector_store %arg8[%parallel_loop3A_967, %parallel_loop3A_968], %parallel_loop3A_937 {strides = array<i32>} : memref<64x513xf32, #tpu.memory_space<vmem>>, vector<16xf32>,
      %parallel_loop3A_970 = arith.constant 19 : i32
      %parallel_loop3A_971 = arith.index_cast %parallel_loop3A_970 : i32 to index
      %parallel_loop3A_972 = arith.index_cast %parallel_loop3A_792 : i32 to index
      %parallel_loop3A_973 = tpu.vector_load %arg8[%parallel_loop3A_971, %parallel_loop3A_972] {strides = array<i32>} : memref<64x513xf32, #tpu.memory_space<vmem>>, vector<16xf32>,
      tpu.vector_store %arg8[%parallel_loop3A_971, %parallel_loop3A_972], %parallel_loop3A_941 {strides = array<i32>} : memref<64x513xf32, #tpu.memory_space<vmem>>, vector<16xf32>,
      %parallel_loop3A_974 = arith.constant 20 : i32
      %parallel_loop3A_975 = arith.index_cast %parallel_loop3A_974 : i32 to index
      %parallel_loop3A_976 = arith.index_cast %parallel_loop3A_792 : i32 to index
      %parallel_loop3A_977 = tpu.vector_load %arg8[%parallel_loop3A_975, %parallel_loop3A_976] {strides = array<i32>} : memref<64x513xf32, #tpu.memory_space<vmem>>, vector<16xf32>,
      tpu.vector_store %arg8[%parallel_loop3A_975, %parallel_loop3A_976], %parallel_loop3A_945 {strides = array<i32>} : memref<64x513xf32, #tpu.memory_space<vmem>>, vector<16xf32>,
      %parallel_loop3A_978 = arith.constant 21 : i32
      %parallel_loop3A_979 = arith.index_cast %parallel_loop3A_978 : i32 to index
      %parallel_loop3A_980 = arith.index_cast %parallel_loop3A_792 : i32 to index
      %parallel_loop3A_981 = tpu.vector_load %arg8[%parallel_loop3A_979, %parallel_loop3A_980] {strides = array<i32>} : memref<64x513xf32, #tpu.memory_space<vmem>>, vector<16xf32>,
      tpu.vector_store %arg8[%parallel_loop3A_979, %parallel_loop3A_980], %parallel_loop3A_949 {strides = array<i32>} : memref<64x513xf32, #tpu.memory_space<vmem>>, vector<16xf32>,
      %parallel_loop3A_982 = arith.constant 22 : i32
      %parallel_loop3A_983 = arith.index_cast %parallel_loop3A_982 : i32 to index
      %parallel_loop3A_984 = arith.index_cast %parallel_loop3A_792 : i32 to index
      %parallel_loop3A_985 = tpu.vector_load %arg8[%parallel_loop3A_983, %parallel_loop3A_984] {strides = array<i32>} : memref<64x513xf32, #tpu.memory_space<vmem>>, vector<16xf32>,
      tpu.vector_store %arg8[%parallel_loop3A_983, %parallel_loop3A_984], %parallel_loop3A_953 {strides = array<i32>} : memref<64x513xf32, #tpu.memory_space<vmem>>, vector<16xf32>,
      %parallel_loop3A_986 = arith.constant 23 : i32
      %parallel_loop3A_987 = arith.index_cast %parallel_loop3A_986 : i32 to index
      %parallel_loop3A_988 = arith.index_cast %parallel_loop3A_792 : i32 to index
      %parallel_loop3A_989 = tpu.vector_load %arg8[%parallel_loop3A_987, %parallel_loop3A_988] {strides = array<i32>} : memref<64x513xf32, #tpu.memory_space<vmem>>, vector<16xf32>,
      tpu.vector_store %arg8[%parallel_loop3A_987, %parallel_loop3A_988], %parallel_loop3A_957 {strides = array<i32>} : memref<64x513xf32, #tpu.memory_space<vmem>>, vector<16xf32>,
      %parallel_loop3A_990 = arith.constant 24 : i32
      %parallel_loop3A_991 = vector.broadcast %parallel_loop3A_990 : i32 to vector<16xi32>
      %parallel_loop3A_992 = arith.addi %parallel_loop3A_797, %parallel_loop3A_991 : vector<16xi32>
      %parallel_loop3A_993 = tpu.vector_load_idx %arg7[%parallel_loop3A_992] : memref<2080xf32, #tpu.memory_space<vmem>>[vector<16xi32>], vector<16xf32>,
      %parallel_loop3A_994 = arith.constant 25 : i32
      %parallel_loop3A_995 = vector.broadcast %parallel_loop3A_994 : i32 to vector<16xi32>
      %parallel_loop3A_996 = arith.addi %parallel_loop3A_797, %parallel_loop3A_995 : vector<16xi32>
      %parallel_loop3A_997 = tpu.vector_load_idx %arg7[%parallel_loop3A_996] : memref<2080xf32, #tpu.memory_space<vmem>>[vector<16xi32>], vector<16xf32>,
      %parallel_loop3A_998 = arith.constant 26 : i32
      %parallel_loop3A_999 = vector.broadcast %parallel_loop3A_998 : i32 to vector<16xi32>
      %parallel_loop3A_1000 = arith.addi %parallel_loop3A_797, %parallel_loop3A_999 : vector<16xi32>
      %parallel_loop3A_1001 = tpu.vector_load_idx %arg7[%parallel_loop3A_1000] : memref<2080xf32, #tpu.memory_space<vmem>>[vector<16xi32>], vector<16xf32>,
      %parallel_loop3A_1002 = arith.constant 27 : i32
      %parallel_loop3A_1003 = vector.broadcast %parallel_loop3A_1002 : i32 to vector<16xi32>
      %parallel_loop3A_1004 = arith.addi %parallel_loop3A_797, %parallel_loop3A_1003 : vector<16xi32>
      %parallel_loop3A_1005 = tpu.vector_load_idx %arg7[%parallel_loop3A_1004] : memref<2080xf32, #tpu.memory_space<vmem>>[vector<16xi32>], vector<16xf32>,
      %parallel_loop3A_1006 = arith.constant 28 : i32
      %parallel_loop3A_1007 = vector.broadcast %parallel_loop3A_1006 : i32 to vector<16xi32>
      %parallel_loop3A_1008 = arith.addi %parallel_loop3A_797, %parallel_loop3A_1007 : vector<16xi32>
      %parallel_loop3A_1009 = tpu.vector_load_idx %arg7[%parallel_loop3A_1008] : memref<2080xf32, #tpu.memory_space<vmem>>[vector<16xi32>], vector<16xf32>,
      %parallel_loop3A_1010 = arith.constant 29 : i32
      %parallel_loop3A_1011 = vector.broadcast %parallel_loop3A_1010 : i32 to vector<16xi32>
      %parallel_loop3A_1012 = arith.addi %parallel_loop3A_797, %parallel_loop3A_1011 : vector<16xi32>
      %parallel_loop3A_1013 = tpu.vector_load_idx %arg7[%parallel_loop3A_1012] : memref<2080xf32, #tpu.memory_space<vmem>>[vector<16xi32>], vector<16xf32>,
      %parallel_loop3A_1014 = arith.constant 30 : i32
      %parallel_loop3A_1015 = vector.broadcast %parallel_loop3A_1014 : i32 to vector<16xi32>
      %parallel_loop3A_1016 = arith.addi %parallel_loop3A_797, %parallel_loop3A_1015 : vector<16xi32>
      %parallel_loop3A_1017 = tpu.vector_load_idx %arg7[%parallel_loop3A_1016] : memref<2080xf32, #tpu.memory_space<vmem>>[vector<16xi32>], vector<16xf32>,
      %parallel_loop3A_1018 = arith.constant 31 : i32
      %parallel_loop3A_1019 = vector.broadcast %parallel_loop3A_1018 : i32 to vector<16xi32>
      %parallel_loop3A_1020 = arith.addi %parallel_loop3A_797, %parallel_loop3A_1019 : vector<16xi32>
      %parallel_loop3A_1021 = tpu.vector_load_idx %arg7[%parallel_loop3A_1020] : memref<2080xf32, #tpu.memory_space<vmem>>[vector<16xi32>], vector<16xf32>,
      %parallel_loop3A_1022 = arith.constant 24 : i32
      %parallel_loop3A_1023 = arith.index_cast %parallel_loop3A_1022 : i32 to index
      %parallel_loop3A_1024 = arith.index_cast %parallel_loop3A_792 : i32 to index
      %parallel_loop3A_1025 = tpu.vector_load %arg8[%parallel_loop3A_1023, %parallel_loop3A_1024] {strides = array<i32>} : memref<64x513xf32, #tpu.memory_space<vmem>>, vector<16xf32>,
      tpu.vector_store %arg8[%parallel_loop3A_1023, %parallel_loop3A_1024], %parallel_loop3A_993 {strides = array<i32>} : memref<64x513xf32, #tpu.memory_space<vmem>>, vector<16xf32>,
      %parallel_loop3A_1026 = arith.constant 25 : i32
      %parallel_loop3A_1027 = arith.index_cast %parallel_loop3A_1026 : i32 to index
      %parallel_loop3A_1028 = arith.index_cast %parallel_loop3A_792 : i32 to index
      %parallel_loop3A_1029 = tpu.vector_load %arg8[%parallel_loop3A_1027, %parallel_loop3A_1028] {strides = array<i32>} : memref<64x513xf32, #tpu.memory_space<vmem>>, vector<16xf32>,
      tpu.vector_store %arg8[%parallel_loop3A_1027, %parallel_loop3A_1028], %parallel_loop3A_997 {strides = array<i32>} : memref<64x513xf32, #tpu.memory_space<vmem>>, vector<16xf32>,
      %parallel_loop3A_1030 = arith.constant 26 : i32
      %parallel_loop3A_1031 = arith.index_cast %parallel_loop3A_1030 : i32 to index
      %parallel_loop3A_1032 = arith.index_cast %parallel_loop3A_792 : i32 to index
      %parallel_loop3A_1033 = tpu.vector_load %arg8[%parallel_loop3A_1031, %parallel_loop3A_1032] {strides = array<i32>} : memref<64x513xf32, #tpu.memory_space<vmem>>, vector<16xf32>,
      tpu.vector_store %arg8[%parallel_loop3A_1031, %parallel_loop3A_1032], %parallel_loop3A_1001 {strides = array<i32>} : memref<64x513xf32, #tpu.memory_space<vmem>>, vector<16xf32>,
      %parallel_loop3A_1034 = arith.constant 27 : i32
      %parallel_loop3A_1035 = arith.index_cast %parallel_loop3A_1034 : i32 to index
      %parallel_loop3A_1036 = arith.index_cast %parallel_loop3A_792 : i32 to index
      %parallel_loop3A_1037 = tpu.vector_load %arg8[%parallel_loop3A_1035, %parallel_loop3A_1036] {strides = array<i32>} : memref<64x513xf32, #tpu.memory_space<vmem>>, vector<16xf32>,
      tpu.vector_store %arg8[%parallel_loop3A_1035, %parallel_loop3A_1036], %parallel_loop3A_1005 {strides = array<i32>} : memref<64x513xf32, #tpu.memory_space<vmem>>, vector<16xf32>,
      %parallel_loop3A_1038 = arith.constant 28 : i32
      %parallel_loop3A_1039 = arith.index_cast %parallel_loop3A_1038 : i32 to index
      %parallel_loop3A_1040 = arith.index_cast %parallel_loop3A_792 : i32 to index
      %parallel_loop3A_1041 = tpu.vector_load %arg8[%parallel_loop3A_1039, %parallel_loop3A_1040] {strides = array<i32>} : memref<64x513xf32, #tpu.memory_space<vmem>>, vector<16xf32>,
      tpu.vector_store %arg8[%parallel_loop3A_1039, %parallel_loop3A_1040], %parallel_loop3A_1009 {strides = array<i32>} : memref<64x513xf32, #tpu.memory_space<vmem>>, vector<16xf32>,
      %parallel_loop3A_1042 = arith.constant 29 : i32
      %parallel_loop3A_1043 = arith.index_cast %parallel_loop3A_1042 : i32 to index
      %parallel_loop3A_1044 = arith.index_cast %parallel_loop3A_792 : i32 to index
      %parallel_loop3A_1045 = tpu.vector_load %arg8[%parallel_loop3A_1043, %parallel_loop3A_1044] {strides = array<i32>} : memref<64x513xf32, #tpu.memory_space<vmem>>, vector<16xf32>,
      tpu.vector_store %arg8[%parallel_loop3A_1043, %parallel_loop3A_1044], %parallel_loop3A_1013 {strides = array<i32>} : memref<64x513xf32, #tpu.memory_space<vmem>>, vector<16xf32>,
      %parallel_loop3A_1046 = arith.constant 30 : i32
      %parallel_loop3A_1047 = arith.index_cast %parallel_loop3A_1046 : i32 to index
      %parallel_loop3A_1048 = arith.index_cast %parallel_loop3A_792 : i32 to index
      %parallel_loop3A_1049 = tpu.vector_load %arg8[%parallel_loop3A_1047, %parallel_loop3A_1048] {strides = array<i32>} : memref<64x513xf32, #tpu.memory_space<vmem>>, vector<16xf32>,
      tpu.vector_store %arg8[%parallel_loop3A_1047, %parallel_loop3A_1048], %parallel_loop3A_1017 {strides = array<i32>} : memref<64x513xf32, #tpu.memory_space<vmem>>, vector<16xf32>,
      %parallel_loop3A_1050 = arith.constant 31 : i32
      %parallel_loop3A_1051 = arith.index_cast %parallel_loop3A_1050 : i32 to index
      %parallel_loop3A_1052 = arith.index_cast %parallel_loop3A_792 : i32 to index
      %parallel_loop3A_1053 = tpu.vector_load %arg8[%parallel_loop3A_1051, %parallel_loop3A_1052] {strides = array<i32>} : memref<64x513xf32, #tpu.memory_space<vmem>>, vector<16xf32>,
      tpu.vector_store %arg8[%parallel_loop3A_1051, %parallel_loop3A_1052], %parallel_loop3A_1021 {strides = array<i32>} : memref<64x513xf32, #tpu.memory_space<vmem>>, vector<16xf32>,
      %parallel_loop3A_1054 = arith.constant 32 : i32
      %parallel_loop3A_1055 = vector.broadcast %parallel_loop3A_1054 : i32 to vector<16xi32>
      %parallel_loop3A_1056 = arith.addi %parallel_loop3A_797, %parallel_loop3A_1055 : vector<16xi32>
      %parallel_loop3A_1057 = tpu.vector_load_idx %arg7[%parallel_loop3A_1056] : memref<2080xf32, #tpu.memory_space<vmem>>[vector<16xi32>], vector<16xf32>,
      %parallel_loop3A_1058 = arith.constant 33 : i32
      %parallel_loop3A_1059 = vector.broadcast %parallel_loop3A_1058 : i32 to vector<16xi32>
      %parallel_loop3A_1060 = arith.addi %parallel_loop3A_797, %parallel_loop3A_1059 : vector<16xi32>
      %parallel_loop3A_1061 = tpu.vector_load_idx %arg7[%parallel_loop3A_1060] : memref<2080xf32, #tpu.memory_space<vmem>>[vector<16xi32>], vector<16xf32>,
      %parallel_loop3A_1062 = arith.constant 34 : i32
      %parallel_loop3A_1063 = vector.broadcast %parallel_loop3A_1062 : i32 to vector<16xi32>
      %parallel_loop3A_1064 = arith.addi %parallel_loop3A_797, %parallel_loop3A_1063 : vector<16xi32>
      %parallel_loop3A_1065 = tpu.vector_load_idx %arg7[%parallel_loop3A_1064] : memref<2080xf32, #tpu.memory_space<vmem>>[vector<16xi32>], vector<16xf32>,
      %parallel_loop3A_1066 = arith.constant 35 : i32
      %parallel_loop3A_1067 = vector.broadcast %parallel_loop3A_1066 : i32 to vector<16xi32>
      %parallel_loop3A_1068 = arith.addi %parallel_loop3A_797, %parallel_loop3A_1067 : vector<16xi32>
      %parallel_loop3A_1069 = tpu.vector_load_idx %arg7[%parallel_loop3A_1068] : memref<2080xf32, #tpu.memory_space<vmem>>[vector<16xi32>], vector<16xf32>,
      %parallel_loop3A_1070 = arith.constant 36 : i32
      %parallel_loop3A_1071 = vector.broadcast %parallel_loop3A_1070 : i32 to vector<16xi32>
      %parallel_loop3A_1072 = arith.addi %parallel_loop3A_797, %parallel_loop3A_1071 : vector<16xi32>
      %parallel_loop3A_1073 = tpu.vector_load_idx %arg7[%parallel_loop3A_1072] : memref<2080xf32, #tpu.memory_space<vmem>>[vector<16xi32>], vector<16xf32>,
      %parallel_loop3A_1074 = arith.constant 37 : i32
      %parallel_loop3A_1075 = vector.broadcast %parallel_loop3A_1074 : i32 to vector<16xi32>
      %parallel_loop3A_1076 = arith.addi %parallel_loop3A_797, %parallel_loop3A_1075 : vector<16xi32>
      %parallel_loop3A_1077 = tpu.vector_load_idx %arg7[%parallel_loop3A_1076] : memref<2080xf32, #tpu.memory_space<vmem>>[vector<16xi32>], vector<16xf32>,
      %parallel_loop3A_1078 = arith.constant 38 : i32
      %parallel_loop3A_1079 = vector.broadcast %parallel_loop3A_1078 : i32 to vector<16xi32>
      %parallel_loop3A_1080 = arith.addi %parallel_loop3A_797, %parallel_loop3A_1079 : vector<16xi32>
      %parallel_loop3A_1081 = tpu.vector_load_idx %arg7[%parallel_loop3A_1080] : memref<2080xf32, #tpu.memory_space<vmem>>[vector<16xi32>], vector<16xf32>,
      %parallel_loop3A_1082 = arith.constant 39 : i32
      %parallel_loop3A_1083 = vector.broadcast %parallel_loop3A_1082 : i32 to vector<16xi32>
      %parallel_loop3A_1084 = arith.addi %parallel_loop3A_797, %parallel_loop3A_1083 : vector<16xi32>
      %parallel_loop3A_1085 = tpu.vector_load_idx %arg7[%parallel_loop3A_1084] : memref<2080xf32, #tpu.memory_space<vmem>>[vector<16xi32>], vector<16xf32>,
      %parallel_loop3A_1086 = arith.constant 32 : i32
      %parallel_loop3A_1087 = arith.index_cast %parallel_loop3A_1086 : i32 to index
      %parallel_loop3A_1088 = arith.index_cast %parallel_loop3A_792 : i32 to index
      %parallel_loop3A_1089 = tpu.vector_load %arg8[%parallel_loop3A_1087, %parallel_loop3A_1088] {strides = array<i32>} : memref<64x513xf32, #tpu.memory_space<vmem>>, vector<16xf32>,
      tpu.vector_store %arg8[%parallel_loop3A_1087, %parallel_loop3A_1088], %parallel_loop3A_1057 {strides = array<i32>} : memref<64x513xf32, #tpu.memory_space<vmem>>, vector<16xf32>,
      %parallel_loop3A_1090 = arith.constant 33 : i32
      %parallel_loop3A_1091 = arith.index_cast %parallel_loop3A_1090 : i32 to index
      %parallel_loop3A_1092 = arith.index_cast %parallel_loop3A_792 : i32 to index
      %parallel_loop3A_1093 = tpu.vector_load %arg8[%parallel_loop3A_1091, %parallel_loop3A_1092] {strides = array<i32>} : memref<64x513xf32, #tpu.memory_space<vmem>>, vector<16xf32>,
      tpu.vector_store %arg8[%parallel_loop3A_1091, %parallel_loop3A_1092], %parallel_loop3A_1061 {strides = array<i32>} : memref<64x513xf32, #tpu.memory_space<vmem>>, vector<16xf32>,
      %parallel_loop3A_1094 = arith.constant 34 : i32
      %parallel_loop3A_1095 = arith.index_cast %parallel_loop3A_1094 : i32 to index
      %parallel_loop3A_1096 = arith.index_cast %parallel_loop3A_792 : i32 to index
      %parallel_loop3A_1097 = tpu.vector_load %arg8[%parallel_loop3A_1095, %parallel_loop3A_1096] {strides = array<i32>} : memref<64x513xf32, #tpu.memory_space<vmem>>, vector<16xf32>,
      tpu.vector_store %arg8[%parallel_loop3A_1095, %parallel_loop3A_1096], %parallel_loop3A_1065 {strides = array<i32>} : memref<64x513xf32, #tpu.memory_space<vmem>>, vector<16xf32>,
      %parallel_loop3A_1098 = arith.constant 35 : i32
      %parallel_loop3A_1099 = arith.index_cast %parallel_loop3A_1098 : i32 to index
      %parallel_loop3A_1100 = arith.index_cast %parallel_loop3A_792 : i32 to index
      %parallel_loop3A_1101 = tpu.vector_load %arg8[%parallel_loop3A_1099, %parallel_loop3A_1100] {strides = array<i32>} : memref<64x513xf32, #tpu.memory_space<vmem>>, vector<16xf32>,
      tpu.vector_store %arg8[%parallel_loop3A_1099, %parallel_loop3A_1100], %parallel_loop3A_1069 {strides = array<i32>} : memref<64x513xf32, #tpu.memory_space<vmem>>, vector<16xf32>,
      %parallel_loop3A_1102 = arith.constant 36 : i32
      %parallel_loop3A_1103 = arith.index_cast %parallel_loop3A_1102 : i32 to index
      %parallel_loop3A_1104 = arith.index_cast %parallel_loop3A_792 : i32 to index
      %parallel_loop3A_1105 = tpu.vector_load %arg8[%parallel_loop3A_1103, %parallel_loop3A_1104] {strides = array<i32>} : memref<64x513xf32, #tpu.memory_space<vmem>>, vector<16xf32>,
      tpu.vector_store %arg8[%parallel_loop3A_1103, %parallel_loop3A_1104], %parallel_loop3A_1073 {strides = array<i32>} : memref<64x513xf32, #tpu.memory_space<vmem>>, vector<16xf32>,
      %parallel_loop3A_1106 = arith.constant 37 : i32
      %parallel_loop3A_1107 = arith.index_cast %parallel_loop3A_1106 : i32 to index
      %parallel_loop3A_1108 = arith.index_cast %parallel_loop3A_792 : i32 to index
      %parallel_loop3A_1109 = tpu.vector_load %arg8[%parallel_loop3A_1107, %parallel_loop3A_1108] {strides = array<i32>} : memref<64x513xf32, #tpu.memory_space<vmem>>, vector<16xf32>,
      tpu.vector_store %arg8[%parallel_loop3A_1107, %parallel_loop3A_1108], %parallel_loop3A_1077 {strides = array<i32>} : memref<64x513xf32, #tpu.memory_space<vmem>>, vector<16xf32>,
      %parallel_loop3A_1110 = arith.constant 38 : i32
      %parallel_loop3A_1111 = arith.index_cast %parallel_loop3A_1110 : i32 to index
      %parallel_loop3A_1112 = arith.index_cast %parallel_loop3A_792 : i32 to index
      %parallel_loop3A_1113 = tpu.vector_load %arg8[%parallel_loop3A_1111, %parallel_loop3A_1112] {strides = array<i32>} : memref<64x513xf32, #tpu.memory_space<vmem>>, vector<16xf32>,
      tpu.vector_store %arg8[%parallel_loop3A_1111, %parallel_loop3A_1112], %parallel_loop3A_1081 {strides = array<i32>} : memref<64x513xf32, #tpu.memory_space<vmem>>, vector<16xf32>,
      %parallel_loop3A_1114 = arith.constant 39 : i32
      %parallel_loop3A_1115 = arith.index_cast %parallel_loop3A_1114 : i32 to index
      %parallel_loop3A_1116 = arith.index_cast %parallel_loop3A_792 : i32 to index
      %parallel_loop3A_1117 = tpu.vector_load %arg8[%parallel_loop3A_1115, %parallel_loop3A_1116] {strides = array<i32>} : memref<64x513xf32, #tpu.memory_space<vmem>>, vector<16xf32>,
      tpu.vector_store %arg8[%parallel_loop3A_1115, %parallel_loop3A_1116], %parallel_loop3A_1085 {strides = array<i32>} : memref<64x513xf32, #tpu.memory_space<vmem>>, vector<16xf32>,
      %parallel_loop3A_1118 = arith.constant 40 : i32
      %parallel_loop3A_1119 = vector.broadcast %parallel_loop3A_1118 : i32 to vector<16xi32>
      %parallel_loop3A_1120 = arith.addi %parallel_loop3A_797, %parallel_loop3A_1119 : vector<16xi32>
      %parallel_loop3A_1121 = tpu.vector_load_idx %arg7[%parallel_loop3A_1120] : memref<2080xf32, #tpu.memory_space<vmem>>[vector<16xi32>], vector<16xf32>,
      %parallel_loop3A_1122 = arith.constant 41 : i32
      %parallel_loop3A_1123 = vector.broadcast %parallel_loop3A_1122 : i32 to vector<16xi32>
      %parallel_loop3A_1124 = arith.addi %parallel_loop3A_797, %parallel_loop3A_1123 : vector<16xi32>
      %parallel_loop3A_1125 = tpu.vector_load_idx %arg7[%parallel_loop3A_1124] : memref<2080xf32, #tpu.memory_space<vmem>>[vector<16xi32>], vector<16xf32>,
      %parallel_loop3A_1126 = arith.constant 42 : i32
      %parallel_loop3A_1127 = vector.broadcast %parallel_loop3A_1126 : i32 to vector<16xi32>
      %parallel_loop3A_1128 = arith.addi %parallel_loop3A_797, %parallel_loop3A_1127 : vector<16xi32>
      %parallel_loop3A_1129 = tpu.vector_load_idx %arg7[%parallel_loop3A_1128] : memref<2080xf32, #tpu.memory_space<vmem>>[vector<16xi32>], vector<16xf32>,
      %parallel_loop3A_1130 = arith.constant 43 : i32
      %parallel_loop3A_1131 = vector.broadcast %parallel_loop3A_1130 : i32 to vector<16xi32>
      %parallel_loop3A_1132 = arith.addi %parallel_loop3A_797, %parallel_loop3A_1131 : vector<16xi32>
      %parallel_loop3A_1133 = tpu.vector_load_idx %arg7[%parallel_loop3A_1132] : memref<2080xf32, #tpu.memory_space<vmem>>[vector<16xi32>], vector<16xf32>,
      %parallel_loop3A_1134 = arith.constant 44 : i32
      %parallel_loop3A_1135 = vector.broadcast %parallel_loop3A_1134 : i32 to vector<16xi32>
      %parallel_loop3A_1136 = arith.addi %parallel_loop3A_797, %parallel_loop3A_1135 : vector<16xi32>
      %parallel_loop3A_1137 = tpu.vector_load_idx %arg7[%parallel_loop3A_1136] : memref<2080xf32, #tpu.memory_space<vmem>>[vector<16xi32>], vector<16xf32>,
      %parallel_loop3A_1138 = arith.constant 45 : i32
      %parallel_loop3A_1139 = vector.broadcast %parallel_loop3A_1138 : i32 to vector<16xi32>
      %parallel_loop3A_1140 = arith.addi %parallel_loop3A_797, %parallel_loop3A_1139 : vector<16xi32>
      %parallel_loop3A_1141 = tpu.vector_load_idx %arg7[%parallel_loop3A_1140] : memref<2080xf32, #tpu.memory_space<vmem>>[vector<16xi32>], vector<16xf32>,
      %parallel_loop3A_1142 = arith.constant 46 : i32
      %parallel_loop3A_1143 = vector.broadcast %parallel_loop3A_1142 : i32 to vector<16xi32>
      %parallel_loop3A_1144 = arith.addi %parallel_loop3A_797, %parallel_loop3A_1143 : vector<16xi32>
      %parallel_loop3A_1145 = tpu.vector_load_idx %arg7[%parallel_loop3A_1144] : memref<2080xf32, #tpu.memory_space<vmem>>[vector<16xi32>], vector<16xf32>,
      %parallel_loop3A_1146 = arith.constant 47 : i32
      %parallel_loop3A_1147 = vector.broadcast %parallel_loop3A_1146 : i32 to vector<16xi32>
      %parallel_loop3A_1148 = arith.addi %parallel_loop3A_797, %parallel_loop3A_1147 : vector<16xi32>
      %parallel_loop3A_1149 = tpu.vector_load_idx %arg7[%parallel_loop3A_1148] : memref<2080xf32, #tpu.memory_space<vmem>>[vector<16xi32>], vector<16xf32>,
      %parallel_loop3A_1150 = arith.constant 40 : i32
      %parallel_loop3A_1151 = arith.index_cast %parallel_loop3A_1150 : i32 to index
      %parallel_loop3A_1152 = arith.index_cast %parallel_loop3A_792 : i32 to index
      %parallel_loop3A_1153 = tpu.vector_load %arg8[%parallel_loop3A_1151, %parallel_loop3A_1152] {strides = array<i32>} : memref<64x513xf32, #tpu.memory_space<vmem>>, vector<16xf32>,
      tpu.vector_store %arg8[%parallel_loop3A_1151, %parallel_loop3A_1152], %parallel_loop3A_1121 {strides = array<i32>} : memref<64x513xf32, #tpu.memory_space<vmem>>, vector<16xf32>,
      %parallel_loop3A_1154 = arith.constant 41 : i32
      %parallel_loop3A_1155 = arith.index_cast %parallel_loop3A_1154 : i32 to index
      %parallel_loop3A_1156 = arith.index_cast %parallel_loop3A_792 : i32 to index
      %parallel_loop3A_1157 = tpu.vector_load %arg8[%parallel_loop3A_1155, %parallel_loop3A_1156] {strides = array<i32>} : memref<64x513xf32, #tpu.memory_space<vmem>>, vector<16xf32>,
      tpu.vector_store %arg8[%parallel_loop3A_1155, %parallel_loop3A_1156], %parallel_loop3A_1125 {strides = array<i32>} : memref<64x513xf32, #tpu.memory_space<vmem>>, vector<16xf32>,
      %parallel_loop3A_1158 = arith.constant 42 : i32
      %parallel_loop3A_1159 = arith.index_cast %parallel_loop3A_1158 : i32 to index
      %parallel_loop3A_1160 = arith.index_cast %parallel_loop3A_792 : i32 to index
      %parallel_loop3A_1161 = tpu.vector_load %arg8[%parallel_loop3A_1159, %parallel_loop3A_1160] {strides = array<i32>} : memref<64x513xf32, #tpu.memory_space<vmem>>, vector<16xf32>,
      tpu.vector_store %arg8[%parallel_loop3A_1159, %parallel_loop3A_1160], %parallel_loop3A_1129 {strides = array<i32>} : memref<64x513xf32, #tpu.memory_space<vmem>>, vector<16xf32>,
      %parallel_loop3A_1162 = arith.constant 43 : i32
      %parallel_loop3A_1163 = arith.index_cast %parallel_loop3A_1162 : i32 to index
      %parallel_loop3A_1164 = arith.index_cast %parallel_loop3A_792 : i32 to index
      %parallel_loop3A_1165 = tpu.vector_load %arg8[%parallel_loop3A_1163, %parallel_loop3A_1164] {strides = array<i32>} : memref<64x513xf32, #tpu.memory_space<vmem>>, vector<16xf32>,
      tpu.vector_store %arg8[%parallel_loop3A_1163, %parallel_loop3A_1164], %parallel_loop3A_1133 {strides = array<i32>} : memref<64x513xf32, #tpu.memory_space<vmem>>, vector<16xf32>,
      %parallel_loop3A_1166 = arith.constant 44 : i32
      %parallel_loop3A_1167 = arith.index_cast %parallel_loop3A_1166 : i32 to index
      %parallel_loop3A_1168 = arith.index_cast %parallel_loop3A_792 : i32 to index
      %parallel_loop3A_1169 = tpu.vector_load %arg8[%parallel_loop3A_1167, %parallel_loop3A_1168] {strides = array<i32>} : memref<64x513xf32, #tpu.memory_space<vmem>>, vector<16xf32>,
      tpu.vector_store %arg8[%parallel_loop3A_1167, %parallel_loop3A_1168], %parallel_loop3A_1137 {strides = array<i32>} : memref<64x513xf32, #tpu.memory_space<vmem>>, vector<16xf32>,
      %parallel_loop3A_1170 = arith.constant 45 : i32
      %parallel_loop3A_1171 = arith.index_cast %parallel_loop3A_1170 : i32 to index
      %parallel_loop3A_1172 = arith.index_cast %parallel_loop3A_792 : i32 to index
      %parallel_loop3A_1173 = tpu.vector_load %arg8[%parallel_loop3A_1171, %parallel_loop3A_1172] {strides = array<i32>} : memref<64x513xf32, #tpu.memory_space<vmem>>, vector<16xf32>,
      tpu.vector_store %arg8[%parallel_loop3A_1171, %parallel_loop3A_1172], %parallel_loop3A_1141 {strides = array<i32>} : memref<64x513xf32, #tpu.memory_space<vmem>>, vector<16xf32>,
      %parallel_loop3A_1174 = arith.constant 46 : i32
      %parallel_loop3A_1175 = arith.index_cast %parallel_loop3A_1174 : i32 to index
      %parallel_loop3A_1176 = arith.index_cast %parallel_loop3A_792 : i32 to index
      %parallel_loop3A_1177 = tpu.vector_load %arg8[%parallel_loop3A_1175, %parallel_loop3A_1176] {strides = array<i32>} : memref<64x513xf32, #tpu.memory_space<vmem>>, vector<16xf32>,
      tpu.vector_store %arg8[%parallel_loop3A_1175, %parallel_loop3A_1176], %parallel_loop3A_1145 {strides = array<i32>} : memref<64x513xf32, #tpu.memory_space<vmem>>, vector<16xf32>,
      %parallel_loop3A_1178 = arith.constant 47 : i32
      %parallel_loop3A_1179 = arith.index_cast %parallel_loop3A_1178 : i32 to index
      %parallel_loop3A_1180 = arith.index_cast %parallel_loop3A_792 : i32 to index
      %parallel_loop3A_1181 = tpu.vector_load %arg8[%parallel_loop3A_1179, %parallel_loop3A_1180] {strides = array<i32>} : memref<64x513xf32, #tpu.memory_space<vmem>>, vector<16xf32>,
      tpu.vector_store %arg8[%parallel_loop3A_1179, %parallel_loop3A_1180], %parallel_loop3A_1149 {strides = array<i32>} : memref<64x513xf32, #tpu.memory_space<vmem>>, vector<16xf32>,
      %parallel_loop3A_1182 = arith.constant 48 : i32
      %parallel_loop3A_1183 = vector.broadcast %parallel_loop3A_1182 : i32 to vector<16xi32>
      %parallel_loop3A_1184 = arith.addi %parallel_loop3A_797, %parallel_loop3A_1183 : vector<16xi32>
      %parallel_loop3A_1185 = tpu.vector_load_idx %arg7[%parallel_loop3A_1184] : memref<2080xf32, #tpu.memory_space<vmem>>[vector<16xi32>], vector<16xf32>,
      %parallel_loop3A_1186 = arith.constant 49 : i32
      %parallel_loop3A_1187 = vector.broadcast %parallel_loop3A_1186 : i32 to vector<16xi32>
      %parallel_loop3A_1188 = arith.addi %parallel_loop3A_797, %parallel_loop3A_1187 : vector<16xi32>
      %parallel_loop3A_1189 = tpu.vector_load_idx %arg7[%parallel_loop3A_1188] : memref<2080xf32, #tpu.memory_space<vmem>>[vector<16xi32>], vector<16xf32>,
      %parallel_loop3A_1190 = arith.constant 50 : i32
      %parallel_loop3A_1191 = vector.broadcast %parallel_loop3A_1190 : i32 to vector<16xi32>
      %parallel_loop3A_1192 = arith.addi %parallel_loop3A_797, %parallel_loop3A_1191 : vector<16xi32>
      %parallel_loop3A_1193 = tpu.vector_load_idx %arg7[%parallel_loop3A_1192] : memref<2080xf32, #tpu.memory_space<vmem>>[vector<16xi32>], vector<16xf32>,
      %parallel_loop3A_1194 = arith.constant 51 : i32
      %parallel_loop3A_1195 = vector.broadcast %parallel_loop3A_1194 : i32 to vector<16xi32>
      %parallel_loop3A_1196 = arith.addi %parallel_loop3A_797, %parallel_loop3A_1195 : vector<16xi32>
      %parallel_loop3A_1197 = tpu.vector_load_idx %arg7[%parallel_loop3A_1196] : memref<2080xf32, #tpu.memory_space<vmem>>[vector<16xi32>], vector<16xf32>,
      %parallel_loop3A_1198 = arith.constant 52 : i32
      %parallel_loop3A_1199 = vector.broadcast %parallel_loop3A_1198 : i32 to vector<16xi32>
      %parallel_loop3A_1200 = arith.addi %parallel_loop3A_797, %parallel_loop3A_1199 : vector<16xi32>
      %parallel_loop3A_1201 = tpu.vector_load_idx %arg7[%parallel_loop3A_1200] : memref<2080xf32, #tpu.memory_space<vmem>>[vector<16xi32>], vector<16xf32>,
      %parallel_loop3A_1202 = arith.constant 53 : i32
      %parallel_loop3A_1203 = vector.broadcast %parallel_loop3A_1202 : i32 to vector<16xi32>
      %parallel_loop3A_1204 = arith.addi %parallel_loop3A_797, %parallel_loop3A_1203 : vector<16xi32>
      %parallel_loop3A_1205 = tpu.vector_load_idx %arg7[%parallel_loop3A_1204] : memref<2080xf32, #tpu.memory_space<vmem>>[vector<16xi32>], vector<16xf32>,
      %parallel_loop3A_1206 = arith.constant 54 : i32
      %parallel_loop3A_1207 = vector.broadcast %parallel_loop3A_1206 : i32 to vector<16xi32>
      %parallel_loop3A_1208 = arith.addi %parallel_loop3A_797, %parallel_loop3A_1207 : vector<16xi32>
      %parallel_loop3A_1209 = tpu.vector_load_idx %arg7[%parallel_loop3A_1208] : memref<2080xf32, #tpu.memory_space<vmem>>[vector<16xi32>], vector<16xf32>,
      %parallel_loop3A_1210 = arith.constant 55 : i32
      %parallel_loop3A_1211 = vector.broadcast %parallel_loop3A_1210 : i32 to vector<16xi32>
      %parallel_loop3A_1212 = arith.addi %parallel_loop3A_797, %parallel_loop3A_1211 : vector<16xi32>
      %parallel_loop3A_1213 = tpu.vector_load_idx %arg7[%parallel_loop3A_1212] : memref<2080xf32, #tpu.memory_space<vmem>>[vector<16xi32>], vector<16xf32>,
      %parallel_loop3A_1214 = arith.constant 48 : i32
      %parallel_loop3A_1215 = arith.index_cast %parallel_loop3A_1214 : i32 to index
      %parallel_loop3A_1216 = arith.index_cast %parallel_loop3A_792 : i32 to index
      %parallel_loop3A_1217 = tpu.vector_load %arg8[%parallel_loop3A_1215, %parallel_loop3A_1216] {strides = array<i32>} : memref<64x513xf32, #tpu.memory_space<vmem>>, vector<16xf32>,
      tpu.vector_store %arg8[%parallel_loop3A_1215, %parallel_loop3A_1216], %parallel_loop3A_1185 {strides = array<i32>} : memref<64x513xf32, #tpu.memory_space<vmem>>, vector<16xf32>,
      %parallel_loop3A_1218 = arith.constant 49 : i32
      %parallel_loop3A_1219 = arith.index_cast %parallel_loop3A_1218 : i32 to index
      %parallel_loop3A_1220 = arith.index_cast %parallel_loop3A_792 : i32 to index
      %parallel_loop3A_1221 = tpu.vector_load %arg8[%parallel_loop3A_1219, %parallel_loop3A_1220] {strides = array<i32>} : memref<64x513xf32, #tpu.memory_space<vmem>>, vector<16xf32>,
      tpu.vector_store %arg8[%parallel_loop3A_1219, %parallel_loop3A_1220], %parallel_loop3A_1189 {strides = array<i32>} : memref<64x513xf32, #tpu.memory_space<vmem>>, vector<16xf32>,
      %parallel_loop3A_1222 = arith.constant 50 : i32
      %parallel_loop3A_1223 = arith.index_cast %parallel_loop3A_1222 : i32 to index
      %parallel_loop3A_1224 = arith.index_cast %parallel_loop3A_792 : i32 to index
      %parallel_loop3A_1225 = tpu.vector_load %arg8[%parallel_loop3A_1223, %parallel_loop3A_1224] {strides = array<i32>} : memref<64x513xf32, #tpu.memory_space<vmem>>, vector<16xf32>,
      tpu.vector_store %arg8[%parallel_loop3A_1223, %parallel_loop3A_1224], %parallel_loop3A_1193 {strides = array<i32>} : memref<64x513xf32, #tpu.memory_space<vmem>>, vector<16xf32>,
      %parallel_loop3A_1226 = arith.constant 51 : i32
      %parallel_loop3A_1227 = arith.index_cast %parallel_loop3A_1226 : i32 to index
      %parallel_loop3A_1228 = arith.index_cast %parallel_loop3A_792 : i32 to index
      %parallel_loop3A_1229 = tpu.vector_load %arg8[%parallel_loop3A_1227, %parallel_loop3A_1228] {strides = array<i32>} : memref<64x513xf32, #tpu.memory_space<vmem>>, vector<16xf32>,
      tpu.vector_store %arg8[%parallel_loop3A_1227, %parallel_loop3A_1228], %parallel_loop3A_1197 {strides = array<i32>} : memref<64x513xf32, #tpu.memory_space<vmem>>, vector<16xf32>,
      %parallel_loop3A_1230 = arith.constant 52 : i32
      %parallel_loop3A_1231 = arith.index_cast %parallel_loop3A_1230 : i32 to index
      %parallel_loop3A_1232 = arith.index_cast %parallel_loop3A_792 : i32 to index
      %parallel_loop3A_1233 = tpu.vector_load %arg8[%parallel_loop3A_1231, %parallel_loop3A_1232] {strides = array<i32>} : memref<64x513xf32, #tpu.memory_space<vmem>>, vector<16xf32>,
      tpu.vector_store %arg8[%parallel_loop3A_1231, %parallel_loop3A_1232], %parallel_loop3A_1201 {strides = array<i32>} : memref<64x513xf32, #tpu.memory_space<vmem>>, vector<16xf32>,
      %parallel_loop3A_1234 = arith.constant 53 : i32
      %parallel_loop3A_1235 = arith.index_cast %parallel_loop3A_1234 : i32 to index
      %parallel_loop3A_1236 = arith.index_cast %parallel_loop3A_792 : i32 to index
      %parallel_loop3A_1237 = tpu.vector_load %arg8[%parallel_loop3A_1235, %parallel_loop3A_1236] {strides = array<i32>} : memref<64x513xf32, #tpu.memory_space<vmem>>, vector<16xf32>,
      tpu.vector_store %arg8[%parallel_loop3A_1235, %parallel_loop3A_1236], %parallel_loop3A_1205 {strides = array<i32>} : memref<64x513xf32, #tpu.memory_space<vmem>>, vector<16xf32>,
      %parallel_loop3A_1238 = arith.constant 54 : i32
      %parallel_loop3A_1239 = arith.index_cast %parallel_loop3A_1238 : i32 to index
      %parallel_loop3A_1240 = arith.index_cast %parallel_loop3A_792 : i32 to index
      %parallel_loop3A_1241 = tpu.vector_load %arg8[%parallel_loop3A_1239, %parallel_loop3A_1240] {strides = array<i32>} : memref<64x513xf32, #tpu.memory_space<vmem>>, vector<16xf32>,
      tpu.vector_store %arg8[%parallel_loop3A_1239, %parallel_loop3A_1240], %parallel_loop3A_1209 {strides = array<i32>} : memref<64x513xf32, #tpu.memory_space<vmem>>, vector<16xf32>,
      %parallel_loop3A_1242 = arith.constant 55 : i32
      %parallel_loop3A_1243 = arith.index_cast %parallel_loop3A_1242 : i32 to index
      %parallel_loop3A_1244 = arith.index_cast %parallel_loop3A_792 : i32 to index
      %parallel_loop3A_1245 = tpu.vector_load %arg8[%parallel_loop3A_1243, %parallel_loop3A_1244] {strides = array<i32>} : memref<64x513xf32, #tpu.memory_space<vmem>>, vector<16xf32>,
      tpu.vector_store %arg8[%parallel_loop3A_1243, %parallel_loop3A_1244], %parallel_loop3A_1213 {strides = array<i32>} : memref<64x513xf32, #tpu.memory_space<vmem>>, vector<16xf32>,
      %parallel_loop3A_1246 = arith.constant 56 : i32
      %parallel_loop3A_1247 = vector.broadcast %parallel_loop3A_1246 : i32 to vector<16xi32>
      %parallel_loop3A_1248 = arith.addi %parallel_loop3A_797, %parallel_loop3A_1247 : vector<16xi32>
      %parallel_loop3A_1249 = tpu.vector_load_idx %arg7[%parallel_loop3A_1248] : memref<2080xf32, #tpu.memory_space<vmem>>[vector<16xi32>], vector<16xf32>,
      %parallel_loop3A_1250 = arith.constant 57 : i32
      %parallel_loop3A_1251 = vector.broadcast %parallel_loop3A_1250 : i32 to vector<16xi32>
      %parallel_loop3A_1252 = arith.addi %parallel_loop3A_797, %parallel_loop3A_1251 : vector<16xi32>
      %parallel_loop3A_1253 = tpu.vector_load_idx %arg7[%parallel_loop3A_1252] : memref<2080xf32, #tpu.memory_space<vmem>>[vector<16xi32>], vector<16xf32>,
      %parallel_loop3A_1254 = arith.constant 58 : i32
      %parallel_loop3A_1255 = vector.broadcast %parallel_loop3A_1254 : i32 to vector<16xi32>
      %parallel_loop3A_1256 = arith.addi %parallel_loop3A_797, %parallel_loop3A_1255 : vector<16xi32>
      %parallel_loop3A_1257 = tpu.vector_load_idx %arg7[%parallel_loop3A_1256] : memref<2080xf32, #tpu.memory_space<vmem>>[vector<16xi32>], vector<16xf32>,
      %parallel_loop3A_1258 = arith.constant 59 : i32
      %parallel_loop3A_1259 = vector.broadcast %parallel_loop3A_1258 : i32 to vector<16xi32>
      %parallel_loop3A_1260 = arith.addi %parallel_loop3A_797, %parallel_loop3A_1259 : vector<16xi32>
      %parallel_loop3A_1261 = tpu.vector_load_idx %arg7[%parallel_loop3A_1260] : memref<2080xf32, #tpu.memory_space<vmem>>[vector<16xi32>], vector<16xf32>,
      %parallel_loop3A_1262 = arith.constant 60 : i32
      %parallel_loop3A_1263 = vector.broadcast %parallel_loop3A_1262 : i32 to vector<16xi32>
      %parallel_loop3A_1264 = arith.addi %parallel_loop3A_797, %parallel_loop3A_1263 : vector<16xi32>
      %parallel_loop3A_1265 = tpu.vector_load_idx %arg7[%parallel_loop3A_1264] : memref<2080xf32, #tpu.memory_space<vmem>>[vector<16xi32>], vector<16xf32>,
      %parallel_loop3A_1266 = arith.constant 61 : i32
      %parallel_loop3A_1267 = vector.broadcast %parallel_loop3A_1266 : i32 to vector<16xi32>
      %parallel_loop3A_1268 = arith.addi %parallel_loop3A_797, %parallel_loop3A_1267 : vector<16xi32>
      %parallel_loop3A_1269 = tpu.vector_load_idx %arg7[%parallel_loop3A_1268] : memref<2080xf32, #tpu.memory_space<vmem>>[vector<16xi32>], vector<16xf32>,
      %parallel_loop3A_1270 = arith.constant 62 : i32
      %parallel_loop3A_1271 = vector.broadcast %parallel_loop3A_1270 : i32 to vector<16xi32>
      %parallel_loop3A_1272 = arith.addi %parallel_loop3A_797, %parallel_loop3A_1271 : vector<16xi32>
      %parallel_loop3A_1273 = tpu.vector_load_idx %arg7[%parallel_loop3A_1272] : memref<2080xf32, #tpu.memory_space<vmem>>[vector<16xi32>], vector<16xf32>,
      %parallel_loop3A_1274 = arith.constant 63 : i32
      %parallel_loop3A_1275 = vector.broadcast %parallel_loop3A_1274 : i32 to vector<16xi32>
      %parallel_loop3A_1276 = arith.addi %parallel_loop3A_797, %parallel_loop3A_1275 : vector<16xi32>
      %parallel_loop3A_1277 = tpu.vector_load_idx %arg7[%parallel_loop3A_1276] : memref<2080xf32, #tpu.memory_space<vmem>>[vector<16xi32>], vector<16xf32>,
      %parallel_loop3A_1278 = arith.constant 56 : i32
      %parallel_loop3A_1279 = arith.index_cast %parallel_loop3A_1278 : i32 to index
      %parallel_loop3A_1280 = arith.index_cast %parallel_loop3A_792 : i32 to index
      %parallel_loop3A_1281 = tpu.vector_load %arg8[%parallel_loop3A_1279, %parallel_loop3A_1280] {strides = array<i32>} : memref<64x513xf32, #tpu.memory_space<vmem>>, vector<16xf32>,
      tpu.vector_store %arg8[%parallel_loop3A_1279, %parallel_loop3A_1280], %parallel_loop3A_1249 {strides = array<i32>} : memref<64x513xf32, #tpu.memory_space<vmem>>, vector<16xf32>,
      %parallel_loop3A_1282 = arith.constant 57 : i32
      %parallel_loop3A_1283 = arith.index_cast %parallel_loop3A_1282 : i32 to index
      %parallel_loop3A_1284 = arith.index_cast %parallel_loop3A_792 : i32 to index
      %parallel_loop3A_1285 = tpu.vector_load %arg8[%parallel_loop3A_1283, %parallel_loop3A_1284] {strides = array<i32>} : memref<64x513xf32, #tpu.memory_space<vmem>>, vector<16xf32>,
      tpu.vector_store %arg8[%parallel_loop3A_1283, %parallel_loop3A_1284], %parallel_loop3A_1253 {strides = array<i32>} : memref<64x513xf32, #tpu.memory_space<vmem>>, vector<16xf32>,
      %parallel_loop3A_1286 = arith.constant 58 : i32
      %parallel_loop3A_1287 = arith.index_cast %parallel_loop3A_1286 : i32 to index
      %parallel_loop3A_1288 = arith.index_cast %parallel_loop3A_792 : i32 to index
      %parallel_loop3A_1289 = tpu.vector_load %arg8[%parallel_loop3A_1287, %parallel_loop3A_1288] {strides = array<i32>} : memref<64x513xf32, #tpu.memory_space<vmem>>, vector<16xf32>,
      tpu.vector_store %arg8[%parallel_loop3A_1287, %parallel_loop3A_1288], %parallel_loop3A_1257 {strides = array<i32>} : memref<64x513xf32, #tpu.memory_space<vmem>>, vector<16xf32>,
      %parallel_loop3A_1290 = arith.constant 59 : i32
      %parallel_loop3A_1291 = arith.index_cast %parallel_loop3A_1290 : i32 to index
      %parallel_loop3A_1292 = arith.index_cast %parallel_loop3A_792 : i32 to index
      %parallel_loop3A_1293 = tpu.vector_load %arg8[%parallel_loop3A_1291, %parallel_loop3A_1292] {strides = array<i32>} : memref<64x513xf32, #tpu.memory_space<vmem>>, vector<16xf32>,
      tpu.vector_store %arg8[%parallel_loop3A_1291, %parallel_loop3A_1292], %parallel_loop3A_1261 {strides = array<i32>} : memref<64x513xf32, #tpu.memory_space<vmem>>, vector<16xf32>,
      %parallel_loop3A_1294 = arith.constant 60 : i32
      %parallel_loop3A_1295 = arith.index_cast %parallel_loop3A_1294 : i32 to index
      %parallel_loop3A_1296 = arith.index_cast %parallel_loop3A_792 : i32 to index
      %parallel_loop3A_1297 = tpu.vector_load %arg8[%parallel_loop3A_1295, %parallel_loop3A_1296] {strides = array<i32>} : memref<64x513xf32, #tpu.memory_space<vmem>>, vector<16xf32>,
      tpu.vector_store %arg8[%parallel_loop3A_1295, %parallel_loop3A_1296], %parallel_loop3A_1265 {strides = array<i32>} : memref<64x513xf32, #tpu.memory_space<vmem>>, vector<16xf32>,
      %parallel_loop3A_1298 = arith.constant 61 : i32
      %parallel_loop3A_1299 = arith.index_cast %parallel_loop3A_1298 : i32 to index
      %parallel_loop3A_1300 = arith.index_cast %parallel_loop3A_792 : i32 to index
      %parallel_loop3A_1301 = tpu.vector_load %arg8[%parallel_loop3A_1299, %parallel_loop3A_1300] {strides = array<i32>} : memref<64x513xf32, #tpu.memory_space<vmem>>, vector<16xf32>,
      tpu.vector_store %arg8[%parallel_loop3A_1299, %parallel_loop3A_1300], %parallel_loop3A_1269 {strides = array<i32>} : memref<64x513xf32, #tpu.memory_space<vmem>>, vector<16xf32>,
      %parallel_loop3A_1302 = arith.constant 62 : i32
      %parallel_loop3A_1303 = arith.index_cast %parallel_loop3A_1302 : i32 to index
      %parallel_loop3A_1304 = arith.index_cast %parallel_loop3A_792 : i32 to index
      %parallel_loop3A_1305 = tpu.vector_load %arg8[%parallel_loop3A_1303, %parallel_loop3A_1304] {strides = array<i32>} : memref<64x513xf32, #tpu.memory_space<vmem>>, vector<16xf32>,
      tpu.vector_store %arg8[%parallel_loop3A_1303, %parallel_loop3A_1304], %parallel_loop3A_1273 {strides = array<i32>} : memref<64x513xf32, #tpu.memory_space<vmem>>, vector<16xf32>,
      %parallel_loop3A_1306 = arith.constant 63 : i32
      %parallel_loop3A_1307 = arith.index_cast %parallel_loop3A_1306 : i32 to index
      %parallel_loop3A_1308 = arith.index_cast %parallel_loop3A_792 : i32 to index
      %parallel_loop3A_1309 = tpu.vector_load %arg8[%parallel_loop3A_1307, %parallel_loop3A_1308] {strides = array<i32>} : memref<64x513xf32, #tpu.memory_space<vmem>>, vector<16xf32>,
      tpu.vector_store %arg8[%parallel_loop3A_1307, %parallel_loop3A_1308], %parallel_loop3A_1277 {strides = array<i32>} : memref<64x513xf32, #tpu.memory_space<vmem>>, vector<16xf32>,
    } {sc.loop_unroll_factor = 1 : i64, sc.parallel_access}
    %not3A = arith.constant true
    %not3A_774 = arith.xori %eq3A_771, %not3A : i1
    %convert_element_type3A = arith.extui %not3A_774 : i1 to i32
    %cond3A = arith.constant 0 : i32
    %cond3A_775 = arith.cmpi ne, %convert_element_type3A, %cond3A : i32
    scf.if %cond3A_775 {
      %dma_start3A_790 = arith.constant 0 : i32
      %dma_start3A_791 = arith.constant 0 : i32
      %dma_start3A_792 = arith.constant 0 : i32
      %dma_start3A_793 = tpu.memref_slice %arg8[%dma_start3A_791, %dma_start3A_792] : memref<64x513xf32, #tpu.memory_space<vmem>> -> memref<64x256xf32, #tpu.memory_space<vmem>>
      %dma_start3A_794 = arith.constant 0 : i32
      %dma_start3A_795 = tpu.memref_slice %arg4[%dma_start3A_790, %dma_start3A_794, %mul3A_2] : memref<2x64x16385xf32, #tpu.memory_space<hbm>> -> memref<1x64x256xf32, #tpu.memory_space<hbm>>
      %dma_start3A_796 = tpu.memref_squeeze %dma_start3A_795 : memref<1x64x256xf32, #tpu.memory_space<hbm>> -> memref<64x256xf32, #tpu.memory_space<hbm>>
      %dma_start3A_797 = arith.constant 0 : i32
      %dma_start3A_798 = tpu.memref_slice %arg4[%dma_start3A_790, %dma_start3A_797, %mul3A_2] : memref<2x64x16385xf32, #tpu.memory_space<hbm>> -> memref<1x64x256xf32, #tpu.memory_space<hbm>>
      %dma_start3A_799 = tpu.memref_squeeze %dma_start3A_798 : memref<1x64x256xf32, #tpu.memory_space<hbm>> -> memref<64x256xf32, #tpu.memory_space<hbm>>
      %dma_start3A_800 = arith.constant 0 : i32
      %dma_start3A_801 = arith.constant 0 : i32
      %dma_start3A_802 = tpu.memref_slice %arg8[%dma_start3A_800, %dma_start3A_801] : memref<64x513xf32, #tpu.memory_space<vmem>> -> memref<64x256xf32, #tpu.memory_space<vmem>>
      tpu.enqueue_dma source(%dma_start3A_802 : memref<64x256xf32, #tpu.memory_space<vmem>>) target(%dma_start3A_799 : memref<64x256xf32, #tpu.memory_space<hbm>>) target_semaphore(%arg9 : memref<!tpu.dma_semaphore, #tpu.memory_space<semaphore_mem>>)
      %dma_start3A_803 = arith.constant 1 : i32
      %dma_start3A_804 = arith.constant 0 : i32
      %dma_start3A_805 = arith.constant 0 : i32
      %dma_start3A_806 = tpu.memref_slice %arg8[%dma_start3A_804, %dma_start3A_805] : memref<64x513xf32, #tpu.memory_space<vmem>> -> memref<64x256xf32, #tpu.memory_space<vmem>>
      %dma_start3A_807 = arith.constant 0 : i32
      %dma_start3A_808 = tpu.memref_slice %arg4[%dma_start3A_803, %dma_start3A_807, %mul3A_2] : memref<2x64x16385xf32, #tpu.memory_space<hbm>> -> memref<1x64x256xf32, #tpu.memory_space<hbm>>
      %dma_start3A_809 = tpu.memref_squeeze %dma_start3A_808 : memref<1x64x256xf32, #tpu.memory_space<hbm>> -> memref<64x256xf32, #tpu.memory_space<hbm>>
      %dma_start3A_810 = arith.constant 0 : i32
      %dma_start3A_811 = tpu.memref_slice %arg4[%dma_start3A_803, %dma_start3A_810, %mul3A_2] : memref<2x64x16385xf32, #tpu.memory_space<hbm>> -> memref<1x64x256xf32, #tpu.memory_space<hbm>>
      %dma_start3A_812 = tpu.memref_squeeze %dma_start3A_811 : memref<1x64x256xf32, #tpu.memory_space<hbm>> -> memref<64x256xf32, #tpu.memory_space<hbm>>
      %dma_start3A_813 = arith.constant 0 : i32
      %dma_start3A_814 = arith.constant 0 : i32
      %dma_start3A_815 = tpu.memref_slice %arg8[%dma_start3A_813, %dma_start3A_814] : memref<64x513xf32, #tpu.memory_space<vmem>> -> memref<64x256xf32, #tpu.memory_space<vmem>>
      tpu.enqueue_dma source(%dma_start3A_815 : memref<64x256xf32, #tpu.memory_space<vmem>>) target(%dma_start3A_812 : memref<64x256xf32, #tpu.memory_space<hbm>>) target_semaphore(%arg10 : memref<!tpu.dma_semaphore, #tpu.memory_space<semaphore_mem>>)
    } else {
    }
    %parallel_loop3A_776 = arith.constant 16 : i32
    %parallel_loop3A_777 = arith.constant 32 : i32
    %parallel_loop3A_778 = arith.constant 1 : i32
    scf.for %parallel_loop3A_790 = %parallel_loop3A_776 to %parallel_loop3A_777 step %parallel_loop3A_778  : i32 {
      %parallel_loop3A_791 = arith.constant 16 : i32
      %parallel_loop3A_792 = arith.muli %parallel_loop3A_790, %parallel_loop3A_791 : i32
      %parallel_loop3A_793 = arith.index_cast %parallel_loop3A_792 : i32 to index
      %parallel_loop3A_794 = tpu.vector_load %arg5[%parallel_loop3A_793] {strides = array<i32>} : memref<528xi32, #tpu.memory_space<vmem>>, vector<16xi32>,
      %parallel_loop3A_795 = arith.constant 65 : i32
      %parallel_loop3A_796 = vector.broadcast %parallel_loop3A_795 : i32 to vector<16xi32>
      %parallel_loop3A_797 = arith.muli %parallel_loop3A_794, %parallel_loop3A_796 : vector<16xi32>
      %parallel_loop3A_798 = arith.constant 0 : i32
      %parallel_loop3A_799 = vector.broadcast %parallel_loop3A_798 : i32 to vector<16xi32>
      %parallel_loop3A_800 = arith.addi %parallel_loop3A_797, %parallel_loop3A_799 : vector<16xi32>
      %parallel_loop3A_801 = tpu.vector_load_idx %arg7[%parallel_loop3A_800] : memref<2080xf32, #tpu.memory_space<vmem>>[vector<16xi32>], vector<16xf32>,
      %parallel_loop3A_802 = arith.constant 1 : i32
      %parallel_loop3A_803 = vector.broadcast %parallel_loop3A_802 : i32 to vector<16xi32>
      %parallel_loop3A_804 = arith.addi %parallel_loop3A_797, %parallel_loop3A_803 : vector<16xi32>
      %parallel_loop3A_805 = tpu.vector_load_idx %arg7[%parallel_loop3A_804] : memref<2080xf32, #tpu.memory_space<vmem>>[vector<16xi32>], vector<16xf32>,
      %parallel_loop3A_806 = arith.constant 2 : i32
      %parallel_loop3A_807 = vector.broadcast %parallel_loop3A_806 : i32 to vector<16xi32>
      %parallel_loop3A_808 = arith.addi %parallel_loop3A_797, %parallel_loop3A_807 : vector<16xi32>
      %parallel_loop3A_809 = tpu.vector_load_idx %arg7[%parallel_loop3A_808] : memref<2080xf32, #tpu.memory_space<vmem>>[vector<16xi32>], vector<16xf32>,
      %parallel_loop3A_810 = arith.constant 3 : i32
      %parallel_loop3A_811 = vector.broadcast %parallel_loop3A_810 : i32 to vector<16xi32>
      %parallel_loop3A_812 = arith.addi %parallel_loop3A_797, %parallel_loop3A_811 : vector<16xi32>
      %parallel_loop3A_813 = tpu.vector_load_idx %arg7[%parallel_loop3A_812] : memref<2080xf32, #tpu.memory_space<vmem>>[vector<16xi32>], vector<16xf32>,
      %parallel_loop3A_814 = arith.constant 4 : i32
      %parallel_loop3A_815 = vector.broadcast %parallel_loop3A_814 : i32 to vector<16xi32>
      %parallel_loop3A_816 = arith.addi %parallel_loop3A_797, %parallel_loop3A_815 : vector<16xi32>
      %parallel_loop3A_817 = tpu.vector_load_idx %arg7[%parallel_loop3A_816] : memref<2080xf32, #tpu.memory_space<vmem>>[vector<16xi32>], vector<16xf32>,
      %parallel_loop3A_818 = arith.constant 5 : i32
      %parallel_loop3A_819 = vector.broadcast %parallel_loop3A_818 : i32 to vector<16xi32>
      %parallel_loop3A_820 = arith.addi %parallel_loop3A_797, %parallel_loop3A_819 : vector<16xi32>
      %parallel_loop3A_821 = tpu.vector_load_idx %arg7[%parallel_loop3A_820] : memref<2080xf32, #tpu.memory_space<vmem>>[vector<16xi32>], vector<16xf32>,
      %parallel_loop3A_822 = arith.constant 6 : i32
      %parallel_loop3A_823 = vector.broadcast %parallel_loop3A_822 : i32 to vector<16xi32>
      %parallel_loop3A_824 = arith.addi %parallel_loop3A_797, %parallel_loop3A_823 : vector<16xi32>
      %parallel_loop3A_825 = tpu.vector_load_idx %arg7[%parallel_loop3A_824] : memref<2080xf32, #tpu.memory_space<vmem>>[vector<16xi32>], vector<16xf32>,
      %parallel_loop3A_826 = arith.constant 7 : i32
      %parallel_loop3A_827 = vector.broadcast %parallel_loop3A_826 : i32 to vector<16xi32>
      %parallel_loop3A_828 = arith.addi %parallel_loop3A_797, %parallel_loop3A_827 : vector<16xi32>
      %parallel_loop3A_829 = tpu.vector_load_idx %arg7[%parallel_loop3A_828] : memref<2080xf32, #tpu.memory_space<vmem>>[vector<16xi32>], vector<16xf32>,
      %parallel_loop3A_830 = arith.constant 0 : i32
      %parallel_loop3A_831 = arith.index_cast %parallel_loop3A_830 : i32 to index
      %parallel_loop3A_832 = arith.index_cast %parallel_loop3A_792 : i32 to index
      %parallel_loop3A_833 = tpu.vector_load %arg8[%parallel_loop3A_831, %parallel_loop3A_832] {strides = array<i32>} : memref<64x513xf32, #tpu.memory_space<vmem>>, vector<16xf32>,
      tpu.vector_store %arg8[%parallel_loop3A_831, %parallel_loop3A_832], %parallel_loop3A_801 {strides = array<i32>} : memref<64x513xf32, #tpu.memory_space<vmem>>, vector<16xf32>,
      %parallel_loop3A_834 = arith.constant 1 : i32
      %parallel_loop3A_835 = arith.index_cast %parallel_loop3A_834 : i32 to index
      %parallel_loop3A_836 = arith.index_cast %parallel_loop3A_792 : i32 to index
      %parallel_loop3A_837 = tpu.vector_load %arg8[%parallel_loop3A_835, %parallel_loop3A_836] {strides = array<i32>} : memref<64x513xf32, #tpu.memory_space<vmem>>, vector<16xf32>,
      tpu.vector_store %arg8[%parallel_loop3A_835, %parallel_loop3A_836], %parallel_loop3A_805 {strides = array<i32>} : memref<64x513xf32, #tpu.memory_space<vmem>>, vector<16xf32>,
      %parallel_loop3A_838 = arith.constant 2 : i32
      %parallel_loop3A_839 = arith.index_cast %parallel_loop3A_838 : i32 to index
      %parallel_loop3A_840 = arith.index_cast %parallel_loop3A_792 : i32 to index
      %parallel_loop3A_841 = tpu.vector_load %arg8[%parallel_loop3A_839, %parallel_loop3A_840] {strides = array<i32>} : memref<64x513xf32, #tpu.memory_space<vmem>>, vector<16xf32>,
      tpu.vector_store %arg8[%parallel_loop3A_839, %parallel_loop3A_840], %parallel_loop3A_809 {strides = array<i32>} : memref<64x513xf32, #tpu.memory_space<vmem>>, vector<16xf32>,
      %parallel_loop3A_842 = arith.constant 3 : i32
      %parallel_loop3A_843 = arith.index_cast %parallel_loop3A_842 : i32 to index
      %parallel_loop3A_844 = arith.index_cast %parallel_loop3A_792 : i32 to index
      %parallel_loop3A_845 = tpu.vector_load %arg8[%parallel_loop3A_843, %parallel_loop3A_844] {strides = array<i32>} : memref<64x513xf32, #tpu.memory_space<vmem>>, vector<16xf32>,
      tpu.vector_store %arg8[%parallel_loop3A_843, %parallel_loop3A_844], %parallel_loop3A_813 {strides = array<i32>} : memref<64x513xf32, #tpu.memory_space<vmem>>, vector<16xf32>,
      %parallel_loop3A_846 = arith.constant 4 : i32
      %parallel_loop3A_847 = arith.index_cast %parallel_loop3A_846 : i32 to index
      %parallel_loop3A_848 = arith.index_cast %parallel_loop3A_792 : i32 to index
      %parallel_loop3A_849 = tpu.vector_load %arg8[%parallel_loop3A_847, %parallel_loop3A_848] {strides = array<i32>} : memref<64x513xf32, #tpu.memory_space<vmem>>, vector<16xf32>,
      tpu.vector_store %arg8[%parallel_loop3A_847, %parallel_loop3A_848], %parallel_loop3A_817 {strides = array<i32>} : memref<64x513xf32, #tpu.memory_space<vmem>>, vector<16xf32>,
      %parallel_loop3A_850 = arith.constant 5 : i32
      %parallel_loop3A_851 = arith.index_cast %parallel_loop3A_850 : i32 to index
      %parallel_loop3A_852 = arith.index_cast %parallel_loop3A_792 : i32 to index
      %parallel_loop3A_853 = tpu.vector_load %arg8[%parallel_loop3A_851, %parallel_loop3A_852] {strides = array<i32>} : memref<64x513xf32, #tpu.memory_space<vmem>>, vector<16xf32>,
      tpu.vector_store %arg8[%parallel_loop3A_851, %parallel_loop3A_852], %parallel_loop3A_821 {strides = array<i32>} : memref<64x513xf32, #tpu.memory_space<vmem>>, vector<16xf32>,
      %parallel_loop3A_854 = arith.constant 6 : i32
      %parallel_loop3A_855 = arith.index_cast %parallel_loop3A_854 : i32 to index
      %parallel_loop3A_856 = arith.index_cast %parallel_loop3A_792 : i32 to index
      %parallel_loop3A_857 = tpu.vector_load %arg8[%parallel_loop3A_855, %parallel_loop3A_856] {strides = array<i32>} : memref<64x513xf32, #tpu.memory_space<vmem>>, vector<16xf32>,
      tpu.vector_store %arg8[%parallel_loop3A_855, %parallel_loop3A_856], %parallel_loop3A_825 {strides = array<i32>} : memref<64x513xf32, #tpu.memory_space<vmem>>, vector<16xf32>,
      %parallel_loop3A_858 = arith.constant 7 : i32
      %parallel_loop3A_859 = arith.index_cast %parallel_loop3A_858 : i32 to index
      %parallel_loop3A_860 = arith.index_cast %parallel_loop3A_792 : i32 to index
      %parallel_loop3A_861 = tpu.vector_load %arg8[%parallel_loop3A_859, %parallel_loop3A_860] {strides = array<i32>} : memref<64x513xf32, #tpu.memory_space<vmem>>, vector<16xf32>,
      tpu.vector_store %arg8[%parallel_loop3A_859, %parallel_loop3A_860], %parallel_loop3A_829 {strides = array<i32>} : memref<64x513xf32, #tpu.memory_space<vmem>>, vector<16xf32>,
      %parallel_loop3A_862 = arith.constant 8 : i32
      %parallel_loop3A_863 = vector.broadcast %parallel_loop3A_862 : i32 to vector<16xi32>
      %parallel_loop3A_864 = arith.addi %parallel_loop3A_797, %parallel_loop3A_863 : vector<16xi32>
      %parallel_loop3A_865 = tpu.vector_load_idx %arg7[%parallel_loop3A_864] : memref<2080xf32, #tpu.memory_space<vmem>>[vector<16xi32>], vector<16xf32>,
      %parallel_loop3A_866 = arith.constant 9 : i32
      %parallel_loop3A_867 = vector.broadcast %parallel_loop3A_866 : i32 to vector<16xi32>
      %parallel_loop3A_868 = arith.addi %parallel_loop3A_797, %parallel_loop3A_867 : vector<16xi32>
      %parallel_loop3A_869 = tpu.vector_load_idx %arg7[%parallel_loop3A_868] : memref<2080xf32, #tpu.memory_space<vmem>>[vector<16xi32>], vector<16xf32>,
      %parallel_loop3A_870 = arith.constant 10 : i32
      %parallel_loop3A_871 = vector.broadcast %parallel_loop3A_870 : i32 to vector<16xi32>
      %parallel_loop3A_872 = arith.addi %parallel_loop3A_797, %parallel_loop3A_871 : vector<16xi32>
      %parallel_loop3A_873 = tpu.vector_load_idx %arg7[%parallel_loop3A_872] : memref<2080xf32, #tpu.memory_space<vmem>>[vector<16xi32>], vector<16xf32>,
      %parallel_loop3A_874 = arith.constant 11 : i32
      %parallel_loop3A_875 = vector.broadcast %parallel_loop3A_874 : i32 to vector<16xi32>
      %parallel_loop3A_876 = arith.addi %parallel_loop3A_797, %parallel_loop3A_875 : vector<16xi32>
      %parallel_loop3A_877 = tpu.vector_load_idx %arg7[%parallel_loop3A_876] : memref<2080xf32, #tpu.memory_space<vmem>>[vector<16xi32>], vector<16xf32>,
      %parallel_loop3A_878 = arith.constant 12 : i32
      %parallel_loop3A_879 = vector.broadcast %parallel_loop3A_878 : i32 to vector<16xi32>
      %parallel_loop3A_880 = arith.addi %parallel_loop3A_797, %parallel_loop3A_879 : vector<16xi32>
      %parallel_loop3A_881 = tpu.vector_load_idx %arg7[%parallel_loop3A_880] : memref<2080xf32, #tpu.memory_space<vmem>>[vector<16xi32>], vector<16xf32>,
      %parallel_loop3A_882 = arith.constant 13 : i32
      %parallel_loop3A_883 = vector.broadcast %parallel_loop3A_882 : i32 to vector<16xi32>
      %parallel_loop3A_884 = arith.addi %parallel_loop3A_797, %parallel_loop3A_883 : vector<16xi32>
      %parallel_loop3A_885 = tpu.vector_load_idx %arg7[%parallel_loop3A_884] : memref<2080xf32, #tpu.memory_space<vmem>>[vector<16xi32>], vector<16xf32>,
      %parallel_loop3A_886 = arith.constant 14 : i32
      %parallel_loop3A_887 = vector.broadcast %parallel_loop3A_886 : i32 to vector<16xi32>
      %parallel_loop3A_888 = arith.addi %parallel_loop3A_797, %parallel_loop3A_887 : vector<16xi32>
      %parallel_loop3A_889 = tpu.vector_load_idx %arg7[%parallel_loop3A_888] : memref<2080xf32, #tpu.memory_space<vmem>>[vector<16xi32>], vector<16xf32>,
      %parallel_loop3A_890 = arith.constant 15 : i32
      %parallel_loop3A_891 = vector.broadcast %parallel_loop3A_890 : i32 to vector<16xi32>
      %parallel_loop3A_892 = arith.addi %parallel_loop3A_797, %parallel_loop3A_891 : vector<16xi32>
      %parallel_loop3A_893 = tpu.vector_load_idx %arg7[%parallel_loop3A_892] : memref<2080xf32, #tpu.memory_space<vmem>>[vector<16xi32>], vector<16xf32>,
      %parallel_loop3A_894 = arith.constant 8 : i32
      %parallel_loop3A_895 = arith.index_cast %parallel_loop3A_894 : i32 to index
      %parallel_loop3A_896 = arith.index_cast %parallel_loop3A_792 : i32 to index
      %parallel_loop3A_897 = tpu.vector_load %arg8[%parallel_loop3A_895, %parallel_loop3A_896] {strides = array<i32>} : memref<64x513xf32, #tpu.memory_space<vmem>>, vector<16xf32>,
      tpu.vector_store %arg8[%parallel_loop3A_895, %parallel_loop3A_896], %parallel_loop3A_865 {strides = array<i32>} : memref<64x513xf32, #tpu.memory_space<vmem>>, vector<16xf32>,
      %parallel_loop3A_898 = arith.constant 9 : i32
      %parallel_loop3A_899 = arith.index_cast %parallel_loop3A_898 : i32 to index
      %parallel_loop3A_900 = arith.index_cast %parallel_loop3A_792 : i32 to index
      %parallel_loop3A_901 = tpu.vector_load %arg8[%parallel_loop3A_899, %parallel_loop3A_900] {strides = array<i32>} : memref<64x513xf32, #tpu.memory_space<vmem>>, vector<16xf32>,
      tpu.vector_store %arg8[%parallel_loop3A_899, %parallel_loop3A_900], %parallel_loop3A_869 {strides = array<i32>} : memref<64x513xf32, #tpu.memory_space<vmem>>, vector<16xf32>,
      %parallel_loop3A_902 = arith.constant 10 : i32
      %parallel_loop3A_903 = arith.index_cast %parallel_loop3A_902 : i32 to index
      %parallel_loop3A_904 = arith.index_cast %parallel_loop3A_792 : i32 to index
      %parallel_loop3A_905 = tpu.vector_load %arg8[%parallel_loop3A_903, %parallel_loop3A_904] {strides = array<i32>} : memref<64x513xf32, #tpu.memory_space<vmem>>, vector<16xf32>,
      tpu.vector_store %arg8[%parallel_loop3A_903, %parallel_loop3A_904], %parallel_loop3A_873 {strides = array<i32>} : memref<64x513xf32, #tpu.memory_space<vmem>>, vector<16xf32>,
      %parallel_loop3A_906 = arith.constant 11 : i32
      %parallel_loop3A_907 = arith.index_cast %parallel_loop3A_906 : i32 to index
      %parallel_loop3A_908 = arith.index_cast %parallel_loop3A_792 : i32 to index
      %parallel_loop3A_909 = tpu.vector_load %arg8[%parallel_loop3A_907, %parallel_loop3A_908] {strides = array<i32>} : memref<64x513xf32, #tpu.memory_space<vmem>>, vector<16xf32>,
      tpu.vector_store %arg8[%parallel_loop3A_907, %parallel_loop3A_908], %parallel_loop3A_877 {strides = array<i32>} : memref<64x513xf32, #tpu.memory_space<vmem>>, vector<16xf32>,
      %parallel_loop3A_910 = arith.constant 12 : i32
      %parallel_loop3A_911 = arith.index_cast %parallel_loop3A_910 : i32 to index
      %parallel_loop3A_912 = arith.index_cast %parallel_loop3A_792 : i32 to index
      %parallel_loop3A_913 = tpu.vector_load %arg8[%parallel_loop3A_911, %parallel_loop3A_912] {strides = array<i32>} : memref<64x513xf32, #tpu.memory_space<vmem>>, vector<16xf32>,
      tpu.vector_store %arg8[%parallel_loop3A_911, %parallel_loop3A_912], %parallel_loop3A_881 {strides = array<i32>} : memref<64x513xf32, #tpu.memory_space<vmem>>, vector<16xf32>,
      %parallel_loop3A_914 = arith.constant 13 : i32
      %parallel_loop3A_915 = arith.index_cast %parallel_loop3A_914 : i32 to index
      %parallel_loop3A_916 = arith.index_cast %parallel_loop3A_792 : i32 to index
      %parallel_loop3A_917 = tpu.vector_load %arg8[%parallel_loop3A_915, %parallel_loop3A_916] {strides = array<i32>} : memref<64x513xf32, #tpu.memory_space<vmem>>, vector<16xf32>,
      tpu.vector_store %arg8[%parallel_loop3A_915, %parallel_loop3A_916], %parallel_loop3A_885 {strides = array<i32>} : memref<64x513xf32, #tpu.memory_space<vmem>>, vector<16xf32>,
      %parallel_loop3A_918 = arith.constant 14 : i32
      %parallel_loop3A_919 = arith.index_cast %parallel_loop3A_918 : i32 to index
      %parallel_loop3A_920 = arith.index_cast %parallel_loop3A_792 : i32 to index
      %parallel_loop3A_921 = tpu.vector_load %arg8[%parallel_loop3A_919, %parallel_loop3A_920] {strides = array<i32>} : memref<64x513xf32, #tpu.memory_space<vmem>>, vector<16xf32>,
      tpu.vector_store %arg8[%parallel_loop3A_919, %parallel_loop3A_920], %parallel_loop3A_889 {strides = array<i32>} : memref<64x513xf32, #tpu.memory_space<vmem>>, vector<16xf32>,
      %parallel_loop3A_922 = arith.constant 15 : i32
      %parallel_loop3A_923 = arith.index_cast %parallel_loop3A_922 : i32 to index
      %parallel_loop3A_924 = arith.index_cast %parallel_loop3A_792 : i32 to index
      %parallel_loop3A_925 = tpu.vector_load %arg8[%parallel_loop3A_923, %parallel_loop3A_924] {strides = array<i32>} : memref<64x513xf32, #tpu.memory_space<vmem>>, vector<16xf32>,
      tpu.vector_store %arg8[%parallel_loop3A_923, %parallel_loop3A_924], %parallel_loop3A_893 {strides = array<i32>} : memref<64x513xf32, #tpu.memory_space<vmem>>, vector<16xf32>,
      %parallel_loop3A_926 = arith.constant 16 : i32
      %parallel_loop3A_927 = vector.broadcast %parallel_loop3A_926 : i32 to vector<16xi32>
      %parallel_loop3A_928 = arith.addi %parallel_loop3A_797, %parallel_loop3A_927 : vector<16xi32>
      %parallel_loop3A_929 = tpu.vector_load_idx %arg7[%parallel_loop3A_928] : memref<2080xf32, #tpu.memory_space<vmem>>[vector<16xi32>], vector<16xf32>,
      %parallel_loop3A_930 = arith.constant 17 : i32
      %parallel_loop3A_931 = vector.broadcast %parallel_loop3A_930 : i32 to vector<16xi32>
      %parallel_loop3A_932 = arith.addi %parallel_loop3A_797, %parallel_loop3A_931 : vector<16xi32>
      %parallel_loop3A_933 = tpu.vector_load_idx %arg7[%parallel_loop3A_932] : memref<2080xf32, #tpu.memory_space<vmem>>[vector<16xi32>], vector<16xf32>,
      %parallel_loop3A_934 = arith.constant 18 : i32
      %parallel_loop3A_935 = vector.broadcast %parallel_loop3A_934 : i32 to vector<16xi32>
      %parallel_loop3A_936 = arith.addi %parallel_loop3A_797, %parallel_loop3A_935 : vector<16xi32>
      %parallel_loop3A_937 = tpu.vector_load_idx %arg7[%parallel_loop3A_936] : memref<2080xf32, #tpu.memory_space<vmem>>[vector<16xi32>], vector<16xf32>,
      %parallel_loop3A_938 = arith.constant 19 : i32
      %parallel_loop3A_939 = vector.broadcast %parallel_loop3A_938 : i32 to vector<16xi32>
      %parallel_loop3A_940 = arith.addi %parallel_loop3A_797, %parallel_loop3A_939 : vector<16xi32>
      %parallel_loop3A_941 = tpu.vector_load_idx %arg7[%parallel_loop3A_940] : memref<2080xf32, #tpu.memory_space<vmem>>[vector<16xi32>], vector<16xf32>,
      %parallel_loop3A_942 = arith.constant 20 : i32
      %parallel_loop3A_943 = vector.broadcast %parallel_loop3A_942 : i32 to vector<16xi32>
      %parallel_loop3A_944 = arith.addi %parallel_loop3A_797, %parallel_loop3A_943 : vector<16xi32>
      %parallel_loop3A_945 = tpu.vector_load_idx %arg7[%parallel_loop3A_944] : memref<2080xf32, #tpu.memory_space<vmem>>[vector<16xi32>], vector<16xf32>,
      %parallel_loop3A_946 = arith.constant 21 : i32
      %parallel_loop3A_947 = vector.broadcast %parallel_loop3A_946 : i32 to vector<16xi32>
      %parallel_loop3A_948 = arith.addi %parallel_loop3A_797, %parallel_loop3A_947 : vector<16xi32>
      %parallel_loop3A_949 = tpu.vector_load_idx %arg7[%parallel_loop3A_948] : memref<2080xf32, #tpu.memory_space<vmem>>[vector<16xi32>], vector<16xf32>,
      %parallel_loop3A_950 = arith.constant 22 : i32
      %parallel_loop3A_951 = vector.broadcast %parallel_loop3A_950 : i32 to vector<16xi32>
      %parallel_loop3A_952 = arith.addi %parallel_loop3A_797, %parallel_loop3A_951 : vector<16xi32>
      %parallel_loop3A_953 = tpu.vector_load_idx %arg7[%parallel_loop3A_952] : memref<2080xf32, #tpu.memory_space<vmem>>[vector<16xi32>], vector<16xf32>,
      %parallel_loop3A_954 = arith.constant 23 : i32
      %parallel_loop3A_955 = vector.broadcast %parallel_loop3A_954 : i32 to vector<16xi32>
      %parallel_loop3A_956 = arith.addi %parallel_loop3A_797, %parallel_loop3A_955 : vector<16xi32>
      %parallel_loop3A_957 = tpu.vector_load_idx %arg7[%parallel_loop3A_956] : memref<2080xf32, #tpu.memory_space<vmem>>[vector<16xi32>], vector<16xf32>,
      %parallel_loop3A_958 = arith.constant 16 : i32
      %parallel_loop3A_959 = arith.index_cast %parallel_loop3A_958 : i32 to index
      %parallel_loop3A_960 = arith.index_cast %parallel_loop3A_792 : i32 to index
      %parallel_loop3A_961 = tpu.vector_load %arg8[%parallel_loop3A_959, %parallel_loop3A_960] {strides = array<i32>} : memref<64x513xf32, #tpu.memory_space<vmem>>, vector<16xf32>,
      tpu.vector_store %arg8[%parallel_loop3A_959, %parallel_loop3A_960], %parallel_loop3A_929 {strides = array<i32>} : memref<64x513xf32, #tpu.memory_space<vmem>>, vector<16xf32>,
      %parallel_loop3A_962 = arith.constant 17 : i32
      %parallel_loop3A_963 = arith.index_cast %parallel_loop3A_962 : i32 to index
      %parallel_loop3A_964 = arith.index_cast %parallel_loop3A_792 : i32 to index
      %parallel_loop3A_965 = tpu.vector_load %arg8[%parallel_loop3A_963, %parallel_loop3A_964] {strides = array<i32>} : memref<64x513xf32, #tpu.memory_space<vmem>>, vector<16xf32>,
      tpu.vector_store %arg8[%parallel_loop3A_963, %parallel_loop3A_964], %parallel_loop3A_933 {strides = array<i32>} : memref<64x513xf32, #tpu.memory_space<vmem>>, vector<16xf32>,
      %parallel_loop3A_966 = arith.constant 18 : i32
      %parallel_loop3A_967 = arith.index_cast %parallel_loop3A_966 : i32 to index
      %parallel_loop3A_968 = arith.index_cast %parallel_loop3A_792 : i32 to index
      %parallel_loop3A_969 = tpu.vector_load %arg8[%parallel_loop3A_967, %parallel_loop3A_968] {strides = array<i32>} : memref<64x513xf32, #tpu.memory_space<vmem>>, vector<16xf32>,
      tpu.vector_store %arg8[%parallel_loop3A_967, %parallel_loop3A_968], %parallel_loop3A_937 {strides = array<i32>} : memref<64x513xf32, #tpu.memory_space<vmem>>, vector<16xf32>,
      %parallel_loop3A_970 = arith.constant 19 : i32
      %parallel_loop3A_971 = arith.index_cast %parallel_loop3A_970 : i32 to index
      %parallel_loop3A_972 = arith.index_cast %parallel_loop3A_792 : i32 to index
      %parallel_loop3A_973 = tpu.vector_load %arg8[%parallel_loop3A_971, %parallel_loop3A_972] {strides = array<i32>} : memref<64x513xf32, #tpu.memory_space<vmem>>, vector<16xf32>,
      tpu.vector_store %arg8[%parallel_loop3A_971, %parallel_loop3A_972], %parallel_loop3A_941 {strides = array<i32>} : memref<64x513xf32, #tpu.memory_space<vmem>>, vector<16xf32>,
      %parallel_loop3A_974 = arith.constant 20 : i32
      %parallel_loop3A_975 = arith.index_cast %parallel_loop3A_974 : i32 to index
      %parallel_loop3A_976 = arith.index_cast %parallel_loop3A_792 : i32 to index
      %parallel_loop3A_977 = tpu.vector_load %arg8[%parallel_loop3A_975, %parallel_loop3A_976] {strides = array<i32>} : memref<64x513xf32, #tpu.memory_space<vmem>>, vector<16xf32>,
      tpu.vector_store %arg8[%parallel_loop3A_975, %parallel_loop3A_976], %parallel_loop3A_945 {strides = array<i32>} : memref<64x513xf32, #tpu.memory_space<vmem>>, vector<16xf32>,
      %parallel_loop3A_978 = arith.constant 21 : i32
      %parallel_loop3A_979 = arith.index_cast %parallel_loop3A_978 : i32 to index
      %parallel_loop3A_980 = arith.index_cast %parallel_loop3A_792 : i32 to index
      %parallel_loop3A_981 = tpu.vector_load %arg8[%parallel_loop3A_979, %parallel_loop3A_980] {strides = array<i32>} : memref<64x513xf32, #tpu.memory_space<vmem>>, vector<16xf32>,
      tpu.vector_store %arg8[%parallel_loop3A_979, %parallel_loop3A_980], %parallel_loop3A_949 {strides = array<i32>} : memref<64x513xf32, #tpu.memory_space<vmem>>, vector<16xf32>,
      %parallel_loop3A_982 = arith.constant 22 : i32
      %parallel_loop3A_983 = arith.index_cast %parallel_loop3A_982 : i32 to index
      %parallel_loop3A_984 = arith.index_cast %parallel_loop3A_792 : i32 to index
      %parallel_loop3A_985 = tpu.vector_load %arg8[%parallel_loop3A_983, %parallel_loop3A_984] {strides = array<i32>} : memref<64x513xf32, #tpu.memory_space<vmem>>, vector<16xf32>,
      tpu.vector_store %arg8[%parallel_loop3A_983, %parallel_loop3A_984], %parallel_loop3A_953 {strides = array<i32>} : memref<64x513xf32, #tpu.memory_space<vmem>>, vector<16xf32>,
      %parallel_loop3A_986 = arith.constant 23 : i32
      %parallel_loop3A_987 = arith.index_cast %parallel_loop3A_986 : i32 to index
      %parallel_loop3A_988 = arith.index_cast %parallel_loop3A_792 : i32 to index
      %parallel_loop3A_989 = tpu.vector_load %arg8[%parallel_loop3A_987, %parallel_loop3A_988] {strides = array<i32>} : memref<64x513xf32, #tpu.memory_space<vmem>>, vector<16xf32>,
      tpu.vector_store %arg8[%parallel_loop3A_987, %parallel_loop3A_988], %parallel_loop3A_957 {strides = array<i32>} : memref<64x513xf32, #tpu.memory_space<vmem>>, vector<16xf32>,
      %parallel_loop3A_990 = arith.constant 24 : i32
      %parallel_loop3A_991 = vector.broadcast %parallel_loop3A_990 : i32 to vector<16xi32>
      %parallel_loop3A_992 = arith.addi %parallel_loop3A_797, %parallel_loop3A_991 : vector<16xi32>
      %parallel_loop3A_993 = tpu.vector_load_idx %arg7[%parallel_loop3A_992] : memref<2080xf32, #tpu.memory_space<vmem>>[vector<16xi32>], vector<16xf32>,
      %parallel_loop3A_994 = arith.constant 25 : i32
      %parallel_loop3A_995 = vector.broadcast %parallel_loop3A_994 : i32 to vector<16xi32>
      %parallel_loop3A_996 = arith.addi %parallel_loop3A_797, %parallel_loop3A_995 : vector<16xi32>
      %parallel_loop3A_997 = tpu.vector_load_idx %arg7[%parallel_loop3A_996] : memref<2080xf32, #tpu.memory_space<vmem>>[vector<16xi32>], vector<16xf32>,
      %parallel_loop3A_998 = arith.constant 26 : i32
      %parallel_loop3A_999 = vector.broadcast %parallel_loop3A_998 : i32 to vector<16xi32>
      %parallel_loop3A_1000 = arith.addi %parallel_loop3A_797, %parallel_loop3A_999 : vector<16xi32>
      %parallel_loop3A_1001 = tpu.vector_load_idx %arg7[%parallel_loop3A_1000] : memref<2080xf32, #tpu.memory_space<vmem>>[vector<16xi32>], vector<16xf32>,
      %parallel_loop3A_1002 = arith.constant 27 : i32
      %parallel_loop3A_1003 = vector.broadcast %parallel_loop3A_1002 : i32 to vector<16xi32>
      %parallel_loop3A_1004 = arith.addi %parallel_loop3A_797, %parallel_loop3A_1003 : vector<16xi32>
      %parallel_loop3A_1005 = tpu.vector_load_idx %arg7[%parallel_loop3A_1004] : memref<2080xf32, #tpu.memory_space<vmem>>[vector<16xi32>], vector<16xf32>,
      %parallel_loop3A_1006 = arith.constant 28 : i32
      %parallel_loop3A_1007 = vector.broadcast %parallel_loop3A_1006 : i32 to vector<16xi32>
      %parallel_loop3A_1008 = arith.addi %parallel_loop3A_797, %parallel_loop3A_1007 : vector<16xi32>
      %parallel_loop3A_1009 = tpu.vector_load_idx %arg7[%parallel_loop3A_1008] : memref<2080xf32, #tpu.memory_space<vmem>>[vector<16xi32>], vector<16xf32>,
      %parallel_loop3A_1010 = arith.constant 29 : i32
      %parallel_loop3A_1011 = vector.broadcast %parallel_loop3A_1010 : i32 to vector<16xi32>
      %parallel_loop3A_1012 = arith.addi %parallel_loop3A_797, %parallel_loop3A_1011 : vector<16xi32>
      %parallel_loop3A_1013 = tpu.vector_load_idx %arg7[%parallel_loop3A_1012] : memref<2080xf32, #tpu.memory_space<vmem>>[vector<16xi32>], vector<16xf32>,
      %parallel_loop3A_1014 = arith.constant 30 : i32
      %parallel_loop3A_1015 = vector.broadcast %parallel_loop3A_1014 : i32 to vector<16xi32>
      %parallel_loop3A_1016 = arith.addi %parallel_loop3A_797, %parallel_loop3A_1015 : vector<16xi32>
      %parallel_loop3A_1017 = tpu.vector_load_idx %arg7[%parallel_loop3A_1016] : memref<2080xf32, #tpu.memory_space<vmem>>[vector<16xi32>], vector<16xf32>,
      %parallel_loop3A_1018 = arith.constant 31 : i32
      %parallel_loop3A_1019 = vector.broadcast %parallel_loop3A_1018 : i32 to vector<16xi32>
      %parallel_loop3A_1020 = arith.addi %parallel_loop3A_797, %parallel_loop3A_1019 : vector<16xi32>
      %parallel_loop3A_1021 = tpu.vector_load_idx %arg7[%parallel_loop3A_1020] : memref<2080xf32, #tpu.memory_space<vmem>>[vector<16xi32>], vector<16xf32>,
      %parallel_loop3A_1022 = arith.constant 24 : i32
      %parallel_loop3A_1023 = arith.index_cast %parallel_loop3A_1022 : i32 to index
      %parallel_loop3A_1024 = arith.index_cast %parallel_loop3A_792 : i32 to index
      %parallel_loop3A_1025 = tpu.vector_load %arg8[%parallel_loop3A_1023, %parallel_loop3A_1024] {strides = array<i32>} : memref<64x513xf32, #tpu.memory_space<vmem>>, vector<16xf32>,
      tpu.vector_store %arg8[%parallel_loop3A_1023, %parallel_loop3A_1024], %parallel_loop3A_993 {strides = array<i32>} : memref<64x513xf32, #tpu.memory_space<vmem>>, vector<16xf32>,
      %parallel_loop3A_1026 = arith.constant 25 : i32
      %parallel_loop3A_1027 = arith.index_cast %parallel_loop3A_1026 : i32 to index
      %parallel_loop3A_1028 = arith.index_cast %parallel_loop3A_792 : i32 to index
      %parallel_loop3A_1029 = tpu.vector_load %arg8[%parallel_loop3A_1027, %parallel_loop3A_1028] {strides = array<i32>} : memref<64x513xf32, #tpu.memory_space<vmem>>, vector<16xf32>,
      tpu.vector_store %arg8[%parallel_loop3A_1027, %parallel_loop3A_1028], %parallel_loop3A_997 {strides = array<i32>} : memref<64x513xf32, #tpu.memory_space<vmem>>, vector<16xf32>,
      %parallel_loop3A_1030 = arith.constant 26 : i32
      %parallel_loop3A_1031 = arith.index_cast %parallel_loop3A_1030 : i32 to index
      %parallel_loop3A_1032 = arith.index_cast %parallel_loop3A_792 : i32 to index
      %parallel_loop3A_1033 = tpu.vector_load %arg8[%parallel_loop3A_1031, %parallel_loop3A_1032] {strides = array<i32>} : memref<64x513xf32, #tpu.memory_space<vmem>>, vector<16xf32>,
      tpu.vector_store %arg8[%parallel_loop3A_1031, %parallel_loop3A_1032], %parallel_loop3A_1001 {strides = array<i32>} : memref<64x513xf32, #tpu.memory_space<vmem>>, vector<16xf32>,
      %parallel_loop3A_1034 = arith.constant 27 : i32
      %parallel_loop3A_1035 = arith.index_cast %parallel_loop3A_1034 : i32 to index
      %parallel_loop3A_1036 = arith.index_cast %parallel_loop3A_792 : i32 to index
      %parallel_loop3A_1037 = tpu.vector_load %arg8[%parallel_loop3A_1035, %parallel_loop3A_1036] {strides = array<i32>} : memref<64x513xf32, #tpu.memory_space<vmem>>, vector<16xf32>,
      tpu.vector_store %arg8[%parallel_loop3A_1035, %parallel_loop3A_1036], %parallel_loop3A_1005 {strides = array<i32>} : memref<64x513xf32, #tpu.memory_space<vmem>>, vector<16xf32>,
      %parallel_loop3A_1038 = arith.constant 28 : i32
      %parallel_loop3A_1039 = arith.index_cast %parallel_loop3A_1038 : i32 to index
      %parallel_loop3A_1040 = arith.index_cast %parallel_loop3A_792 : i32 to index
      %parallel_loop3A_1041 = tpu.vector_load %arg8[%parallel_loop3A_1039, %parallel_loop3A_1040] {strides = array<i32>} : memref<64x513xf32, #tpu.memory_space<vmem>>, vector<16xf32>,
      tpu.vector_store %arg8[%parallel_loop3A_1039, %parallel_loop3A_1040], %parallel_loop3A_1009 {strides = array<i32>} : memref<64x513xf32, #tpu.memory_space<vmem>>, vector<16xf32>,
      %parallel_loop3A_1042 = arith.constant 29 : i32
      %parallel_loop3A_1043 = arith.index_cast %parallel_loop3A_1042 : i32 to index
      %parallel_loop3A_1044 = arith.index_cast %parallel_loop3A_792 : i32 to index
      %parallel_loop3A_1045 = tpu.vector_load %arg8[%parallel_loop3A_1043, %parallel_loop3A_1044] {strides = array<i32>} : memref<64x513xf32, #tpu.memory_space<vmem>>, vector<16xf32>,
      tpu.vector_store %arg8[%parallel_loop3A_1043, %parallel_loop3A_1044], %parallel_loop3A_1013 {strides = array<i32>} : memref<64x513xf32, #tpu.memory_space<vmem>>, vector<16xf32>,
      %parallel_loop3A_1046 = arith.constant 30 : i32
      %parallel_loop3A_1047 = arith.index_cast %parallel_loop3A_1046 : i32 to index
      %parallel_loop3A_1048 = arith.index_cast %parallel_loop3A_792 : i32 to index
      %parallel_loop3A_1049 = tpu.vector_load %arg8[%parallel_loop3A_1047, %parallel_loop3A_1048] {strides = array<i32>} : memref<64x513xf32, #tpu.memory_space<vmem>>, vector<16xf32>,
      tpu.vector_store %arg8[%parallel_loop3A_1047, %parallel_loop3A_1048], %parallel_loop3A_1017 {strides = array<i32>} : memref<64x513xf32, #tpu.memory_space<vmem>>, vector<16xf32>,
      %parallel_loop3A_1050 = arith.constant 31 : i32
      %parallel_loop3A_1051 = arith.index_cast %parallel_loop3A_1050 : i32 to index
      %parallel_loop3A_1052 = arith.index_cast %parallel_loop3A_792 : i32 to index
      %parallel_loop3A_1053 = tpu.vector_load %arg8[%parallel_loop3A_1051, %parallel_loop3A_1052] {strides = array<i32>} : memref<64x513xf32, #tpu.memory_space<vmem>>, vector<16xf32>,
      tpu.vector_store %arg8[%parallel_loop3A_1051, %parallel_loop3A_1052], %parallel_loop3A_1021 {strides = array<i32>} : memref<64x513xf32, #tpu.memory_space<vmem>>, vector<16xf32>,
      %parallel_loop3A_1054 = arith.constant 32 : i32
      %parallel_loop3A_1055 = vector.broadcast %parallel_loop3A_1054 : i32 to vector<16xi32>
      %parallel_loop3A_1056 = arith.addi %parallel_loop3A_797, %parallel_loop3A_1055 : vector<16xi32>
      %parallel_loop3A_1057 = tpu.vector_load_idx %arg7[%parallel_loop3A_1056] : memref<2080xf32, #tpu.memory_space<vmem>>[vector<16xi32>], vector<16xf32>,
      %parallel_loop3A_1058 = arith.constant 33 : i32
      %parallel_loop3A_1059 = vector.broadcast %parallel_loop3A_1058 : i32 to vector<16xi32>
      %parallel_loop3A_1060 = arith.addi %parallel_loop3A_797, %parallel_loop3A_1059 : vector<16xi32>
      %parallel_loop3A_1061 = tpu.vector_load_idx %arg7[%parallel_loop3A_1060] : memref<2080xf32, #tpu.memory_space<vmem>>[vector<16xi32>], vector<16xf32>,
      %parallel_loop3A_1062 = arith.constant 34 : i32
      %parallel_loop3A_1063 = vector.broadcast %parallel_loop3A_1062 : i32 to vector<16xi32>
      %parallel_loop3A_1064 = arith.addi %parallel_loop3A_797, %parallel_loop3A_1063 : vector<16xi32>
      %parallel_loop3A_1065 = tpu.vector_load_idx %arg7[%parallel_loop3A_1064] : memref<2080xf32, #tpu.memory_space<vmem>>[vector<16xi32>], vector<16xf32>,
      %parallel_loop3A_1066 = arith.constant 35 : i32
      %parallel_loop3A_1067 = vector.broadcast %parallel_loop3A_1066 : i32 to vector<16xi32>
      %parallel_loop3A_1068 = arith.addi %parallel_loop3A_797, %parallel_loop3A_1067 : vector<16xi32>
      %parallel_loop3A_1069 = tpu.vector_load_idx %arg7[%parallel_loop3A_1068] : memref<2080xf32, #tpu.memory_space<vmem>>[vector<16xi32>], vector<16xf32>,
      %parallel_loop3A_1070 = arith.constant 36 : i32
      %parallel_loop3A_1071 = vector.broadcast %parallel_loop3A_1070 : i32 to vector<16xi32>
      %parallel_loop3A_1072 = arith.addi %parallel_loop3A_797, %parallel_loop3A_1071 : vector<16xi32>
      %parallel_loop3A_1073 = tpu.vector_load_idx %arg7[%parallel_loop3A_1072] : memref<2080xf32, #tpu.memory_space<vmem>>[vector<16xi32>], vector<16xf32>,
      %parallel_loop3A_1074 = arith.constant 37 : i32
      %parallel_loop3A_1075 = vector.broadcast %parallel_loop3A_1074 : i32 to vector<16xi32>
      %parallel_loop3A_1076 = arith.addi %parallel_loop3A_797, %parallel_loop3A_1075 : vector<16xi32>
      %parallel_loop3A_1077 = tpu.vector_load_idx %arg7[%parallel_loop3A_1076] : memref<2080xf32, #tpu.memory_space<vmem>>[vector<16xi32>], vector<16xf32>,
      %parallel_loop3A_1078 = arith.constant 38 : i32
      %parallel_loop3A_1079 = vector.broadcast %parallel_loop3A_1078 : i32 to vector<16xi32>
      %parallel_loop3A_1080 = arith.addi %parallel_loop3A_797, %parallel_loop3A_1079 : vector<16xi32>
      %parallel_loop3A_1081 = tpu.vector_load_idx %arg7[%parallel_loop3A_1080] : memref<2080xf32, #tpu.memory_space<vmem>>[vector<16xi32>], vector<16xf32>,
      %parallel_loop3A_1082 = arith.constant 39 : i32
      %parallel_loop3A_1083 = vector.broadcast %parallel_loop3A_1082 : i32 to vector<16xi32>
      %parallel_loop3A_1084 = arith.addi %parallel_loop3A_797, %parallel_loop3A_1083 : vector<16xi32>
      %parallel_loop3A_1085 = tpu.vector_load_idx %arg7[%parallel_loop3A_1084] : memref<2080xf32, #tpu.memory_space<vmem>>[vector<16xi32>], vector<16xf32>,
      %parallel_loop3A_1086 = arith.constant 32 : i32
      %parallel_loop3A_1087 = arith.index_cast %parallel_loop3A_1086 : i32 to index
      %parallel_loop3A_1088 = arith.index_cast %parallel_loop3A_792 : i32 to index
      %parallel_loop3A_1089 = tpu.vector_load %arg8[%parallel_loop3A_1087, %parallel_loop3A_1088] {strides = array<i32>} : memref<64x513xf32, #tpu.memory_space<vmem>>, vector<16xf32>,
      tpu.vector_store %arg8[%parallel_loop3A_1087, %parallel_loop3A_1088], %parallel_loop3A_1057 {strides = array<i32>} : memref<64x513xf32, #tpu.memory_space<vmem>>, vector<16xf32>,
      %parallel_loop3A_1090 = arith.constant 33 : i32
      %parallel_loop3A_1091 = arith.index_cast %parallel_loop3A_1090 : i32 to index
      %parallel_loop3A_1092 = arith.index_cast %parallel_loop3A_792 : i32 to index
      %parallel_loop3A_1093 = tpu.vector_load %arg8[%parallel_loop3A_1091, %parallel_loop3A_1092] {strides = array<i32>} : memref<64x513xf32, #tpu.memory_space<vmem>>, vector<16xf32>,
      tpu.vector_store %arg8[%parallel_loop3A_1091, %parallel_loop3A_1092], %parallel_loop3A_1061 {strides = array<i32>} : memref<64x513xf32, #tpu.memory_space<vmem>>, vector<16xf32>,
      %parallel_loop3A_1094 = arith.constant 34 : i32
      %parallel_loop3A_1095 = arith.index_cast %parallel_loop3A_1094 : i32 to index
      %parallel_loop3A_1096 = arith.index_cast %parallel_loop3A_792 : i32 to index
      %parallel_loop3A_1097 = tpu.vector_load %arg8[%parallel_loop3A_1095, %parallel_loop3A_1096] {strides = array<i32>} : memref<64x513xf32, #tpu.memory_space<vmem>>, vector<16xf32>,
      tpu.vector_store %arg8[%parallel_loop3A_1095, %parallel_loop3A_1096], %parallel_loop3A_1065 {strides = array<i32>} : memref<64x513xf32, #tpu.memory_space<vmem>>, vector<16xf32>,
      %parallel_loop3A_1098 = arith.constant 35 : i32
      %parallel_loop3A_1099 = arith.index_cast %parallel_loop3A_1098 : i32 to index
      %parallel_loop3A_1100 = arith.index_cast %parallel_loop3A_792 : i32 to index
      %parallel_loop3A_1101 = tpu.vector_load %arg8[%parallel_loop3A_1099, %parallel_loop3A_1100] {strides = array<i32>} : memref<64x513xf32, #tpu.memory_space<vmem>>, vector<16xf32>,
      tpu.vector_store %arg8[%parallel_loop3A_1099, %parallel_loop3A_1100], %parallel_loop3A_1069 {strides = array<i32>} : memref<64x513xf32, #tpu.memory_space<vmem>>, vector<16xf32>,
      %parallel_loop3A_1102 = arith.constant 36 : i32
      %parallel_loop3A_1103 = arith.index_cast %parallel_loop3A_1102 : i32 to index
      %parallel_loop3A_1104 = arith.index_cast %parallel_loop3A_792 : i32 to index
      %parallel_loop3A_1105 = tpu.vector_load %arg8[%parallel_loop3A_1103, %parallel_loop3A_1104] {strides = array<i32>} : memref<64x513xf32, #tpu.memory_space<vmem>>, vector<16xf32>,
      tpu.vector_store %arg8[%parallel_loop3A_1103, %parallel_loop3A_1104], %parallel_loop3A_1073 {strides = array<i32>} : memref<64x513xf32, #tpu.memory_space<vmem>>, vector<16xf32>,
      %parallel_loop3A_1106 = arith.constant 37 : i32
      %parallel_loop3A_1107 = arith.index_cast %parallel_loop3A_1106 : i32 to index
      %parallel_loop3A_1108 = arith.index_cast %parallel_loop3A_792 : i32 to index
      %parallel_loop3A_1109 = tpu.vector_load %arg8[%parallel_loop3A_1107, %parallel_loop3A_1108] {strides = array<i32>} : memref<64x513xf32, #tpu.memory_space<vmem>>, vector<16xf32>,
      tpu.vector_store %arg8[%parallel_loop3A_1107, %parallel_loop3A_1108], %parallel_loop3A_1077 {strides = array<i32>} : memref<64x513xf32, #tpu.memory_space<vmem>>, vector<16xf32>,
      %parallel_loop3A_1110 = arith.constant 38 : i32
      %parallel_loop3A_1111 = arith.index_cast %parallel_loop3A_1110 : i32 to index
      %parallel_loop3A_1112 = arith.index_cast %parallel_loop3A_792 : i32 to index
      %parallel_loop3A_1113 = tpu.vector_load %arg8[%parallel_loop3A_1111, %parallel_loop3A_1112] {strides = array<i32>} : memref<64x513xf32, #tpu.memory_space<vmem>>, vector<16xf32>,
      tpu.vector_store %arg8[%parallel_loop3A_1111, %parallel_loop3A_1112], %parallel_loop3A_1081 {strides = array<i32>} : memref<64x513xf32, #tpu.memory_space<vmem>>, vector<16xf32>,
      %parallel_loop3A_1114 = arith.constant 39 : i32
      %parallel_loop3A_1115 = arith.index_cast %parallel_loop3A_1114 : i32 to index
      %parallel_loop3A_1116 = arith.index_cast %parallel_loop3A_792 : i32 to index
      %parallel_loop3A_1117 = tpu.vector_load %arg8[%parallel_loop3A_1115, %parallel_loop3A_1116] {strides = array<i32>} : memref<64x513xf32, #tpu.memory_space<vmem>>, vector<16xf32>,
      tpu.vector_store %arg8[%parallel_loop3A_1115, %parallel_loop3A_1116], %parallel_loop3A_1085 {strides = array<i32>} : memref<64x513xf32, #tpu.memory_space<vmem>>, vector<16xf32>,
      %parallel_loop3A_1118 = arith.constant 40 : i32
      %parallel_loop3A_1119 = vector.broadcast %parallel_loop3A_1118 : i32 to vector<16xi32>
      %parallel_loop3A_1120 = arith.addi %parallel_loop3A_797, %parallel_loop3A_1119 : vector<16xi32>
      %parallel_loop3A_1121 = tpu.vector_load_idx %arg7[%parallel_loop3A_1120] : memref<2080xf32, #tpu.memory_space<vmem>>[vector<16xi32>], vector<16xf32>,
      %parallel_loop3A_1122 = arith.constant 41 : i32
      %parallel_loop3A_1123 = vector.broadcast %parallel_loop3A_1122 : i32 to vector<16xi32>
      %parallel_loop3A_1124 = arith.addi %parallel_loop3A_797, %parallel_loop3A_1123 : vector<16xi32>
      %parallel_loop3A_1125 = tpu.vector_load_idx %arg7[%parallel_loop3A_1124] : memref<2080xf32, #tpu.memory_space<vmem>>[vector<16xi32>], vector<16xf32>,
      %parallel_loop3A_1126 = arith.constant 42 : i32
      %parallel_loop3A_1127 = vector.broadcast %parallel_loop3A_1126 : i32 to vector<16xi32>
      %parallel_loop3A_1128 = arith.addi %parallel_loop3A_797, %parallel_loop3A_1127 : vector<16xi32>
      %parallel_loop3A_1129 = tpu.vector_load_idx %arg7[%parallel_loop3A_1128] : memref<2080xf32, #tpu.memory_space<vmem>>[vector<16xi32>], vector<16xf32>,
      %parallel_loop3A_1130 = arith.constant 43 : i32
      %parallel_loop3A_1131 = vector.broadcast %parallel_loop3A_1130 : i32 to vector<16xi32>
      %parallel_loop3A_1132 = arith.addi %parallel_loop3A_797, %parallel_loop3A_1131 : vector<16xi32>
      %parallel_loop3A_1133 = tpu.vector_load_idx %arg7[%parallel_loop3A_1132] : memref<2080xf32, #tpu.memory_space<vmem>>[vector<16xi32>], vector<16xf32>,
      %parallel_loop3A_1134 = arith.constant 44 : i32
      %parallel_loop3A_1135 = vector.broadcast %parallel_loop3A_1134 : i32 to vector<16xi32>
      %parallel_loop3A_1136 = arith.addi %parallel_loop3A_797, %parallel_loop3A_1135 : vector<16xi32>
      %parallel_loop3A_1137 = tpu.vector_load_idx %arg7[%parallel_loop3A_1136] : memref<2080xf32, #tpu.memory_space<vmem>>[vector<16xi32>], vector<16xf32>,
      %parallel_loop3A_1138 = arith.constant 45 : i32
      %parallel_loop3A_1139 = vector.broadcast %parallel_loop3A_1138 : i32 to vector<16xi32>
      %parallel_loop3A_1140 = arith.addi %parallel_loop3A_797, %parallel_loop3A_1139 : vector<16xi32>
      %parallel_loop3A_1141 = tpu.vector_load_idx %arg7[%parallel_loop3A_1140] : memref<2080xf32, #tpu.memory_space<vmem>>[vector<16xi32>], vector<16xf32>,
      %parallel_loop3A_1142 = arith.constant 46 : i32
      %parallel_loop3A_1143 = vector.broadcast %parallel_loop3A_1142 : i32 to vector<16xi32>
      %parallel_loop3A_1144 = arith.addi %parallel_loop3A_797, %parallel_loop3A_1143 : vector<16xi32>
      %parallel_loop3A_1145 = tpu.vector_load_idx %arg7[%parallel_loop3A_1144] : memref<2080xf32, #tpu.memory_space<vmem>>[vector<16xi32>], vector<16xf32>,
      %parallel_loop3A_1146 = arith.constant 47 : i32
      %parallel_loop3A_1147 = vector.broadcast %parallel_loop3A_1146 : i32 to vector<16xi32>
      %parallel_loop3A_1148 = arith.addi %parallel_loop3A_797, %parallel_loop3A_1147 : vector<16xi32>
      %parallel_loop3A_1149 = tpu.vector_load_idx %arg7[%parallel_loop3A_1148] : memref<2080xf32, #tpu.memory_space<vmem>>[vector<16xi32>], vector<16xf32>,
      %parallel_loop3A_1150 = arith.constant 40 : i32
      %parallel_loop3A_1151 = arith.index_cast %parallel_loop3A_1150 : i32 to index
      %parallel_loop3A_1152 = arith.index_cast %parallel_loop3A_792 : i32 to index
      %parallel_loop3A_1153 = tpu.vector_load %arg8[%parallel_loop3A_1151, %parallel_loop3A_1152] {strides = array<i32>} : memref<64x513xf32, #tpu.memory_space<vmem>>, vector<16xf32>,
      tpu.vector_store %arg8[%parallel_loop3A_1151, %parallel_loop3A_1152], %parallel_loop3A_1121 {strides = array<i32>} : memref<64x513xf32, #tpu.memory_space<vmem>>, vector<16xf32>,
      %parallel_loop3A_1154 = arith.constant 41 : i32
      %parallel_loop3A_1155 = arith.index_cast %parallel_loop3A_1154 : i32 to index
      %parallel_loop3A_1156 = arith.index_cast %parallel_loop3A_792 : i32 to index
      %parallel_loop3A_1157 = tpu.vector_load %arg8[%parallel_loop3A_1155, %parallel_loop3A_1156] {strides = array<i32>} : memref<64x513xf32, #tpu.memory_space<vmem>>, vector<16xf32>,
      tpu.vector_store %arg8[%parallel_loop3A_1155, %parallel_loop3A_1156], %parallel_loop3A_1125 {strides = array<i32>} : memref<64x513xf32, #tpu.memory_space<vmem>>, vector<16xf32>,
      %parallel_loop3A_1158 = arith.constant 42 : i32
      %parallel_loop3A_1159 = arith.index_cast %parallel_loop3A_1158 : i32 to index
      %parallel_loop3A_1160 = arith.index_cast %parallel_loop3A_792 : i32 to index
      %parallel_loop3A_1161 = tpu.vector_load %arg8[%parallel_loop3A_1159, %parallel_loop3A_1160] {strides = array<i32>} : memref<64x513xf32, #tpu.memory_space<vmem>>, vector<16xf32>,
      tpu.vector_store %arg8[%parallel_loop3A_1159, %parallel_loop3A_1160], %parallel_loop3A_1129 {strides = array<i32>} : memref<64x513xf32, #tpu.memory_space<vmem>>, vector<16xf32>,
      %parallel_loop3A_1162 = arith.constant 43 : i32
      %parallel_loop3A_1163 = arith.index_cast %parallel_loop3A_1162 : i32 to index
      %parallel_loop3A_1164 = arith.index_cast %parallel_loop3A_792 : i32 to index
      %parallel_loop3A_1165 = tpu.vector_load %arg8[%parallel_loop3A_1163, %parallel_loop3A_1164] {strides = array<i32>} : memref<64x513xf32, #tpu.memory_space<vmem>>, vector<16xf32>,
      tpu.vector_store %arg8[%parallel_loop3A_1163, %parallel_loop3A_1164], %parallel_loop3A_1133 {strides = array<i32>} : memref<64x513xf32, #tpu.memory_space<vmem>>, vector<16xf32>,
      %parallel_loop3A_1166 = arith.constant 44 : i32
      %parallel_loop3A_1167 = arith.index_cast %parallel_loop3A_1166 : i32 to index
      %parallel_loop3A_1168 = arith.index_cast %parallel_loop3A_792 : i32 to index
      %parallel_loop3A_1169 = tpu.vector_load %arg8[%parallel_loop3A_1167, %parallel_loop3A_1168] {strides = array<i32>} : memref<64x513xf32, #tpu.memory_space<vmem>>, vector<16xf32>,
      tpu.vector_store %arg8[%parallel_loop3A_1167, %parallel_loop3A_1168], %parallel_loop3A_1137 {strides = array<i32>} : memref<64x513xf32, #tpu.memory_space<vmem>>, vector<16xf32>,
      %parallel_loop3A_1170 = arith.constant 45 : i32
      %parallel_loop3A_1171 = arith.index_cast %parallel_loop3A_1170 : i32 to index
      %parallel_loop3A_1172 = arith.index_cast %parallel_loop3A_792 : i32 to index
      %parallel_loop3A_1173 = tpu.vector_load %arg8[%parallel_loop3A_1171, %parallel_loop3A_1172] {strides = array<i32>} : memref<64x513xf32, #tpu.memory_space<vmem>>, vector<16xf32>,
      tpu.vector_store %arg8[%parallel_loop3A_1171, %parallel_loop3A_1172], %parallel_loop3A_1141 {strides = array<i32>} : memref<64x513xf32, #tpu.memory_space<vmem>>, vector<16xf32>,
      %parallel_loop3A_1174 = arith.constant 46 : i32
      %parallel_loop3A_1175 = arith.index_cast %parallel_loop3A_1174 : i32 to index
      %parallel_loop3A_1176 = arith.index_cast %parallel_loop3A_792 : i32 to index
      %parallel_loop3A_1177 = tpu.vector_load %arg8[%parallel_loop3A_1175, %parallel_loop3A_1176] {strides = array<i32>} : memref<64x513xf32, #tpu.memory_space<vmem>>, vector<16xf32>,
      tpu.vector_store %arg8[%parallel_loop3A_1175, %parallel_loop3A_1176], %parallel_loop3A_1145 {strides = array<i32>} : memref<64x513xf32, #tpu.memory_space<vmem>>, vector<16xf32>,
      %parallel_loop3A_1178 = arith.constant 47 : i32
      %parallel_loop3A_1179 = arith.index_cast %parallel_loop3A_1178 : i32 to index
      %parallel_loop3A_1180 = arith.index_cast %parallel_loop3A_792 : i32 to index
      %parallel_loop3A_1181 = tpu.vector_load %arg8[%parallel_loop3A_1179, %parallel_loop3A_1180] {strides = array<i32>} : memref<64x513xf32, #tpu.memory_space<vmem>>, vector<16xf32>,
      tpu.vector_store %arg8[%parallel_loop3A_1179, %parallel_loop3A_1180], %parallel_loop3A_1149 {strides = array<i32>} : memref<64x513xf32, #tpu.memory_space<vmem>>, vector<16xf32>,
      %parallel_loop3A_1182 = arith.constant 48 : i32
      %parallel_loop3A_1183 = vector.broadcast %parallel_loop3A_1182 : i32 to vector<16xi32>
      %parallel_loop3A_1184 = arith.addi %parallel_loop3A_797, %parallel_loop3A_1183 : vector<16xi32>
      %parallel_loop3A_1185 = tpu.vector_load_idx %arg7[%parallel_loop3A_1184] : memref<2080xf32, #tpu.memory_space<vmem>>[vector<16xi32>], vector<16xf32>,
      %parallel_loop3A_1186 = arith.constant 49 : i32
      %parallel_loop3A_1187 = vector.broadcast %parallel_loop3A_1186 : i32 to vector<16xi32>
      %parallel_loop3A_1188 = arith.addi %parallel_loop3A_797, %parallel_loop3A_1187 : vector<16xi32>
      %parallel_loop3A_1189 = tpu.vector_load_idx %arg7[%parallel_loop3A_1188] : memref<2080xf32, #tpu.memory_space<vmem>>[vector<16xi32>], vector<16xf32>,
      %parallel_loop3A_1190 = arith.constant 50 : i32
      %parallel_loop3A_1191 = vector.broadcast %parallel_loop3A_1190 : i32 to vector<16xi32>
      %parallel_loop3A_1192 = arith.addi %parallel_loop3A_797, %parallel_loop3A_1191 : vector<16xi32>
      %parallel_loop3A_1193 = tpu.vector_load_idx %arg7[%parallel_loop3A_1192] : memref<2080xf32, #tpu.memory_space<vmem>>[vector<16xi32>], vector<16xf32>,
      %parallel_loop3A_1194 = arith.constant 51 : i32
      %parallel_loop3A_1195 = vector.broadcast %parallel_loop3A_1194 : i32 to vector<16xi32>
      %parallel_loop3A_1196 = arith.addi %parallel_loop3A_797, %parallel_loop3A_1195 : vector<16xi32>
      %parallel_loop3A_1197 = tpu.vector_load_idx %arg7[%parallel_loop3A_1196] : memref<2080xf32, #tpu.memory_space<vmem>>[vector<16xi32>], vector<16xf32>,
      %parallel_loop3A_1198 = arith.constant 52 : i32
      %parallel_loop3A_1199 = vector.broadcast %parallel_loop3A_1198 : i32 to vector<16xi32>
      %parallel_loop3A_1200 = arith.addi %parallel_loop3A_797, %parallel_loop3A_1199 : vector<16xi32>
      %parallel_loop3A_1201 = tpu.vector_load_idx %arg7[%parallel_loop3A_1200] : memref<2080xf32, #tpu.memory_space<vmem>>[vector<16xi32>], vector<16xf32>,
      %parallel_loop3A_1202 = arith.constant 53 : i32
      %parallel_loop3A_1203 = vector.broadcast %parallel_loop3A_1202 : i32 to vector<16xi32>
      %parallel_loop3A_1204 = arith.addi %parallel_loop3A_797, %parallel_loop3A_1203 : vector<16xi32>
      %parallel_loop3A_1205 = tpu.vector_load_idx %arg7[%parallel_loop3A_1204] : memref<2080xf32, #tpu.memory_space<vmem>>[vector<16xi32>], vector<16xf32>,
      %parallel_loop3A_1206 = arith.constant 54 : i32
      %parallel_loop3A_1207 = vector.broadcast %parallel_loop3A_1206 : i32 to vector<16xi32>
      %parallel_loop3A_1208 = arith.addi %parallel_loop3A_797, %parallel_loop3A_1207 : vector<16xi32>
      %parallel_loop3A_1209 = tpu.vector_load_idx %arg7[%parallel_loop3A_1208] : memref<2080xf32, #tpu.memory_space<vmem>>[vector<16xi32>], vector<16xf32>,
      %parallel_loop3A_1210 = arith.constant 55 : i32
      %parallel_loop3A_1211 = vector.broadcast %parallel_loop3A_1210 : i32 to vector<16xi32>
      %parallel_loop3A_1212 = arith.addi %parallel_loop3A_797, %parallel_loop3A_1211 : vector<16xi32>
      %parallel_loop3A_1213 = tpu.vector_load_idx %arg7[%parallel_loop3A_1212] : memref<2080xf32, #tpu.memory_space<vmem>>[vector<16xi32>], vector<16xf32>,
      %parallel_loop3A_1214 = arith.constant 48 : i32
      %parallel_loop3A_1215 = arith.index_cast %parallel_loop3A_1214 : i32 to index
      %parallel_loop3A_1216 = arith.index_cast %parallel_loop3A_792 : i32 to index
      %parallel_loop3A_1217 = tpu.vector_load %arg8[%parallel_loop3A_1215, %parallel_loop3A_1216] {strides = array<i32>} : memref<64x513xf32, #tpu.memory_space<vmem>>, vector<16xf32>,
      tpu.vector_store %arg8[%parallel_loop3A_1215, %parallel_loop3A_1216], %parallel_loop3A_1185 {strides = array<i32>} : memref<64x513xf32, #tpu.memory_space<vmem>>, vector<16xf32>,
      %parallel_loop3A_1218 = arith.constant 49 : i32
      %parallel_loop3A_1219 = arith.index_cast %parallel_loop3A_1218 : i32 to index
      %parallel_loop3A_1220 = arith.index_cast %parallel_loop3A_792 : i32 to index
      %parallel_loop3A_1221 = tpu.vector_load %arg8[%parallel_loop3A_1219, %parallel_loop3A_1220] {strides = array<i32>} : memref<64x513xf32, #tpu.memory_space<vmem>>, vector<16xf32>,
      tpu.vector_store %arg8[%parallel_loop3A_1219, %parallel_loop3A_1220], %parallel_loop3A_1189 {strides = array<i32>} : memref<64x513xf32, #tpu.memory_space<vmem>>, vector<16xf32>,
      %parallel_loop3A_1222 = arith.constant 50 : i32
      %parallel_loop3A_1223 = arith.index_cast %parallel_loop3A_1222 : i32 to index
      %parallel_loop3A_1224 = arith.index_cast %parallel_loop3A_792 : i32 to index
      %parallel_loop3A_1225 = tpu.vector_load %arg8[%parallel_loop3A_1223, %parallel_loop3A_1224] {strides = array<i32>} : memref<64x513xf32, #tpu.memory_space<vmem>>, vector<16xf32>,
      tpu.vector_store %arg8[%parallel_loop3A_1223, %parallel_loop3A_1224], %parallel_loop3A_1193 {strides = array<i32>} : memref<64x513xf32, #tpu.memory_space<vmem>>, vector<16xf32>,
      %parallel_loop3A_1226 = arith.constant 51 : i32
      %parallel_loop3A_1227 = arith.index_cast %parallel_loop3A_1226 : i32 to index
      %parallel_loop3A_1228 = arith.index_cast %parallel_loop3A_792 : i32 to index
      %parallel_loop3A_1229 = tpu.vector_load %arg8[%parallel_loop3A_1227, %parallel_loop3A_1228] {strides = array<i32>} : memref<64x513xf32, #tpu.memory_space<vmem>>, vector<16xf32>,
      tpu.vector_store %arg8[%parallel_loop3A_1227, %parallel_loop3A_1228], %parallel_loop3A_1197 {strides = array<i32>} : memref<64x513xf32, #tpu.memory_space<vmem>>, vector<16xf32>,
      %parallel_loop3A_1230 = arith.constant 52 : i32
      %parallel_loop3A_1231 = arith.index_cast %parallel_loop3A_1230 : i32 to index
      %parallel_loop3A_1232 = arith.index_cast %parallel_loop3A_792 : i32 to index
      %parallel_loop3A_1233 = tpu.vector_load %arg8[%parallel_loop3A_1231, %parallel_loop3A_1232] {strides = array<i32>} : memref<64x513xf32, #tpu.memory_space<vmem>>, vector<16xf32>,
      tpu.vector_store %arg8[%parallel_loop3A_1231, %parallel_loop3A_1232], %parallel_loop3A_1201 {strides = array<i32>} : memref<64x513xf32, #tpu.memory_space<vmem>>, vector<16xf32>,
      %parallel_loop3A_1234 = arith.constant 53 : i32
      %parallel_loop3A_1235 = arith.index_cast %parallel_loop3A_1234 : i32 to index
      %parallel_loop3A_1236 = arith.index_cast %parallel_loop3A_792 : i32 to index
      %parallel_loop3A_1237 = tpu.vector_load %arg8[%parallel_loop3A_1235, %parallel_loop3A_1236] {strides = array<i32>} : memref<64x513xf32, #tpu.memory_space<vmem>>, vector<16xf32>,
      tpu.vector_store %arg8[%parallel_loop3A_1235, %parallel_loop3A_1236], %parallel_loop3A_1205 {strides = array<i32>} : memref<64x513xf32, #tpu.memory_space<vmem>>, vector<16xf32>,
      %parallel_loop3A_1238 = arith.constant 54 : i32
      %parallel_loop3A_1239 = arith.index_cast %parallel_loop3A_1238 : i32 to index
      %parallel_loop3A_1240 = arith.index_cast %parallel_loop3A_792 : i32 to index
      %parallel_loop3A_1241 = tpu.vector_load %arg8[%parallel_loop3A_1239, %parallel_loop3A_1240] {strides = array<i32>} : memref<64x513xf32, #tpu.memory_space<vmem>>, vector<16xf32>,
      tpu.vector_store %arg8[%parallel_loop3A_1239, %parallel_loop3A_1240], %parallel_loop3A_1209 {strides = array<i32>} : memref<64x513xf32, #tpu.memory_space<vmem>>, vector<16xf32>,
      %parallel_loop3A_1242 = arith.constant 55 : i32
      %parallel_loop3A_1243 = arith.index_cast %parallel_loop3A_1242 : i32 to index
      %parallel_loop3A_1244 = arith.index_cast %parallel_loop3A_792 : i32 to index
      %parallel_loop3A_1245 = tpu.vector_load %arg8[%parallel_loop3A_1243, %parallel_loop3A_1244] {strides = array<i32>} : memref<64x513xf32, #tpu.memory_space<vmem>>, vector<16xf32>,
      tpu.vector_store %arg8[%parallel_loop3A_1243, %parallel_loop3A_1244], %parallel_loop3A_1213 {strides = array<i32>} : memref<64x513xf32, #tpu.memory_space<vmem>>, vector<16xf32>,
      %parallel_loop3A_1246 = arith.constant 56 : i32
      %parallel_loop3A_1247 = vector.broadcast %parallel_loop3A_1246 : i32 to vector<16xi32>
      %parallel_loop3A_1248 = arith.addi %parallel_loop3A_797, %parallel_loop3A_1247 : vector<16xi32>
      %parallel_loop3A_1249 = tpu.vector_load_idx %arg7[%parallel_loop3A_1248] : memref<2080xf32, #tpu.memory_space<vmem>>[vector<16xi32>], vector<16xf32>,
      %parallel_loop3A_1250 = arith.constant 57 : i32
      %parallel_loop3A_1251 = vector.broadcast %parallel_loop3A_1250 : i32 to vector<16xi32>
      %parallel_loop3A_1252 = arith.addi %parallel_loop3A_797, %parallel_loop3A_1251 : vector<16xi32>
      %parallel_loop3A_1253 = tpu.vector_load_idx %arg7[%parallel_loop3A_1252] : memref<2080xf32, #tpu.memory_space<vmem>>[vector<16xi32>], vector<16xf32>,
      %parallel_loop3A_1254 = arith.constant 58 : i32
      %parallel_loop3A_1255 = vector.broadcast %parallel_loop3A_1254 : i32 to vector<16xi32>
      %parallel_loop3A_1256 = arith.addi %parallel_loop3A_797, %parallel_loop3A_1255 : vector<16xi32>
      %parallel_loop3A_1257 = tpu.vector_load_idx %arg7[%parallel_loop3A_1256] : memref<2080xf32, #tpu.memory_space<vmem>>[vector<16xi32>], vector<16xf32>,
      %parallel_loop3A_1258 = arith.constant 59 : i32
      %parallel_loop3A_1259 = vector.broadcast %parallel_loop3A_1258 : i32 to vector<16xi32>
      %parallel_loop3A_1260 = arith.addi %parallel_loop3A_797, %parallel_loop3A_1259 : vector<16xi32>
      %parallel_loop3A_1261 = tpu.vector_load_idx %arg7[%parallel_loop3A_1260] : memref<2080xf32, #tpu.memory_space<vmem>>[vector<16xi32>], vector<16xf32>,
      %parallel_loop3A_1262 = arith.constant 60 : i32
      %parallel_loop3A_1263 = vector.broadcast %parallel_loop3A_1262 : i32 to vector<16xi32>
      %parallel_loop3A_1264 = arith.addi %parallel_loop3A_797, %parallel_loop3A_1263 : vector<16xi32>
      %parallel_loop3A_1265 = tpu.vector_load_idx %arg7[%parallel_loop3A_1264] : memref<2080xf32, #tpu.memory_space<vmem>>[vector<16xi32>], vector<16xf32>,
      %parallel_loop3A_1266 = arith.constant 61 : i32
      %parallel_loop3A_1267 = vector.broadcast %parallel_loop3A_1266 : i32 to vector<16xi32>
      %parallel_loop3A_1268 = arith.addi %parallel_loop3A_797, %parallel_loop3A_1267 : vector<16xi32>
      %parallel_loop3A_1269 = tpu.vector_load_idx %arg7[%parallel_loop3A_1268] : memref<2080xf32, #tpu.memory_space<vmem>>[vector<16xi32>], vector<16xf32>,
      %parallel_loop3A_1270 = arith.constant 62 : i32
      %parallel_loop3A_1271 = vector.broadcast %parallel_loop3A_1270 : i32 to vector<16xi32>
      %parallel_loop3A_1272 = arith.addi %parallel_loop3A_797, %parallel_loop3A_1271 : vector<16xi32>
      %parallel_loop3A_1273 = tpu.vector_load_idx %arg7[%parallel_loop3A_1272] : memref<2080xf32, #tpu.memory_space<vmem>>[vector<16xi32>], vector<16xf32>,
      %parallel_loop3A_1274 = arith.constant 63 : i32
      %parallel_loop3A_1275 = vector.broadcast %parallel_loop3A_1274 : i32 to vector<16xi32>
      %parallel_loop3A_1276 = arith.addi %parallel_loop3A_797, %parallel_loop3A_1275 : vector<16xi32>
      %parallel_loop3A_1277 = tpu.vector_load_idx %arg7[%parallel_loop3A_1276] : memref<2080xf32, #tpu.memory_space<vmem>>[vector<16xi32>], vector<16xf32>,
      %parallel_loop3A_1278 = arith.constant 56 : i32
      %parallel_loop3A_1279 = arith.index_cast %parallel_loop3A_1278 : i32 to index
      %parallel_loop3A_1280 = arith.index_cast %parallel_loop3A_792 : i32 to index
      %parallel_loop3A_1281 = tpu.vector_load %arg8[%parallel_loop3A_1279, %parallel_loop3A_1280] {strides = array<i32>} : memref<64x513xf32, #tpu.memory_space<vmem>>, vector<16xf32>,
      tpu.vector_store %arg8[%parallel_loop3A_1279, %parallel_loop3A_1280], %parallel_loop3A_1249 {strides = array<i32>} : memref<64x513xf32, #tpu.memory_space<vmem>>, vector<16xf32>,
      %parallel_loop3A_1282 = arith.constant 57 : i32
      %parallel_loop3A_1283 = arith.index_cast %parallel_loop3A_1282 : i32 to index
      %parallel_loop3A_1284 = arith.index_cast %parallel_loop3A_792 : i32 to index
      %parallel_loop3A_1285 = tpu.vector_load %arg8[%parallel_loop3A_1283, %parallel_loop3A_1284] {strides = array<i32>} : memref<64x513xf32, #tpu.memory_space<vmem>>, vector<16xf32>,
      tpu.vector_store %arg8[%parallel_loop3A_1283, %parallel_loop3A_1284], %parallel_loop3A_1253 {strides = array<i32>} : memref<64x513xf32, #tpu.memory_space<vmem>>, vector<16xf32>,
      %parallel_loop3A_1286 = arith.constant 58 : i32
      %parallel_loop3A_1287 = arith.index_cast %parallel_loop3A_1286 : i32 to index
      %parallel_loop3A_1288 = arith.index_cast %parallel_loop3A_792 : i32 to index
      %parallel_loop3A_1289 = tpu.vector_load %arg8[%parallel_loop3A_1287, %parallel_loop3A_1288] {strides = array<i32>} : memref<64x513xf32, #tpu.memory_space<vmem>>, vector<16xf32>,
      tpu.vector_store %arg8[%parallel_loop3A_1287, %parallel_loop3A_1288], %parallel_loop3A_1257 {strides = array<i32>} : memref<64x513xf32, #tpu.memory_space<vmem>>, vector<16xf32>,
      %parallel_loop3A_1290 = arith.constant 59 : i32
      %parallel_loop3A_1291 = arith.index_cast %parallel_loop3A_1290 : i32 to index
      %parallel_loop3A_1292 = arith.index_cast %parallel_loop3A_792 : i32 to index
      %parallel_loop3A_1293 = tpu.vector_load %arg8[%parallel_loop3A_1291, %parallel_loop3A_1292] {strides = array<i32>} : memref<64x513xf32, #tpu.memory_space<vmem>>, vector<16xf32>,
      tpu.vector_store %arg8[%parallel_loop3A_1291, %parallel_loop3A_1292], %parallel_loop3A_1261 {strides = array<i32>} : memref<64x513xf32, #tpu.memory_space<vmem>>, vector<16xf32>,
      %parallel_loop3A_1294 = arith.constant 60 : i32
      %parallel_loop3A_1295 = arith.index_cast %parallel_loop3A_1294 : i32 to index
      %parallel_loop3A_1296 = arith.index_cast %parallel_loop3A_792 : i32 to index
      %parallel_loop3A_1297 = tpu.vector_load %arg8[%parallel_loop3A_1295, %parallel_loop3A_1296] {strides = array<i32>} : memref<64x513xf32, #tpu.memory_space<vmem>>, vector<16xf32>,
      tpu.vector_store %arg8[%parallel_loop3A_1295, %parallel_loop3A_1296], %parallel_loop3A_1265 {strides = array<i32>} : memref<64x513xf32, #tpu.memory_space<vmem>>, vector<16xf32>,
      %parallel_loop3A_1298 = arith.constant 61 : i32
      %parallel_loop3A_1299 = arith.index_cast %parallel_loop3A_1298 : i32 to index
      %parallel_loop3A_1300 = arith.index_cast %parallel_loop3A_792 : i32 to index
      %parallel_loop3A_1301 = tpu.vector_load %arg8[%parallel_loop3A_1299, %parallel_loop3A_1300] {strides = array<i32>} : memref<64x513xf32, #tpu.memory_space<vmem>>, vector<16xf32>,
      tpu.vector_store %arg8[%parallel_loop3A_1299, %parallel_loop3A_1300], %parallel_loop3A_1269 {strides = array<i32>} : memref<64x513xf32, #tpu.memory_space<vmem>>, vector<16xf32>,
      %parallel_loop3A_1302 = arith.constant 62 : i32
      %parallel_loop3A_1303 = arith.index_cast %parallel_loop3A_1302 : i32 to index
      %parallel_loop3A_1304 = arith.index_cast %parallel_loop3A_792 : i32 to index
      %parallel_loop3A_1305 = tpu.vector_load %arg8[%parallel_loop3A_1303, %parallel_loop3A_1304] {strides = array<i32>} : memref<64x513xf32, #tpu.memory_space<vmem>>, vector<16xf32>,
      tpu.vector_store %arg8[%parallel_loop3A_1303, %parallel_loop3A_1304], %parallel_loop3A_1273 {strides = array<i32>} : memref<64x513xf32, #tpu.memory_space<vmem>>, vector<16xf32>,
      %parallel_loop3A_1306 = arith.constant 63 : i32
      %parallel_loop3A_1307 = arith.index_cast %parallel_loop3A_1306 : i32 to index
      %parallel_loop3A_1308 = arith.index_cast %parallel_loop3A_792 : i32 to index
      %parallel_loop3A_1309 = tpu.vector_load %arg8[%parallel_loop3A_1307, %parallel_loop3A_1308] {strides = array<i32>} : memref<64x513xf32, #tpu.memory_space<vmem>>, vector<16xf32>,
      tpu.vector_store %arg8[%parallel_loop3A_1307, %parallel_loop3A_1308], %parallel_loop3A_1277 {strides = array<i32>} : memref<64x513xf32, #tpu.memory_space<vmem>>, vector<16xf32>,
    } {sc.loop_unroll_factor = 1 : i64, sc.parallel_access}
    %convert_element_type3A_779 = arith.extui %eq3A_771 : i1 to i32
    %cond3A_780 = arith.constant 0 : i32
    %cond3A_781 = arith.cmpi ne, %convert_element_type3A_779, %cond3A_780 : i32
    scf.if %cond3A_781 {
      %get3A_790 = arith.constant 512 : index
      %get3A_791 = tpu.vector_load %arg5[%get3A_790] {strides = array<i32>} : memref<528xi32, #tpu.memory_space<vmem>>, vector<16xi32>,
      %mul3A_792 = arith.constant 65 : i32
      %mul3A_793 = vector.broadcast %mul3A_792 : i32 to vector<16xi32>
      %mul3A_794 = arith.muli %get3A_791, %mul3A_793 : vector<16xi32>
      %iota3A = tpu.iota {dimensions = array<i32: 0>} : vector<16xi32>
      %eq3A_795 = arith.constant 0 : i32
      %eq3A_796 = vector.broadcast %eq3A_795 : i32 to vector<16xi32>
      %eq3A_797 = arith.cmpi eq, %iota3A, %eq3A_796 : vector<16xi32>
      %add3A_798 = arith.constant 0 : i32
      %add3A_799 = vector.broadcast %add3A_798 : i32 to vector<16xi32>
      %add3A_800 = arith.addi %mul3A_794, %add3A_799 : vector<16xi32>
      %gather3A = tpu.vector_load_idx %arg7[%add3A_800] : memref<2080xf32, #tpu.memory_space<vmem>>[vector<16xi32>], vector<16xf32>,
      %broadcast_in_dim3A = arith.constant 0 : i32
      %broadcast_in_dim3A_801 = vector.broadcast %broadcast_in_dim3A : i32 to vector<16xi32>
      %broadcast_in_dim3A_802 = arith.constant 512 : i32
      %broadcast_in_dim3A_803 = vector.broadcast %broadcast_in_dim3A_802 : i32 to vector<16xi32>
      tpu.vector_store_idx %arg8[%broadcast_in_dim3A_801, %broadcast_in_dim3A_803], %gather3A masked %eq3A_797 : memref<64x513xf32, #tpu.memory_space<vmem>>[vector<16xi32>, vector<16xi32>], vector<16xf32>, vector<16xi1>
      %add3A_804 = arith.constant 1 : i32
      %add3A_805 = vector.broadcast %add3A_804 : i32 to vector<16xi32>
      %add3A_806 = arith.addi %mul3A_794, %add3A_805 : vector<16xi32>
      %gather3A_807 = tpu.vector_load_idx %arg7[%add3A_806] : memref<2080xf32, #tpu.memory_space<vmem>>[vector<16xi32>], vector<16xf32>,
      %broadcast_in_dim3A_808 = arith.constant 1 : i32
      %broadcast_in_dim3A_809 = vector.broadcast %broadcast_in_dim3A_808 : i32 to vector<16xi32>
      %broadcast_in_dim3A_810 = arith.constant 512 : i32
      %broadcast_in_dim3A_811 = vector.broadcast %broadcast_in_dim3A_810 : i32 to vector<16xi32>
      tpu.vector_store_idx %arg8[%broadcast_in_dim3A_809, %broadcast_in_dim3A_811], %gather3A_807 masked %eq3A_797 : memref<64x513xf32, #tpu.memory_space<vmem>>[vector<16xi32>, vector<16xi32>], vector<16xf32>, vector<16xi1>
      %add3A_812 = arith.constant 2 : i32
      %add3A_813 = vector.broadcast %add3A_812 : i32 to vector<16xi32>
      %add3A_814 = arith.addi %mul3A_794, %add3A_813 : vector<16xi32>
      %gather3A_815 = tpu.vector_load_idx %arg7[%add3A_814] : memref<2080xf32, #tpu.memory_space<vmem>>[vector<16xi32>], vector<16xf32>,
      %broadcast_in_dim3A_816 = arith.constant 2 : i32
      %broadcast_in_dim3A_817 = vector.broadcast %broadcast_in_dim3A_816 : i32 to vector<16xi32>
      %broadcast_in_dim3A_818 = arith.constant 512 : i32
      %broadcast_in_dim3A_819 = vector.broadcast %broadcast_in_dim3A_818 : i32 to vector<16xi32>
      tpu.vector_store_idx %arg8[%broadcast_in_dim3A_817, %broadcast_in_dim3A_819], %gather3A_815 masked %eq3A_797 : memref<64x513xf32, #tpu.memory_space<vmem>>[vector<16xi32>, vector<16xi32>], vector<16xf32>, vector<16xi1>
      %add3A_820 = arith.constant 3 : i32
      %add3A_821 = vector.broadcast %add3A_820 : i32 to vector<16xi32>
      %add3A_822 = arith.addi %mul3A_794, %add3A_821 : vector<16xi32>
      %gather3A_823 = tpu.vector_load_idx %arg7[%add3A_822] : memref<2080xf32, #tpu.memory_space<vmem>>[vector<16xi32>], vector<16xf32>,
      %broadcast_in_dim3A_824 = arith.constant 3 : i32
      %broadcast_in_dim3A_825 = vector.broadcast %broadcast_in_dim3A_824 : i32 to vector<16xi32>
      %broadcast_in_dim3A_826 = arith.constant 512 : i32
      %broadcast_in_dim3A_827 = vector.broadcast %broadcast_in_dim3A_826 : i32 to vector<16xi32>
      tpu.vector_store_idx %arg8[%broadcast_in_dim3A_825, %broadcast_in_dim3A_827], %gather3A_823 masked %eq3A_797 : memref<64x513xf32, #tpu.memory_space<vmem>>[vector<16xi32>, vector<16xi32>], vector<16xf32>, vector<16xi1>
      %add3A_828 = arith.constant 4 : i32
      %add3A_829 = vector.broadcast %add3A_828 : i32 to vector<16xi32>
      %add3A_830 = arith.addi %mul3A_794, %add3A_829 : vector<16xi32>
      %gather3A_831 = tpu.vector_load_idx %arg7[%add3A_830] : memref<2080xf32, #tpu.memory_space<vmem>>[vector<16xi32>], vector<16xf32>,
      %broadcast_in_dim3A_832 = arith.constant 4 : i32
      %broadcast_in_dim3A_833 = vector.broadcast %broadcast_in_dim3A_832 : i32 to vector<16xi32>
      %broadcast_in_dim3A_834 = arith.constant 512 : i32
      %broadcast_in_dim3A_835 = vector.broadcast %broadcast_in_dim3A_834 : i32 to vector<16xi32>
      tpu.vector_store_idx %arg8[%broadcast_in_dim3A_833, %broadcast_in_dim3A_835], %gather3A_831 masked %eq3A_797 : memref<64x513xf32, #tpu.memory_space<vmem>>[vector<16xi32>, vector<16xi32>], vector<16xf32>, vector<16xi1>
      %add3A_836 = arith.constant 5 : i32
      %add3A_837 = vector.broadcast %add3A_836 : i32 to vector<16xi32>
      %add3A_838 = arith.addi %mul3A_794, %add3A_837 : vector<16xi32>
      %gather3A_839 = tpu.vector_load_idx %arg7[%add3A_838] : memref<2080xf32, #tpu.memory_space<vmem>>[vector<16xi32>], vector<16xf32>,
      %broadcast_in_dim3A_840 = arith.constant 5 : i32
      %broadcast_in_dim3A_841 = vector.broadcast %broadcast_in_dim3A_840 : i32 to vector<16xi32>
      %broadcast_in_dim3A_842 = arith.constant 512 : i32
      %broadcast_in_dim3A_843 = vector.broadcast %broadcast_in_dim3A_842 : i32 to vector<16xi32>
      tpu.vector_store_idx %arg8[%broadcast_in_dim3A_841, %broadcast_in_dim3A_843], %gather3A_839 masked %eq3A_797 : memref<64x513xf32, #tpu.memory_space<vmem>>[vector<16xi32>, vector<16xi32>], vector<16xf32>, vector<16xi1>
      %add3A_844 = arith.constant 6 : i32
      %add3A_845 = vector.broadcast %add3A_844 : i32 to vector<16xi32>
      %add3A_846 = arith.addi %mul3A_794, %add3A_845 : vector<16xi32>
      %gather3A_847 = tpu.vector_load_idx %arg7[%add3A_846] : memref<2080xf32, #tpu.memory_space<vmem>>[vector<16xi32>], vector<16xf32>,
      %broadcast_in_dim3A_848 = arith.constant 6 : i32
      %broadcast_in_dim3A_849 = vector.broadcast %broadcast_in_dim3A_848 : i32 to vector<16xi32>
      %broadcast_in_dim3A_850 = arith.constant 512 : i32
      %broadcast_in_dim3A_851 = vector.broadcast %broadcast_in_dim3A_850 : i32 to vector<16xi32>
      tpu.vector_store_idx %arg8[%broadcast_in_dim3A_849, %broadcast_in_dim3A_851], %gather3A_847 masked %eq3A_797 : memref<64x513xf32, #tpu.memory_space<vmem>>[vector<16xi32>, vector<16xi32>], vector<16xf32>, vector<16xi1>
      %add3A_852 = arith.constant 7 : i32
      %add3A_853 = vector.broadcast %add3A_852 : i32 to vector<16xi32>
      %add3A_854 = arith.addi %mul3A_794, %add3A_853 : vector<16xi32>
      %gather3A_855 = tpu.vector_load_idx %arg7[%add3A_854] : memref<2080xf32, #tpu.memory_space<vmem>>[vector<16xi32>], vector<16xf32>,
      %broadcast_in_dim3A_856 = arith.constant 7 : i32
      %broadcast_in_dim3A_857 = vector.broadcast %broadcast_in_dim3A_856 : i32 to vector<16xi32>
      %broadcast_in_dim3A_858 = arith.constant 512 : i32
      %broadcast_in_dim3A_859 = vector.broadcast %broadcast_in_dim3A_858 : i32 to vector<16xi32>
      tpu.vector_store_idx %arg8[%broadcast_in_dim3A_857, %broadcast_in_dim3A_859], %gather3A_855 masked %eq3A_797 : memref<64x513xf32, #tpu.memory_space<vmem>>[vector<16xi32>, vector<16xi32>], vector<16xf32>, vector<16xi1>
      %add3A_860 = arith.constant 8 : i32
      %add3A_861 = vector.broadcast %add3A_860 : i32 to vector<16xi32>
      %add3A_862 = arith.addi %mul3A_794, %add3A_861 : vector<16xi32>
      %gather3A_863 = tpu.vector_load_idx %arg7[%add3A_862] : memref<2080xf32, #tpu.memory_space<vmem>>[vector<16xi32>], vector<16xf32>,
      %broadcast_in_dim3A_864 = arith.constant 8 : i32
      %broadcast_in_dim3A_865 = vector.broadcast %broadcast_in_dim3A_864 : i32 to vector<16xi32>
      %broadcast_in_dim3A_866 = arith.constant 512 : i32
      %broadcast_in_dim3A_867 = vector.broadcast %broadcast_in_dim3A_866 : i32 to vector<16xi32>
      tpu.vector_store_idx %arg8[%broadcast_in_dim3A_865, %broadcast_in_dim3A_867], %gather3A_863 masked %eq3A_797 : memref<64x513xf32, #tpu.memory_space<vmem>>[vector<16xi32>, vector<16xi32>], vector<16xf32>, vector<16xi1>
      %add3A_868 = arith.constant 9 : i32
      %add3A_869 = vector.broadcast %add3A_868 : i32 to vector<16xi32>
      %add3A_870 = arith.addi %mul3A_794, %add3A_869 : vector<16xi32>
      %gather3A_871 = tpu.vector_load_idx %arg7[%add3A_870] : memref<2080xf32, #tpu.memory_space<vmem>>[vector<16xi32>], vector<16xf32>,
      %broadcast_in_dim3A_872 = arith.constant 9 : i32
      %broadcast_in_dim3A_873 = vector.broadcast %broadcast_in_dim3A_872 : i32 to vector<16xi32>
      %broadcast_in_dim3A_874 = arith.constant 512 : i32
      %broadcast_in_dim3A_875 = vector.broadcast %broadcast_in_dim3A_874 : i32 to vector<16xi32>
      tpu.vector_store_idx %arg8[%broadcast_in_dim3A_873, %broadcast_in_dim3A_875], %gather3A_871 masked %eq3A_797 : memref<64x513xf32, #tpu.memory_space<vmem>>[vector<16xi32>, vector<16xi32>], vector<16xf32>, vector<16xi1>
      %add3A_876 = arith.constant 10 : i32
      %add3A_877 = vector.broadcast %add3A_876 : i32 to vector<16xi32>
      %add3A_878 = arith.addi %mul3A_794, %add3A_877 : vector<16xi32>
      %gather3A_879 = tpu.vector_load_idx %arg7[%add3A_878] : memref<2080xf32, #tpu.memory_space<vmem>>[vector<16xi32>], vector<16xf32>,
      %broadcast_in_dim3A_880 = arith.constant 10 : i32
      %broadcast_in_dim3A_881 = vector.broadcast %broadcast_in_dim3A_880 : i32 to vector<16xi32>
      %broadcast_in_dim3A_882 = arith.constant 512 : i32
      %broadcast_in_dim3A_883 = vector.broadcast %broadcast_in_dim3A_882 : i32 to vector<16xi32>
      tpu.vector_store_idx %arg8[%broadcast_in_dim3A_881, %broadcast_in_dim3A_883], %gather3A_879 masked %eq3A_797 : memref<64x513xf32, #tpu.memory_space<vmem>>[vector<16xi32>, vector<16xi32>], vector<16xf32>, vector<16xi1>
      %add3A_884 = arith.constant 11 : i32
      %add3A_885 = vector.broadcast %add3A_884 : i32 to vector<16xi32>
      %add3A_886 = arith.addi %mul3A_794, %add3A_885 : vector<16xi32>
      %gather3A_887 = tpu.vector_load_idx %arg7[%add3A_886] : memref<2080xf32, #tpu.memory_space<vmem>>[vector<16xi32>], vector<16xf32>,
      %broadcast_in_dim3A_888 = arith.constant 11 : i32
      %broadcast_in_dim3A_889 = vector.broadcast %broadcast_in_dim3A_888 : i32 to vector<16xi32>
      %broadcast_in_dim3A_890 = arith.constant 512 : i32
      %broadcast_in_dim3A_891 = vector.broadcast %broadcast_in_dim3A_890 : i32 to vector<16xi32>
      tpu.vector_store_idx %arg8[%broadcast_in_dim3A_889, %broadcast_in_dim3A_891], %gather3A_887 masked %eq3A_797 : memref<64x513xf32, #tpu.memory_space<vmem>>[vector<16xi32>, vector<16xi32>], vector<16xf32>, vector<16xi1>
      %add3A_892 = arith.constant 12 : i32
      %add3A_893 = vector.broadcast %add3A_892 : i32 to vector<16xi32>
      %add3A_894 = arith.addi %mul3A_794, %add3A_893 : vector<16xi32>
      %gather3A_895 = tpu.vector_load_idx %arg7[%add3A_894] : memref<2080xf32, #tpu.memory_space<vmem>>[vector<16xi32>], vector<16xf32>,
      %broadcast_in_dim3A_896 = arith.constant 12 : i32
      %broadcast_in_dim3A_897 = vector.broadcast %broadcast_in_dim3A_896 : i32 to vector<16xi32>
      %broadcast_in_dim3A_898 = arith.constant 512 : i32
      %broadcast_in_dim3A_899 = vector.broadcast %broadcast_in_dim3A_898 : i32 to vector<16xi32>
      tpu.vector_store_idx %arg8[%broadcast_in_dim3A_897, %broadcast_in_dim3A_899], %gather3A_895 masked %eq3A_797 : memref<64x513xf32, #tpu.memory_space<vmem>>[vector<16xi32>, vector<16xi32>], vector<16xf32>, vector<16xi1>
      %add3A_900 = arith.constant 13 : i32
      %add3A_901 = vector.broadcast %add3A_900 : i32 to vector<16xi32>
      %add3A_902 = arith.addi %mul3A_794, %add3A_901 : vector<16xi32>
      %gather3A_903 = tpu.vector_load_idx %arg7[%add3A_902] : memref<2080xf32, #tpu.memory_space<vmem>>[vector<16xi32>], vector<16xf32>,
      %broadcast_in_dim3A_904 = arith.constant 13 : i32
      %broadcast_in_dim3A_905 = vector.broadcast %broadcast_in_dim3A_904 : i32 to vector<16xi32>
      %broadcast_in_dim3A_906 = arith.constant 512 : i32
      %broadcast_in_dim3A_907 = vector.broadcast %broadcast_in_dim3A_906 : i32 to vector<16xi32>
      tpu.vector_store_idx %arg8[%broadcast_in_dim3A_905, %broadcast_in_dim3A_907], %gather3A_903 masked %eq3A_797 : memref<64x513xf32, #tpu.memory_space<vmem>>[vector<16xi32>, vector<16xi32>], vector<16xf32>, vector<16xi1>
      %add3A_908 = arith.constant 14 : i32
      %add3A_909 = vector.broadcast %add3A_908 : i32 to vector<16xi32>
      %add3A_910 = arith.addi %mul3A_794, %add3A_909 : vector<16xi32>
      %gather3A_911 = tpu.vector_load_idx %arg7[%add3A_910] : memref<2080xf32, #tpu.memory_space<vmem>>[vector<16xi32>], vector<16xf32>,
      %broadcast_in_dim3A_912 = arith.constant 14 : i32
      %broadcast_in_dim3A_913 = vector.broadcast %broadcast_in_dim3A_912 : i32 to vector<16xi32>
      %broadcast_in_dim3A_914 = arith.constant 512 : i32
      %broadcast_in_dim3A_915 = vector.broadcast %broadcast_in_dim3A_914 : i32 to vector<16xi32>
      tpu.vector_store_idx %arg8[%broadcast_in_dim3A_913, %broadcast_in_dim3A_915], %gather3A_911 masked %eq3A_797 : memref<64x513xf32, #tpu.memory_space<vmem>>[vector<16xi32>, vector<16xi32>], vector<16xf32>, vector<16xi1>
      %add3A_916 = arith.constant 15 : i32
      %add3A_917 = vector.broadcast %add3A_916 : i32 to vector<16xi32>
      %add3A_918 = arith.addi %mul3A_794, %add3A_917 : vector<16xi32>
      %gather3A_919 = tpu.vector_load_idx %arg7[%add3A_918] : memref<2080xf32, #tpu.memory_space<vmem>>[vector<16xi32>], vector<16xf32>,
      %broadcast_in_dim3A_920 = arith.constant 15 : i32
      %broadcast_in_dim3A_921 = vector.broadcast %broadcast_in_dim3A_920 : i32 to vector<16xi32>
      %broadcast_in_dim3A_922 = arith.constant 512 : i32
      %broadcast_in_dim3A_923 = vector.broadcast %broadcast_in_dim3A_922 : i32 to vector<16xi32>
      tpu.vector_store_idx %arg8[%broadcast_in_dim3A_921, %broadcast_in_dim3A_923], %gather3A_919 masked %eq3A_797 : memref<64x513xf32, #tpu.memory_space<vmem>>[vector<16xi32>, vector<16xi32>], vector<16xf32>, vector<16xi1>
      %add3A_924 = arith.constant 16 : i32
      %add3A_925 = vector.broadcast %add3A_924 : i32 to vector<16xi32>
      %add3A_926 = arith.addi %mul3A_794, %add3A_925 : vector<16xi32>
      %gather3A_927 = tpu.vector_load_idx %arg7[%add3A_926] : memref<2080xf32, #tpu.memory_space<vmem>>[vector<16xi32>], vector<16xf32>,
      %broadcast_in_dim3A_928 = arith.constant 16 : i32
      %broadcast_in_dim3A_929 = vector.broadcast %broadcast_in_dim3A_928 : i32 to vector<16xi32>
      %broadcast_in_dim3A_930 = arith.constant 512 : i32
      %broadcast_in_dim3A_931 = vector.broadcast %broadcast_in_dim3A_930 : i32 to vector<16xi32>
      tpu.vector_store_idx %arg8[%broadcast_in_dim3A_929, %broadcast_in_dim3A_931], %gather3A_927 masked %eq3A_797 : memref<64x513xf32, #tpu.memory_space<vmem>>[vector<16xi32>, vector<16xi32>], vector<16xf32>, vector<16xi1>
      %add3A_932 = arith.constant 17 : i32
      %add3A_933 = vector.broadcast %add3A_932 : i32 to vector<16xi32>
      %add3A_934 = arith.addi %mul3A_794, %add3A_933 : vector<16xi32>
      %gather3A_935 = tpu.vector_load_idx %arg7[%add3A_934] : memref<2080xf32, #tpu.memory_space<vmem>>[vector<16xi32>], vector<16xf32>,
      %broadcast_in_dim3A_936 = arith.constant 17 : i32
      %broadcast_in_dim3A_937 = vector.broadcast %broadcast_in_dim3A_936 : i32 to vector<16xi32>
      %broadcast_in_dim3A_938 = arith.constant 512 : i32
      %broadcast_in_dim3A_939 = vector.broadcast %broadcast_in_dim3A_938 : i32 to vector<16xi32>
      tpu.vector_store_idx %arg8[%broadcast_in_dim3A_937, %broadcast_in_dim3A_939], %gather3A_935 masked %eq3A_797 : memref<64x513xf32, #tpu.memory_space<vmem>>[vector<16xi32>, vector<16xi32>], vector<16xf32>, vector<16xi1>
      %add3A_940 = arith.constant 18 : i32
      %add3A_941 = vector.broadcast %add3A_940 : i32 to vector<16xi32>
      %add3A_942 = arith.addi %mul3A_794, %add3A_941 : vector<16xi32>
      %gather3A_943 = tpu.vector_load_idx %arg7[%add3A_942] : memref<2080xf32, #tpu.memory_space<vmem>>[vector<16xi32>], vector<16xf32>,
      %broadcast_in_dim3A_944 = arith.constant 18 : i32
      %broadcast_in_dim3A_945 = vector.broadcast %broadcast_in_dim3A_944 : i32 to vector<16xi32>
      %broadcast_in_dim3A_946 = arith.constant 512 : i32
      %broadcast_in_dim3A_947 = vector.broadcast %broadcast_in_dim3A_946 : i32 to vector<16xi32>
      tpu.vector_store_idx %arg8[%broadcast_in_dim3A_945, %broadcast_in_dim3A_947], %gather3A_943 masked %eq3A_797 : memref<64x513xf32, #tpu.memory_space<vmem>>[vector<16xi32>, vector<16xi32>], vector<16xf32>, vector<16xi1>
      %add3A_948 = arith.constant 19 : i32
      %add3A_949 = vector.broadcast %add3A_948 : i32 to vector<16xi32>
      %add3A_950 = arith.addi %mul3A_794, %add3A_949 : vector<16xi32>
      %gather3A_951 = tpu.vector_load_idx %arg7[%add3A_950] : memref<2080xf32, #tpu.memory_space<vmem>>[vector<16xi32>], vector<16xf32>,
      %broadcast_in_dim3A_952 = arith.constant 19 : i32
      %broadcast_in_dim3A_953 = vector.broadcast %broadcast_in_dim3A_952 : i32 to vector<16xi32>
      %broadcast_in_dim3A_954 = arith.constant 512 : i32
      %broadcast_in_dim3A_955 = vector.broadcast %broadcast_in_dim3A_954 : i32 to vector<16xi32>
      tpu.vector_store_idx %arg8[%broadcast_in_dim3A_953, %broadcast_in_dim3A_955], %gather3A_951 masked %eq3A_797 : memref<64x513xf32, #tpu.memory_space<vmem>>[vector<16xi32>, vector<16xi32>], vector<16xf32>, vector<16xi1>
      %add3A_956 = arith.constant 20 : i32
      %add3A_957 = vector.broadcast %add3A_956 : i32 to vector<16xi32>
      %add3A_958 = arith.addi %mul3A_794, %add3A_957 : vector<16xi32>
      %gather3A_959 = tpu.vector_load_idx %arg7[%add3A_958] : memref<2080xf32, #tpu.memory_space<vmem>>[vector<16xi32>], vector<16xf32>,
      %broadcast_in_dim3A_960 = arith.constant 20 : i32
      %broadcast_in_dim3A_961 = vector.broadcast %broadcast_in_dim3A_960 : i32 to vector<16xi32>
      %broadcast_in_dim3A_962 = arith.constant 512 : i32
      %broadcast_in_dim3A_963 = vector.broadcast %broadcast_in_dim3A_962 : i32 to vector<16xi32>
      tpu.vector_store_idx %arg8[%broadcast_in_dim3A_961, %broadcast_in_dim3A_963], %gather3A_959 masked %eq3A_797 : memref<64x513xf32, #tpu.memory_space<vmem>>[vector<16xi32>, vector<16xi32>], vector<16xf32>, vector<16xi1>
      %add3A_964 = arith.constant 21 : i32
      %add3A_965 = vector.broadcast %add3A_964 : i32 to vector<16xi32>
      %add3A_966 = arith.addi %mul3A_794, %add3A_965 : vector<16xi32>
      %gather3A_967 = tpu.vector_load_idx %arg7[%add3A_966] : memref<2080xf32, #tpu.memory_space<vmem>>[vector<16xi32>], vector<16xf32>,
      %broadcast_in_dim3A_968 = arith.constant 21 : i32
      %broadcast_in_dim3A_969 = vector.broadcast %broadcast_in_dim3A_968 : i32 to vector<16xi32>
      %broadcast_in_dim3A_970 = arith.constant 512 : i32
      %broadcast_in_dim3A_971 = vector.broadcast %broadcast_in_dim3A_970 : i32 to vector<16xi32>
      tpu.vector_store_idx %arg8[%broadcast_in_dim3A_969, %broadcast_in_dim3A_971], %gather3A_967 masked %eq3A_797 : memref<64x513xf32, #tpu.memory_space<vmem>>[vector<16xi32>, vector<16xi32>], vector<16xf32>, vector<16xi1>
      %add3A_972 = arith.constant 22 : i32
      %add3A_973 = vector.broadcast %add3A_972 : i32 to vector<16xi32>
      %add3A_974 = arith.addi %mul3A_794, %add3A_973 : vector<16xi32>
      %gather3A_975 = tpu.vector_load_idx %arg7[%add3A_974] : memref<2080xf32, #tpu.memory_space<vmem>>[vector<16xi32>], vector<16xf32>,
      %broadcast_in_dim3A_976 = arith.constant 22 : i32
      %broadcast_in_dim3A_977 = vector.broadcast %broadcast_in_dim3A_976 : i32 to vector<16xi32>
      %broadcast_in_dim3A_978 = arith.constant 512 : i32
      %broadcast_in_dim3A_979 = vector.broadcast %broadcast_in_dim3A_978 : i32 to vector<16xi32>
      tpu.vector_store_idx %arg8[%broadcast_in_dim3A_977, %broadcast_in_dim3A_979], %gather3A_975 masked %eq3A_797 : memref<64x513xf32, #tpu.memory_space<vmem>>[vector<16xi32>, vector<16xi32>], vector<16xf32>, vector<16xi1>
      %add3A_980 = arith.constant 23 : i32
      %add3A_981 = vector.broadcast %add3A_980 : i32 to vector<16xi32>
      %add3A_982 = arith.addi %mul3A_794, %add3A_981 : vector<16xi32>
      %gather3A_983 = tpu.vector_load_idx %arg7[%add3A_982] : memref<2080xf32, #tpu.memory_space<vmem>>[vector<16xi32>], vector<16xf32>,
      %broadcast_in_dim3A_984 = arith.constant 23 : i32
      %broadcast_in_dim3A_985 = vector.broadcast %broadcast_in_dim3A_984 : i32 to vector<16xi32>
      %broadcast_in_dim3A_986 = arith.constant 512 : i32
      %broadcast_in_dim3A_987 = vector.broadcast %broadcast_in_dim3A_986 : i32 to vector<16xi32>
      tpu.vector_store_idx %arg8[%broadcast_in_dim3A_985, %broadcast_in_dim3A_987], %gather3A_983 masked %eq3A_797 : memref<64x513xf32, #tpu.memory_space<vmem>>[vector<16xi32>, vector<16xi32>], vector<16xf32>, vector<16xi1>
      %add3A_988 = arith.constant 24 : i32
      %add3A_989 = vector.broadcast %add3A_988 : i32 to vector<16xi32>
      %add3A_990 = arith.addi %mul3A_794, %add3A_989 : vector<16xi32>
      %gather3A_991 = tpu.vector_load_idx %arg7[%add3A_990] : memref<2080xf32, #tpu.memory_space<vmem>>[vector<16xi32>], vector<16xf32>,
      %broadcast_in_dim3A_992 = arith.constant 24 : i32
      %broadcast_in_dim3A_993 = vector.broadcast %broadcast_in_dim3A_992 : i32 to vector<16xi32>
      %broadcast_in_dim3A_994 = arith.constant 512 : i32
      %broadcast_in_dim3A_995 = vector.broadcast %broadcast_in_dim3A_994 : i32 to vector<16xi32>
      tpu.vector_store_idx %arg8[%broadcast_in_dim3A_993, %broadcast_in_dim3A_995], %gather3A_991 masked %eq3A_797 : memref<64x513xf32, #tpu.memory_space<vmem>>[vector<16xi32>, vector<16xi32>], vector<16xf32>, vector<16xi1>
      %add3A_996 = arith.constant 25 : i32
      %add3A_997 = vector.broadcast %add3A_996 : i32 to vector<16xi32>
      %add3A_998 = arith.addi %mul3A_794, %add3A_997 : vector<16xi32>
      %gather3A_999 = tpu.vector_load_idx %arg7[%add3A_998] : memref<2080xf32, #tpu.memory_space<vmem>>[vector<16xi32>], vector<16xf32>,
      %broadcast_in_dim3A_1000 = arith.constant 25 : i32
      %broadcast_in_dim3A_1001 = vector.broadcast %broadcast_in_dim3A_1000 : i32 to vector<16xi32>
      %broadcast_in_dim3A_1002 = arith.constant 512 : i32
      %broadcast_in_dim3A_1003 = vector.broadcast %broadcast_in_dim3A_1002 : i32 to vector<16xi32>
      tpu.vector_store_idx %arg8[%broadcast_in_dim3A_1001, %broadcast_in_dim3A_1003], %gather3A_999 masked %eq3A_797 : memref<64x513xf32, #tpu.memory_space<vmem>>[vector<16xi32>, vector<16xi32>], vector<16xf32>, vector<16xi1>
      %add3A_1004 = arith.constant 26 : i32
      %add3A_1005 = vector.broadcast %add3A_1004 : i32 to vector<16xi32>
      %add3A_1006 = arith.addi %mul3A_794, %add3A_1005 : vector<16xi32>
      %gather3A_1007 = tpu.vector_load_idx %arg7[%add3A_1006] : memref<2080xf32, #tpu.memory_space<vmem>>[vector<16xi32>], vector<16xf32>,
      %broadcast_in_dim3A_1008 = arith.constant 26 : i32
      %broadcast_in_dim3A_1009 = vector.broadcast %broadcast_in_dim3A_1008 : i32 to vector<16xi32>
      %broadcast_in_dim3A_1010 = arith.constant 512 : i32
      %broadcast_in_dim3A_1011 = vector.broadcast %broadcast_in_dim3A_1010 : i32 to vector<16xi32>
      tpu.vector_store_idx %arg8[%broadcast_in_dim3A_1009, %broadcast_in_dim3A_1011], %gather3A_1007 masked %eq3A_797 : memref<64x513xf32, #tpu.memory_space<vmem>>[vector<16xi32>, vector<16xi32>], vector<16xf32>, vector<16xi1>
      %add3A_1012 = arith.constant 27 : i32
      %add3A_1013 = vector.broadcast %add3A_1012 : i32 to vector<16xi32>
      %add3A_1014 = arith.addi %mul3A_794, %add3A_1013 : vector<16xi32>
      %gather3A_1015 = tpu.vector_load_idx %arg7[%add3A_1014] : memref<2080xf32, #tpu.memory_space<vmem>>[vector<16xi32>], vector<16xf32>,
      %broadcast_in_dim3A_1016 = arith.constant 27 : i32
      %broadcast_in_dim3A_1017 = vector.broadcast %broadcast_in_dim3A_1016 : i32 to vector<16xi32>
      %broadcast_in_dim3A_1018 = arith.constant 512 : i32
      %broadcast_in_dim3A_1019 = vector.broadcast %broadcast_in_dim3A_1018 : i32 to vector<16xi32>
      tpu.vector_store_idx %arg8[%broadcast_in_dim3A_1017, %broadcast_in_dim3A_1019], %gather3A_1015 masked %eq3A_797 : memref<64x513xf32, #tpu.memory_space<vmem>>[vector<16xi32>, vector<16xi32>], vector<16xf32>, vector<16xi1>
      %add3A_1020 = arith.constant 28 : i32
      %add3A_1021 = vector.broadcast %add3A_1020 : i32 to vector<16xi32>
      %add3A_1022 = arith.addi %mul3A_794, %add3A_1021 : vector<16xi32>
      %gather3A_1023 = tpu.vector_load_idx %arg7[%add3A_1022] : memref<2080xf32, #tpu.memory_space<vmem>>[vector<16xi32>], vector<16xf32>,
      %broadcast_in_dim3A_1024 = arith.constant 28 : i32
      %broadcast_in_dim3A_1025 = vector.broadcast %broadcast_in_dim3A_1024 : i32 to vector<16xi32>
      %broadcast_in_dim3A_1026 = arith.constant 512 : i32
      %broadcast_in_dim3A_1027 = vector.broadcast %broadcast_in_dim3A_1026 : i32 to vector<16xi32>
      tpu.vector_store_idx %arg8[%broadcast_in_dim3A_1025, %broadcast_in_dim3A_1027], %gather3A_1023 masked %eq3A_797 : memref<64x513xf32, #tpu.memory_space<vmem>>[vector<16xi32>, vector<16xi32>], vector<16xf32>, vector<16xi1>
      %add3A_1028 = arith.constant 29 : i32
      %add3A_1029 = vector.broadcast %add3A_1028 : i32 to vector<16xi32>
      %add3A_1030 = arith.addi %mul3A_794, %add3A_1029 : vector<16xi32>
      %gather3A_1031 = tpu.vector_load_idx %arg7[%add3A_1030] : memref<2080xf32, #tpu.memory_space<vmem>>[vector<16xi32>], vector<16xf32>,
      %broadcast_in_dim3A_1032 = arith.constant 29 : i32
      %broadcast_in_dim3A_1033 = vector.broadcast %broadcast_in_dim3A_1032 : i32 to vector<16xi32>
      %broadcast_in_dim3A_1034 = arith.constant 512 : i32
      %broadcast_in_dim3A_1035 = vector.broadcast %broadcast_in_dim3A_1034 : i32 to vector<16xi32>
      tpu.vector_store_idx %arg8[%broadcast_in_dim3A_1033, %broadcast_in_dim3A_1035], %gather3A_1031 masked %eq3A_797 : memref<64x513xf32, #tpu.memory_space<vmem>>[vector<16xi32>, vector<16xi32>], vector<16xf32>, vector<16xi1>
      %add3A_1036 = arith.constant 30 : i32
      %add3A_1037 = vector.broadcast %add3A_1036 : i32 to vector<16xi32>
      %add3A_1038 = arith.addi %mul3A_794, %add3A_1037 : vector<16xi32>
      %gather3A_1039 = tpu.vector_load_idx %arg7[%add3A_1038] : memref<2080xf32, #tpu.memory_space<vmem>>[vector<16xi32>], vector<16xf32>,
      %broadcast_in_dim3A_1040 = arith.constant 30 : i32
      %broadcast_in_dim3A_1041 = vector.broadcast %broadcast_in_dim3A_1040 : i32 to vector<16xi32>
      %broadcast_in_dim3A_1042 = arith.constant 512 : i32
      %broadcast_in_dim3A_1043 = vector.broadcast %broadcast_in_dim3A_1042 : i32 to vector<16xi32>
      tpu.vector_store_idx %arg8[%broadcast_in_dim3A_1041, %broadcast_in_dim3A_1043], %gather3A_1039 masked %eq3A_797 : memref<64x513xf32, #tpu.memory_space<vmem>>[vector<16xi32>, vector<16xi32>], vector<16xf32>, vector<16xi1>
      %add3A_1044 = arith.constant 31 : i32
      %add3A_1045 = vector.broadcast %add3A_1044 : i32 to vector<16xi32>
      %add3A_1046 = arith.addi %mul3A_794, %add3A_1045 : vector<16xi32>
      %gather3A_1047 = tpu.vector_load_idx %arg7[%add3A_1046] : memref<2080xf32, #tpu.memory_space<vmem>>[vector<16xi32>], vector<16xf32>,
      %broadcast_in_dim3A_1048 = arith.constant 31 : i32
      %broadcast_in_dim3A_1049 = vector.broadcast %broadcast_in_dim3A_1048 : i32 to vector<16xi32>
      %broadcast_in_dim3A_1050 = arith.constant 512 : i32
      %broadcast_in_dim3A_1051 = vector.broadcast %broadcast_in_dim3A_1050 : i32 to vector<16xi32>
      tpu.vector_store_idx %arg8[%broadcast_in_dim3A_1049, %broadcast_in_dim3A_1051], %gather3A_1047 masked %eq3A_797 : memref<64x513xf32, #tpu.memory_space<vmem>>[vector<16xi32>, vector<16xi32>], vector<16xf32>, vector<16xi1>
      %add3A_1052 = arith.constant 32 : i32
      %add3A_1053 = vector.broadcast %add3A_1052 : i32 to vector<16xi32>
      %add3A_1054 = arith.addi %mul3A_794, %add3A_1053 : vector<16xi32>
      %gather3A_1055 = tpu.vector_load_idx %arg7[%add3A_1054] : memref<2080xf32, #tpu.memory_space<vmem>>[vector<16xi32>], vector<16xf32>,
      %broadcast_in_dim3A_1056 = arith.constant 32 : i32
      %broadcast_in_dim3A_1057 = vector.broadcast %broadcast_in_dim3A_1056 : i32 to vector<16xi32>
      %broadcast_in_dim3A_1058 = arith.constant 512 : i32
      %broadcast_in_dim3A_1059 = vector.broadcast %broadcast_in_dim3A_1058 : i32 to vector<16xi32>
      tpu.vector_store_idx %arg8[%broadcast_in_dim3A_1057, %broadcast_in_dim3A_1059], %gather3A_1055 masked %eq3A_797 : memref<64x513xf32, #tpu.memory_space<vmem>>[vector<16xi32>, vector<16xi32>], vector<16xf32>, vector<16xi1>
      %add3A_1060 = arith.constant 33 : i32
      %add3A_1061 = vector.broadcast %add3A_1060 : i32 to vector<16xi32>
      %add3A_1062 = arith.addi %mul3A_794, %add3A_1061 : vector<16xi32>
      %gather3A_1063 = tpu.vector_load_idx %arg7[%add3A_1062] : memref<2080xf32, #tpu.memory_space<vmem>>[vector<16xi32>], vector<16xf32>,
      %broadcast_in_dim3A_1064 = arith.constant 33 : i32
      %broadcast_in_dim3A_1065 = vector.broadcast %broadcast_in_dim3A_1064 : i32 to vector<16xi32>
      %broadcast_in_dim3A_1066 = arith.constant 512 : i32
      %broadcast_in_dim3A_1067 = vector.broadcast %broadcast_in_dim3A_1066 : i32 to vector<16xi32>
      tpu.vector_store_idx %arg8[%broadcast_in_dim3A_1065, %broadcast_in_dim3A_1067], %gather3A_1063 masked %eq3A_797 : memref<64x513xf32, #tpu.memory_space<vmem>>[vector<16xi32>, vector<16xi32>], vector<16xf32>, vector<16xi1>
      %add3A_1068 = arith.constant 34 : i32
      %add3A_1069 = vector.broadcast %add3A_1068 : i32 to vector<16xi32>
      %add3A_1070 = arith.addi %mul3A_794, %add3A_1069 : vector<16xi32>
      %gather3A_1071 = tpu.vector_load_idx %arg7[%add3A_1070] : memref<2080xf32, #tpu.memory_space<vmem>>[vector<16xi32>], vector<16xf32>,
      %broadcast_in_dim3A_1072 = arith.constant 34 : i32
      %broadcast_in_dim3A_1073 = vector.broadcast %broadcast_in_dim3A_1072 : i32 to vector<16xi32>
      %broadcast_in_dim3A_1074 = arith.constant 512 : i32
      %broadcast_in_dim3A_1075 = vector.broadcast %broadcast_in_dim3A_1074 : i32 to vector<16xi32>
      tpu.vector_store_idx %arg8[%broadcast_in_dim3A_1073, %broadcast_in_dim3A_1075], %gather3A_1071 masked %eq3A_797 : memref<64x513xf32, #tpu.memory_space<vmem>>[vector<16xi32>, vector<16xi32>], vector<16xf32>, vector<16xi1>
      %add3A_1076 = arith.constant 35 : i32
      %add3A_1077 = vector.broadcast %add3A_1076 : i32 to vector<16xi32>
      %add3A_1078 = arith.addi %mul3A_794, %add3A_1077 : vector<16xi32>
      %gather3A_1079 = tpu.vector_load_idx %arg7[%add3A_1078] : memref<2080xf32, #tpu.memory_space<vmem>>[vector<16xi32>], vector<16xf32>,
      %broadcast_in_dim3A_1080 = arith.constant 35 : i32
      %broadcast_in_dim3A_1081 = vector.broadcast %broadcast_in_dim3A_1080 : i32 to vector<16xi32>
      %broadcast_in_dim3A_1082 = arith.constant 512 : i32
      %broadcast_in_dim3A_1083 = vector.broadcast %broadcast_in_dim3A_1082 : i32 to vector<16xi32>
      tpu.vector_store_idx %arg8[%broadcast_in_dim3A_1081, %broadcast_in_dim3A_1083], %gather3A_1079 masked %eq3A_797 : memref<64x513xf32, #tpu.memory_space<vmem>>[vector<16xi32>, vector<16xi32>], vector<16xf32>, vector<16xi1>
      %add3A_1084 = arith.constant 36 : i32
      %add3A_1085 = vector.broadcast %add3A_1084 : i32 to vector<16xi32>
      %add3A_1086 = arith.addi %mul3A_794, %add3A_1085 : vector<16xi32>
      %gather3A_1087 = tpu.vector_load_idx %arg7[%add3A_1086] : memref<2080xf32, #tpu.memory_space<vmem>>[vector<16xi32>], vector<16xf32>,
      %broadcast_in_dim3A_1088 = arith.constant 36 : i32
      %broadcast_in_dim3A_1089 = vector.broadcast %broadcast_in_dim3A_1088 : i32 to vector<16xi32>
      %broadcast_in_dim3A_1090 = arith.constant 512 : i32
      %broadcast_in_dim3A_1091 = vector.broadcast %broadcast_in_dim3A_1090 : i32 to vector<16xi32>
      tpu.vector_store_idx %arg8[%broadcast_in_dim3A_1089, %broadcast_in_dim3A_1091], %gather3A_1087 masked %eq3A_797 : memref<64x513xf32, #tpu.memory_space<vmem>>[vector<16xi32>, vector<16xi32>], vector<16xf32>, vector<16xi1>
      %add3A_1092 = arith.constant 37 : i32
      %add3A_1093 = vector.broadcast %add3A_1092 : i32 to vector<16xi32>
      %add3A_1094 = arith.addi %mul3A_794, %add3A_1093 : vector<16xi32>
      %gather3A_1095 = tpu.vector_load_idx %arg7[%add3A_1094] : memref<2080xf32, #tpu.memory_space<vmem>>[vector<16xi32>], vector<16xf32>,
      %broadcast_in_dim3A_1096 = arith.constant 37 : i32
      %broadcast_in_dim3A_1097 = vector.broadcast %broadcast_in_dim3A_1096 : i32 to vector<16xi32>
      %broadcast_in_dim3A_1098 = arith.constant 512 : i32
      %broadcast_in_dim3A_1099 = vector.broadcast %broadcast_in_dim3A_1098 : i32 to vector<16xi32>
      tpu.vector_store_idx %arg8[%broadcast_in_dim3A_1097, %broadcast_in_dim3A_1099], %gather3A_1095 masked %eq3A_797 : memref<64x513xf32, #tpu.memory_space<vmem>>[vector<16xi32>, vector<16xi32>], vector<16xf32>, vector<16xi1>
      %add3A_1100 = arith.constant 38 : i32
      %add3A_1101 = vector.broadcast %add3A_1100 : i32 to vector<16xi32>
      %add3A_1102 = arith.addi %mul3A_794, %add3A_1101 : vector<16xi32>
      %gather3A_1103 = tpu.vector_load_idx %arg7[%add3A_1102] : memref<2080xf32, #tpu.memory_space<vmem>>[vector<16xi32>], vector<16xf32>,
      %broadcast_in_dim3A_1104 = arith.constant 38 : i32
      %broadcast_in_dim3A_1105 = vector.broadcast %broadcast_in_dim3A_1104 : i32 to vector<16xi32>
      %broadcast_in_dim3A_1106 = arith.constant 512 : i32
      %broadcast_in_dim3A_1107 = vector.broadcast %broadcast_in_dim3A_1106 : i32 to vector<16xi32>
      tpu.vector_store_idx %arg8[%broadcast_in_dim3A_1105, %broadcast_in_dim3A_1107], %gather3A_1103 masked %eq3A_797 : memref<64x513xf32, #tpu.memory_space<vmem>>[vector<16xi32>, vector<16xi32>], vector<16xf32>, vector<16xi1>
      %add3A_1108 = arith.constant 39 : i32
      %add3A_1109 = vector.broadcast %add3A_1108 : i32 to vector<16xi32>
      %add3A_1110 = arith.addi %mul3A_794, %add3A_1109 : vector<16xi32>
      %gather3A_1111 = tpu.vector_load_idx %arg7[%add3A_1110] : memref<2080xf32, #tpu.memory_space<vmem>>[vector<16xi32>], vector<16xf32>,
      %broadcast_in_dim3A_1112 = arith.constant 39 : i32
      %broadcast_in_dim3A_1113 = vector.broadcast %broadcast_in_dim3A_1112 : i32 to vector<16xi32>
      %broadcast_in_dim3A_1114 = arith.constant 512 : i32
      %broadcast_in_dim3A_1115 = vector.broadcast %broadcast_in_dim3A_1114 : i32 to vector<16xi32>
      tpu.vector_store_idx %arg8[%broadcast_in_dim3A_1113, %broadcast_in_dim3A_1115], %gather3A_1111 masked %eq3A_797 : memref<64x513xf32, #tpu.memory_space<vmem>>[vector<16xi32>, vector<16xi32>], vector<16xf32>, vector<16xi1>
      %add3A_1116 = arith.constant 40 : i32
      %add3A_1117 = vector.broadcast %add3A_1116 : i32 to vector<16xi32>
      %add3A_1118 = arith.addi %mul3A_794, %add3A_1117 : vector<16xi32>
      %gather3A_1119 = tpu.vector_load_idx %arg7[%add3A_1118] : memref<2080xf32, #tpu.memory_space<vmem>>[vector<16xi32>], vector<16xf32>,
      %broadcast_in_dim3A_1120 = arith.constant 40 : i32
      %broadcast_in_dim3A_1121 = vector.broadcast %broadcast_in_dim3A_1120 : i32 to vector<16xi32>
      %broadcast_in_dim3A_1122 = arith.constant 512 : i32
      %broadcast_in_dim3A_1123 = vector.broadcast %broadcast_in_dim3A_1122 : i32 to vector<16xi32>
      tpu.vector_store_idx %arg8[%broadcast_in_dim3A_1121, %broadcast_in_dim3A_1123], %gather3A_1119 masked %eq3A_797 : memref<64x513xf32, #tpu.memory_space<vmem>>[vector<16xi32>, vector<16xi32>], vector<16xf32>, vector<16xi1>
      %add3A_1124 = arith.constant 41 : i32
      %add3A_1125 = vector.broadcast %add3A_1124 : i32 to vector<16xi32>
      %add3A_1126 = arith.addi %mul3A_794, %add3A_1125 : vector<16xi32>
      %gather3A_1127 = tpu.vector_load_idx %arg7[%add3A_1126] : memref<2080xf32, #tpu.memory_space<vmem>>[vector<16xi32>], vector<16xf32>,
      %broadcast_in_dim3A_1128 = arith.constant 41 : i32
      %broadcast_in_dim3A_1129 = vector.broadcast %broadcast_in_dim3A_1128 : i32 to vector<16xi32>
      %broadcast_in_dim3A_1130 = arith.constant 512 : i32
      %broadcast_in_dim3A_1131 = vector.broadcast %broadcast_in_dim3A_1130 : i32 to vector<16xi32>
      tpu.vector_store_idx %arg8[%broadcast_in_dim3A_1129, %broadcast_in_dim3A_1131], %gather3A_1127 masked %eq3A_797 : memref<64x513xf32, #tpu.memory_space<vmem>>[vector<16xi32>, vector<16xi32>], vector<16xf32>, vector<16xi1>
      %add3A_1132 = arith.constant 42 : i32
      %add3A_1133 = vector.broadcast %add3A_1132 : i32 to vector<16xi32>
      %add3A_1134 = arith.addi %mul3A_794, %add3A_1133 : vector<16xi32>
      %gather3A_1135 = tpu.vector_load_idx %arg7[%add3A_1134] : memref<2080xf32, #tpu.memory_space<vmem>>[vector<16xi32>], vector<16xf32>,
      %broadcast_in_dim3A_1136 = arith.constant 42 : i32
      %broadcast_in_dim3A_1137 = vector.broadcast %broadcast_in_dim3A_1136 : i32 to vector<16xi32>
      %broadcast_in_dim3A_1138 = arith.constant 512 : i32
      %broadcast_in_dim3A_1139 = vector.broadcast %broadcast_in_dim3A_1138 : i32 to vector<16xi32>
      tpu.vector_store_idx %arg8[%broadcast_in_dim3A_1137, %broadcast_in_dim3A_1139], %gather3A_1135 masked %eq3A_797 : memref<64x513xf32, #tpu.memory_space<vmem>>[vector<16xi32>, vector<16xi32>], vector<16xf32>, vector<16xi1>
      %add3A_1140 = arith.constant 43 : i32
      %add3A_1141 = vector.broadcast %add3A_1140 : i32 to vector<16xi32>
      %add3A_1142 = arith.addi %mul3A_794, %add3A_1141 : vector<16xi32>
      %gather3A_1143 = tpu.vector_load_idx %arg7[%add3A_1142] : memref<2080xf32, #tpu.memory_space<vmem>>[vector<16xi32>], vector<16xf32>,
      %broadcast_in_dim3A_1144 = arith.constant 43 : i32
      %broadcast_in_dim3A_1145 = vector.broadcast %broadcast_in_dim3A_1144 : i32 to vector<16xi32>
      %broadcast_in_dim3A_1146 = arith.constant 512 : i32
      %broadcast_in_dim3A_1147 = vector.broadcast %broadcast_in_dim3A_1146 : i32 to vector<16xi32>
      tpu.vector_store_idx %arg8[%broadcast_in_dim3A_1145, %broadcast_in_dim3A_1147], %gather3A_1143 masked %eq3A_797 : memref<64x513xf32, #tpu.memory_space<vmem>>[vector<16xi32>, vector<16xi32>], vector<16xf32>, vector<16xi1>
      %add3A_1148 = arith.constant 44 : i32
      %add3A_1149 = vector.broadcast %add3A_1148 : i32 to vector<16xi32>
      %add3A_1150 = arith.addi %mul3A_794, %add3A_1149 : vector<16xi32>
      %gather3A_1151 = tpu.vector_load_idx %arg7[%add3A_1150] : memref<2080xf32, #tpu.memory_space<vmem>>[vector<16xi32>], vector<16xf32>,
      %broadcast_in_dim3A_1152 = arith.constant 44 : i32
      %broadcast_in_dim3A_1153 = vector.broadcast %broadcast_in_dim3A_1152 : i32 to vector<16xi32>
      %broadcast_in_dim3A_1154 = arith.constant 512 : i32
      %broadcast_in_dim3A_1155 = vector.broadcast %broadcast_in_dim3A_1154 : i32 to vector<16xi32>
      tpu.vector_store_idx %arg8[%broadcast_in_dim3A_1153, %broadcast_in_dim3A_1155], %gather3A_1151 masked %eq3A_797 : memref<64x513xf32, #tpu.memory_space<vmem>>[vector<16xi32>, vector<16xi32>], vector<16xf32>, vector<16xi1>
      %add3A_1156 = arith.constant 45 : i32
      %add3A_1157 = vector.broadcast %add3A_1156 : i32 to vector<16xi32>
      %add3A_1158 = arith.addi %mul3A_794, %add3A_1157 : vector<16xi32>
      %gather3A_1159 = tpu.vector_load_idx %arg7[%add3A_1158] : memref<2080xf32, #tpu.memory_space<vmem>>[vector<16xi32>], vector<16xf32>,
      %broadcast_in_dim3A_1160 = arith.constant 45 : i32
      %broadcast_in_dim3A_1161 = vector.broadcast %broadcast_in_dim3A_1160 : i32 to vector<16xi32>
      %broadcast_in_dim3A_1162 = arith.constant 512 : i32
      %broadcast_in_dim3A_1163 = vector.broadcast %broadcast_in_dim3A_1162 : i32 to vector<16xi32>
      tpu.vector_store_idx %arg8[%broadcast_in_dim3A_1161, %broadcast_in_dim3A_1163], %gather3A_1159 masked %eq3A_797 : memref<64x513xf32, #tpu.memory_space<vmem>>[vector<16xi32>, vector<16xi32>], vector<16xf32>, vector<16xi1>
      %add3A_1164 = arith.constant 46 : i32
      %add3A_1165 = vector.broadcast %add3A_1164 : i32 to vector<16xi32>
      %add3A_1166 = arith.addi %mul3A_794, %add3A_1165 : vector<16xi32>
      %gather3A_1167 = tpu.vector_load_idx %arg7[%add3A_1166] : memref<2080xf32, #tpu.memory_space<vmem>>[vector<16xi32>], vector<16xf32>,
      %broadcast_in_dim3A_1168 = arith.constant 46 : i32
      %broadcast_in_dim3A_1169 = vector.broadcast %broadcast_in_dim3A_1168 : i32 to vector<16xi32>
      %broadcast_in_dim3A_1170 = arith.constant 512 : i32
      %broadcast_in_dim3A_1171 = vector.broadcast %broadcast_in_dim3A_1170 : i32 to vector<16xi32>
      tpu.vector_store_idx %arg8[%broadcast_in_dim3A_1169, %broadcast_in_dim3A_1171], %gather3A_1167 masked %eq3A_797 : memref<64x513xf32, #tpu.memory_space<vmem>>[vector<16xi32>, vector<16xi32>], vector<16xf32>, vector<16xi1>
      %add3A_1172 = arith.constant 47 : i32
      %add3A_1173 = vector.broadcast %add3A_1172 : i32 to vector<16xi32>
      %add3A_1174 = arith.addi %mul3A_794, %add3A_1173 : vector<16xi32>
      %gather3A_1175 = tpu.vector_load_idx %arg7[%add3A_1174] : memref<2080xf32, #tpu.memory_space<vmem>>[vector<16xi32>], vector<16xf32>,
      %broadcast_in_dim3A_1176 = arith.constant 47 : i32
      %broadcast_in_dim3A_1177 = vector.broadcast %broadcast_in_dim3A_1176 : i32 to vector<16xi32>
      %broadcast_in_dim3A_1178 = arith.constant 512 : i32
      %broadcast_in_dim3A_1179 = vector.broadcast %broadcast_in_dim3A_1178 : i32 to vector<16xi32>
      tpu.vector_store_idx %arg8[%broadcast_in_dim3A_1177, %broadcast_in_dim3A_1179], %gather3A_1175 masked %eq3A_797 : memref<64x513xf32, #tpu.memory_space<vmem>>[vector<16xi32>, vector<16xi32>], vector<16xf32>, vector<16xi1>
      %add3A_1180 = arith.constant 48 : i32
      %add3A_1181 = vector.broadcast %add3A_1180 : i32 to vector<16xi32>
      %add3A_1182 = arith.addi %mul3A_794, %add3A_1181 : vector<16xi32>
      %gather3A_1183 = tpu.vector_load_idx %arg7[%add3A_1182] : memref<2080xf32, #tpu.memory_space<vmem>>[vector<16xi32>], vector<16xf32>,
      %broadcast_in_dim3A_1184 = arith.constant 48 : i32
      %broadcast_in_dim3A_1185 = vector.broadcast %broadcast_in_dim3A_1184 : i32 to vector<16xi32>
      %broadcast_in_dim3A_1186 = arith.constant 512 : i32
      %broadcast_in_dim3A_1187 = vector.broadcast %broadcast_in_dim3A_1186 : i32 to vector<16xi32>
      tpu.vector_store_idx %arg8[%broadcast_in_dim3A_1185, %broadcast_in_dim3A_1187], %gather3A_1183 masked %eq3A_797 : memref<64x513xf32, #tpu.memory_space<vmem>>[vector<16xi32>, vector<16xi32>], vector<16xf32>, vector<16xi1>
      %add3A_1188 = arith.constant 49 : i32
      %add3A_1189 = vector.broadcast %add3A_1188 : i32 to vector<16xi32>
      %add3A_1190 = arith.addi %mul3A_794, %add3A_1189 : vector<16xi32>
      %gather3A_1191 = tpu.vector_load_idx %arg7[%add3A_1190] : memref<2080xf32, #tpu.memory_space<vmem>>[vector<16xi32>], vector<16xf32>,
      %broadcast_in_dim3A_1192 = arith.constant 49 : i32
      %broadcast_in_dim3A_1193 = vector.broadcast %broadcast_in_dim3A_1192 : i32 to vector<16xi32>
      %broadcast_in_dim3A_1194 = arith.constant 512 : i32
      %broadcast_in_dim3A_1195 = vector.broadcast %broadcast_in_dim3A_1194 : i32 to vector<16xi32>
      tpu.vector_store_idx %arg8[%broadcast_in_dim3A_1193, %broadcast_in_dim3A_1195], %gather3A_1191 masked %eq3A_797 : memref<64x513xf32, #tpu.memory_space<vmem>>[vector<16xi32>, vector<16xi32>], vector<16xf32>, vector<16xi1>
      %add3A_1196 = arith.constant 50 : i32
      %add3A_1197 = vector.broadcast %add3A_1196 : i32 to vector<16xi32>
      %add3A_1198 = arith.addi %mul3A_794, %add3A_1197 : vector<16xi32>
      %gather3A_1199 = tpu.vector_load_idx %arg7[%add3A_1198] : memref<2080xf32, #tpu.memory_space<vmem>>[vector<16xi32>], vector<16xf32>,
      %broadcast_in_dim3A_1200 = arith.constant 50 : i32
      %broadcast_in_dim3A_1201 = vector.broadcast %broadcast_in_dim3A_1200 : i32 to vector<16xi32>
      %broadcast_in_dim3A_1202 = arith.constant 512 : i32
      %broadcast_in_dim3A_1203 = vector.broadcast %broadcast_in_dim3A_1202 : i32 to vector<16xi32>
      tpu.vector_store_idx %arg8[%broadcast_in_dim3A_1201, %broadcast_in_dim3A_1203], %gather3A_1199 masked %eq3A_797 : memref<64x513xf32, #tpu.memory_space<vmem>>[vector<16xi32>, vector<16xi32>], vector<16xf32>, vector<16xi1>
      %add3A_1204 = arith.constant 51 : i32
      %add3A_1205 = vector.broadcast %add3A_1204 : i32 to vector<16xi32>
      %add3A_1206 = arith.addi %mul3A_794, %add3A_1205 : vector<16xi32>
      %gather3A_1207 = tpu.vector_load_idx %arg7[%add3A_1206] : memref<2080xf32, #tpu.memory_space<vmem>>[vector<16xi32>], vector<16xf32>,
      %broadcast_in_dim3A_1208 = arith.constant 51 : i32
      %broadcast_in_dim3A_1209 = vector.broadcast %broadcast_in_dim3A_1208 : i32 to vector<16xi32>
      %broadcast_in_dim3A_1210 = arith.constant 512 : i32
      %broadcast_in_dim3A_1211 = vector.broadcast %broadcast_in_dim3A_1210 : i32 to vector<16xi32>
      tpu.vector_store_idx %arg8[%broadcast_in_dim3A_1209, %broadcast_in_dim3A_1211], %gather3A_1207 masked %eq3A_797 : memref<64x513xf32, #tpu.memory_space<vmem>>[vector<16xi32>, vector<16xi32>], vector<16xf32>, vector<16xi1>
      %add3A_1212 = arith.constant 52 : i32
      %add3A_1213 = vector.broadcast %add3A_1212 : i32 to vector<16xi32>
      %add3A_1214 = arith.addi %mul3A_794, %add3A_1213 : vector<16xi32>
      %gather3A_1215 = tpu.vector_load_idx %arg7[%add3A_1214] : memref<2080xf32, #tpu.memory_space<vmem>>[vector<16xi32>], vector<16xf32>,
      %broadcast_in_dim3A_1216 = arith.constant 52 : i32
      %broadcast_in_dim3A_1217 = vector.broadcast %broadcast_in_dim3A_1216 : i32 to vector<16xi32>
      %broadcast_in_dim3A_1218 = arith.constant 512 : i32
      %broadcast_in_dim3A_1219 = vector.broadcast %broadcast_in_dim3A_1218 : i32 to vector<16xi32>
      tpu.vector_store_idx %arg8[%broadcast_in_dim3A_1217, %broadcast_in_dim3A_1219], %gather3A_1215 masked %eq3A_797 : memref<64x513xf32, #tpu.memory_space<vmem>>[vector<16xi32>, vector<16xi32>], vector<16xf32>, vector<16xi1>
      %add3A_1220 = arith.constant 53 : i32
      %add3A_1221 = vector.broadcast %add3A_1220 : i32 to vector<16xi32>
      %add3A_1222 = arith.addi %mul3A_794, %add3A_1221 : vector<16xi32>
      %gather3A_1223 = tpu.vector_load_idx %arg7[%add3A_1222] : memref<2080xf32, #tpu.memory_space<vmem>>[vector<16xi32>], vector<16xf32>,
      %broadcast_in_dim3A_1224 = arith.constant 53 : i32
      %broadcast_in_dim3A_1225 = vector.broadcast %broadcast_in_dim3A_1224 : i32 to vector<16xi32>
      %broadcast_in_dim3A_1226 = arith.constant 512 : i32
      %broadcast_in_dim3A_1227 = vector.broadcast %broadcast_in_dim3A_1226 : i32 to vector<16xi32>
      tpu.vector_store_idx %arg8[%broadcast_in_dim3A_1225, %broadcast_in_dim3A_1227], %gather3A_1223 masked %eq3A_797 : memref<64x513xf32, #tpu.memory_space<vmem>>[vector<16xi32>, vector<16xi32>], vector<16xf32>, vector<16xi1>
      %add3A_1228 = arith.constant 54 : i32
      %add3A_1229 = vector.broadcast %add3A_1228 : i32 to vector<16xi32>
      %add3A_1230 = arith.addi %mul3A_794, %add3A_1229 : vector<16xi32>
      %gather3A_1231 = tpu.vector_load_idx %arg7[%add3A_1230] : memref<2080xf32, #tpu.memory_space<vmem>>[vector<16xi32>], vector<16xf32>,
      %broadcast_in_dim3A_1232 = arith.constant 54 : i32
      %broadcast_in_dim3A_1233 = vector.broadcast %broadcast_in_dim3A_1232 : i32 to vector<16xi32>
      %broadcast_in_dim3A_1234 = arith.constant 512 : i32
      %broadcast_in_dim3A_1235 = vector.broadcast %broadcast_in_dim3A_1234 : i32 to vector<16xi32>
      tpu.vector_store_idx %arg8[%broadcast_in_dim3A_1233, %broadcast_in_dim3A_1235], %gather3A_1231 masked %eq3A_797 : memref<64x513xf32, #tpu.memory_space<vmem>>[vector<16xi32>, vector<16xi32>], vector<16xf32>, vector<16xi1>
      %add3A_1236 = arith.constant 55 : i32
      %add3A_1237 = vector.broadcast %add3A_1236 : i32 to vector<16xi32>
      %add3A_1238 = arith.addi %mul3A_794, %add3A_1237 : vector<16xi32>
      %gather3A_1239 = tpu.vector_load_idx %arg7[%add3A_1238] : memref<2080xf32, #tpu.memory_space<vmem>>[vector<16xi32>], vector<16xf32>,
      %broadcast_in_dim3A_1240 = arith.constant 55 : i32
      %broadcast_in_dim3A_1241 = vector.broadcast %broadcast_in_dim3A_1240 : i32 to vector<16xi32>
      %broadcast_in_dim3A_1242 = arith.constant 512 : i32
      %broadcast_in_dim3A_1243 = vector.broadcast %broadcast_in_dim3A_1242 : i32 to vector<16xi32>
      tpu.vector_store_idx %arg8[%broadcast_in_dim3A_1241, %broadcast_in_dim3A_1243], %gather3A_1239 masked %eq3A_797 : memref<64x513xf32, #tpu.memory_space<vmem>>[vector<16xi32>, vector<16xi32>], vector<16xf32>, vector<16xi1>
      %add3A_1244 = arith.constant 56 : i32
      %add3A_1245 = vector.broadcast %add3A_1244 : i32 to vector<16xi32>
      %add3A_1246 = arith.addi %mul3A_794, %add3A_1245 : vector<16xi32>
      %gather3A_1247 = tpu.vector_load_idx %arg7[%add3A_1246] : memref<2080xf32, #tpu.memory_space<vmem>>[vector<16xi32>], vector<16xf32>,
      %broadcast_in_dim3A_1248 = arith.constant 56 : i32
      %broadcast_in_dim3A_1249 = vector.broadcast %broadcast_in_dim3A_1248 : i32 to vector<16xi32>
      %broadcast_in_dim3A_1250 = arith.constant 512 : i32
      %broadcast_in_dim3A_1251 = vector.broadcast %broadcast_in_dim3A_1250 : i32 to vector<16xi32>
      tpu.vector_store_idx %arg8[%broadcast_in_dim3A_1249, %broadcast_in_dim3A_1251], %gather3A_1247 masked %eq3A_797 : memref<64x513xf32, #tpu.memory_space<vmem>>[vector<16xi32>, vector<16xi32>], vector<16xf32>, vector<16xi1>
      %add3A_1252 = arith.constant 57 : i32
      %add3A_1253 = vector.broadcast %add3A_1252 : i32 to vector<16xi32>
      %add3A_1254 = arith.addi %mul3A_794, %add3A_1253 : vector<16xi32>
      %gather3A_1255 = tpu.vector_load_idx %arg7[%add3A_1254] : memref<2080xf32, #tpu.memory_space<vmem>>[vector<16xi32>], vector<16xf32>,
      %broadcast_in_dim3A_1256 = arith.constant 57 : i32
      %broadcast_in_dim3A_1257 = vector.broadcast %broadcast_in_dim3A_1256 : i32 to vector<16xi32>
      %broadcast_in_dim3A_1258 = arith.constant 512 : i32
      %broadcast_in_dim3A_1259 = vector.broadcast %broadcast_in_dim3A_1258 : i32 to vector<16xi32>
      tpu.vector_store_idx %arg8[%broadcast_in_dim3A_1257, %broadcast_in_dim3A_1259], %gather3A_1255 masked %eq3A_797 : memref<64x513xf32, #tpu.memory_space<vmem>>[vector<16xi32>, vector<16xi32>], vector<16xf32>, vector<16xi1>
      %add3A_1260 = arith.constant 58 : i32
      %add3A_1261 = vector.broadcast %add3A_1260 : i32 to vector<16xi32>
      %add3A_1262 = arith.addi %mul3A_794, %add3A_1261 : vector<16xi32>
      %gather3A_1263 = tpu.vector_load_idx %arg7[%add3A_1262] : memref<2080xf32, #tpu.memory_space<vmem>>[vector<16xi32>], vector<16xf32>,
      %broadcast_in_dim3A_1264 = arith.constant 58 : i32
      %broadcast_in_dim3A_1265 = vector.broadcast %broadcast_in_dim3A_1264 : i32 to vector<16xi32>
      %broadcast_in_dim3A_1266 = arith.constant 512 : i32
      %broadcast_in_dim3A_1267 = vector.broadcast %broadcast_in_dim3A_1266 : i32 to vector<16xi32>
      tpu.vector_store_idx %arg8[%broadcast_in_dim3A_1265, %broadcast_in_dim3A_1267], %gather3A_1263 masked %eq3A_797 : memref<64x513xf32, #tpu.memory_space<vmem>>[vector<16xi32>, vector<16xi32>], vector<16xf32>, vector<16xi1>
      %add3A_1268 = arith.constant 59 : i32
      %add3A_1269 = vector.broadcast %add3A_1268 : i32 to vector<16xi32>
      %add3A_1270 = arith.addi %mul3A_794, %add3A_1269 : vector<16xi32>
      %gather3A_1271 = tpu.vector_load_idx %arg7[%add3A_1270] : memref<2080xf32, #tpu.memory_space<vmem>>[vector<16xi32>], vector<16xf32>,
      %broadcast_in_dim3A_1272 = arith.constant 59 : i32
      %broadcast_in_dim3A_1273 = vector.broadcast %broadcast_in_dim3A_1272 : i32 to vector<16xi32>
      %broadcast_in_dim3A_1274 = arith.constant 512 : i32
      %broadcast_in_dim3A_1275 = vector.broadcast %broadcast_in_dim3A_1274 : i32 to vector<16xi32>
      tpu.vector_store_idx %arg8[%broadcast_in_dim3A_1273, %broadcast_in_dim3A_1275], %gather3A_1271 masked %eq3A_797 : memref<64x513xf32, #tpu.memory_space<vmem>>[vector<16xi32>, vector<16xi32>], vector<16xf32>, vector<16xi1>
      %add3A_1276 = arith.constant 60 : i32
      %add3A_1277 = vector.broadcast %add3A_1276 : i32 to vector<16xi32>
      %add3A_1278 = arith.addi %mul3A_794, %add3A_1277 : vector<16xi32>
      %gather3A_1279 = tpu.vector_load_idx %arg7[%add3A_1278] : memref<2080xf32, #tpu.memory_space<vmem>>[vector<16xi32>], vector<16xf32>,
      %broadcast_in_dim3A_1280 = arith.constant 60 : i32
      %broadcast_in_dim3A_1281 = vector.broadcast %broadcast_in_dim3A_1280 : i32 to vector<16xi32>
      %broadcast_in_dim3A_1282 = arith.constant 512 : i32
      %broadcast_in_dim3A_1283 = vector.broadcast %broadcast_in_dim3A_1282 : i32 to vector<16xi32>
      tpu.vector_store_idx %arg8[%broadcast_in_dim3A_1281, %broadcast_in_dim3A_1283], %gather3A_1279 masked %eq3A_797 : memref<64x513xf32, #tpu.memory_space<vmem>>[vector<16xi32>, vector<16xi32>], vector<16xf32>, vector<16xi1>
      %add3A_1284 = arith.constant 61 : i32
      %add3A_1285 = vector.broadcast %add3A_1284 : i32 to vector<16xi32>
      %add3A_1286 = arith.addi %mul3A_794, %add3A_1285 : vector<16xi32>
      %gather3A_1287 = tpu.vector_load_idx %arg7[%add3A_1286] : memref<2080xf32, #tpu.memory_space<vmem>>[vector<16xi32>], vector<16xf32>,
      %broadcast_in_dim3A_1288 = arith.constant 61 : i32
      %broadcast_in_dim3A_1289 = vector.broadcast %broadcast_in_dim3A_1288 : i32 to vector<16xi32>
      %broadcast_in_dim3A_1290 = arith.constant 512 : i32
      %broadcast_in_dim3A_1291 = vector.broadcast %broadcast_in_dim3A_1290 : i32 to vector<16xi32>
      tpu.vector_store_idx %arg8[%broadcast_in_dim3A_1289, %broadcast_in_dim3A_1291], %gather3A_1287 masked %eq3A_797 : memref<64x513xf32, #tpu.memory_space<vmem>>[vector<16xi32>, vector<16xi32>], vector<16xf32>, vector<16xi1>
      %add3A_1292 = arith.constant 62 : i32
      %add3A_1293 = vector.broadcast %add3A_1292 : i32 to vector<16xi32>
      %add3A_1294 = arith.addi %mul3A_794, %add3A_1293 : vector<16xi32>
      %gather3A_1295 = tpu.vector_load_idx %arg7[%add3A_1294] : memref<2080xf32, #tpu.memory_space<vmem>>[vector<16xi32>], vector<16xf32>,
      %broadcast_in_dim3A_1296 = arith.constant 62 : i32
      %broadcast_in_dim3A_1297 = vector.broadcast %broadcast_in_dim3A_1296 : i32 to vector<16xi32>
      %broadcast_in_dim3A_1298 = arith.constant 512 : i32
      %broadcast_in_dim3A_1299 = vector.broadcast %broadcast_in_dim3A_1298 : i32 to vector<16xi32>
      tpu.vector_store_idx %arg8[%broadcast_in_dim3A_1297, %broadcast_in_dim3A_1299], %gather3A_1295 masked %eq3A_797 : memref<64x513xf32, #tpu.memory_space<vmem>>[vector<16xi32>, vector<16xi32>], vector<16xf32>, vector<16xi1>
      %add3A_1300 = arith.constant 63 : i32
      %add3A_1301 = vector.broadcast %add3A_1300 : i32 to vector<16xi32>
      %add3A_1302 = arith.addi %mul3A_794, %add3A_1301 : vector<16xi32>
      %gather3A_1303 = tpu.vector_load_idx %arg7[%add3A_1302] : memref<2080xf32, #tpu.memory_space<vmem>>[vector<16xi32>], vector<16xf32>,
      %broadcast_in_dim3A_1304 = arith.constant 63 : i32
      %broadcast_in_dim3A_1305 = vector.broadcast %broadcast_in_dim3A_1304 : i32 to vector<16xi32>
      %broadcast_in_dim3A_1306 = arith.constant 512 : i32
      %broadcast_in_dim3A_1307 = vector.broadcast %broadcast_in_dim3A_1306 : i32 to vector<16xi32>
      tpu.vector_store_idx %arg8[%broadcast_in_dim3A_1305, %broadcast_in_dim3A_1307], %gather3A_1303 masked %eq3A_797 : memref<64x513xf32, #tpu.memory_space<vmem>>[vector<16xi32>, vector<16xi32>], vector<16xf32>, vector<16xi1>
    } else {
    }
    %not3A_782 = arith.constant true
    %not3A_783 = arith.xori %eq3A_771, %not3A_782 : i1
    %convert_element_type3A_784 = arith.extui %not3A_783 : i1 to i32
    %cond3A_785 = arith.constant 0 : i32
    %cond3A_786 = arith.cmpi ne, %convert_element_type3A_784, %cond3A_785 : i32
    scf.if %cond3A_786 {
      %add3A_790 = arith.constant 256 : i32
      %add3A_791 = arith.addi %mul3A_2, %add3A_790 : i32
      %dma_start3A_792 = arith.constant 0 : i32
      %dma_start3A_793 = arith.constant 0 : i32
      %dma_start3A_794 = arith.constant 256 : i32
      %dma_start3A_795 = tpu.memref_slice %arg8[%dma_start3A_793, %dma_start3A_794] : memref<64x513xf32, #tpu.memory_space<vmem>> -> memref<64x256xf32, #tpu.memory_space<vmem>>
      %dma_start3A_796 = arith.constant 0 : i32
      %dma_start3A_797 = tpu.memref_slice %arg4[%dma_start3A_792, %dma_start3A_796, %add3A_791] : memref<2x64x16385xf32, #tpu.memory_space<hbm>> -> memref<1x64x256xf32, #tpu.memory_space<hbm>>
      %dma_start3A_798 = tpu.memref_squeeze %dma_start3A_797 : memref<1x64x256xf32, #tpu.memory_space<hbm>> -> memref<64x256xf32, #tpu.memory_space<hbm>>
      %dma_start3A_799 = arith.constant 0 : i32
      %dma_start3A_800 = tpu.memref_slice %arg4[%dma_start3A_792, %dma_start3A_799, %add3A_791] : memref<2x64x16385xf32, #tpu.memory_space<hbm>> -> memref<1x64x256xf32, #tpu.memory_space<hbm>>
      %dma_start3A_801 = tpu.memref_squeeze %dma_start3A_800 : memref<1x64x256xf32, #tpu.memory_space<hbm>> -> memref<64x256xf32, #tpu.memory_space<hbm>>
      %dma_start3A_802 = arith.constant 0 : i32
      %dma_start3A_803 = arith.constant 256 : i32
      %dma_start3A_804 = tpu.memref_slice %arg8[%dma_start3A_802, %dma_start3A_803] : memref<64x513xf32, #tpu.memory_space<vmem>> -> memref<64x256xf32, #tpu.memory_space<vmem>>
      tpu.enqueue_dma source(%dma_start3A_804 : memref<64x256xf32, #tpu.memory_space<vmem>>) target(%dma_start3A_801 : memref<64x256xf32, #tpu.memory_space<hbm>>) target_semaphore(%arg9 : memref<!tpu.dma_semaphore, #tpu.memory_space<semaphore_mem>>)
      %add3A_805 = arith.constant 256 : i32
      %add3A_806 = arith.addi %mul3A_2, %add3A_805 : i32
      %dma_start3A_807 = arith.constant 1 : i32
      %dma_start3A_808 = arith.constant 0 : i32
      %dma_start3A_809 = arith.constant 256 : i32
      %dma_start3A_810 = tpu.memref_slice %arg8[%dma_start3A_808, %dma_start3A_809] : memref<64x513xf32, #tpu.memory_space<vmem>> -> memref<64x256xf32, #tpu.memory_space<vmem>>
      %dma_start3A_811 = arith.constant 0 : i32
      %dma_start3A_812 = tpu.memref_slice %arg4[%dma_start3A_807, %dma_start3A_811, %add3A_806] : memref<2x64x16385xf32, #tpu.memory_space<hbm>> -> memref<1x64x256xf32, #tpu.memory_space<hbm>>
      %dma_start3A_813 = tpu.memref_squeeze %dma_start3A_812 : memref<1x64x256xf32, #tpu.memory_space<hbm>> -> memref<64x256xf32, #tpu.memory_space<hbm>>
      %dma_start3A_814 = arith.constant 0 : i32
      %dma_start3A_815 = tpu.memref_slice %arg4[%dma_start3A_807, %dma_start3A_814, %add3A_806] : memref<2x64x16385xf32, #tpu.memory_space<hbm>> -> memref<1x64x256xf32, #tpu.memory_space<hbm>>
      %dma_start3A_816 = tpu.memref_squeeze %dma_start3A_815 : memref<1x64x256xf32, #tpu.memory_space<hbm>> -> memref<64x256xf32, #tpu.memory_space<hbm>>
      %dma_start3A_817 = arith.constant 0 : i32
      %dma_start3A_818 = arith.constant 256 : i32
      %dma_start3A_819 = tpu.memref_slice %arg8[%dma_start3A_817, %dma_start3A_818] : memref<64x513xf32, #tpu.memory_space<vmem>> -> memref<64x256xf32, #tpu.memory_space<vmem>>
      tpu.enqueue_dma source(%dma_start3A_819 : memref<64x256xf32, #tpu.memory_space<vmem>>) target(%dma_start3A_816 : memref<64x256xf32, #tpu.memory_space<hbm>>) target_semaphore(%arg10 : memref<!tpu.dma_semaphore, #tpu.memory_space<semaphore_mem>>)
      %dma_wait3A_820 = arith.constant 0 : i32
      %dma_wait3A_821 = arith.constant 0 : i32
      %dma_wait3A_822 = arith.constant 256 : i32
      %dma_wait3A_823 = tpu.memref_slice %arg8[%dma_wait3A_821, %dma_wait3A_822] : memref<64x513xf32, #tpu.memory_space<vmem>> -> memref<64x256xf32, #tpu.memory_space<vmem>>
      %dma_wait3A_824 = arith.constant 0 : i32
      %dma_wait3A_825 = tpu.memref_slice %arg4[%dma_wait3A_820, %dma_wait3A_824, %add3A_791] : memref<2x64x16385xf32, #tpu.memory_space<hbm>> -> memref<1x64x256xf32, #tpu.memory_space<hbm>>
      %dma_wait3A_826 = tpu.memref_squeeze %dma_wait3A_825 : memref<1x64x256xf32, #tpu.memory_space<hbm>> -> memref<64x256xf32, #tpu.memory_space<hbm>>
      %dma_wait3A_827 = arith.constant 0 : i32
      %dma_wait3A_828 = tpu.memref_slice %arg4[%dma_wait3A_820, %dma_wait3A_827, %add3A_791] : memref<2x64x16385xf32, #tpu.memory_space<hbm>> -> memref<1x64x256xf32, #tpu.memory_space<hbm>>
      %dma_wait3A_829 = tpu.memref_squeeze %dma_wait3A_828 : memref<1x64x256xf32, #tpu.memory_space<hbm>> -> memref<64x256xf32, #tpu.memory_space<hbm>>
      %dma_wait3A_830 = arith.constant 0 : i32
      %dma_wait3A_831 = arith.constant 256 : i32
      %dma_wait3A_832 = tpu.memref_slice %arg8[%dma_wait3A_830, %dma_wait3A_831] : memref<64x513xf32, #tpu.memory_space<vmem>> -> memref<64x256xf32, #tpu.memory_space<vmem>>
      tpu.wait_dma2 semaphore(%arg9 : memref<!tpu.dma_semaphore, #tpu.memory_space<semaphore_mem>>) src(%dma_wait3A_832 : memref<64x256xf32, #tpu.memory_space<vmem>>) dst(%dma_wait3A_829 : memref<64x256xf32, #tpu.memory_space<hbm>>)
      %dma_wait3A_833 = arith.constant 1 : i32
      %dma_wait3A_834 = arith.constant 0 : i32
      %dma_wait3A_835 = arith.constant 256 : i32
      %dma_wait3A_836 = tpu.memref_slice %arg8[%dma_wait3A_834, %dma_wait3A_835] : memref<64x513xf32, #tpu.memory_space<vmem>> -> memref<64x256xf32, #tpu.memory_space<vmem>>
      %dma_wait3A_837 = arith.constant 0 : i32
      %dma_wait3A_838 = tpu.memref_slice %arg4[%dma_wait3A_833, %dma_wait3A_837, %add3A_806] : memref<2x64x16385xf32, #tpu.memory_space<hbm>> -> memref<1x64x256xf32, #tpu.memory_space<hbm>>
      %dma_wait3A_839 = tpu.memref_squeeze %dma_wait3A_838 : memref<1x64x256xf32, #tpu.memory_space<hbm>> -> memref<64x256xf32, #tpu.memory_space<hbm>>
      %dma_wait3A_840 = arith.constant 0 : i32
      %dma_wait3A_841 = tpu.memref_slice %arg4[%dma_wait3A_833, %dma_wait3A_840, %add3A_806] : memref<2x64x16385xf32, #tpu.memory_space<hbm>> -> memref<1x64x256xf32, #tpu.memory_space<hbm>>
      %dma_wait3A_842 = tpu.memref_squeeze %dma_wait3A_841 : memref<1x64x256xf32, #tpu.memory_space<hbm>> -> memref<64x256xf32, #tpu.memory_space<hbm>>
      %dma_wait3A_843 = arith.constant 0 : i32
      %dma_wait3A_844 = arith.constant 256 : i32
      %dma_wait3A_845 = tpu.memref_slice %arg8[%dma_wait3A_843, %dma_wait3A_844] : memref<64x513xf32, #tpu.memory_space<vmem>> -> memref<64x256xf32, #tpu.memory_space<vmem>>
      tpu.wait_dma2 semaphore(%arg10 : memref<!tpu.dma_semaphore, #tpu.memory_space<semaphore_mem>>) src(%dma_wait3A_845 : memref<64x256xf32, #tpu.memory_space<vmem>>) dst(%dma_wait3A_842 : memref<64x256xf32, #tpu.memory_space<hbm>>)
      %dma_wait3A_846 = arith.constant 0 : i32
      %dma_wait3A_847 = arith.constant 0 : i32
      %dma_wait3A_848 = arith.constant 256 : i32
      %dma_wait3A_849 = tpu.memref_slice %arg8[%dma_wait3A_847, %dma_wait3A_848] : memref<64x513xf32, #tpu.memory_space<vmem>> -> memref<64x256xf32, #tpu.memory_space<vmem>>
      %dma_wait3A_850 = arith.constant 0 : i32
      %dma_wait3A_851 = tpu.memref_slice %arg4[%dma_wait3A_846, %dma_wait3A_850, %add3A_791] : memref<2x64x16385xf32, #tpu.memory_space<hbm>> -> memref<1x64x256xf32, #tpu.memory_space<hbm>>
      %dma_wait3A_852 = tpu.memref_squeeze %dma_wait3A_851 : memref<1x64x256xf32, #tpu.memory_space<hbm>> -> memref<64x256xf32, #tpu.memory_space<hbm>>
      %dma_wait3A_853 = arith.constant 0 : i32
      %dma_wait3A_854 = tpu.memref_slice %arg4[%dma_wait3A_846, %dma_wait3A_853, %add3A_791] : memref<2x64x16385xf32, #tpu.memory_space<hbm>> -> memref<1x64x256xf32, #tpu.memory_space<hbm>>
      %dma_wait3A_855 = tpu.memref_squeeze %dma_wait3A_854 : memref<1x64x256xf32, #tpu.memory_space<hbm>> -> memref<64x256xf32, #tpu.memory_space<hbm>>
      %dma_wait3A_856 = arith.constant 0 : i32
      %dma_wait3A_857 = arith.constant 256 : i32
      %dma_wait3A_858 = tpu.memref_slice %arg8[%dma_wait3A_856, %dma_wait3A_857] : memref<64x513xf32, #tpu.memory_space<vmem>> -> memref<64x256xf32, #tpu.memory_space<vmem>>
      tpu.wait_dma2 semaphore(%arg9 : memref<!tpu.dma_semaphore, #tpu.memory_space<semaphore_mem>>) src(%dma_wait3A_858 : memref<64x256xf32, #tpu.memory_space<vmem>>) dst(%dma_wait3A_855 : memref<64x256xf32, #tpu.memory_space<hbm>>)
      %dma_wait3A_859 = arith.constant 1 : i32
      %dma_wait3A_860 = arith.constant 0 : i32
      %dma_wait3A_861 = arith.constant 256 : i32
      %dma_wait3A_862 = tpu.memref_slice %arg8[%dma_wait3A_860, %dma_wait3A_861] : memref<64x513xf32, #tpu.memory_space<vmem>> -> memref<64x256xf32, #tpu.memory_space<vmem>>
      %dma_wait3A_863 = arith.constant 0 : i32
      %dma_wait3A_864 = tpu.memref_slice %arg4[%dma_wait3A_859, %dma_wait3A_863, %add3A_806] : memref<2x64x16385xf32, #tpu.memory_space<hbm>> -> memref<1x64x256xf32, #tpu.memory_space<hbm>>
      %dma_wait3A_865 = tpu.memref_squeeze %dma_wait3A_864 : memref<1x64x256xf32, #tpu.memory_space<hbm>> -> memref<64x256xf32, #tpu.memory_space<hbm>>
      %dma_wait3A_866 = arith.constant 0 : i32
      %dma_wait3A_867 = tpu.memref_slice %arg4[%dma_wait3A_859, %dma_wait3A_866, %add3A_806] : memref<2x64x16385xf32, #tpu.memory_space<hbm>> -> memref<1x64x256xf32, #tpu.memory_space<hbm>>
      %dma_wait3A_868 = tpu.memref_squeeze %dma_wait3A_867 : memref<1x64x256xf32, #tpu.memory_space<hbm>> -> memref<64x256xf32, #tpu.memory_space<hbm>>
      %dma_wait3A_869 = arith.constant 0 : i32
      %dma_wait3A_870 = arith.constant 256 : i32
      %dma_wait3A_871 = tpu.memref_slice %arg8[%dma_wait3A_869, %dma_wait3A_870] : memref<64x513xf32, #tpu.memory_space<vmem>> -> memref<64x256xf32, #tpu.memory_space<vmem>>
      tpu.wait_dma2 semaphore(%arg10 : memref<!tpu.dma_semaphore, #tpu.memory_space<semaphore_mem>>) src(%dma_wait3A_871 : memref<64x256xf32, #tpu.memory_space<vmem>>) dst(%dma_wait3A_868 : memref<64x256xf32, #tpu.memory_space<hbm>>)
    } else {
    }
    %convert_element_type3A_787 = arith.extui %eq3A_771 : i1 to i32
    %cond3A_788 = arith.constant 0 : i32
    %cond3A_789 = arith.cmpi ne, %convert_element_type3A_787, %cond3A_788 : i32
    scf.if %cond3A_789 {
      %dma_start3A_790 = arith.constant 0 : i32
      %dma_start3A_791 = arith.constant 0 : i32
      %dma_start3A_792 = arith.constant 15872 : i32
      %dma_start3A_793 = tpu.memref_slice %arg4[%dma_start3A_790, %dma_start3A_791, %dma_start3A_792] : memref<2x64x16385xf32, #tpu.memory_space<hbm>> -> memref<1x64x513xf32, #tpu.memory_space<hbm>>
      %dma_start3A_794 = tpu.memref_squeeze %dma_start3A_793 : memref<1x64x513xf32, #tpu.memory_space<hbm>> -> memref<64x513xf32, #tpu.memory_space<hbm>>
      %dma_start3A_795 = arith.constant 0 : i32
      %dma_start3A_796 = arith.constant 15872 : i32
      %dma_start3A_797 = tpu.memref_slice %arg4[%dma_start3A_790, %dma_start3A_795, %dma_start3A_796] : memref<2x64x16385xf32, #tpu.memory_space<hbm>> -> memref<1x64x513xf32, #tpu.memory_space<hbm>>
      %dma_start3A_798 = tpu.memref_squeeze %dma_start3A_797 : memref<1x64x513xf32, #tpu.memory_space<hbm>> -> memref<64x513xf32, #tpu.memory_space<hbm>>
      tpu.enqueue_dma source(%arg8 : memref<64x513xf32, #tpu.memory_space<vmem>>) target(%dma_start3A_798 : memref<64x513xf32, #tpu.memory_space<hbm>>) target_semaphore(%arg9 : memref<!tpu.dma_semaphore, #tpu.memory_space<semaphore_mem>>)
      %dma_start3A_799 = arith.constant 1 : i32
      %dma_start3A_800 = arith.constant 0 : i32
      %dma_start3A_801 = arith.constant 15872 : i32
      %dma_start3A_802 = tpu.memref_slice %arg4[%dma_start3A_799, %dma_start3A_800, %dma_start3A_801] : memref<2x64x16385xf32, #tpu.memory_space<hbm>> -> memref<1x64x513xf32, #tpu.memory_space<hbm>>
      %dma_start3A_803 = tpu.memref_squeeze %dma_start3A_802 : memref<1x64x513xf32, #tpu.memory_space<hbm>> -> memref<64x513xf32, #tpu.memory_space<hbm>>
      %dma_start3A_804 = arith.constant 0 : i32
      %dma_start3A_805 = arith.constant 15872 : i32
      %dma_start3A_806 = tpu.memref_slice %arg4[%dma_start3A_799, %dma_start3A_804, %dma_start3A_805] : memref<2x64x16385xf32, #tpu.memory_space<hbm>> -> memref<1x64x513xf32, #tpu.memory_space<hbm>>
      %dma_start3A_807 = tpu.memref_squeeze %dma_start3A_806 : memref<1x64x513xf32, #tpu.memory_space<hbm>> -> memref<64x513xf32, #tpu.memory_space<hbm>>
      tpu.enqueue_dma source(%arg8 : memref<64x513xf32, #tpu.memory_space<vmem>>) target(%dma_start3A_807 : memref<64x513xf32, #tpu.memory_space<hbm>>) target_semaphore(%arg10 : memref<!tpu.dma_semaphore, #tpu.memory_space<semaphore_mem>>)
      %dma_wait3A_808 = arith.constant 0 : i32
      %dma_wait3A_809 = arith.constant 0 : i32
      %dma_wait3A_810 = arith.constant 15872 : i32
      %dma_wait3A_811 = tpu.memref_slice %arg4[%dma_wait3A_808, %dma_wait3A_809, %dma_wait3A_810] : memref<2x64x16385xf32, #tpu.memory_space<hbm>> -> memref<1x64x513xf32, #tpu.memory_space<hbm>>
      %dma_wait3A_812 = tpu.memref_squeeze %dma_wait3A_811 : memref<1x64x513xf32, #tpu.memory_space<hbm>> -> memref<64x513xf32, #tpu.memory_space<hbm>>
      %dma_wait3A_813 = arith.constant 0 : i32
      %dma_wait3A_814 = arith.constant 15872 : i32
      %dma_wait3A_815 = tpu.memref_slice %arg4[%dma_wait3A_808, %dma_wait3A_813, %dma_wait3A_814] : memref<2x64x16385xf32, #tpu.memory_space<hbm>> -> memref<1x64x513xf32, #tpu.memory_space<hbm>>
      %dma_wait3A_816 = tpu.memref_squeeze %dma_wait3A_815 : memref<1x64x513xf32, #tpu.memory_space<hbm>> -> memref<64x513xf32, #tpu.memory_space<hbm>>
      tpu.wait_dma2 semaphore(%arg9 : memref<!tpu.dma_semaphore, #tpu.memory_space<semaphore_mem>>) src(%arg8 : memref<64x513xf32, #tpu.memory_space<vmem>>) dst(%dma_wait3A_816 : memref<64x513xf32, #tpu.memory_space<hbm>>)
      %dma_wait3A_817 = arith.constant 1 : i32
      %dma_wait3A_818 = arith.constant 0 : i32
      %dma_wait3A_819 = arith.constant 15872 : i32
      %dma_wait3A_820 = tpu.memref_slice %arg4[%dma_wait3A_817, %dma_wait3A_818, %dma_wait3A_819] : memref<2x64x16385xf32, #tpu.memory_space<hbm>> -> memref<1x64x513xf32, #tpu.memory_space<hbm>>
      %dma_wait3A_821 = tpu.memref_squeeze %dma_wait3A_820 : memref<1x64x513xf32, #tpu.memory_space<hbm>> -> memref<64x513xf32, #tpu.memory_space<hbm>>
      %dma_wait3A_822 = arith.constant 0 : i32
      %dma_wait3A_823 = arith.constant 15872 : i32
      %dma_wait3A_824 = tpu.memref_slice %arg4[%dma_wait3A_817, %dma_wait3A_822, %dma_wait3A_823] : memref<2x64x16385xf32, #tpu.memory_space<hbm>> -> memref<1x64x513xf32, #tpu.memory_space<hbm>>
      %dma_wait3A_825 = tpu.memref_squeeze %dma_wait3A_824 : memref<1x64x513xf32, #tpu.memory_space<hbm>> -> memref<64x513xf32, #tpu.memory_space<hbm>>
      tpu.wait_dma2 semaphore(%arg10 : memref<!tpu.dma_semaphore, #tpu.memory_space<semaphore_mem>>) src(%arg8 : memref<64x513xf32, #tpu.memory_space<vmem>>) dst(%dma_wait3A_825 : memref<64x513xf32, #tpu.memory_space<hbm>>)
    } else {
    }
    return
  }
}

</mosaic_0001>

<sc_bundles>
// kernel: kernel.3.cloned.1.call-start
scs
__scs_entry_jumppad:
0x0: {  	(pc) =	sbr.rel $0x88, $3  }
0x1: {  	(tag) =	ssettag $0x0;
	lr =	simm.s32 $0x1  }
0x2: {  	[smem:$0x3F9F] =	sst lr;
	_ =	strace $0xD0000000  }
0x3: {  	_ = 	snop  }
0x4: {  	_ = 	snop  }
0x5: {  	_ = 	snop  }
0x6: {  	_ = 	snop  }
0x7: {  	_ = 	snop  }
__scs_overlays_trampoline_lowered:
0x8: {  	[smem:$0x3FAE] =	sst s0  }
0x9: {  	[smem:$0x3FAF] =	sst s1  }
0xa: {  	[smem:$0x3FB0] =	sst s2  }
0xb: {  	[smem:$0x3FB1] =	sst s3  }
0xc: {  	[smem:$0x3FB2] =	sst s4  }
0xd: {  	[smem:$0x3FB3] =	sst s5  }
0xe: {  	[smem:$0x3FB4] =	sst s6  }
0xf: {  	[smem:$0x3FB5] =	sst s7  }
0x10: {  	[smem:$0x3FB6] =	sst s8  }
0x11: {  	[smem:$0x3FB7] =	sst s9;
	s0 =	simm.s32 @!p0 $0x0  }
0x12: {  	s1 =	sld [smem:$0x3F9D];
	s0 =	simm.s32 @p0 $0x1  }
0x13: {  	[smem:$0x3FB8] =	sst s0;
	s0 =	simm.s32 @!p1 $0x0  }
0x14: {  	s2 =	sld [smem:$0x3F9C];
	s0 =	simm.s32 @p1 $0x1  }
0x15: {  	[smem:$0x3FB9] =	sst s0;
	s0 =	simm.s32 @!p2 $0x0  }
0x16: {  	s3 =	sld [smem:$0x3FDB];
	s0 =	simm.s32 @p2 $0x1  }
0x17: {  	s4 =	simm.s32 $0x1BF5;
	[smem:$0x3FBB] =	sst s0  }
0x18: {  	s0 =	sld [smem:$0x3F9E];
	_ =	swait.ge [sflag:s4], $0x0  }
0x19: {  	s7 =	sld [smem:$0x3F9F]  }
0x1a: {  	s8 =	sadd.s32 $0xFFFFE003, lr  }
0x1b: {  	s9 =	sadd.s32 $0xFFFFFEF7, lr;
	s5 =	simm.s32 $0xFFFFFFFF;
	p2 =	slt.u32 s8, $0xFFFFF086  }
0x1c: {  	p1 =	slt.u32 s9, $0xF7A;
	s5 =	simm.s32 @!p2 $0x0  }
0x1d: {  	s5 =	simm.s32 @p1 $0x1;
	p0 =	seq.s32 s7, s2  }
0x1e: {  	s7 =	smul.u32 @!p0 $0xF7A, s2;
	p2 =	seq.s32 @!p0 s5, $0x0  }
0x1f: {  	s9 =	smul.u32 $0xF7A, s1;
	s8 =	simm.s32 @!p0 $0x1BF5;
	p2 =	por !p2, p0  }
0x20: {  	[sflag:s8] =	ssyncset.s32 @!p0 $0xFFFFF086;
	s6 =	sadd.s32 @!p0 s3, s7;
	s7 =	simm.s32 @!p0 $0x108  }
0x21: {  	s3 =	sadd.s32 s3, s9;
	s6 =	sadd.s32 @!p0 $0x88, s6;
	s7 =	simm.s32 @p2 $0x1082  }
0x22: {  	[simem:s7], [sflag:s8] =	dma.local @!p0 [hbm:s6], $0xF7A  }
0x23: {  	s9 =	sor.u32 $0xD0000000, s2;
	s6 =	simm.s32 $0x108;
	_ =	swait.ge @!p0 [sflag:s8], $0x0  }
0x24: {  	s3 =	sadd.s32 $0x88, s3;
	s6 =	simm.s32 @!p1 $0x1082;
	[sflag:s4] =	ssyncset.s32 $0xFFFFF086  }
0x25: {  	[simem:s6], [sflag:s4] =	dma.local [hbm:s3], $0xF7A  }
0x26: {  	[smem:$0x3F9F] =	sst s1;
	(tag) =	ssettag s2;
	_ =	strace s9  }
0x27: {  	s1 =	sld [smem:$0x3FAF]  }
0x28: {  	s2 =	sld [smem:$0x3FB0]  }
0x29: {  	s4 =	sld [smem:$0x3FB2]  }
0x2a: {  	p0 =	seq.s32 s5, $0x0;
	s5 =	sld [smem:$0x3FB3]  }
0x2b: {  	s6 =	sld [smem:$0x3FB4]  }
0x2c: {  	s7 =	sld [smem:$0x3FB5]  }
0x2d: {  	s3 =	simm.s32 $0x108;
	s8 =	sld [smem:$0x3FB6]  }
0x2e: {  	s3 =	simm.s32 @!p0 $0x1082;
	s9 =	sld [smem:$0x3FB7]  }
0x2f: {  	lr =	sadd.s32 s0, s3;
	s0 =	sld [smem:$0x3FAE]  }
0x30: {  	s3 =	sld [smem:$0x3FB1]  }
0x31: {  	[smem:$0x3FBA] =	sst s10  }
0x32: {  	s10 =	sld [smem:$0x3FB8];
	_ =	sdelay $0x3  }
0x33: {  	p0 =	seq.s32 s10, $0x1;
	s10 =	sld [smem:$0x3FBA];
	_ =	sdelay $0x3  }
0x34: {  	[smem:$0x3FBA] =	sst s10  }
0x35: {  	s10 =	sld [smem:$0x3FB9];
	_ =	sdelay $0x3  }
0x36: {  	p1 =	seq.s32 s10, $0x1;
	s10 =	sld [smem:$0x3FBA];
	_ =	sdelay $0x3  }
0x37: {  	[smem:$0x3FBA] =	sst s10  }
0x38: {  	s10 =	sld [smem:$0x3FBB]  }
0x39: {  	_ = 	snop;
	(pc) =	sbr.ind lr, $3  }
0x3a: {  	_ = 	snop  }
0x3b: {  	_ = 	snop  }
0x3c: {  	p2 =	seq.s32 s10, $0x1;
	s10 =	sld [smem:$0x3FBA]  }
0x3d: {  	_ =	shalt  }
0x3e: {  	_ =	shalt  }
0x3f: {  	_ =	shalt  }
0x40: {  	_ =	shalt  }
0x41: {  	_ =	shalt  }
0x42: {  	_ =	shalt  }
0x43: {  	_ =	shalt  }
0x44: {  	_ =	shalt  }
0x45: {  	_ =	shalt  }
0x46: {  	_ =	shalt  }
0x47: {  	_ =	shalt  }
0x48: {  	_ =	shalt  }
0x49: {  	_ =	shalt  }
0x4a: {  	_ =	shalt  }
0x4b: {  	_ =	shalt  }
0x4c: {  	_ =	shalt  }
0x4d: {  	_ =	shalt  }
0x4e: {  	_ =	shalt  }
0x4f: {  	_ =	shalt  }
0x50: {  	_ =	shalt  }
0x51: {  	_ =	shalt  }
0x52: {  	_ =	shalt  }
0x53: {  	_ =	shalt  }
0x54: {  	_ =	shalt  }
0x55: {  	_ =	shalt  }
0x56: {  	_ =	shalt  }
0x57: {  	_ =	shalt  }
0x58: {  	_ =	shalt  }
0x59: {  	_ =	shalt  }
0x5a: {  	_ =	shalt  }
0x5b: {  	_ =	shalt  }
0x5c: {  	_ =	shalt  }
0x5d: {  	_ =	shalt  }
0x5e: {  	_ =	shalt  }
0x5f: {  	_ =	shalt  }
0x60: {  	_ =	shalt  }
0x61: {  	_ =	shalt  }
0x62: {  	_ =	shalt  }
0x63: {  	_ =	shalt  }
0x64: {  	_ =	shalt  }
0x65: {  	_ =	shalt  }
0x66: {  	_ =	shalt  }
0x67: {  	_ =	shalt  }
0x68: {  	_ =	shalt  }
0x69: {  	_ =	shalt  }
0x6a: {  	_ =	shalt  }
0x6b: {  	_ =	shalt  }
0x6c: {  	_ =	shalt  }
0x6d: {  	_ =	shalt  }
0x6e: {  	_ =	shalt  }
0x6f: {  	_ =	shalt  }
0x70: {  	_ =	shalt  }
0x71: {  	_ =	shalt  }
0x72: {  	_ =	shalt  }
0x73: {  	_ =	shalt  }
0x74: {  	_ =	shalt  }
0x75: {  	_ =	shalt  }
0x76: {  	_ =	shalt  }
0x77: {  	_ =	shalt  }
0x78: {  	_ =	shalt  }
0x79: {  	_ =	shalt  }
0x7a: {  	_ =	shalt  }
0x7b: {  	_ =	shalt  }
0x7c: {  	_ =	shalt  }
0x7d: {  	_ =	shalt  }
0x7e: {  	_ =	shalt  }
0x7f: {  	_ =	shalt  }
0x80: {  	_ =	shalt  }
0x81: {  	_ =	shalt  }
0x82: {  	_ =	shalt  }
0x83: {  	_ =	shalt  }
0x84: {  	_ =	shalt  }
0x85: {  	_ =	shalt  }
0x86: {  	_ =	shalt  }
0x87: {  	_ =	shalt  }
.Lfunc_end0:
.L_simem_size_0:
called_computation_lowered:
.L_overlay_start_0:
0x88: {  	s2 =	sld [smem:$0x3FD9]  }
0x89: {  	s3 =	sld [smem:$0x3FFE];
	_ =	sdelay $0x1  }
0x8a: {  	s1 =	srdreg.scid  }
0x8b: {  	s0 =	sand.u32 $0x1, s1  }
0x8c: {  	s17 =	sshll.u32 s0, $0xA;
	s2 =	sadd.s32 s3, s2  }
0x8d: {  	s2 =	sadd.s32 s2, s17  }
0x8e: {  	[smem:$0x3FC6] =	sst s2  }
0x8f: {  	_ = 	snop  }
0x90: {  	s2 =	sld [smem:$0x3FC8]  }
0x91: {  	s18 =	sld [smem:$0x3FD0];
	(tm) =	ssettm $0x1  }
0x92: {  	s4 =	sld [smem:$0x3FFB];
	_ =	sdelay $0x3  }
0x93: {  	_ =	strace s4  }
0x94: {  	s4 =	sld [smem:$0x3FFC];
	_ =	sdelay $0x3  }
0x95: {  	_ =	strace s4  }
0x96: {  	s4 =	sld [smem:$0x3FFD];
	_ =	sdelay $0x3  }
0x97: {  	_ =	strace s4  }
0x98: {  	_ =	strace $0x8FFFFFFF  }
0x99: {  	s19 =	sld [smem:$0x3FDB];
	_ =	sdelay $0x1  }
0x9a: {  	s5 =	simm.s32 $_scs_section_size  }
0x9b: {  	s6 =	simm.s32 $_size__tile_overlayer_lowered;
	s7 =	simm.s32 $_tile_overlayer_lowered  }
0x9c: {  	s22 =	simm.s32 $0x1BFF;
	s21 =	sshll.u32 s7, $0x1;
	s4 =	sadd.s32 s5, s19  }
0x9d: {  	s8 =	simm.s32 $0x0;
	s20 =	sshll.u32 s6, $0x1;
	s6 =	sadd.s32 s21, s4  }
0x9e: {  	[timem:s8], [sflag:s22] =	dma.local [hbm:s6], s20  }
0x9f: {  	_ =	swait.ge [sflag:s22], s20  }
0xa0: {  	s5 =	ssub.s32 $0x0, s20;
	[sflag:s22] =	ssyncset.done $0x0  }
0xa1: {  	[sflag:s22] =	ssyncadd.s32 s5;
	_ =	sdelay $0x1  }
0xa2: {  	s23 =	simm.s32 $0x1B8B  }
0xa3: {  	_ =	swait.ge [sflag:s23], $0x1  }
0xa4: {  	[sflag:s23] =	ssyncset.done $0x0  }
0xa5: {  	s25 =	simm.s32 $0x1B8E;
	s24 =	sld [smem:$0x3FFE];
	[sflag:s23] =	ssyncadd.s32 $0xFFFFFFFF  }
0xa6: {  	s26 =	simm.s32 $execute0_lowered;
	[smem:$0x3FD2] =	sst s25  }
0xa7: {  	s6 =	sshll.u32 s26, $0x1;
	_ =	strace $0x80000046;
	[dreg:$0x1] =	wrdreg $0xFFFFFFFF  }
0xa8: {  	s28 =	simm.s32 $_size_execute0_lowered;
	s4 =	sadd.s32 s4, s6;
	[dreg:$0x0] =	wrdreg $0x0  }
0xa9: {  	s6 =	sshll.u32 s28, $0x1;
	[dreg:$0x2] =	wrdreg s4  }
0xaa: {  	[dreg:$0x3] =	wrdreg s6  }
0xab: {  	[dreg:$0x4] =	wrdreg $0xC0  }
0xac: {  	_ =	task [dreg:s8], $0x5FFFF  }
0xad: {  	[dreg:$0x1] =	wrdreg $0xFFFFFFFF  }
0xae: {  	[dreg:$0x0] =	wrdreg $0x60  }
0xaf: {  	[dreg:$0x2] =	wrdreg s24  }
0xb0: {  	[dreg:$0x3] =	wrdreg s2  }
0xb1: {  	[dreg:$0x4] =	wrdreg s18  }
0xb2: {  	[dreg:$0x5] =	wrdreg $0x9  }
0xb3: {  	_ =	task.clear_ibuf [dreg:s8], $0x6FFFF;
	_ =	strace $0x90000046  }
0xb4: {  	s29 =	simm.s32 $0x9;
	_ =	strace $0x80000048  }
0xb5: {  	_ =	swait.ge [sflag:s29], $0x1  }
0xb6: {  	[sflag:s29] =	ssyncadd.s32 $0xFFFFFFFF  }
0xb7: {  	_ =	strace $0x90000048  }
0xb8: {  	_ =	sfence  }
0xb9: {  	s30 =	sld [smem:$0x0];
	_ =	sdelay $0x2  }
0xba: {  	s31 =	sshll.u32 s1, $0xD;
	s1 =	sshrl.u32 s1, $0x2  }
0xbb: {  	s3 =	sand.u32 $0x4000, s31;
	s1 =	sadd.s32 s1, s30  }
0xbc: {  	s0 =	sor.u32 s3, s0;
	s1 =	sshll.u32 s1, $0x11  }
0xbd: {  	s0 =	sor.u32 s1, s0  }
0xbe: {  	s0 =	sadd.s32 $0x8F2B, s0  }
0xbf: {  	[sflag:s0] =	ssyncadd.remote.s32 $0x1  }
0xc0: {  	_ =	sfence.sel $0xFFFF  }
0xc1: {  	[dreg:$0x0] =	wrdreg $0xFFFFFFFF;
	(pc) =	sbr.abs _section_cstart, $3  }
0xc2: {  	[dreg:$0x1] =	wrdreg $0xFFFFFFFF  }
0xc3: {  	_ =	task.clear_ibuf [dreg:s8], $0x2FFFF;
	_ =	strace $0x9FFFFFFF  }
0xc4: {  	(tm) =	ssettm $0x7FFFFFFF  }
0xc5: {  	_ =	shalt  }
tec
execute0_lowered:
.L_overlay_start_1:
0x0: {  	(tag) =	ssettag $0x1  }
0x1: {  	v18 =	vimm.s32 $0x3900  }
0x2: {  	v19 =	vimm.s32 $0x3980;
	v20 =	vimm.s32 $0x3A00;
	v21 =	vimm.s32 $0x3A80  }
0x3: {  	s0 =	rddreg [dreg:$0x0];
	v22 =	vimm.s32 $0x3B00;
	v23 =	vimm.s32 $0x3B80;
	v24 =	vimm.s32 $0x4C00  }
0x4: {  	s1 =	rddreg [dreg:$0x2];
	s3 =	simm.s32 $0x0;
	v25 =	vimm.s32 $0x4C80;
	v26 =	vimm.s32 $0x4D00;
	v27 =	vimm.s32 $0x4D80  }
0x5: {  	s2 =	srdreg.scid;
	s4 =	stileid.u32;
	v28 =	vimm.s32 $0x4E00;
	v29 =	vimm.s32 $0x4E80;
	v30 =	vimm.s32 $0x4F00;
	s13 =	simm.s32 $0x1  }
0x6: {  	v31 =	vimm.s32 $0x4F80;
	v32 =	vimm.s32 $0x6000;
	v33 =	vimm.s32 $0x6080;
	s14 =	simm.s32 $0x2;
	s15 =	simm.s32 $0x1280;
	s21 =	simm.s32 $0x1B00  }
0x7: {  	v34 =	vimm.s32 $0x6100;
	v35 =	vimm.s32 $0x6180;
	v36 =	vimm.s32 $0x6200;
	s31 =	simm.s32 $0x9B00;
	[smem:$0x7FF] =	sst s3;
	s2 =	sand.u32 $0x1, s2  }
0x8: {  	v37 =	vimm.s32 $0x6280;
	v38 =	vimm.s32 $0x6300;
	v39 =	vimm.s32 $0x6380;
	s4 =	sshll.u32 s4, $0x1;
	s9 =	sadd.s32 $0x3E00, s1;
	s10 =	sadd.s32 $0x24200, s1  }
0x9: {  	v40 =	vimm.s32 $0x7400;
	v41 =	vimm.s32 $0x7480;
	v42 =	vimm.s32 $0x7500;
	_ =	strace $0x80000047;
	s12 =	sor.u32 s2, s4;
	s2 =	ssub.s32 $0x2, s2  }
0xa: {  	v43 =	vimm.s32 $0x7580;
	v44 =	vimm.s32 $0x7600;
	v45 =	vimm.s32 $0x7680;
	s4 =	sshll.u32 s12, $0x6;
	s5 =	sshrl.u32 s2, $0x1;
	s6 =	sshll.u32 s12, $0x9  }
0xb: {  	v46 =	vimm.s32 $0x7700;
	v47 =	vimm.s32 $0x7780;
	v48 =	vimm.s32 $0x8800;
	p0 =	seq.s32 s12, $0x1F;
	p1 =	sne.s32 s12, $0x1F;
	s0 =	sadd.s32 s4, s0  }
.Ltmp0:
0xc: {  	v49 =	vimm.s32 $0x8880;
	v50 =	vimm.s32 $0x8900;
	v51 =	vimm.s32 $0x8980;
	s2 =	ssub.s32 s2, s5;
	s4 =	sadd.s32 s1, s6;
	(pc) =	sbr.rel .LBB2_1-.Ltmp0, $4  }
0xd: {  	v52 =	vimm.s32 $0x8A00;
	v53 =	vimm.s32 $0x8A80;
	v54 =	vimm.s32 $0x8B00;
	s1 =	simm.s32 $0xAF00;
	s5 =	sadd.s32 $0x400, s0;
	s6 =	sadd.s32 $0x20400, s4  }
0xe: {  	v55 =	vimm.s32 $0x8B80;
	v56 =	vimm.s32 $0x9C00;
	v57 =	vimm.s32 $0x9C80;
	s7 =	sadd.s32 $0x100, s4;
	s8 =	sadd.s32 $0x20500, s4;
	s11 =	smax.u32 s2, $0x1  }
0xf: {  	v58 =	vimm.s32 $0x9D00;
	v59 =	vimm.s32 $0x9D80;
	v60 =	vimm.s32 $0x9E00;
	s16 =	sadd.s32 @!p0 $0x4080, s4;
	s17 =	sadd.s32 @!p0 $0x8100, s4;
	s18 =	sadd.s32 @!p0 $0xC180, s4  }
0x10: {  	v61 =	vimm.s32 $0x9E80;
	v62 =	vimm.s32 $0x9F00;
	v63 =	vimm.s32 $0x9F80;
	s19 =	sadd.s32 @!p0 $0x10200, s4;
	s20 =	sadd.s32 @!p0 $0x14280, s4;
	s2 =	simm.s32 $0x0  }
.LBB2_7:
0x11: {  	s12 =	simm.s32 $0x2300  }
0x12: {  	[hbm4b:s7+s3] =	stream.linear.scatter [tilespmem:s12], [sflag:$0x1], $0x800, $0x38;
	[tilespmem:$0xBB00] =	vst v63  }
0x13: {  	s0 =	sadd.s32 $0x4080, s7;
	s22 =	simm.s32 $0x3700  }
0x14: {  	[hbm4b:s0+s3] =	stream.linear.scatter [tilespmem:s22], [sflag:$0x1], $0x800, $0x38;
	[tilespmem:$0xBB00] =	vst v63  }
0x15: {  	s24 =	sadd.s32 $0x8100, s7;
	s23 =	simm.s32 $0x4B00  }
0x16: {  	[hbm4b:s24+s3] =	stream.linear.scatter [tilespmem:s23], [sflag:$0x1], $0x800, $0x38;
	[tilespmem:$0xBB00] =	vst v63  }
0x17: {  	s25 =	sadd.s32 $0xC180, s7;
	s24 =	simm.s32 $0x5F00  }
0x18: {  	[hbm4b:s25+s3] =	stream.linear.scatter [tilespmem:s24], [sflag:$0x1], $0x800, $0x38;
	[tilespmem:$0xBB00] =	vst v63  }
0x19: {  	s26 =	sadd.s32 $0x10200, s7;
	s25 =	simm.s32 $0x7300  }
0x1a: {  	[hbm4b:s26+s3] =	stream.linear.scatter [tilespmem:s25], [sflag:$0x1], $0x800, $0x38;
	[tilespmem:$0xBB00] =	vst v63  }
0x1b: {  	s28 =	sadd.s32 $0x14280, s7;
	s26 =	simm.s32 $0x8700  }
0x1c: {  	[hbm4b:s28+s3] =	stream.linear.scatter [tilespmem:s26], [sflag:$0x1], $0x800, $0x38;
	[tilespmem:$0xBB00] =	vst v63  }
0x1d: {  	s29 =	sadd.s32 $0x18300, s7  }
0x1e: {  	[hbm4b:s29+s3] =	stream.linear.scatter [tilespmem:s31], [sflag:$0x1], $0x800, $0x38;
	[tilespmem:$0xBB00] =	vst v63  }
0x1f: {  	s30 =	sadd.s32 $0x1C380, s7  }
0x20: {  	[hbm4b:s30+s3] =	stream.linear.scatter [tilespmem:s1], [sflag:$0x1], $0x800, $0x38;
	[tilespmem:$0xBB00] =	vst v63  }
0x21: {  	_ = 	snop  }
0x22: {  	[hbm4b:s8+s3] =	stream.linear.scatter [tilespmem:s12], [sflag:$0x2], $0x800, $0x38;
	[tilespmem:$0xBB00] =	vst v63  }
0x23: {  	s12 =	sadd.s32 $0x4080, s8  }
0x24: {  	[hbm4b:s12+s3] =	stream.linear.scatter [tilespmem:s22], [sflag:$0x2], $0x800, $0x38;
	[tilespmem:$0xBB00] =	vst v63  }
0x25: {  	s22 =	sadd.s32 $0x8100, s8  }
0x26: {  	[hbm4b:s22+s3] =	stream.linear.scatter [tilespmem:s23], [sflag:$0x2], $0x800, $0x38;
	[tilespmem:$0xBB00] =	vst v63  }
0x27: {  	s23 =	sadd.s32 $0xC180, s8  }
0x28: {  	[hbm4b:s23+s3] =	stream.linear.scatter [tilespmem:s24], [sflag:$0x2], $0x800, $0x38;
	[tilespmem:$0xBB00] =	vst v63  }
0x29: {  	s24 =	sadd.s32 $0x10200, s8  }
0x2a: {  	[hbm4b:s24+s3] =	stream.linear.scatter [tilespmem:s25], [sflag:$0x2], $0x800, $0x38;
	[tilespmem:$0xBB00] =	vst v63  }
0x2b: {  	s28 =	sadd.s32 $0x14280, s8  }
0x2c: {  	[hbm4b:s28+s3] =	stream.linear.scatter [tilespmem:s26], [sflag:$0x2], $0x800, $0x38;
	[tilespmem:$0xBB00] =	vst v63  }
0x2d: {  	s29 =	sadd.s32 $0x18300, s8  }
0x2e: {  	[hbm4b:s29+s3] =	stream.linear.scatter [tilespmem:s31], [sflag:$0x2], $0x800, $0x38;
	[tilespmem:$0xBB00] =	vst v63  }
0x2f: {  	s30 =	sadd.s32 $0x1C380, s8  }
0x30: {  	[hbm4b:s30+s3] =	stream.linear.scatter [tilespmem:s1], [sflag:$0x2], $0x800, $0x38;
	[tilespmem:$0xBB00] =	vst v63  }
0x31: {  	_ =	swait.ge [sflag:s13], $0x4000  }
0x32: {  	[sflag:s13] =	ssyncset.done $0x0  }
0x33: {  	[sflag:s13] =	ssyncadd.s32 $0xFFFFC000  }
0x34: {  	_ =	swait.ge [sflag:s14], $0x4000  }
0x35: {  	[sflag:s14] =	ssyncset.done $0x0  }
0x36: {  	[sflag:s14] =	ssyncadd.s32 $0xFFFFC000  }
0x37: {  	_ =	swait.ge [sflag:s13], $0x4000  }
0x38: {  	[sflag:s13] =	ssyncset.done $0x0  }
0x39: {  	[sflag:s13] =	ssyncadd.s32 $0xFFFFC000  }
0x3a: {  	_ =	swait.ge [sflag:s14], $0x4000  }
0x3b: {  	[sflag:s14] =	ssyncset.done $0x0  }
0x3c: {  	[sflag:s14] =	ssyncadd.s32 $0xFFFFC000  }
.LBB2_8:
0x3d: {  	s2 =	sadd.s32 $0x1, s2  }
0x3e: {  	p2 =	sne.s32 s2, s11  }
.Ltmp1:
0x3f: {  	_ = 	snop;
	(pc) =	sbr.rel @!p2 .LBB2_9-.Ltmp1, $1  }
0x40: {  	_ =	sdelay $0x3  }
.LBB2_1:
0x41: {  	[tilespmem:s3], [sflag:$0x1] =	stream.linear.gather [hbm4b:s5+s3], $0x210, $0x38;
	[tilespmem:$0xBB00] =	vst v63  }
0x42: {  	s0 =	rddreg [dreg:$0x1];
	s12 =	simm.s32 $0x280  }
0x43: {  	[tilespmem:s12], [sflag:$0x2] =	stream.linear.gather [hbm4b:s0+s3], $0x1000, $0x38;
	[tilespmem:$0xBB00] =	vst v63  }
0x44: {  	_ =	swait.ge [sflag:s13], $0x210  }
0x45: {  	[sflag:s13] =	ssyncset.done $0x0  }
0x46: {  	[sflag:s13] =	ssyncadd.s32 $0xFFFFFDF0  }
0x47: {  	_ =	swait.ge [sflag:s14], $0x1000  }
0x48: {  	[sflag:s14] =	ssyncset.done $0x0  }
0x49: {  	[sflag:s14] =	ssyncadd.s32 $0xFFFFF000  }
0x4a: {  	v0 =	vld [tilespmem:$0x280]  }
0x4b: {  	v1 =	vld [tilespmem:$0x290]  }
0x4c: {  	v2 =	vld [tilespmem:$0x2A0]  }
0x4d: {  	v3 =	vld [tilespmem:$0x2B0]  }
0x4e: {  	v4 =	vld [tilespmem:$0x300]  }
0x4f: {  	[tilespmem:$0x1280] =	vst v0;
	v0 =	vld [tilespmem:$0x310]  }
0x50: {  	[tilespmem:$0x1290] =	vst v1;
	v1 =	vld [tilespmem:$0x320]  }
0x51: {  	[tilespmem:$0x12A0] =	vst v2;
	v2 =	vld [tilespmem:$0x330]  }
0x52: {  	[tilespmem:$0x12B0] =	vst v3;
	v3 =	vld [tilespmem:$0x380]  }
0x53: {  	[tilespmem:$0x12C1] =	vst v4;
	v4 =	vld [tilespmem:$0x390]  }
0x54: {  	[tilespmem:$0x12D1] =	vst v0;
	v0 =	vld [tilespmem:$0x3A0]  }
0x55: {  	[tilespmem:$0x12E1] =	vst v1;
	v1 =	vld [tilespmem:$0x3B0]  }
0x56: {  	[tilespmem:$0x12F1] =	vst v2;
	v2 =	vld [tilespmem:$0x400]  }
0x57: {  	[tilespmem:$0x1302] =	vst v3;
	v3 =	vld [tilespmem:$0x410]  }
0x58: {  	[tilespmem:$0x1312] =	vst v4;
	v4 =	vld [tilespmem:$0x420]  }
0x59: {  	[tilespmem:$0x1322] =	vst v0;
	v0 =	vld [tilespmem:$0x430]  }
0x5a: {  	[tilespmem:$0x1332] =	vst v1;
	v1 =	vld [tilespmem:$0x480]  }
0x5b: {  	[tilespmem:$0x1343] =	vst v2;
	v2 =	vld [tilespmem:$0x490]  }
0x5c: {  	[tilespmem:$0x1353] =	vst v3;
	v3 =	vld [tilespmem:$0x4A0]  }
0x5d: {  	[tilespmem:$0x1363] =	vst v4;
	v4 =	vld [tilespmem:$0x4B0]  }
0x5e: {  	[tilespmem:$0x1373] =	vst v0;
	v0 =	vld [tilespmem:$0x500]  }
0x5f: {  	[tilespmem:$0x1384] =	vst v1;
	v1 =	vld [tilespmem:$0x510]  }
0x60: {  	[tilespmem:$0x1394] =	vst v2;
	v2 =	vld [tilespmem:$0x520]  }
0x61: {  	[tilespmem:$0x13A4] =	vst v3;
	v3 =	vld [tilespmem:$0x530]  }
0x62: {  	[tilespmem:$0x13B4] =	vst v4;
	v4 =	vld [tilespmem:$0x580]  }
0x63: {  	[tilespmem:$0x13C5] =	vst v0;
	v0 =	vld [tilespmem:$0x590]  }
0x64: {  	[tilespmem:$0x13D5] =	vst v1;
	v1 =	vld [tilespmem:$0x5A0]  }
0x65: {  	[tilespmem:$0x13E5] =	vst v2;
	v2 =	vld [tilespmem:$0x5B0]  }
0x66: {  	[tilespmem:$0x13F5] =	vst v3;
	v3 =	vld [tilespmem:$0x600]  }
0x67: {  	[tilespmem:$0x1406] =	vst v4;
	v4 =	vld [tilespmem:$0x610]  }
0x68: {  	[tilespmem:$0x1416] =	vst v0;
	v0 =	vld [tilespmem:$0x620]  }
0x69: {  	[tilespmem:$0x1426] =	vst v1;
	v1 =	vld [tilespmem:$0x630]  }
0x6a: {  	[tilespmem:$0x1436] =	vst v2;
	v2 =	vld [tilespmem:$0x680]  }
0x6b: {  	[tilespmem:$0x1447] =	vst v3;
	v3 =	vld [tilespmem:$0x690]  }
0x6c: {  	[tilespmem:$0x1457] =	vst v4;
	v4 =	vld [tilespmem:$0x6A0]  }
0x6d: {  	[tilespmem:$0x1467] =	vst v0;
	v0 =	vld [tilespmem:$0x6B0]  }
0x6e: {  	[tilespmem:$0x1477] =	vst v1;
	v1 =	vld [tilespmem:$0x700]  }
0x6f: {  	[tilespmem:$0x1488] =	vst v2;
	v2 =	vld [tilespmem:$0x710]  }
0x70: {  	[tilespmem:$0x1498] =	vst v3;
	v3 =	vld [tilespmem:$0x720]  }
0x71: {  	[tilespmem:$0x14A8] =	vst v4;
	v4 =	vld [tilespmem:$0x730]  }
0x72: {  	[tilespmem:$0x14B8] =	vst v0;
	v0 =	vld [tilespmem:$0x780]  }
0x73: {  	[tilespmem:$0x14C9] =	vst v1;
	v1 =	vld [tilespmem:$0x790]  }
0x74: {  	[tilespmem:$0x14D9] =	vst v2;
	v2 =	vld [tilespmem:$0x7A0]  }
0x75: {  	[tilespmem:$0x14E9] =	vst v3;
	v3 =	vld [tilespmem:$0x7B0]  }
0x76: {  	[tilespmem:$0x14F9] =	vst v4;
	v4 =	vld [tilespmem:$0x800]  }
0x77: {  	[tilespmem:$0x150A] =	vst v0;
	v0 =	vld [tilespmem:$0x810]  }
0x78: {  	[tilespmem:$0x151A] =	vst v1;
	v1 =	vld [tilespmem:$0x820]  }
0x79: {  	[tilespmem:$0x152A] =	vst v2;
	v2 =	vld [tilespmem:$0x830]  }
0x7a: {  	[tilespmem:$0x153A] =	vst v3;
	v3 =	vld [tilespmem:$0x880]  }
0x7b: {  	[tilespmem:$0x154B] =	vst v4;
	v4 =	vld [tilespmem:$0x890]  }
0x7c: {  	[tilespmem:$0x155B] =	vst v0;
	v0 =	vld [tilespmem:$0x8A0]  }
0x7d: {  	[tilespmem:$0x156B] =	vst v1;
	v1 =	vld [tilespmem:$0x8B0]  }
0x7e: {  	[tilespmem:$0x157B] =	vst v2;
	v2 =	vld [tilespmem:$0x900]  }
0x7f: {  	[tilespmem:$0x158C] =	vst v3;
	v3 =	vld [tilespmem:$0x910]  }
0x80: {  	[tilespmem:$0x159C] =	vst v4;
	v4 =	vld [tilespmem:$0x920]  }
0x81: {  	[tilespmem:$0x15AC] =	vst v0;
	v0 =	vld [tilespmem:$0x930]  }
0x82: {  	[tilespmem:$0x15BC] =	vst v1;
	v1 =	vld [tilespmem:$0x980]  }
0x83: {  	[tilespmem:$0x15CD] =	vst v2;
	v2 =	vld [tilespmem:$0x990]  }
0x84: {  	[tilespmem:$0x15DD] =	vst v3;
	v3 =	vld [tilespmem:$0x9A0]  }
0x85: {  	[tilespmem:$0x15ED] =	vst v4;
	v4 =	vld [tilespmem:$0x9B0]  }
0x86: {  	[tilespmem:$0x15FD] =	vst v0;
	v0 =	vld [tilespmem:$0xA00]  }
0x87: {  	[tilespmem:$0x160E] =	vst v1;
	v1 =	vld [tilespmem:$0xA10]  }
0x88: {  	[tilespmem:$0x161E] =	vst v2;
	v2 =	vld [tilespmem:$0xA20]  }
0x89: {  	[tilespmem:$0x162E] =	vst v3;
	v3 =	vld [tilespmem:$0xA30]  }
0x8a: {  	[tilespmem:$0x163E] =	vst v4;
	v4 =	vld [tilespmem:$0xA80]  }
0x8b: {  	[tilespmem:$0x164F] =	vst v0;
	v0 =	vld [tilespmem:$0xA90]  }
0x8c: {  	[tilespmem:$0x165F] =	vst v1;
	v1 =	vld [tilespmem:$0xAA0]  }
0x8d: {  	[tilespmem:$0x166F] =	vst v2;
	v2 =	vld [tilespmem:$0xAB0]  }
0x8e: {  	[tilespmem:$0x167F] =	vst v3;
	v3 =	vld [tilespmem:$0xB00]  }
0x8f: {  	[tilespmem:$0x1690] =	vst v4;
	v4 =	vld [tilespmem:$0xB10]  }
0x90: {  	[tilespmem:$0x16A0] =	vst v0;
	v0 =	vld [tilespmem:$0xB20]  }
0x91: {  	[tilespmem:$0x16B0] =	vst v1;
	v1 =	vld [tilespmem:$0xB30]  }
0x92: {  	[tilespmem:$0x16C0] =	vst v2;
	v2 =	vld [tilespmem:$0xB80]  }
0x93: {  	[tilespmem:$0x16D1] =	vst v3;
	v3 =	vld [tilespmem:$0xB90]  }
0x94: {  	[tilespmem:$0x16E1] =	vst v4;
	v4 =	vld [tilespmem:$0xBA0]  }
0x95: {  	[tilespmem:$0x16F1] =	vst v0;
	v0 =	vld [tilespmem:$0xBB0]  }
0x96: {  	[tilespmem:$0x1701] =	vst v1;
	v1 =	vld [tilespmem:$0xC00]  }
0x97: {  	[tilespmem:$0x1712] =	vst v2;
	v2 =	vld [tilespmem:$0xC10]  }
0x98: {  	[tilespmem:$0x1722] =	vst v3;
	v3 =	vld [tilespmem:$0xC20]  }
0x99: {  	[tilespmem:$0x1732] =	vst v4;
	v4 =	vld [tilespmem:$0xC30]  }
0x9a: {  	[tilespmem:$0x1742] =	vst v0;
	v0 =	vld [tilespmem:$0xC80]  }
0x9b: {  	[tilespmem:$0x1753] =	vst v1;
	v1 =	vld [tilespmem:$0xC90]  }
0x9c: {  	[tilespmem:$0x1763] =	vst v2;
	v2 =	vld [tilespmem:$0xCA0]  }
0x9d: {  	[tilespmem:$0x1773] =	vst v3;
	v3 =	vld [tilespmem:$0xCB0]  }
0x9e: {  	[tilespmem:$0x1783] =	vst v4;
	v4 =	vld [tilespmem:$0xD00]  }
0x9f: {  	[tilespmem:$0x1794] =	vst v0;
	v0 =	vld [tilespmem:$0xD10]  }
0xa0: {  	[tilespmem:$0x17A4] =	vst v1;
	v1 =	vld [tilespmem:$0xD20]  }
0xa1: {  	[tilespmem:$0x17B4] =	vst v2;
	v2 =	vld [tilespmem:$0xD30]  }
0xa2: {  	[tilespmem:$0x17C4] =	vst v3;
	v3 =	vld [tilespmem:$0xD80]  }
0xa3: {  	[tilespmem:$0x17D5] =	vst v4;
	v4 =	vld [tilespmem:$0xD90]  }
0xa4: {  	[tilespmem:$0x17E5] =	vst v0;
	v0 =	vld [tilespmem:$0xDA0]  }
0xa5: {  	[tilespmem:$0x17F5] =	vst v1;
	v1 =	vld [tilespmem:$0xDB0]  }
0xa6: {  	[tilespmem:$0x1805] =	vst v2;
	v2 =	vld [tilespmem:$0xE00]  }
0xa7: {  	[tilespmem:$0x1816] =	vst v3;
	v3 =	vld [tilespmem:$0xE10]  }
0xa8: {  	[tilespmem:$0x1826] =	vst v4;
	v4 =	vld [tilespmem:$0xE20]  }
0xa9: {  	[tilespmem:$0x1836] =	vst v0;
	v0 =	vld [tilespmem:$0xE30]  }
0xaa: {  	[tilespmem:$0x1846] =	vst v1;
	v1 =	vld [tilespmem:$0xE80]  }
0xab: {  	[tilespmem:$0x1857] =	vst v2;
	v2 =	vld [tilespmem:$0xE90]  }
0xac: {  	[tilespmem:$0x1867] =	vst v3;
	v3 =	vld [tilespmem:$0xEA0]  }
0xad: {  	[tilespmem:$0x1877] =	vst v4;
	v4 =	vld [tilespmem:$0xEB0]  }
0xae: {  	[tilespmem:$0x1887] =	vst v0;
	v0 =	vld [tilespmem:$0xF00]  }
0xaf: {  	[tilespmem:$0x1898] =	vst v1;
	v1 =	vld [tilespmem:$0xF10]  }
0xb0: {  	[tilespmem:$0x18A8] =	vst v2;
	v2 =	vld [tilespmem:$0xF20]  }
0xb1: {  	[tilespmem:$0x18B8] =	vst v3;
	v3 =	vld [tilespmem:$0xF30]  }
0xb2: {  	[tilespmem:$0x18C8] =	vst v4;
	v4 =	vld [tilespmem:$0xF80]  }
0xb3: {  	[tilespmem:$0x18D9] =	vst v0;
	v0 =	vld [tilespmem:$0xF90]  }
0xb4: {  	[tilespmem:$0x18E9] =	vst v1;
	v1 =	vld [tilespmem:$0xFA0]  }
0xb5: {  	[tilespmem:$0x18F9] =	vst v2;
	v2 =	vld [tilespmem:$0xFB0]  }
0xb6: {  	[tilespmem:$0x1909] =	vst v3;
	v3 =	vld [tilespmem:$0x1000]  }
0xb7: {  	[tilespmem:$0x191A] =	vst v4;
	v4 =	vld [tilespmem:$0x1010]  }
0xb8: {  	[tilespmem:$0x192A] =	vst v0;
	v0 =	vld [tilespmem:$0x1020]  }
0xb9: {  	[tilespmem:$0x193A] =	vst v1;
	v1 =	vld [tilespmem:$0x1030]  }
0xba: {  	[tilespmem:$0x194A] =	vst v2;
	v2 =	vld [tilespmem:$0x1080]  }
0xbb: {  	[tilespmem:$0x195B] =	vst v3;
	v3 =	vld [tilespmem:$0x1090]  }
0xbc: {  	[tilespmem:$0x196B] =	vst v4;
	v4 =	vld [tilespmem:$0x10A0]  }
0xbd: {  	[tilespmem:$0x197B] =	vst v0;
	v0 =	vld [tilespmem:$0x10B0]  }
0xbe: {  	[tilespmem:$0x198B] =	vst v1;
	v1 =	vld [tilespmem:$0x1100]  }
0xbf: {  	[tilespmem:$0x199C] =	vst v2;
	v2 =	vld [tilespmem:$0x1110]  }
0xc0: {  	[tilespmem:$0x19AC] =	vst v3;
	v3 =	vld [tilespmem:$0x1120]  }
0xc1: {  	[tilespmem:$0x19BC] =	vst v4;
	v4 =	vld [tilespmem:$0x1130]  }
0xc2: {  	[tilespmem:$0x19CC] =	vst v0;
	v0 =	vld [tilespmem:$0x1180]  }
0xc3: {  	[tilespmem:$0x19DD] =	vst v1;
	v1 =	vld [tilespmem:$0x1190]  }
0xc4: {  	[tilespmem:$0x19ED] =	vst v2;
	v2 =	vld [tilespmem:$0x11A0]  }
0xc5: {  	[tilespmem:$0x19FD] =	vst v3;
	v3 =	vld [tilespmem:$0x11B0]  }
0xc6: {  	[tilespmem:$0x1A0D] =	vst v4;
	v4 =	vld [tilespmem:$0x1200]  }
0xc7: {  	[tilespmem:$0x1A1E] =	vst v0;
	v0 =	vld [tilespmem:$0x1210]  }
0xc8: {  	[tilespmem:$0x1A2E] =	vst v1;
	v1 =	vld [tilespmem:$0x1220]  }
0xc9: {  	[tilespmem:$0x1A3E] =	vst v2;
	v2 =	vld [tilespmem:$0x1230]  }
0xca: {  	[tilespmem:$0x1A4E] =	vst v3  }
0xcb: {  	[tilespmem:$0x1A5F] =	vst v4  }
0xcc: {  	[tilespmem:$0x1A6F] =	vst v0  }
0xcd: {  	[tilespmem:$0x1A7F] =	vst v1  }
0xce: {  	[tilespmem:$0x1A8F] =	vst v2  }
0xcf: {  	v0 =	vld [tilespmem:s3+$0x0];
	_ =	sdelay $0x4  }
0xd0: {  	v0 =	vmul.u32 $0x41, v0;
	_ =	sdelay $0x1  }
0xd1: {  	v1 =	vadd.s32 $0x1, v0  }
0xd2: {  	v2 =	vadd.s32 $0x2, v0  }
0xd3: {  	v3 =	vadd.s32 $0x3, v0  }
0xd4: {  	v4 =	vadd.s32 $0x4, v0  }
0xd5: {  	v6 =	vadd.s32 $0x5, v0;
	v5 =	vld.idx.msk [tilespmem:v0+s15+$0x0], $0xffff  }
0xd6: {  	v7 =	vadd.s32 $0x6, v0;
	v1 =	vld.idx.msk [tilespmem:v1+s15+$0x0], $0xffff  }
0xd7: {  	v8 =	vadd.s32 $0x7, v0;
	v2 =	vld.idx.msk [tilespmem:v2+s15+$0x0], $0xffff  }
0xd8: {  	v3 =	vld.idx.msk [tilespmem:v3+s15+$0x0], $0xffff  }
0xd9: {  	v4 =	vld.idx.msk [tilespmem:v4+s15+$0x0], $0xffff  }
0xda: {  	s28 =	sand.u32 $0x70, s3;
	s29 =	sand.u32 $0x400, s3;
	v6 =	vld.idx.msk [tilespmem:v6+s15+$0x0], $0xffff  }
0xdb: {  	s0 =	sor.u32 s28, s29;
	v7 =	vld.idx.msk [tilespmem:v7+s15+$0x0], $0xffff  }
0xdc: {  	v8 =	vld.idx.msk [tilespmem:v8+s15+$0x0], $0xffff;
	[tilespmem:s0+$0x1B00] =	vst v5  }
0xdd: {  	[tilespmem:s0+$0x1B80] =	vst v1  }
0xde: {  	[tilespmem:s0+$0x1C00] =	vst v2  }
0xdf: {  	v5 =	vadd.s32 $0xC, v0;
	[tilespmem:s0+$0x1C80] =	vst v3  }
0xe0: {  	v1 =	vadd.s32 $0x8, v0;
	[tilespmem:s0+$0x1D00] =	vst v4  }
0xe1: {  	s30 =	sor.u32 s3, s3;
	v2 =	vadd.s32 $0x9, v0;
	[tilespmem:s0+$0x1D80] =	vst v6  }
0xe2: {  	s12 =	sor.u32 $0x380, s30;
	v3 =	vadd.s32 $0xA, v0;
	[tilespmem:s0+$0x1E00] =	vst v7  }
0xe3: {  	v4 =	vadd.s32 $0xB, v0;
	[tilespmem:s12+$0x1B00] =	vst v8  }
0xe4: {  	v6 =	vadd.s32 $0xD, v0;
	v5 =	vld.idx.msk [tilespmem:v5+s15+$0x0], $0xffff  }
0xe5: {  	v7 =	vadd.s32 $0xE, v0;
	v1 =	vld.idx.msk [tilespmem:v1+s15+$0x0], $0xffff  }
0xe6: {  	v8 =	vadd.s32 $0xF, v0;
	v2 =	vld.idx.msk [tilespmem:v2+s15+$0x0], $0xffff  }
0xe7: {  	v3 =	vld.idx.msk [tilespmem:v3+s15+$0x0], $0xffff  }
0xe8: {  	v4 =	vld.idx.msk [tilespmem:v4+s15+$0x0], $0xffff  }
0xe9: {  	v6 =	vld.idx.msk [tilespmem:v6+s15+$0x0], $0xffff  }
0xea: {  	v7 =	vld.idx.msk [tilespmem:v7+s15+$0x0], $0xffff  }
0xeb: {  	v8 =	vld.idx.msk [tilespmem:v8+s15+$0x0], $0xffff;
	[tilespmem:s0+$0x3100] =	vst v5  }
0xec: {  	[tilespmem:s0+$0x2F00] =	vst v1  }
0xed: {  	[tilespmem:s0+$0x2F80] =	vst v2  }
0xee: {  	v5 =	vadd.s32 $0x14, v0;
	[tilespmem:s0+$0x3000] =	vst v3  }
0xef: {  	[tilespmem:s0+$0x3080] =	vst v4;
	v1 =	vadd.s32 $0x10, v0  }
0xf0: {  	v2 =	vadd.s32 $0x11, v0;
	[tilespmem:s0+$0x3180] =	vst v6  }
0xf1: {  	v3 =	vadd.s32 $0x12, v0;
	[tilespmem:s0+$0x3200] =	vst v7  }
0xf2: {  	v4 =	vadd.s32 $0x13, v0;
	[tilespmem:s0+$0x3280] =	vst v8  }
0xf3: {  	v6 =	vadd.s32 $0x15, v0;
	v5 =	vld.idx.msk [tilespmem:v5+s15+$0x0], $0xffff  }
0xf4: {  	v7 =	vadd.s32 $0x16, v0;
	v1 =	vld.idx.msk [tilespmem:v1+s15+$0x0], $0xffff  }
0xf5: {  	v8 =	vadd.s32 $0x17, v0;
	v2 =	vld.idx.msk [tilespmem:v2+s15+$0x0], $0xffff  }
0xf6: {  	v3 =	vld.idx.msk [tilespmem:v3+s15+$0x0], $0xffff  }
0xf7: {  	v4 =	vld.idx.msk [tilespmem:v4+s15+$0x0], $0xffff  }
0xf8: {  	v6 =	vld.idx.msk [tilespmem:v6+s15+$0x0], $0xffff  }
0xf9: {  	v7 =	vld.idx.msk [tilespmem:v7+s15+$0x0], $0xffff  }
0xfa: {  	v8 =	vld.idx.msk [tilespmem:v8+s15+$0x0], $0xffff;
	[tilespmem:s0+$0x4500] =	vst v5  }
0xfb: {  	[tilespmem:s0+$0x4300] =	vst v1  }
0xfc: {  	[tilespmem:s0+$0x4380] =	vst v2  }
0xfd: {  	[tilespmem:s0+$0x4400] =	vst v3;
	v1 =	vadd.s32 $0x18, v0  }
0xfe: {  	[tilespmem:s0+$0x4480] =	vst v4;
	v4 =	vadd.s32 $0x19, v0  }
0xff: {  	[tilespmem:s0+$0x4580] =	vst v6;
	v2 =	vadd.s32 $0x1A, v0  }
0x100: {  	[tilespmem:s0+$0x4600] =	vst v7;
	v3 =	vadd.s32 $0x1B, v0  }
0x101: {  	v5 =	vadd.s32 $0x1C, v0;
	[tilespmem:s0+$0x4680] =	vst v8  }
0x102: {  	s22 =	simm.s32 $0x0;
	s23 =	simm.s32 $0x0;
	s12 =	simm.s32 $0x10;
	v6 =	vadd.s32 $0x1D, v0;
	v1 =	vld.idx.msk [tilespmem:v1+s15+$0x0], $0xffff  }
.LBB2_2:
0x103: {  	p2 =	sne.s32 s12, $0xF0;
	v4 =	vld.idx.msk [tilespmem:v4+s15+$0x0], $0xffff;
	v7 =	vadd.s32 $0x1E, v0  }
0x104: {  	v8 =	vadd.s32 $0x1F, v0;
	v2 =	vld.idx.msk [tilespmem:v2+s15+$0x0], $0xffff  }
0x105: {  	v3 =	vld.idx.msk [tilespmem:v3+s15+$0x0], $0xffff  }
0x106: {  	v5 =	vld.idx.msk [tilespmem:v5+s15+$0x0], $0xffff  }
0x107: {  	v6 =	vld.idx.msk [tilespmem:v6+s15+$0x0], $0xffff  }
0x108: {  	v7 =	vld.idx.msk [tilespmem:v7+s15+$0x0], $0xffff  }
0x109: {  	v8 =	vld.idx.msk [tilespmem:v8+s15+$0x0], $0xffff;
	[tilespmem:s0+$0x5700] =	vst v1  }
0x10a: {  	[tilespmem:s0+$0x5780] =	vst v4  }
0x10b: {  	[tilespmem:s0+$0x5800] =	vst v2  }
0x10c: {  	v1 =	vadd.s32 $0x20, v0;
	[tilespmem:s0+$0x5880] =	vst v3  }
0x10d: {  	v2 =	vadd.s32 $0x21, v0;
	[tilespmem:s0+$0x5900] =	vst v5  }
0x10e: {  	v3 =	vadd.s32 $0x22, v0;
	[tilespmem:s0+$0x5980] =	vst v6  }
0x10f: {  	s22 =	sadd.s32 $0x10, s22;
	v4 =	vadd.s32 $0x23, v0;
	[tilespmem:s0+$0x5A00] =	vst v7  }
0x110: {  	v6 =	vadd.s32 $0x24, v0;
	v5 =	vld [tilespmem:s22+$0x0];
	[tilespmem:s0+$0x5A80] =	vst v8  }
0x111: {  	v7 =	vadd.s32 $0x25, v0;
	v1 =	vld.idx.msk [tilespmem:v1+s15+$0x0], $0xffff  }
0x112: {  	v8 =	vadd.s32 $0x26, v0;
	v2 =	vld.idx.msk [tilespmem:v2+s15+$0x0], $0xffff  }
0x113: {  	v9 =	vadd.s32 $0x27, v0;
	v3 =	vld.idx.msk [tilespmem:v3+s15+$0x0], $0xffff  }
0x114: {  	v4 =	vld.idx.msk [tilespmem:v4+s15+$0x0], $0xffff  }
0x115: {  	v6 =	vld.idx.msk [tilespmem:v6+s15+$0x0], $0xffff  }
0x116: {  	v7 =	vld.idx.msk [tilespmem:v7+s15+$0x0], $0xffff  }
0x117: {  	v8 =	vld.idx.msk [tilespmem:v8+s15+$0x0], $0xffff  }
0x118: {  	v9 =	vld.idx.msk [tilespmem:v9+s15+$0x0], $0xffff;
	[tilespmem:s0+$0x6B00] =	vst v1  }
0x119: {  	v1 =	vmul.u32 $0x41, v5;
	[tilespmem:s0+$0x6B80] =	vst v2  }
0x11a: {  	[tilespmem:s0+$0x6C00] =	vst v3  }
0x11b: {  	v2 =	vadd.s32 $0x28, v0;
	[tilespmem:s0+$0x6C80] =	vst v4  }
0x11c: {  	v3 =	vadd.s32 $0x29, v0;
	[tilespmem:s0+$0x6D00] =	vst v6  }
0x11d: {  	v4 =	vadd.s32 $0x2A, v0;
	[tilespmem:s0+$0x6D80] =	vst v7  }
0x11e: {  	v5 =	vadd.s32 $0x2B, v0;
	[tilespmem:s0+$0x6E00] =	vst v8  }
0x11f: {  	v7 =	vadd.s32 $0x2C, v0;
	v6 =	vld.idx.msk [tilespmem:v1+s15+$0x0], $0xffff;
	[tilespmem:s0+$0x6E80] =	vst v9  }
0x120: {  	v8 =	vadd.s32 $0x2D, v0;
	v2 =	vld.idx.msk [tilespmem:v2+s15+$0x0], $0xffff  }
0x121: {  	v9 =	vadd.s32 $0x2E, v0;
	v3 =	vld.idx.msk [tilespmem:v3+s15+$0x0], $0xffff  }
0x122: {  	v10 =	vadd.s32 $0x2F, v0;
	v4 =	vld.idx.msk [tilespmem:v4+s15+$0x0], $0xffff  }
0x123: {  	v11 =	vadd.s32 $0x1, v1;
	v5 =	vld.idx.msk [tilespmem:v5+s15+$0x0], $0xffff  }
0x124: {  	v12 =	vadd.s32 $0x2, v1;
	v7 =	vld.idx.msk [tilespmem:v7+s15+$0x0], $0xffff  }
0x125: {  	v13 =	vadd.s32 $0x3, v1;
	v8 =	vld.idx.msk [tilespmem:v8+s15+$0x0], $0xffff  }
0x126: {  	v14 =	vadd.s32 $0x4, v1;
	v9 =	vld.idx.msk [tilespmem:v9+s15+$0x0], $0xffff  }
0x127: {  	v15 =	vadd.s32 $0x5, v1;
	v10 =	vld.idx.msk [tilespmem:v10+s15+$0x0], $0xffff;
	[tilespmem:s0+$0x7F00] =	vst v2  }
0x128: {  	v2 =	vld.idx.msk [tilespmem:v11+s15+$0x0], $0xffff;
	v11 =	vadd.s32 $0x6, v1;
	[tilespmem:s0+$0x7F80] =	vst v3  }
0x129: {  	v3 =	vld.idx.msk [tilespmem:v12+s15+$0x0], $0xffff;
	v12 =	vadd.s32 $0x7, v1;
	[tilespmem:s0+$0x8000] =	vst v4  }
0x12a: {  	v4 =	vld.idx.msk [tilespmem:v13+s15+$0x0], $0xffff;
	[tilespmem:s0+$0x8080] =	vst v5;
	v5 =	vadd.s32 $0x30, v0  }
0x12b: {  	v13 =	vld.idx.msk [tilespmem:v14+s15+$0x0], $0xffff;
	[tilespmem:s0+$0x8100] =	vst v7;
	v7 =	vadd.s32 $0x31, v0  }
0x12c: {  	v14 =	vld.idx.msk [tilespmem:v15+s15+$0x0], $0xffff;
	[tilespmem:s0+$0x8180] =	vst v8;
	v8 =	vadd.s32 $0x32, v0  }
0x12d: {  	v11 =	vld.idx.msk [tilespmem:v11+s15+$0x0], $0xffff;
	[tilespmem:s0+$0x8200] =	vst v9;
	v9 =	vadd.s32 $0x33, v0  }
0x12e: {  	v12 =	vld.idx.msk [tilespmem:v12+s15+$0x0], $0xffff;
	[tilespmem:s0+$0x8280] =	vst v10;
	v10 =	vadd.s32 $0x34, v0  }
0x12f: {  	v15 =	vadd.s32 $0x35, v0;
	v5 =	vld.idx.msk [tilespmem:v5+s15+$0x0], $0xffff  }
0x130: {  	v16 =	vadd.s32 $0x36, v0;
	v7 =	vld.idx.msk [tilespmem:v7+s15+$0x0], $0xffff  }
0x131: {  	v17 =	vadd.s32 $0x37, v0;
	v8 =	vld.idx.msk [tilespmem:v8+s15+$0x0], $0xffff  }
0x132: {  	s23 =	sadd.s32 $0x80, s23;
	v9 =	vld.idx.msk [tilespmem:v9+s15+$0x0], $0xffff  }
0x133: {  	s24 =	sand.u32 $0x70, s12;
	s25 =	sand.u32 $0x400, s23;
	v10 =	vld.idx.msk [tilespmem:v10+s15+$0x0], $0xffff  }
0x134: {  	s24 =	sor.u32 s24, s25;
	v15 =	vld.idx.msk [tilespmem:v15+s15+$0x0], $0xffff  }
0x135: {  	[tilespmem:s24+$0x1B00] =	vst v6;
	v6 =	vld.idx.msk [tilespmem:v16+s15+$0x0], $0xffff  }
0x136: {  	v16 =	vld.idx.msk [tilespmem:v17+s15+$0x0], $0xffff;
	[tilespmem:s0+$0x9300] =	vst v5  }
0x137: {  	[tilespmem:s0+$0x9380] =	vst v7  }
0x138: {  	[tilespmem:s0+$0x9400] =	vst v8  }
0x139: {  	v5 =	vadd.s32 $0x38, v0;
	[tilespmem:s0+$0x9480] =	vst v9  }
0x13a: {  	v7 =	vadd.s32 $0x3F, v0;
	[tilespmem:s0+$0x9500] =	vst v10  }
0x13b: {  	v8 =	vadd.s32 $0x39, v0;
	[tilespmem:s0+$0x9580] =	vst v15  }
0x13c: {  	[tilespmem:s0+$0x9600] =	vst v6;
	v6 =	vadd.s32 $0x3A, v0  }
0x13d: {  	v9 =	vadd.s32 $0x3B, v0;
	[tilespmem:s0+$0x9680] =	vst v16  }
0x13e: {  	[tilespmem:s24+$0x1B80] =	vst v2;
	v2 =	vld.idx.msk [tilespmem:v5+s15+$0x0], $0xffff;
	v5 =	vadd.s32 $0x3C, v0  }
0x13f: {  	[tilespmem:s24+$0x1C00] =	vst v3;
	v3 =	vadd.s32 $0x3D, v0;
	v7 =	vld.idx.msk [tilespmem:v7+s15+$0x0], $0xffff  }
0x140: {  	[tilespmem:s24+$0x1C80] =	vst v4;
	v4 =	vld.idx.msk [tilespmem:v8+s15+$0x0], $0xffff;
	v8 =	vadd.s32 $0x3E, v0;
	v0 =	vmov v1  }
0x141: {  	[tilespmem:s24+$0x1D00] =	vst v13;
	v1 =	vadd.s32 $0x8, v0;
	v6 =	vld.idx.msk [tilespmem:v6+s15+$0x0], $0xffff  }
0x142: {  	s25 =	sor.u32 s23, s12;
	v10 =	vadd.s32 $0x9, v0;
	[tilespmem:s24+$0x1D80] =	vst v14;
	v9 =	vld.idx.msk [tilespmem:v9+s15+$0x0], $0xffff  }
0x143: {  	s25 =	sor.u32 $0x380, s25;
	[tilespmem:s24+$0x1E00] =	vst v11;
	v11 =	vadd.s32 $0xA, v0;
	v5 =	vld.idx.msk [tilespmem:v5+s15+$0x0], $0xffff  }
0x144: {  	[tilespmem:s25+$0x1B00] =	vst v12;
	v12 =	vadd.s32 $0xB, v0;
	v3 =	vld.idx.msk [tilespmem:v3+s15+$0x0], $0xffff  }
0x145: {  	v13 =	vadd.s32 $0xC, v0;
	v8 =	vld.idx.msk [tilespmem:v8+s15+$0x0], $0xffff;
	[tilespmem:s0+$0xAA80] =	vst v7  }
0x146: {  	v7 =	vadd.s32 $0xD, v0;
	v1 =	vld.idx.msk [tilespmem:v1+s15+$0x0], $0xffff;
	[tilespmem:s0+$0xA700] =	vst v2  }
0x147: {  	v2 =	vld.idx.msk [tilespmem:v10+s15+$0x0], $0xffff;
	v10 =	vadd.s32 $0xE, v0;
	[tilespmem:s0+$0xA780] =	vst v4  }
0x148: {  	v4 =	vld.idx.msk [tilespmem:v11+s15+$0x0], $0xffff;
	v11 =	vadd.s32 $0xF, v0;
	[tilespmem:s0+$0xA800] =	vst v6  }
0x149: {  	v6 =	vld.idx.msk [tilespmem:v12+s15+$0x0], $0xffff;
	[tilespmem:s0+$0xA880] =	vst v9  }
0x14a: {  	v9 =	vld.idx.msk [tilespmem:v13+s15+$0x0], $0xffff;
	[tilespmem:s0+$0xA900] =	vst v5  }
0x14b: {  	v5 =	vld.idx.msk [tilespmem:v7+s15+$0x0], $0xffff;
	[tilespmem:s0+$0xA980] =	vst v3  }
0x14c: {  	v3 =	vld.idx.msk [tilespmem:v10+s15+$0x0], $0xffff;
	[tilespmem:s0+$0xAA00] =	vst v8;
	s0 =	smov.u32 s24  }
0x14d: {  	v7 =	vld.idx.msk [tilespmem:v11+s15+$0x0], $0xffff;
	[tilespmem:s0+$0x2F00] =	vst v1  }
0x14e: {  	[tilespmem:s0+$0x2F80] =	vst v2  }
0x14f: {  	[tilespmem:s0+$0x3000] =	vst v4  }
0x150: {  	v1 =	vadd.s32 $0x10, v0;
	[tilespmem:s0+$0x3080] =	vst v6  }
0x151: {  	v2 =	vadd.s32 $0x11, v0;
	[tilespmem:s0+$0x3100] =	vst v9  }
0x152: {  	v4 =	vadd.s32 $0x12, v0;
	[tilespmem:s0+$0x3180] =	vst v5  }
0x153: {  	[tilespmem:s0+$0x3200] =	vst v3;
	v3 =	vadd.s32 $0x13, v0  }
0x154: {  	v5 =	vadd.s32 $0x14, v0;
	[tilespmem:s0+$0x3280] =	vst v7  }
0x155: {  	v6 =	vadd.s32 $0x15, v0;
	v1 =	vld.idx.msk [tilespmem:v1+s15+$0x0], $0xffff  }
0x156: {  	v7 =	vadd.s32 $0x16, v0;
	v2 =	vld.idx.msk [tilespmem:v2+s15+$0x0], $0xffff  }
0x157: {  	v8 =	vadd.s32 $0x17, v0;
	v4 =	vld.idx.msk [tilespmem:v4+s15+$0x0], $0xffff  }
0x158: {  	v3 =	vld.idx.msk [tilespmem:v3+s15+$0x0], $0xffff  }
0x159: {  	v5 =	vld.idx.msk [tilespmem:v5+s15+$0x0], $0xffff  }
0x15a: {  	v6 =	vld.idx.msk [tilespmem:v6+s15+$0x0], $0xffff  }
0x15b: {  	v7 =	vld.idx.msk [tilespmem:v7+s15+$0x0], $0xffff  }
0x15c: {  	v8 =	vld.idx.msk [tilespmem:v8+s15+$0x0], $0xffff;
	[tilespmem:s0+$0x4300] =	vst v1  }
0x15d: {  	[tilespmem:s0+$0x4380] =	vst v2  }
0x15e: {  	[tilespmem:s0+$0x4400] =	vst v4  }
0x15f: {  	v1 =	vadd.s32 $0x18, v0;
	[tilespmem:s0+$0x4480] =	vst v3  }
.Ltmp2:
0x160: {  	v4 =	vadd.s32 $0x19, v0;
	[tilespmem:s0+$0x4500] =	vst v5;
	(pc) =	sbr.rel @p2 .LBB2_2-.Ltmp2, $4  }
0x161: {  	v2 =	vadd.s32 $0x1A, v0;
	[tilespmem:s0+$0x4580] =	vst v6  }
0x162: {  	v3 =	vadd.s32 $0x1B, v0;
	[tilespmem:s0+$0x4600] =	vst v7  }
0x163: {  	v5 =	vadd.s32 $0x1C, v0;
	[tilespmem:s0+$0x4680] =	vst v8  }
0x164: {  	s12 =	sadd.s32 $0x10, s12;
	v6 =	vadd.s32 $0x1D, v0;
	v1 =	vld.idx.msk [tilespmem:v1+s15+$0x0], $0xffff  }
0x165: {  	_ =	sdelay $0x3  }
0x166: {  	v4 =	vld.idx.msk [tilespmem:v4+s15+$0x0], $0xffff;
	v7 =	vadd.s32 $0x1E, v0  }
0x167: {  	v2 =	vld.idx.msk [tilespmem:v2+s15+$0x0], $0xffff;
	v8 =	vadd.s32 $0x1F, v0  }
0x168: {  	v3 =	vld.idx.msk [tilespmem:v3+s15+$0x0], $0xffff  }
0x169: {  	v5 =	vld.idx.msk [tilespmem:v5+s15+$0x0], $0xffff  }
0x16a: {  	v6 =	vld.idx.msk [tilespmem:v6+s15+$0x0], $0xffff  }
0x16b: {  	v7 =	vld.idx.msk [tilespmem:v7+s15+$0x0], $0xffff  }
0x16c: {  	v8 =	vld.idx.msk [tilespmem:v8+s15+$0x0], $0xffff;
	[tilespmem:s0+$0x5700] =	vst v1  }
0x16d: {  	[tilespmem:s0+$0x5780] =	vst v4  }
0x16e: {  	[tilespmem:s0+$0x5800] =	vst v2  }
0x16f: {  	[tilespmem:s0+$0x5880] =	vst v3;
	v1 =	vadd.s32 $0x20, v0  }
0x170: {  	[tilespmem:s0+$0x5900] =	vst v5;
	v2 =	vadd.s32 $0x21, v0  }
0x171: {  	[tilespmem:s0+$0x5980] =	vst v6;
	v3 =	vadd.s32 $0x22, v0  }
0x172: {  	v4 =	vadd.s32 $0x23, v0;
	[tilespmem:s0+$0x5A00] =	vst v7  }
0x173: {  	v5 =	vadd.s32 $0x24, v0;
	[tilespmem:s0+$0x5A80] =	vst v8  }
0x174: {  	v6 =	vadd.s32 $0x25, v0;
	v1 =	vld.idx.msk [tilespmem:v1+s15+$0x0], $0xffff  }
0x175: {  	v7 =	vadd.s32 $0x26, v0;
	v2 =	vld.idx.msk [tilespmem:v2+s15+$0x0], $0xffff  }
0x176: {  	v8 =	vadd.s32 $0x27, v0;
	v3 =	vld.idx.msk [tilespmem:v3+s15+$0x0], $0xffff  }
0x177: {  	v4 =	vld.idx.msk [tilespmem:v4+s15+$0x0], $0xffff  }
0x178: {  	v5 =	vld.idx.msk [tilespmem:v5+s15+$0x0], $0xffff  }
0x179: {  	v6 =	vld.idx.msk [tilespmem:v6+s15+$0x0], $0xffff  }
0x17a: {  	v7 =	vld.idx.msk [tilespmem:v7+s15+$0x0], $0xffff  }
0x17b: {  	v8 =	vld.idx.msk [tilespmem:v8+s15+$0x0], $0xffff;
	[tilespmem:s0+$0x6B00] =	vst v1  }
0x17c: {  	[tilespmem:s0+$0x6B80] =	vst v2  }
0x17d: {  	[tilespmem:s0+$0x6C00] =	vst v3  }
0x17e: {  	[tilespmem:s0+$0x6C80] =	vst v4;
	v1 =	vadd.s32 $0x28, v0  }
0x17f: {  	[tilespmem:s0+$0x6D00] =	vst v5;
	v2 =	vadd.s32 $0x29, v0  }
0x180: {  	[tilespmem:s0+$0x6D80] =	vst v6;
	v3 =	vadd.s32 $0x2A, v0  }
0x181: {  	v4 =	vadd.s32 $0x2B, v0;
	[tilespmem:s0+$0x6E00] =	vst v7  }
0x182: {  	v5 =	vadd.s32 $0x2C, v0;
	[tilespmem:s0+$0x6E80] =	vst v8  }
0x183: {  	v6 =	vadd.s32 $0x2D, v0;
	v1 =	vld.idx.msk [tilespmem:v1+s15+$0x0], $0xffff  }
0x184: {  	v7 =	vadd.s32 $0x2E, v0;
	v2 =	vld.idx.msk [tilespmem:v2+s15+$0x0], $0xffff  }
0x185: {  	v8 =	vadd.s32 $0x2F, v0;
	v3 =	vld.idx.msk [tilespmem:v3+s15+$0x0], $0xffff  }
0x186: {  	v4 =	vld.idx.msk [tilespmem:v4+s15+$0x0], $0xffff  }
0x187: {  	v5 =	vld.idx.msk [tilespmem:v5+s15+$0x0], $0xffff  }
0x188: {  	v6 =	vld.idx.msk [tilespmem:v6+s15+$0x0], $0xffff  }
0x189: {  	v7 =	vld.idx.msk [tilespmem:v7+s15+$0x0], $0xffff  }
0x18a: {  	v8 =	vld.idx.msk [tilespmem:v8+s15+$0x0], $0xffff;
	[tilespmem:s0+$0x7F00] =	vst v1  }
0x18b: {  	[tilespmem:s0+$0x7F80] =	vst v2  }
0x18c: {  	[tilespmem:s0+$0x8000] =	vst v3  }
0x18d: {  	[tilespmem:s0+$0x8080] =	vst v4;
	v1 =	vadd.s32 $0x30, v0  }
0x18e: {  	[tilespmem:s0+$0x8100] =	vst v5;
	v2 =	vadd.s32 $0x31, v0  }
0x18f: {  	[tilespmem:s0+$0x8180] =	vst v6;
	v3 =	vadd.s32 $0x32, v0  }
0x190: {  	v4 =	vadd.s32 $0x33, v0;
	[tilespmem:s0+$0x8200] =	vst v7  }
0x191: {  	v5 =	vadd.s32 $0x34, v0;
	[tilespmem:s0+$0x8280] =	vst v8  }
0x192: {  	v6 =	vadd.s32 $0x35, v0;
	v1 =	vld.idx.msk [tilespmem:v1+s15+$0x0], $0xffff  }
0x193: {  	v7 =	vadd.s32 $0x36, v0;
	v2 =	vld.idx.msk [tilespmem:v2+s15+$0x0], $0xffff  }
0x194: {  	v8 =	vadd.s32 $0x37, v0;
	v3 =	vld.idx.msk [tilespmem:v3+s15+$0x0], $0xffff  }
0x195: {  	v4 =	vld.idx.msk [tilespmem:v4+s15+$0x0], $0xffff  }
0x196: {  	v5 =	vld.idx.msk [tilespmem:v5+s15+$0x0], $0xffff  }
0x197: {  	v6 =	vld.idx.msk [tilespmem:v6+s15+$0x0], $0xffff  }
0x198: {  	v7 =	vld.idx.msk [tilespmem:v7+s15+$0x0], $0xffff  }
0x199: {  	v8 =	vld.idx.msk [tilespmem:v8+s15+$0x0], $0xffff;
	[tilespmem:s0+$0x9300] =	vst v1  }
0x19a: {  	[tilespmem:s0+$0x9380] =	vst v2  }
0x19b: {  	[tilespmem:s0+$0x9400] =	vst v3  }
0x19c: {  	[tilespmem:s0+$0x9480] =	vst v4;
	v1 =	vadd.s32 $0x38, v0  }
0x19d: {  	[tilespmem:s0+$0x9500] =	vst v5;
	v2 =	vadd.s32 $0x3F, v0  }
0x19e: {  	[tilespmem:s0+$0x9580] =	vst v6;
	v3 =	vadd.s32 $0x39, v0  }
0x19f: {  	v4 =	vadd.s32 $0x3A, v0;
	[tilespmem:s0+$0x9600] =	vst v7  }
0x1a0: {  	v5 =	vadd.s32 $0x3B, v0;
	[tilespmem:s0+$0x9680] =	vst v8  }
0x1a1: {  	v6 =	vadd.s32 $0x3C, v0;
	v1 =	vld.idx.msk [tilespmem:v1+s15+$0x0], $0xffff  }
0x1a2: {  	v7 =	vadd.s32 $0x3D, v0;
	v2 =	vld.idx.msk [tilespmem:v2+s15+$0x0], $0xffff  }
0x1a3: {  	v0 =	vadd.s32 $0x3E, v0;
	v3 =	vld.idx.msk [tilespmem:v3+s15+$0x0], $0xffff  }
0x1a4: {  	v4 =	vld.idx.msk [tilespmem:v4+s15+$0x0], $0xffff  }
0x1a5: {  	v5 =	vld.idx.msk [tilespmem:v5+s15+$0x0], $0xffff  }
0x1a6: {  	v6 =	vld.idx.msk [tilespmem:v6+s15+$0x0], $0xffff  }
0x1a7: {  	v7 =	vld.idx.msk [tilespmem:v7+s15+$0x0], $0xffff  }
0x1a8: {  	v0 =	vld.idx.msk [tilespmem:v0+s15+$0x0], $0xffff;
	[tilespmem:s0+$0xAA80] =	vst v2  }
0x1a9: {  	[tilespmem:s0+$0xA700] =	vst v1  }
0x1aa: {  	[tilespmem:s0+$0xA780] =	vst v3  }
0x1ab: {  	[tilespmem:s0+$0xA800] =	vst v4  }
0x1ac: {  	[tilespmem:s0+$0xA880] =	vst v5  }
0x1ad: {  	[tilespmem:s0+$0xA900] =	vst v6  }
0x1ae: {  	[tilespmem:s0+$0xA980] =	vst v7  }
0x1af: {  	s12 =	simm.s32 @!p0 $0x1B00;
	[tilespmem:s0+$0xAA00] =	vst v0;
	s0 =	simm.s32 @!p0 $0x0  }
0x1b0: {  	[hbm4b:s4+s0] =	stream.linear.scatter @!p0 [tilespmem:s12], [sflag:$0x1], $0x800, $0x38;
	[tilespmem:$0xBB00] =	vst v63  }
0x1b1: {  	s22 =	simm.s32 @!p0 $0x2F00  }
0x1b2: {  	[hbm4b:s16+s0] =	stream.linear.scatter @!p0 [tilespmem:s22], [sflag:$0x1], $0x800, $0x38;
	[tilespmem:$0xBB00] =	vst v63  }
0x1b3: {  	s23 =	simm.s32 @!p0 $0x4300  }
0x1b4: {  	[hbm4b:s17+s0] =	stream.linear.scatter @!p0 [tilespmem:s23], [sflag:$0x1], $0x800, $0x38;
	[tilespmem:$0xBB00] =	vst v63  }
0x1b5: {  	s24 =	simm.s32 @!p0 $0x5700  }
0x1b6: {  	[hbm4b:s18+s0] =	stream.linear.scatter @!p0 [tilespmem:s24], [sflag:$0x1], $0x800, $0x38;
	[tilespmem:$0xBB00] =	vst v63  }
0x1b7: {  	s25 =	simm.s32 @!p0 $0x6B00  }
0x1b8: {  	[hbm4b:s19+s0] =	stream.linear.scatter @!p0 [tilespmem:s25], [sflag:$0x1], $0x800, $0x38;
	[tilespmem:$0xBB00] =	vst v63  }
0x1b9: {  	s26 =	simm.s32 @!p0 $0x7F00  }
0x1ba: {  	[hbm4b:s20+s0] =	stream.linear.scatter @!p0 [tilespmem:s26], [sflag:$0x1], $0x800, $0x38;
	[tilespmem:$0xBB00] =	vst v63  }
0x1bb: {  	s28 =	sadd.s32 @!p0 $0x18300, s4;
	s29 =	simm.s32 @!p0 $0x9300  }
0x1bc: {  	[hbm4b:s28+s0] =	stream.linear.scatter @!p0 [tilespmem:s29], [sflag:$0x1], $0x800, $0x38;
	[tilespmem:$0xBB00] =	vst v63  }
0x1bd: {  	s30 =	simm.s32 @!p0 $0xA700;
	s28 =	sadd.s32 @!p0 $0x1C380, s4  }
0x1be: {  	[hbm4b:s28+s0] =	stream.linear.scatter @!p0 [tilespmem:s30], [sflag:$0x1], $0x800, $0x38;
	[tilespmem:$0xBB00] =	vst v63  }
0x1bf: {  	_ = 	snop  }
0x1c0: {  	[hbm4b:s6+s0] =	stream.linear.scatter @!p0 [tilespmem:s12], [sflag:$0x2], $0x800, $0x38;
	[tilespmem:$0xBB00] =	vst v63  }
0x1c1: {  	s12 =	sadd.s32 @!p0 $0x4080, s6  }
0x1c2: {  	[hbm4b:s12+s0] =	stream.linear.scatter @!p0 [tilespmem:s22], [sflag:$0x2], $0x800, $0x38;
	[tilespmem:$0xBB00] =	vst v63  }
0x1c3: {  	s12 =	sadd.s32 @!p0 $0x8100, s6  }
0x1c4: {  	[hbm4b:s12+s0] =	stream.linear.scatter @!p0 [tilespmem:s23], [sflag:$0x2], $0x800, $0x38;
	[tilespmem:$0xBB00] =	vst v63  }
0x1c5: {  	s12 =	sadd.s32 @!p0 $0xC180, s6  }
0x1c6: {  	[hbm4b:s12+s0] =	stream.linear.scatter @!p0 [tilespmem:s24], [sflag:$0x2], $0x800, $0x38;
	[tilespmem:$0xBB00] =	vst v63  }
0x1c7: {  	s12 =	sadd.s32 @!p0 $0x10200, s6  }
0x1c8: {  	[hbm4b:s12+s0] =	stream.linear.scatter @!p0 [tilespmem:s25], [sflag:$0x2], $0x800, $0x38;
	[tilespmem:$0xBB00] =	vst v63  }
0x1c9: {  	s12 =	sadd.s32 @!p0 $0x14280, s6  }
0x1ca: {  	[hbm4b:s12+s0] =	stream.linear.scatter @!p0 [tilespmem:s26], [sflag:$0x2], $0x800, $0x38;
	[tilespmem:$0xBB00] =	vst v63  }
0x1cb: {  	s12 =	sadd.s32 @!p0 $0x18300, s6  }
0x1cc: {  	[hbm4b:s12+s0] =	stream.linear.scatter @!p0 [tilespmem:s29], [sflag:$0x2], $0x800, $0x38;
	[tilespmem:$0xBB00] =	vst v63  }
0x1cd: {  	s12 =	sadd.s32 @!p0 $0x1C380, s6  }
0x1ce: {  	[hbm4b:s12+s0] =	stream.linear.scatter @!p0 [tilespmem:s30], [sflag:$0x2], $0x800, $0x38;
	[tilespmem:$0xBB00] =	vst v63  }
0x1cf: {  	s12 =	simm.s32 $0x100  }
0x1d0: {  	v0 =	vld [tilespmem:s12+$0x0];
	_ =	sdelay $0x4  }
0x1d1: {  	v0 =	vmul.u32 $0x41, v0;
	_ =	sdelay $0x1  }
0x1d2: {  	v1 =	vadd.s32 $0x1, v0  }
0x1d3: {  	v2 =	vadd.s32 $0x2, v0  }
0x1d4: {  	v3 =	vadd.s32 $0x3, v0  }
0x1d5: {  	v4 =	vadd.s32 $0x4, v0  }
0x1d6: {  	v6 =	vadd.s32 $0x5, v0;
	v5 =	vld.idx.msk [tilespmem:v0+s15+$0x0], $0xffff  }
0x1d7: {  	v7 =	vadd.s32 $0x6, v0;
	v1 =	vld.idx.msk [tilespmem:v1+s15+$0x0], $0xffff  }
0x1d8: {  	v8 =	vadd.s32 $0x7, v0;
	v2 =	vld.idx.msk [tilespmem:v2+s15+$0x0], $0xffff  }
0x1d9: {  	v3 =	vld.idx.msk [tilespmem:v3+s15+$0x0], $0xffff  }
0x1da: {  	s22 =	simm.s32 $0x800;
	v4 =	vld.idx.msk [tilespmem:v4+s15+$0x0], $0xffff  }
0x1db: {  	s29 =	sand.u32 $0xC00, s22;
	s28 =	sand.u32 $0x70, s12;
	v6 =	vld.idx.msk [tilespmem:v6+s15+$0x0], $0xffff  }
0x1dc: {  	s0 =	sor.u32 s28, s29;
	v7 =	vld.idx.msk [tilespmem:v7+s15+$0x0], $0xffff  }
0x1dd: {  	v8 =	vld.idx.msk [tilespmem:v8+s15+$0x0], $0xffff;
	[tilespmem:s0+$0x1B00] =	vst v5  }
0x1de: {  	[tilespmem:s0+$0x1B80] =	vst v1  }
0x1df: {  	[tilespmem:s0+$0x1C00] =	vst v2  }
0x1e0: {  	v5 =	vadd.s32 $0xC, v0;
	[tilespmem:s0+$0x1C80] =	vst v3  }
0x1e1: {  	v1 =	vadd.s32 $0x8, v0;
	[tilespmem:s0+$0x1D00] =	vst v4  }
0x1e2: {  	s30 =	sor.u32 s22, s12;
	v2 =	vadd.s32 $0x9, v0;
	[tilespmem:s0+$0x1D80] =	vst v6  }
0x1e3: {  	s23 =	sor.u32 $0x380, s30;
	v3 =	vadd.s32 $0xA, v0;
	[tilespmem:s0+$0x1E00] =	vst v7  }
0x1e4: {  	v4 =	vadd.s32 $0xB, v0;
	[tilespmem:s23+$0x1B00] =	vst v8  }
0x1e5: {  	v6 =	vadd.s32 $0xD, v0;
	v5 =	vld.idx.msk [tilespmem:v5+s15+$0x0], $0xffff  }
0x1e6: {  	v7 =	vadd.s32 $0xE, v0;
	v1 =	vld.idx.msk [tilespmem:v1+s15+$0x0], $0xffff  }
0x1e7: {  	v8 =	vadd.s32 $0xF, v0;
	v2 =	vld.idx.msk [tilespmem:v2+s15+$0x0], $0xffff  }
0x1e8: {  	v3 =	vld.idx.msk [tilespmem:v3+s15+$0x0], $0xffff  }
0x1e9: {  	v4 =	vld.idx.msk [tilespmem:v4+s15+$0x0], $0xffff  }
0x1ea: {  	v6 =	vld.idx.msk [tilespmem:v6+s15+$0x0], $0xffff  }
0x1eb: {  	v7 =	vld.idx.msk [tilespmem:v7+s15+$0x0], $0xffff  }
0x1ec: {  	v8 =	vld.idx.msk [tilespmem:v8+s15+$0x0], $0xffff;
	[tilespmem:s0+$0x3100] =	vst v5  }
0x1ed: {  	[tilespmem:s0+$0x2F00] =	vst v1  }
0x1ee: {  	[tilespmem:s0+$0x2F80] =	vst v2  }
0x1ef: {  	v5 =	vadd.s32 $0x14, v0;
	[tilespmem:s0+$0x3000] =	vst v3  }
0x1f0: {  	[tilespmem:s0+$0x3080] =	vst v4;
	v1 =	vadd.s32 $0x10, v0  }
0x1f1: {  	v2 =	vadd.s32 $0x11, v0;
	[tilespmem:s0+$0x3180] =	vst v6  }
0x1f2: {  	v3 =	vadd.s32 $0x12, v0;
	[tilespmem:s0+$0x3200] =	vst v7  }
0x1f3: {  	v4 =	vadd.s32 $0x13, v0;
	[tilespmem:s0+$0x3280] =	vst v8  }
0x1f4: {  	v6 =	vadd.s32 $0x15, v0;
	v5 =	vld.idx.msk [tilespmem:v5+s15+$0x0], $0xffff  }
0x1f5: {  	v7 =	vadd.s32 $0x16, v0;
	v1 =	vld.idx.msk [tilespmem:v1+s15+$0x0], $0xffff  }
0x1f6: {  	v8 =	vadd.s32 $0x17, v0;
	v2 =	vld.idx.msk [tilespmem:v2+s15+$0x0], $0xffff  }
0x1f7: {  	v3 =	vld.idx.msk [tilespmem:v3+s15+$0x0], $0xffff  }
0x1f8: {  	v4 =	vld.idx.msk [tilespmem:v4+s15+$0x0], $0xffff  }
0x1f9: {  	v6 =	vld.idx.msk [tilespmem:v6+s15+$0x0], $0xffff  }
0x1fa: {  	v7 =	vld.idx.msk [tilespmem:v7+s15+$0x0], $0xffff  }
0x1fb: {  	v8 =	vld.idx.msk [tilespmem:v8+s15+$0x0], $0xffff;
	[tilespmem:s0+$0x4500] =	vst v5  }
0x1fc: {  	[tilespmem:s0+$0x4300] =	vst v1  }
0x1fd: {  	[tilespmem:s0+$0x4380] =	vst v2  }
0x1fe: {  	[tilespmem:s0+$0x4400] =	vst v3;
	v1 =	vadd.s32 $0x18, v0  }
0x1ff: {  	[tilespmem:s0+$0x4480] =	vst v4;
	v4 =	vadd.s32 $0x19, v0  }
0x200: {  	[tilespmem:s0+$0x4580] =	vst v6;
	v2 =	vadd.s32 $0x1A, v0  }
0x201: {  	[tilespmem:s0+$0x4600] =	vst v7;
	v3 =	vadd.s32 $0x1B, v0  }
0x202: {  	v5 =	vadd.s32 $0x1C, v0;
	[tilespmem:s0+$0x4680] =	vst v8  }
0x203: {  	s23 =	simm.s32 $0x110;
	v6 =	vadd.s32 $0x1D, v0;
	v1 =	vld.idx.msk [tilespmem:v1+s15+$0x0], $0xffff  }
.LBB2_4:
0x204: {  	p2 =	sne.s32 s23, $0x1F0;
	v4 =	vld.idx.msk [tilespmem:v4+s15+$0x0], $0xffff;
	v7 =	vadd.s32 $0x1E, v0  }
0x205: {  	v8 =	vadd.s32 $0x1F, v0;
	v2 =	vld.idx.msk [tilespmem:v2+s15+$0x0], $0xffff  }
0x206: {  	v3 =	vld.idx.msk [tilespmem:v3+s15+$0x0], $0xffff  }
0x207: {  	v5 =	vld.idx.msk [tilespmem:v5+s15+$0x0], $0xffff  }
0x208: {  	v6 =	vld.idx.msk [tilespmem:v6+s15+$0x0], $0xffff  }
0x209: {  	v7 =	vld.idx.msk [tilespmem:v7+s15+$0x0], $0xffff  }
0x20a: {  	v8 =	vld.idx.msk [tilespmem:v8+s15+$0x0], $0xffff;
	[tilespmem:s0+$0x5700] =	vst v1  }
0x20b: {  	[tilespmem:s0+$0x5780] =	vst v4  }
0x20c: {  	[tilespmem:s0+$0x5800] =	vst v2  }
0x20d: {  	v1 =	vadd.s32 $0x20, v0;
	[tilespmem:s0+$0x5880] =	vst v3  }
0x20e: {  	v2 =	vadd.s32 $0x21, v0;
	[tilespmem:s0+$0x5900] =	vst v5  }
0x20f: {  	v3 =	vadd.s32 $0x22, v0;
	[tilespmem:s0+$0x5980] =	vst v6  }
0x210: {  	s12 =	sadd.s32 $0x10, s12;
	v4 =	vadd.s32 $0x23, v0;
	[tilespmem:s0+$0x5A00] =	vst v7  }
0x211: {  	v6 =	vadd.s32 $0x24, v0;
	v5 =	vld [tilespmem:s12+$0x0];
	[tilespmem:s0+$0x5A80] =	vst v8  }
0x212: {  	v7 =	vadd.s32 $0x25, v0;
	v1 =	vld.idx.msk [tilespmem:v1+s15+$0x0], $0xffff  }
0x213: {  	v8 =	vadd.s32 $0x26, v0;
	v2 =	vld.idx.msk [tilespmem:v2+s15+$0x0], $0xffff  }
0x214: {  	v9 =	vadd.s32 $0x27, v0;
	v3 =	vld.idx.msk [tilespmem:v3+s15+$0x0], $0xffff  }
0x215: {  	v4 =	vld.idx.msk [tilespmem:v4+s15+$0x0], $0xffff  }
0x216: {  	v6 =	vld.idx.msk [tilespmem:v6+s15+$0x0], $0xffff  }
0x217: {  	v7 =	vld.idx.msk [tilespmem:v7+s15+$0x0], $0xffff  }
0x218: {  	v8 =	vld.idx.msk [tilespmem:v8+s15+$0x0], $0xffff  }
0x219: {  	v9 =	vld.idx.msk [tilespmem:v9+s15+$0x0], $0xffff;
	[tilespmem:s0+$0x6B00] =	vst v1  }
0x21a: {  	v1 =	vmul.u32 $0x41, v5;
	[tilespmem:s0+$0x6B80] =	vst v2  }
0x21b: {  	[tilespmem:s0+$0x6C00] =	vst v3  }
0x21c: {  	v2 =	vadd.s32 $0x28, v0;
	[tilespmem:s0+$0x6C80] =	vst v4  }
0x21d: {  	v3 =	vadd.s32 $0x29, v0;
	[tilespmem:s0+$0x6D00] =	vst v6  }
0x21e: {  	v4 =	vadd.s32 $0x2A, v0;
	[tilespmem:s0+$0x6D80] =	vst v7  }
0x21f: {  	v5 =	vadd.s32 $0x2B, v0;
	[tilespmem:s0+$0x6E00] =	vst v8  }
0x220: {  	v7 =	vadd.s32 $0x2C, v0;
	v6 =	vld.idx.msk [tilespmem:v1+s15+$0x0], $0xffff;
	[tilespmem:s0+$0x6E80] =	vst v9  }
0x221: {  	v8 =	vadd.s32 $0x2D, v0;
	v2 =	vld.idx.msk [tilespmem:v2+s15+$0x0], $0xffff  }
0x222: {  	v9 =	vadd.s32 $0x2E, v0;
	v3 =	vld.idx.msk [tilespmem:v3+s15+$0x0], $0xffff  }
0x223: {  	v10 =	vadd.s32 $0x2F, v0;
	v4 =	vld.idx.msk [tilespmem:v4+s15+$0x0], $0xffff  }
0x224: {  	v11 =	vadd.s32 $0x1, v1;
	v5 =	vld.idx.msk [tilespmem:v5+s15+$0x0], $0xffff  }
0x225: {  	v12 =	vadd.s32 $0x2, v1;
	v7 =	vld.idx.msk [tilespmem:v7+s15+$0x0], $0xffff  }
0x226: {  	v13 =	vadd.s32 $0x3, v1;
	v8 =	vld.idx.msk [tilespmem:v8+s15+$0x0], $0xffff  }
0x227: {  	v14 =	vadd.s32 $0x4, v1;
	v9 =	vld.idx.msk [tilespmem:v9+s15+$0x0], $0xffff  }
0x228: {  	v15 =	vadd.s32 $0x5, v1;
	v10 =	vld.idx.msk [tilespmem:v10+s15+$0x0], $0xffff;
	[tilespmem:s0+$0x7F00] =	vst v2  }
0x229: {  	v2 =	vld.idx.msk [tilespmem:v11+s15+$0x0], $0xffff;
	v11 =	vadd.s32 $0x6, v1;
	[tilespmem:s0+$0x7F80] =	vst v3  }
0x22a: {  	v3 =	vld.idx.msk [tilespmem:v12+s15+$0x0], $0xffff;
	v12 =	vadd.s32 $0x7, v1;
	[tilespmem:s0+$0x8000] =	vst v4  }
0x22b: {  	v4 =	vld.idx.msk [tilespmem:v13+s15+$0x0], $0xffff;
	[tilespmem:s0+$0x8080] =	vst v5;
	v5 =	vadd.s32 $0x30, v0  }
0x22c: {  	v13 =	vld.idx.msk [tilespmem:v14+s15+$0x0], $0xffff;
	[tilespmem:s0+$0x8100] =	vst v7;
	v7 =	vadd.s32 $0x31, v0  }
0x22d: {  	v14 =	vld.idx.msk [tilespmem:v15+s15+$0x0], $0xffff;
	[tilespmem:s0+$0x8180] =	vst v8;
	v8 =	vadd.s32 $0x32, v0  }
0x22e: {  	v11 =	vld.idx.msk [tilespmem:v11+s15+$0x0], $0xffff;
	[tilespmem:s0+$0x8200] =	vst v9;
	v9 =	vadd.s32 $0x33, v0  }
0x22f: {  	v12 =	vld.idx.msk [tilespmem:v12+s15+$0x0], $0xffff;
	[tilespmem:s0+$0x8280] =	vst v10;
	v10 =	vadd.s32 $0x34, v0  }
0x230: {  	v15 =	vadd.s32 $0x35, v0;
	v5 =	vld.idx.msk [tilespmem:v5+s15+$0x0], $0xffff  }
0x231: {  	v16 =	vadd.s32 $0x36, v0;
	v7 =	vld.idx.msk [tilespmem:v7+s15+$0x0], $0xffff  }
0x232: {  	v17 =	vadd.s32 $0x37, v0;
	v8 =	vld.idx.msk [tilespmem:v8+s15+$0x0], $0xffff  }
0x233: {  	s22 =	sadd.s32 $0x80, s22;
	v9 =	vld.idx.msk [tilespmem:v9+s15+$0x0], $0xffff  }
0x234: {  	s24 =	sand.u32 $0x70, s23;
	s25 =	sand.u32 $0xC00, s22;
	v10 =	vld.idx.msk [tilespmem:v10+s15+$0x0], $0xffff  }
0x235: {  	s24 =	sor.u32 s24, s25;
	v15 =	vld.idx.msk [tilespmem:v15+s15+$0x0], $0xffff  }
0x236: {  	[tilespmem:s24+$0x1B00] =	vst v6;
	v6 =	vld.idx.msk [tilespmem:v16+s15+$0x0], $0xffff  }
0x237: {  	v16 =	vld.idx.msk [tilespmem:v17+s15+$0x0], $0xffff;
	[tilespmem:s0+$0x9300] =	vst v5  }
0x238: {  	[tilespmem:s0+$0x9380] =	vst v7  }
0x239: {  	[tilespmem:s0+$0x9400] =	vst v8  }
0x23a: {  	v5 =	vadd.s32 $0x38, v0;
	[tilespmem:s0+$0x9480] =	vst v9  }
0x23b: {  	v7 =	vadd.s32 $0x3F, v0;
	[tilespmem:s0+$0x9500] =	vst v10  }
0x23c: {  	v8 =	vadd.s32 $0x39, v0;
	[tilespmem:s0+$0x9580] =	vst v15  }
0x23d: {  	[tilespmem:s0+$0x9600] =	vst v6;
	v6 =	vadd.s32 $0x3A, v0  }
0x23e: {  	v9 =	vadd.s32 $0x3B, v0;
	[tilespmem:s0+$0x9680] =	vst v16  }
0x23f: {  	[tilespmem:s24+$0x1B80] =	vst v2;
	v2 =	vld.idx.msk [tilespmem:v5+s15+$0x0], $0xffff;
	v5 =	vadd.s32 $0x3C, v0  }
0x240: {  	[tilespmem:s24+$0x1C00] =	vst v3;
	v3 =	vadd.s32 $0x3D, v0;
	v7 =	vld.idx.msk [tilespmem:v7+s15+$0x0], $0xffff  }
0x241: {  	[tilespmem:s24+$0x1C80] =	vst v4;
	v4 =	vld.idx.msk [tilespmem:v8+s15+$0x0], $0xffff;
	v8 =	vadd.s32 $0x3E, v0;
	v0 =	vmov v1  }
0x242: {  	[tilespmem:s24+$0x1D00] =	vst v13;
	v1 =	vadd.s32 $0x8, v0;
	v6 =	vld.idx.msk [tilespmem:v6+s15+$0x0], $0xffff  }
0x243: {  	s25 =	sor.u32 s22, s23;
	v10 =	vadd.s32 $0x9, v0;
	[tilespmem:s24+$0x1D80] =	vst v14;
	v9 =	vld.idx.msk [tilespmem:v9+s15+$0x0], $0xffff  }
0x244: {  	s25 =	sor.u32 $0x380, s25;
	[tilespmem:s24+$0x1E00] =	vst v11;
	v11 =	vadd.s32 $0xA, v0;
	v5 =	vld.idx.msk [tilespmem:v5+s15+$0x0], $0xffff  }
0x245: {  	[tilespmem:s25+$0x1B00] =	vst v12;
	v12 =	vadd.s32 $0xB, v0;
	v3 =	vld.idx.msk [tilespmem:v3+s15+$0x0], $0xffff  }
0x246: {  	v13 =	vadd.s32 $0xC, v0;
	v8 =	vld.idx.msk [tilespmem:v8+s15+$0x0], $0xffff;
	[tilespmem:s0+$0xAA80] =	vst v7  }
0x247: {  	v7 =	vadd.s32 $0xD, v0;
	v1 =	vld.idx.msk [tilespmem:v1+s15+$0x0], $0xffff;
	[tilespmem:s0+$0xA700] =	vst v2  }
0x248: {  	v2 =	vld.idx.msk [tilespmem:v10+s15+$0x0], $0xffff;
	v10 =	vadd.s32 $0xE, v0;
	[tilespmem:s0+$0xA780] =	vst v4  }
0x249: {  	v4 =	vld.idx.msk [tilespmem:v11+s15+$0x0], $0xffff;
	v11 =	vadd.s32 $0xF, v0;
	[tilespmem:s0+$0xA800] =	vst v6  }
0x24a: {  	v6 =	vld.idx.msk [tilespmem:v12+s15+$0x0], $0xffff;
	[tilespmem:s0+$0xA880] =	vst v9  }
0x24b: {  	v9 =	vld.idx.msk [tilespmem:v13+s15+$0x0], $0xffff;
	[tilespmem:s0+$0xA900] =	vst v5  }
0x24c: {  	v5 =	vld.idx.msk [tilespmem:v7+s15+$0x0], $0xffff;
	[tilespmem:s0+$0xA980] =	vst v3  }
0x24d: {  	v3 =	vld.idx.msk [tilespmem:v10+s15+$0x0], $0xffff;
	[tilespmem:s0+$0xAA00] =	vst v8;
	s0 =	smov.u32 s24  }
0x24e: {  	v7 =	vld.idx.msk [tilespmem:v11+s15+$0x0], $0xffff;
	[tilespmem:s0+$0x2F00] =	vst v1  }
0x24f: {  	[tilespmem:s0+$0x2F80] =	vst v2  }
0x250: {  	[tilespmem:s0+$0x3000] =	vst v4  }
0x251: {  	v1 =	vadd.s32 $0x10, v0;
	[tilespmem:s0+$0x3080] =	vst v6  }
0x252: {  	v2 =	vadd.s32 $0x11, v0;
	[tilespmem:s0+$0x3100] =	vst v9  }
0x253: {  	v4 =	vadd.s32 $0x12, v0;
	[tilespmem:s0+$0x3180] =	vst v5  }
0x254: {  	[tilespmem:s0+$0x3200] =	vst v3;
	v3 =	vadd.s32 $0x13, v0  }
0x255: {  	v5 =	vadd.s32 $0x14, v0;
	[tilespmem:s0+$0x3280] =	vst v7  }
0x256: {  	v6 =	vadd.s32 $0x15, v0;
	v1 =	vld.idx.msk [tilespmem:v1+s15+$0x0], $0xffff  }
0x257: {  	v7 =	vadd.s32 $0x16, v0;
	v2 =	vld.idx.msk [tilespmem:v2+s15+$0x0], $0xffff  }
0x258: {  	v8 =	vadd.s32 $0x17, v0;
	v4 =	vld.idx.msk [tilespmem:v4+s15+$0x0], $0xffff  }
0x259: {  	v3 =	vld.idx.msk [tilespmem:v3+s15+$0x0], $0xffff  }
0x25a: {  	v5 =	vld.idx.msk [tilespmem:v5+s15+$0x0], $0xffff  }
0x25b: {  	v6 =	vld.idx.msk [tilespmem:v6+s15+$0x0], $0xffff  }
0x25c: {  	v7 =	vld.idx.msk [tilespmem:v7+s15+$0x0], $0xffff  }
0x25d: {  	v8 =	vld.idx.msk [tilespmem:v8+s15+$0x0], $0xffff;
	[tilespmem:s0+$0x4300] =	vst v1  }
0x25e: {  	[tilespmem:s0+$0x4380] =	vst v2  }
0x25f: {  	[tilespmem:s0+$0x4400] =	vst v4  }
0x260: {  	v1 =	vadd.s32 $0x18, v0;
	[tilespmem:s0+$0x4480] =	vst v3  }
.Ltmp3:
0x261: {  	v4 =	vadd.s32 $0x19, v0;
	[tilespmem:s0+$0x4500] =	vst v5;
	(pc) =	sbr.rel @p2 .LBB2_4-.Ltmp3, $4  }
0x262: {  	v2 =	vadd.s32 $0x1A, v0;
	[tilespmem:s0+$0x4580] =	vst v6  }
0x263: {  	v3 =	vadd.s32 $0x1B, v0;
	[tilespmem:s0+$0x4600] =	vst v7  }
0x264: {  	v5 =	vadd.s32 $0x1C, v0;
	[tilespmem:s0+$0x4680] =	vst v8  }
0x265: {  	s23 =	sadd.s32 $0x10, s23;
	v6 =	vadd.s32 $0x1D, v0;
	v1 =	vld.idx.msk [tilespmem:v1+s15+$0x0], $0xffff  }
0x266: {  	_ =	sdelay $0x3  }
0x267: {  	v4 =	vld.idx.msk [tilespmem:v4+s15+$0x0], $0xffff;
	v7 =	vadd.s32 $0x1E, v0  }
0x268: {  	v2 =	vld.idx.msk [tilespmem:v2+s15+$0x0], $0xffff;
	v8 =	vadd.s32 $0x1F, v0  }
0x269: {  	v3 =	vld.idx.msk [tilespmem:v3+s15+$0x0], $0xffff  }
0x26a: {  	v5 =	vld.idx.msk [tilespmem:v5+s15+$0x0], $0xffff  }
0x26b: {  	v6 =	vld.idx.msk [tilespmem:v6+s15+$0x0], $0xffff  }
0x26c: {  	v7 =	vld.idx.msk [tilespmem:v7+s15+$0x0], $0xffff  }
0x26d: {  	v8 =	vld.idx.msk [tilespmem:v8+s15+$0x0], $0xffff;
	[tilespmem:s0+$0x5700] =	vst v1  }
0x26e: {  	[tilespmem:s0+$0x5780] =	vst v4  }
0x26f: {  	[tilespmem:s0+$0x5800] =	vst v2  }
0x270: {  	v9 =	vadd.s32 $0x20, v0;
	[tilespmem:s0+$0x5880] =	vst v3  }
0x271: {  	v10 =	vadd.s32 $0x21, v0;
	[tilespmem:s0+$0x5900] =	vst v5  }
0x272: {  	v11 =	vadd.s32 $0x22, v0;
	[tilespmem:s0+$0x5980] =	vst v6  }
0x273: {  	v4 =	vadd.s32 $0x23, v0;
	[tilespmem:s0+$0x5A00] =	vst v7  }
0x274: {  	v12 =	vadd.s32 $0x24, v0;
	[tilespmem:s0+$0x5A80] =	vst v8  }
0x275: {  	v13 =	vadd.s32 $0x25, v0;
	v1 =	vld.idx.msk [tilespmem:v9+s15+$0x0], $0xffff  }
0x276: {  	v14 =	vadd.s32 $0x26, v0;
	v2 =	vld.idx.msk [tilespmem:v10+s15+$0x0], $0xffff  }
0x277: {  	v15 =	vadd.s32 $0x27, v0;
	v3 =	vld.idx.msk [tilespmem:v11+s15+$0x0], $0xffff  }
0x278: {  	v4 =	vld.idx.msk [tilespmem:v4+s15+$0x0], $0xffff  }
0x279: {  	v5 =	vld.idx.msk [tilespmem:v12+s15+$0x0], $0xffff  }
0x27a: {  	v6 =	vld.idx.msk [tilespmem:v13+s15+$0x0], $0xffff  }
0x27b: {  	v7 =	vld.idx.msk [tilespmem:v14+s15+$0x0], $0xffff  }
0x27c: {  	v8 =	vld.idx.msk [tilespmem:v15+s15+$0x0], $0xffff;
	[tilespmem:s0+$0x6B00] =	vst v1  }
0x27d: {  	[tilespmem:s0+$0x6B80] =	vst v2  }
0x27e: {  	[tilespmem:s0+$0x6C00] =	vst v3  }
0x27f: {  	v9 =	vadd.s32 $0x28, v0;
	[tilespmem:s0+$0x6C80] =	vst v4  }
0x280: {  	v10 =	vadd.s32 $0x29, v0;
	[tilespmem:s0+$0x6D00] =	vst v5  }
0x281: {  	v11 =	vadd.s32 $0x2A, v0;
	[tilespmem:s0+$0x6D80] =	vst v6  }
0x282: {  	v12 =	vadd.s32 $0x2C, v0;
	[tilespmem:s0+$0x6E00] =	vst v7  }
0x283: {  	v13 =	vadd.s32 $0x2D, v0;
	[tilespmem:s0+$0x6E80] =	vst v8  }
0x284: {  	v14 =	vadd.s32 $0x2E, v0;
	v1 =	vld.idx.msk [tilespmem:v9+s15+$0x0], $0xffff  }
0x285: {  	v15 =	vadd.s32 $0x2F, v0;
	v2 =	vld.idx.msk [tilespmem:v10+s15+$0x0], $0xffff  }
0x286: {  	v4 =	vadd.s32 $0x2B, v0;
	v3 =	vld.idx.msk [tilespmem:v11+s15+$0x0], $0xffff  }
0x287: {  	v5 =	vld.idx.msk [tilespmem:v12+s15+$0x0], $0xffff  }
0x288: {  	v6 =	vld.idx.msk [tilespmem:v13+s15+$0x0], $0xffff  }
0x289: {  	v7 =	vld.idx.msk [tilespmem:v14+s15+$0x0], $0xffff  }
0x28a: {  	v8 =	vld.idx.msk [tilespmem:v15+s15+$0x0], $0xffff  }
0x28b: {  	v4 =	vld.idx.msk [tilespmem:v4+s15+$0x0], $0xffff;
	[tilespmem:s0+$0x7F00] =	vst v1  }
0x28c: {  	[tilespmem:s0+$0x7F80] =	vst v2  }
0x28d: {  	[tilespmem:s0+$0x8000] =	vst v3  }
0x28e: {  	v12 =	vadd.s32 $0x30, v0;
	[tilespmem:s0+$0x8100] =	vst v5  }
0x28f: {  	v13 =	vadd.s32 $0x31, v0;
	[tilespmem:s0+$0x8180] =	vst v6  }
0x290: {  	v14 =	vadd.s32 $0x32, v0;
	[tilespmem:s0+$0x8200] =	vst v7  }
0x291: {  	v15 =	vadd.s32 $0x34, v0;
	[tilespmem:s0+$0x8280] =	vst v8  }
0x292: {  	[tilespmem:s0+$0x8080] =	vst v4;
	v4 =	vadd.s32 $0x33, v0  }
0x293: {  	v1 =	vld.idx.msk [tilespmem:v12+s15+$0x0], $0xffff;
	v12 =	vadd.s32 $0x35, v0  }
0x294: {  	v2 =	vld.idx.msk [tilespmem:v13+s15+$0x0], $0xffff;
	v13 =	vadd.s32 $0x36, v0  }
0x295: {  	v3 =	vld.idx.msk [tilespmem:v14+s15+$0x0], $0xffff;
	v14 =	vadd.s32 $0x37, v0  }
0x296: {  	v5 =	vld.idx.msk [tilespmem:v15+s15+$0x0], $0xffff  }
0x297: {  	v4 =	vld.idx.msk [tilespmem:v4+s15+$0x0], $0xffff  }
0x298: {  	v6 =	vld.idx.msk [tilespmem:v12+s15+$0x0], $0xffff  }
0x299: {  	v7 =	vld.idx.msk [tilespmem:v13+s15+$0x0], $0xffff  }
0x29a: {  	v8 =	vld.idx.msk [tilespmem:v14+s15+$0x0], $0xffff;
	[tilespmem:s0+$0x9300] =	vst v1  }
0x29b: {  	[tilespmem:s0+$0x9380] =	vst v2  }
0x29c: {  	[tilespmem:s0+$0x9400] =	vst v3  }
0x29d: {  	v15 =	vadd.s32 $0x38, v0;
	[tilespmem:s0+$0x9500] =	vst v5  }
0x29e: {  	v9 =	vadd.s32 $0x3F, v0;
	[tilespmem:s0+$0x9480] =	vst v4  }
0x29f: {  	v10 =	vadd.s32 $0x39, v0;
	[tilespmem:s0+$0x9580] =	vst v6  }
0x2a0: {  	v11 =	vadd.s32 $0x3A, v0;
	[tilespmem:s0+$0x9600] =	vst v7  }
0x2a1: {  	v12 =	vadd.s32 $0x3B, v0;
	[tilespmem:s0+$0x9680] =	vst v8  }
0x2a2: {  	v13 =	vadd.s32 $0x3C, v0;
	v1 =	vld.idx.msk [tilespmem:v15+s15+$0x0], $0xffff  }
0x2a3: {  	v14 =	vadd.s32 $0x3D, v0;
	v2 =	vld.idx.msk [tilespmem:v9+s15+$0x0], $0xffff  }
0x2a4: {  	v3 =	vld.idx.msk [tilespmem:v10+s15+$0x0], $0xffff;
	v15 =	vadd.s32 $0x3E, v0  }
0x2a5: {  	v4 =	vld.idx.msk [tilespmem:v11+s15+$0x0], $0xffff  }
0x2a6: {  	v5 =	vld.idx.msk [tilespmem:v12+s15+$0x0], $0xffff  }
0x2a7: {  	v6 =	vld.idx.msk [tilespmem:v13+s15+$0x0], $0xffff  }
0x2a8: {  	v7 =	vld.idx.msk [tilespmem:v14+s15+$0x0], $0xffff  }
0x2a9: {  	v0 =	vld.idx.msk [tilespmem:v15+s15+$0x0], $0xffff;
	[tilespmem:s0+$0xAA80] =	vst v2  }
0x2aa: {  	[tilespmem:s0+$0xA700] =	vst v1  }
0x2ab: {  	[tilespmem:s0+$0xA780] =	vst v3  }
.Ltmp4:
0x2ac: {  	[tilespmem:s0+$0xA800] =	vst v4;
	(pc) =	sbr.rel @p1 .LBB2_7-.Ltmp4, $4  }
0x2ad: {  	[tilespmem:s0+$0xA880] =	vst v5  }
0x2ae: {  	[tilespmem:s0+$0xA900] =	vst v6  }
0x2af: {  	[tilespmem:s0+$0xA980] =	vst v7  }
0x2b0: {  	[tilespmem:s0+$0xAA00] =	vst v0  }
0x2b1: {  	v0 =	vld [tilespmem:$0x200];
	_ =	sdelay $0x4  }
0x2b2: {  	v0 =	vmul.u32 $0x41, v0;
	_ =	sdelay $0x5  }
0x2b3: {  	v3 =	vimm.s32 $0x1000;
	v1 =	vld.idx.msk [tilespmem:v0+s15+$0x0], $0xffff  }
0x2b4: {  	v2 =	vadd.s32 $0x1, v0;
	_ =	sdelay $0x3  }
0x2b5: {  	[tilespmem:v3+s21+$0x0] =	vst.idx.msk $0x1, v1  }
0x2b6: {  	v15 =	vimm.s32 $0x1080;
	v1 =	vld.idx.msk [tilespmem:v2+s15+$0x0], $0xffff  }
0x2b7: {  	v14 =	vadd.s32 $0x2, v0;
	_ =	sdelay $0x3  }
0x2b8: {  	[tilespmem:v15+s21+$0x0] =	vst.idx.msk $0x1, v1  }
0x2b9: {  	v7 =	vimm.s32 $0x1100;
	v1 =	vld.idx.msk [tilespmem:v14+s15+$0x0], $0xffff  }
0x2ba: {  	v6 =	vadd.s32 $0x3, v0;
	_ =	sdelay $0x3  }
0x2bb: {  	[tilespmem:v7+s21+$0x0] =	vst.idx.msk $0x1, v1  }
0x2bc: {  	v9 =	vimm.s32 $0x1180;
	v1 =	vld.idx.msk [tilespmem:v6+s15+$0x0], $0xffff  }
0x2bd: {  	v8 =	vadd.s32 $0x4, v0;
	_ =	sdelay $0x3  }
0x2be: {  	[tilespmem:v9+s21+$0x0] =	vst.idx.msk $0x1, v1  }
0x2bf: {  	v11 =	vimm.s32 $0x1200;
	v1 =	vld.idx.msk [tilespmem:v8+s15+$0x0], $0xffff  }
0x2c0: {  	v10 =	vadd.s32 $0x5, v0;
	_ =	sdelay $0x3  }
0x2c1: {  	[tilespmem:v11+s21+$0x0] =	vst.idx.msk $0x1, v1  }
0x2c2: {  	v13 =	vimm.s32 $0x1280;
	v1 =	vld.idx.msk [tilespmem:v10+s15+$0x0], $0xffff  }
0x2c3: {  	v12 =	vadd.s32 $0x6, v0;
	_ =	sdelay $0x3  }
0x2c4: {  	[tilespmem:v13+s21+$0x0] =	vst.idx.msk $0x1, v1  }
0x2c5: {  	v15 =	vimm.s32 $0x1300;
	v1 =	vld.idx.msk [tilespmem:v12+s15+$0x0], $0xffff  }
0x2c6: {  	v14 =	vadd.s32 $0x7, v0;
	_ =	sdelay $0x3  }
0x2c7: {  	[tilespmem:v15+s21+$0x0] =	vst.idx.msk $0x1, v1  }
0x2c8: {  	v7 =	vimm.s32 $0x1380;
	v1 =	vld.idx.msk [tilespmem:v14+s15+$0x0], $0xffff  }
0x2c9: {  	v6 =	vadd.s32 $0x8, v0;
	_ =	sdelay $0x3  }
0x2ca: {  	[tilespmem:v7+s21+$0x0] =	vst.idx.msk $0x1, v1  }
0x2cb: {  	v9 =	vimm.s32 $0x2400;
	v1 =	vld.idx.msk [tilespmem:v6+s15+$0x0], $0xffff  }
0x2cc: {  	v8 =	vadd.s32 $0x9, v0;
	_ =	sdelay $0x3  }
0x2cd: {  	[tilespmem:v9+s21+$0x0] =	vst.idx.msk $0x1, v1  }
0x2ce: {  	v11 =	vimm.s32 $0x2480;
	v1 =	vld.idx.msk [tilespmem:v8+s15+$0x0], $0xffff  }
0x2cf: {  	v10 =	vadd.s32 $0xA, v0;
	_ =	sdelay $0x3  }
0x2d0: {  	[tilespmem:v11+s21+$0x0] =	vst.idx.msk $0x1, v1  }
0x2d1: {  	v13 =	vimm.s32 $0x2500;
	v1 =	vld.idx.msk [tilespmem:v10+s15+$0x0], $0xffff  }
0x2d2: {  	v12 =	vadd.s32 $0xB, v0;
	_ =	sdelay $0x3  }
0x2d3: {  	[tilespmem:v13+s21+$0x0] =	vst.idx.msk $0x1, v1  }
0x2d4: {  	v15 =	vimm.s32 $0x2580;
	v1 =	vld.idx.msk [tilespmem:v12+s15+$0x0], $0xffff  }
0x2d5: {  	v14 =	vadd.s32 $0xC, v0;
	_ =	sdelay $0x3  }
0x2d6: {  	[tilespmem:v15+s21+$0x0] =	vst.idx.msk $0x1, v1  }
0x2d7: {  	v7 =	vimm.s32 $0x2600;
	v1 =	vld.idx.msk [tilespmem:v14+s15+$0x0], $0xffff  }
0x2d8: {  	v6 =	vadd.s32 $0xD, v0;
	_ =	sdelay $0x3  }
0x2d9: {  	[tilespmem:v7+s21+$0x0] =	vst.idx.msk $0x1, v1  }
0x2da: {  	v9 =	vimm.s32 $0x2680;
	v1 =	vld.idx.msk [tilespmem:v6+s15+$0x0], $0xffff  }
0x2db: {  	v8 =	vadd.s32 $0xE, v0;
	_ =	sdelay $0x3  }
0x2dc: {  	[tilespmem:v9+s21+$0x0] =	vst.idx.msk $0x1, v1  }
0x2dd: {  	v11 =	vimm.s32 $0x2700;
	v1 =	vld.idx.msk [tilespmem:v8+s15+$0x0], $0xffff  }
0x2de: {  	v10 =	vadd.s32 $0xF, v0;
	_ =	sdelay $0x3  }
0x2df: {  	[tilespmem:v11+s21+$0x0] =	vst.idx.msk $0x1, v1  }
0x2e0: {  	v13 =	vimm.s32 $0x2780;
	v1 =	vld.idx.msk [tilespmem:v10+s15+$0x0], $0xffff  }
0x2e1: {  	v12 =	vadd.s32 $0x10, v0;
	_ =	sdelay $0x3  }
0x2e2: {  	[tilespmem:v13+s21+$0x0] =	vst.idx.msk $0x1, v1  }
0x2e3: {  	v15 =	vimm.s32 $0x3800;
	v1 =	vld.idx.msk [tilespmem:v12+s15+$0x0], $0xffff  }
0x2e4: {  	v14 =	vadd.s32 $0x11, v0;
	_ =	sdelay $0x3  }
0x2e5: {  	[tilespmem:v15+s21+$0x0] =	vst.idx.msk $0x1, v1  }
0x2e6: {  	v7 =	vimm.s32 $0x3880;
	v1 =	vld.idx.msk [tilespmem:v14+s15+$0x0], $0xffff  }
0x2e7: {  	v6 =	vadd.s32 $0x12, v0;
	_ =	sdelay $0x3  }
0x2e8: {  	[tilespmem:v7+s21+$0x0] =	vst.idx.msk $0x1, v1  }
0x2e9: {  	v1 =	vld.idx.msk [tilespmem:v6+s15+$0x0], $0xffff  }
0x2ea: {  	v8 =	vadd.s32 $0x13, v0;
	_ =	sdelay $0x3  }
0x2eb: {  	[tilespmem:v18+s21+$0x0] =	vst.idx.msk $0x1, v1  }
0x2ec: {  	v1 =	vld.idx.msk [tilespmem:v8+s15+$0x0], $0xffff  }
0x2ed: {  	v9 =	vadd.s32 $0x14, v0;
	_ =	sdelay $0x3  }
0x2ee: {  	[tilespmem:v19+s21+$0x0] =	vst.idx.msk $0x1, v1  }
0x2ef: {  	v1 =	vld.idx.msk [tilespmem:v9+s15+$0x0], $0xffff  }
0x2f0: {  	v10 =	vadd.s32 $0x15, v0;
	_ =	sdelay $0x3  }
0x2f1: {  	[tilespmem:v20+s21+$0x0] =	vst.idx.msk $0x1, v1  }
0x2f2: {  	v1 =	vld.idx.msk [tilespmem:v10+s15+$0x0], $0xffff  }
0x2f3: {  	v11 =	vadd.s32 $0x16, v0;
	_ =	sdelay $0x3  }
0x2f4: {  	[tilespmem:v21+s21+$0x0] =	vst.idx.msk $0x1, v1  }
0x2f5: {  	v1 =	vld.idx.msk [tilespmem:v11+s15+$0x0], $0xffff  }
0x2f6: {  	v12 =	vadd.s32 $0x17, v0;
	_ =	sdelay $0x3  }
0x2f7: {  	[tilespmem:v22+s21+$0x0] =	vst.idx.msk $0x1, v1  }
0x2f8: {  	v1 =	vld.idx.msk [tilespmem:v12+s15+$0x0], $0xffff  }
0x2f9: {  	v13 =	vadd.s32 $0x18, v0;
	_ =	sdelay $0x3  }
0x2fa: {  	[tilespmem:v23+s21+$0x0] =	vst.idx.msk $0x1, v1  }
0x2fb: {  	v1 =	vld.idx.msk [tilespmem:v13+s15+$0x0], $0xffff  }
0x2fc: {  	v14 =	vadd.s32 $0x19, v0;
	_ =	sdelay $0x3  }
0x2fd: {  	[tilespmem:v24+s21+$0x0] =	vst.idx.msk $0x1, v1  }
0x2fe: {  	v1 =	vld.idx.msk [tilespmem:v14+s15+$0x0], $0xffff  }
0x2ff: {  	v15 =	vadd.s32 $0x1A, v0;
	_ =	sdelay $0x3  }
0x300: {  	[tilespmem:v25+s21+$0x0] =	vst.idx.msk $0x1, v1  }
0x301: {  	v1 =	vld.idx.msk [tilespmem:v15+s15+$0x0], $0xffff  }
0x302: {  	v4 =	vadd.s32 $0x1B, v0;
	_ =	sdelay $0x3  }
0x303: {  	[tilespmem:v26+s21+$0x0] =	vst.idx.msk $0x1, v1  }
0x304: {  	v1 =	vld.idx.msk [tilespmem:v4+s15+$0x0], $0xffff  }
0x305: {  	v5 =	vadd.s32 $0x1C, v0;
	_ =	sdelay $0x3  }
0x306: {  	[tilespmem:v27+s21+$0x0] =	vst.idx.msk $0x1, v1  }
0x307: {  	v1 =	vld.idx.msk [tilespmem:v5+s15+$0x0], $0xffff  }
0x308: {  	v6 =	vadd.s32 $0x1D, v0;
	_ =	sdelay $0x3  }
0x309: {  	[tilespmem:v28+s21+$0x0] =	vst.idx.msk $0x1, v1  }
0x30a: {  	v1 =	vld.idx.msk [tilespmem:v6+s15+$0x0], $0xffff  }
0x30b: {  	v7 =	vadd.s32 $0x1E, v0;
	_ =	sdelay $0x3  }
0x30c: {  	[tilespmem:v29+s21+$0x0] =	vst.idx.msk $0x1, v1  }
0x30d: {  	v1 =	vld.idx.msk [tilespmem:v7+s15+$0x0], $0xffff  }
0x30e: {  	v8 =	vadd.s32 $0x1F, v0;
	_ =	sdelay $0x3  }
0x30f: {  	[tilespmem:v30+s21+$0x0] =	vst.idx.msk $0x1, v1  }
0x310: {  	v1 =	vld.idx.msk [tilespmem:v8+s15+$0x0], $0xffff  }
0x311: {  	v9 =	vadd.s32 $0x20, v0;
	_ =	sdelay $0x3  }
0x312: {  	[tilespmem:v31+s21+$0x0] =	vst.idx.msk $0x1, v1  }
0x313: {  	v1 =	vld.idx.msk [tilespmem:v9+s15+$0x0], $0xffff  }
0x314: {  	v10 =	vadd.s32 $0x21, v0;
	_ =	sdelay $0x3  }
0x315: {  	[tilespmem:v32+s21+$0x0] =	vst.idx.msk $0x1, v1  }
0x316: {  	v1 =	vld.idx.msk [tilespmem:v10+s15+$0x0], $0xffff  }
0x317: {  	v11 =	vadd.s32 $0x22, v0;
	_ =	sdelay $0x3  }
0x318: {  	[tilespmem:v33+s21+$0x0] =	vst.idx.msk $0x1, v1  }
0x319: {  	v1 =	vld.idx.msk [tilespmem:v11+s15+$0x0], $0xffff  }
0x31a: {  	v12 =	vadd.s32 $0x23, v0;
	_ =	sdelay $0x3  }
0x31b: {  	[tilespmem:v34+s21+$0x0] =	vst.idx.msk $0x1, v1  }
0x31c: {  	v1 =	vld.idx.msk [tilespmem:v12+s15+$0x0], $0xffff  }
0x31d: {  	v13 =	vadd.s32 $0x24, v0;
	_ =	sdelay $0x3  }
0x31e: {  	[tilespmem:v35+s21+$0x0] =	vst.idx.msk $0x1, v1  }
0x31f: {  	v1 =	vld.idx.msk [tilespmem:v13+s15+$0x0], $0xffff  }
0x320: {  	v14 =	vadd.s32 $0x25, v0;
	_ =	sdelay $0x3  }
0x321: {  	[tilespmem:v36+s21+$0x0] =	vst.idx.msk $0x1, v1  }
0x322: {  	v1 =	vld.idx.msk [tilespmem:v14+s15+$0x0], $0xffff  }
0x323: {  	v15 =	vadd.s32 $0x26, v0;
	_ =	sdelay $0x3  }
0x324: {  	[tilespmem:v37+s21+$0x0] =	vst.idx.msk $0x1, v1  }
0x325: {  	v1 =	vld.idx.msk [tilespmem:v15+s15+$0x0], $0xffff  }
0x326: {  	v4 =	vadd.s32 $0x27, v0;
	_ =	sdelay $0x3  }
0x327: {  	[tilespmem:v38+s21+$0x0] =	vst.idx.msk $0x1, v1  }
0x328: {  	v1 =	vld.idx.msk [tilespmem:v4+s15+$0x0], $0xffff  }
0x329: {  	v5 =	vadd.s32 $0x28, v0;
	_ =	sdelay $0x3  }
0x32a: {  	[tilespmem:v39+s21+$0x0] =	vst.idx.msk $0x1, v1  }
0x32b: {  	v1 =	vld.idx.msk [tilespmem:v5+s15+$0x0], $0xffff  }
0x32c: {  	v6 =	vadd.s32 $0x29, v0;
	_ =	sdelay $0x3  }
0x32d: {  	[tilespmem:v40+s21+$0x0] =	vst.idx.msk $0x1, v1  }
0x32e: {  	v1 =	vld.idx.msk [tilespmem:v6+s15+$0x0], $0xffff  }
0x32f: {  	v7 =	vadd.s32 $0x2A, v0;
	_ =	sdelay $0x3  }
0x330: {  	[tilespmem:v41+s21+$0x0] =	vst.idx.msk $0x1, v1  }
0x331: {  	v1 =	vld.idx.msk [tilespmem:v7+s15+$0x0], $0xffff  }
0x332: {  	v8 =	vadd.s32 $0x2B, v0;
	_ =	sdelay $0x3  }
0x333: {  	[tilespmem:v42+s21+$0x0] =	vst.idx.msk $0x1, v1  }
0x334: {  	v1 =	vld.idx.msk [tilespmem:v8+s15+$0x0], $0xffff  }
0x335: {  	v9 =	vadd.s32 $0x2C, v0;
	_ =	sdelay $0x3  }
0x336: {  	[tilespmem:v43+s21+$0x0] =	vst.idx.msk $0x1, v1  }
0x337: {  	v1 =	vld.idx.msk [tilespmem:v9+s15+$0x0], $0xffff  }
0x338: {  	v10 =	vadd.s32 $0x2D, v0;
	_ =	sdelay $0x3  }
0x339: {  	[tilespmem:v44+s21+$0x0] =	vst.idx.msk $0x1, v1  }
0x33a: {  	v1 =	vld.idx.msk [tilespmem:v10+s15+$0x0], $0xffff  }
0x33b: {  	v11 =	vadd.s32 $0x2E, v0;
	_ =	sdelay $0x3  }
0x33c: {  	[tilespmem:v45+s21+$0x0] =	vst.idx.msk $0x1, v1  }
0x33d: {  	v1 =	vld.idx.msk [tilespmem:v11+s15+$0x0], $0xffff  }
0x33e: {  	v12 =	vadd.s32 $0x2F, v0;
	_ =	sdelay $0x3  }
0x33f: {  	[tilespmem:v46+s21+$0x0] =	vst.idx.msk $0x1, v1  }
0x340: {  	v1 =	vld.idx.msk [tilespmem:v12+s15+$0x0], $0xffff  }
0x341: {  	v13 =	vadd.s32 $0x30, v0;
	_ =	sdelay $0x3  }
0x342: {  	[tilespmem:v47+s21+$0x0] =	vst.idx.msk $0x1, v1  }
0x343: {  	v1 =	vld.idx.msk [tilespmem:v13+s15+$0x0], $0xffff  }
0x344: {  	v14 =	vadd.s32 $0x31, v0;
	_ =	sdelay $0x3  }
0x345: {  	[tilespmem:v48+s21+$0x0] =	vst.idx.msk $0x1, v1  }
0x346: {  	v1 =	vld.idx.msk [tilespmem:v14+s15+$0x0], $0xffff  }
0x347: {  	v15 =	vadd.s32 $0x32, v0;
	_ =	sdelay $0x3  }
0x348: {  	[tilespmem:v49+s21+$0x0] =	vst.idx.msk $0x1, v1  }
0x349: {  	v1 =	vld.idx.msk [tilespmem:v15+s15+$0x0], $0xffff  }
0x34a: {  	v4 =	vadd.s32 $0x33, v0;
	_ =	sdelay $0x3  }
0x34b: {  	[tilespmem:v50+s21+$0x0] =	vst.idx.msk $0x1, v1  }
0x34c: {  	v1 =	vld.idx.msk [tilespmem:v4+s15+$0x0], $0xffff  }
0x34d: {  	v5 =	vadd.s32 $0x34, v0;
	_ =	sdelay $0x3  }
0x34e: {  	[tilespmem:v51+s21+$0x0] =	vst.idx.msk $0x1, v1  }
0x34f: {  	v1 =	vld.idx.msk [tilespmem:v5+s15+$0x0], $0xffff  }
0x350: {  	v6 =	vadd.s32 $0x35, v0;
	_ =	sdelay $0x3  }
0x351: {  	[tilespmem:v52+s21+$0x0] =	vst.idx.msk $0x1, v1  }
0x352: {  	v1 =	vld.idx.msk [tilespmem:v6+s15+$0x0], $0xffff  }
0x353: {  	v7 =	vadd.s32 $0x36, v0;
	_ =	sdelay $0x3  }
0x354: {  	[tilespmem:v53+s21+$0x0] =	vst.idx.msk $0x1, v1  }
0x355: {  	v1 =	vld.idx.msk [tilespmem:v7+s15+$0x0], $0xffff  }
0x356: {  	v8 =	vadd.s32 $0x37, v0;
	_ =	sdelay $0x3  }
0x357: {  	[tilespmem:v54+s21+$0x0] =	vst.idx.msk $0x1, v1  }
0x358: {  	v1 =	vld.idx.msk [tilespmem:v8+s15+$0x0], $0xffff  }
0x359: {  	v9 =	vadd.s32 $0x38, v0;
	_ =	sdelay $0x3  }
0x35a: {  	[tilespmem:v55+s21+$0x0] =	vst.idx.msk $0x1, v1  }
0x35b: {  	v1 =	vld.idx.msk [tilespmem:v9+s15+$0x0], $0xffff  }
0x35c: {  	v10 =	vadd.s32 $0x39, v0;
	_ =	sdelay $0x3  }
0x35d: {  	[tilespmem:v56+s21+$0x0] =	vst.idx.msk $0x1, v1  }
0x35e: {  	v1 =	vld.idx.msk [tilespmem:v10+s15+$0x0], $0xffff  }
0x35f: {  	v11 =	vadd.s32 $0x3A, v0;
	_ =	sdelay $0x3  }
0x360: {  	[tilespmem:v57+s21+$0x0] =	vst.idx.msk $0x1, v1  }
0x361: {  	v1 =	vld.idx.msk [tilespmem:v11+s15+$0x0], $0xffff  }
0x362: {  	v12 =	vadd.s32 $0x3B, v0;
	_ =	sdelay $0x3  }
0x363: {  	[tilespmem:v58+s21+$0x0] =	vst.idx.msk $0x1, v1  }
0x364: {  	v1 =	vld.idx.msk [tilespmem:v12+s15+$0x0], $0xffff  }
0x365: {  	v13 =	vadd.s32 $0x3C, v0;
	_ =	sdelay $0x3  }
0x366: {  	[tilespmem:v59+s21+$0x0] =	vst.idx.msk $0x1, v1  }
0x367: {  	v1 =	vld.idx.msk [tilespmem:v13+s15+$0x0], $0xffff  }
0x368: {  	v14 =	vadd.s32 $0x3D, v0;
	_ =	sdelay $0x3  }
0x369: {  	[tilespmem:v60+s21+$0x0] =	vst.idx.msk $0x1, v1  }
0x36a: {  	v1 =	vld.idx.msk [tilespmem:v14+s15+$0x0], $0xffff  }
0x36b: {  	v15 =	vadd.s32 $0x3E, v0;
	_ =	sdelay $0x3  }
0x36c: {  	[tilespmem:v61+s21+$0x0] =	vst.idx.msk $0x1, v1  }
0x36d: {  	v1 =	vld.idx.msk [tilespmem:v15+s15+$0x0], $0xffff  }
0x36e: {  	v0 =	vadd.s32 $0x3F, v0;
	_ =	sdelay $0x3  }
0x36f: {  	[tilespmem:v62+s21+$0x0] =	vst.idx.msk $0x1, v1  }
0x370: {  	v0 =	vld.idx.msk [tilespmem:v0+s15+$0x0], $0xffff;
	_ =	sdelay $0x4  }
0x371: {  	s0 =	simm.s32 $0x1400;
	s12 =	simm.s32 $0x20400;
	[tilespmem:v63+s21+$0x0] =	vst.idx.msk $0x1, v0  }
0x372: {  	[hbm4b:s9+s0] =	stream.strided.scatter [tilespmem:s21], [sflag:$0x1], $0xA000, s12, s0, $0x38;
	[tilespmem:$0xBB00] =	vst v63  }
0x373: {  	_ = 	snop  }
0x374: {  	[hbm4b:s10+s0] =	stream.strided.scatter [tilespmem:s21], [sflag:$0x2], $0xA000, s12, s0, $0x38;
	[tilespmem:$0xBB00] =	vst v63  }
0x375: {  	_ =	swait.ge [sflag:s13], $0xA000  }
.Ltmp5:
0x376: {  	[sflag:s13] =	ssyncset.done $0x0;
	(pc) =	sbr.rel .LBB2_8-.Ltmp5, $4  }
0x377: {  	[sflag:s13] =	ssyncadd.s32 $0xFFFF6000  }
0x378: {  	_ =	swait.ge [sflag:s14], $0xA000  }
0x379: {  	[sflag:s14] =	ssyncset.done $0x0  }
0x37a: {  	[sflag:s14] =	ssyncadd.s32 $0xFFFF6000  }
.LBB2_9:
0x37b: {  	_ =	sfence.sel $0x180000  }
0x37c: {  	[bflag:$0x0] =	sbarrier.arrive $0xFFFF  }
0x37d: {  	_ =	strace $0x90000047  }
0x37e: {  	s0 =	stileid.u32;
	[bflag:$0x2] =	sbarrier.arrive $0xFFFF  }
0x37f: {  	p0 =	sne.s32 s0, $0x0;
	s0 =	rddreg [dreg:$0x3]  }
0x380: {  	s0 =	sadd.s32 @!p0 $0x100000, s0  }
0x381: {  	[sflag:s0] =	ssyncadd.tile.s32 @!p0 $0x1;
	_ =	shalt  }
.Lfunc_end2:
_tile_overlayer_lowered:
.L_overlay_start_2:
0x382: {  	(tag) =	ssettag $0x2  }
0x383: {  	s0 =	rddreg [dreg:$0x0];
	s2 =	stileid.u32  }
0x384: {  	s1 =	rddreg [dreg:$0x1];
	p0 =	sne.s32 s2, $0x0  }
0x385: {  	s3 =	rddreg [dreg:$0x2];
	[bflag:$0x3] =	sbarrier.arrive $0xFFFF;
	s2 =	simm.s32 @!p0 $0x1C03  }
0x386: {  	[timem:s3], [sflag:s2] =	dma.local @!p0 [hbm:s0], s1  }
0x387: {  	s0 =	simm.s32 @!p0 $0x3  }
0x388: {  	_ =	swait.ge @!p0 [sflag:s0], s1  }
0x389: {  	s1 =	ssub.s32 @!p0 $0x0, s1;
	[sflag:s0] =	ssyncset.done @!p0 $0x0  }
0x38a: {  	[sflag:s0] =	ssyncadd.s32 @!p0 s1  }
0x38b: {  	[bflag:$0x3] =	sbarrier.arrive $0xFFFF  }
0x38c: {  	_ =	shalt  }

</sc_bundles>
